<compile_context>
chip_gen: v7x
topology: tpu7x:2x2x1
jax: 0.10.2.dev20260603
libtpu: 0.0.44.dev20260713+nightly
codegen_flags: <defaults>
</compile_context>

<pallas_src>
import functools

import jax
import jax.numpy as jnp
from jax import lax
from jax.experimental import pallas as pl
from jax.experimental.pallas import tpu as pltpu
from jax.experimental.pallas import tpu_sc as plsc


def _build_sc_kernel(S, V, D, B, num_cores, num_subcores):
    NW = num_cores * num_subcores
    s_per_w = S // NW
    CHS = 8
    CH = CHS * B
    NB = 3
    NCH = s_per_w // CHS
    LG = D // 16

    mesh = plsc.VectorSubcoreMesh(core_axis_name="c", subcore_axis_name="s")

    @functools.partial(
        pl.kernel,
        mesh=mesh,
        out_type=jax.ShapeDtypeStruct((S, B, D), jnp.float32),
        scratch_types=[
            pltpu.VMEM((s_per_w * B,), jnp.int32),
            pltpu.VMEM((B, D), jnp.float32),
        ]
        + [pltpu.VMEM((CH, D), jnp.float32)] * NB
        + [pltpu.SemaphoreType.DMA] * (2 * NB),
    )
    def k(tok_hbm, table_hbm, bias_hbm, out_hbm, idx_v, bias_v, *bufs):
        rows = bufs[:NB]
        gsem = bufs[NB:2 * NB]
        ssem = bufs[2 * NB:]
        wid = lax.axis_index("s") * num_cores + lax.axis_index("c")
        seq_base = wid * s_per_w
        pltpu.sync_copy(tok_hbm.at[pl.ds(seq_base * B, s_per_w * B)], idx_v)
        pltpu.sync_copy(bias_hbm, bias_v)

        def gather(c, b):
            return pltpu.make_async_copy(
                table_hbm.at[idx_v.at[pl.ds(c * CH, CH)]], rows[b], gsem[b]
            )

        class scatter:
            def __init__(self, c, b):
                s0 = seq_base + c * CHS
                self.copies = [
                    pltpu.make_async_copy(
                        rows[b],
                        out_hbm.at[pl.ds(s0, CHS)].reshape(CH, D),
                        ssem[b],
                    )
                ]

            def start(self):
                for cp in self.copies:
                    cp.start()

            def wait(self):
                for cp in self.copies:
                    cp.wait()

        def add_bias(b):
            rv = rows[b]

            def d_body(d2, dcarry):
                for u in range(2):
                    off = pl.multiple_of((2 * d2 + u) * 16, 16)
                    bvec = [bias_v[jj, pl.ds(off, 16)] for jj in range(B)]
                    for j in range(CH):
                        plsc.addupdate(rv.at[j, pl.ds(off, 16)], bvec[j % B])
                return dcarry

            lax.fori_loop(0, LG // 2, d_body, 0)

        M = NCH // NB
        REM = NCH - M * NB

        for c in range(NB):
            gather(c, c).start()

        def step(i, b, last_group):
            cc = NB * i + b
            gather(cc, b).wait()

            pb = (b - 1) % NB

            def refill():
                scatter(cc - 1, pb).wait()
                gather(cc + NB - 1, pb).start()

            refill_ok = (NB * last_group + b + NB - 1) < NCH
            if b == 0:
                pl.when(i >= 1)(refill)
            elif refill_ok:
                refill()
            else:
                pl.when(i < last_group)(refill)

            add_bias(b)
            scatter(cc, b).start()

        def ring_body(i, carry):
            for b in range(NB):
                step(i, b, M - 1)
            return carry

        lax.fori_loop(0, M, ring_body, 0)
        for r in range(REM):
            cc = M * NB + r
            gather(cc, cc % NB).wait()
            add_bias(cc % NB)
            scatter(cc, cc % NB).start()
            if cc + NB - 1 < NCH:
                scatter(cc - 1, (cc - 1) % NB).wait()
                gather(cc + NB - 1, (cc - 1) % NB).start()
        for c in range(NCH - NB, NCH):
            scatter(c, c % NB).wait()

    return k


def kernel(src_tokens, embed_table, condition_bias):
    S, B = src_tokens.shape
    V, D = embed_table.shape
    tok = src_tokens.reshape(S * B).astype(jnp.int32)
    info = plsc.get_sparse_core_info()
    k = _build_sc_kernel(S, V, D, B, info.num_cores, info.num_subcores)
    return k(tok, embed_table, condition_bias)

# --- scband reference (transcript-rebuilt; emitter-appended) ---
"""Pipeline reference for scband-conditioned-muse-former-wrapper-14061722927956 (READ-ONLY COPY).

The authoritative reference and input builder live on the scoring server;
editing this copy changes nothing except your own understanding.
"""

import jax, jax.numpy as jnp
import numpy as np

VOCAB = 100000
D_MODEL = 1024
SEQ_LEN = 8192
BATCH = 4


def setup_inputs(seed: int = 0) -> dict:
    key = jax.random.key(seed)
    k1, k2, k3 = jax.random.split(key, 3)
    # tokens laid out (seq_len, batch) as in the original fairseq-style MuseFormer
    src_tokens = jax.random.randint(k1, (SEQ_LEN, BATCH), 0, VOCAB, dtype=jnp.int64)
    # learned embedding table of the wrapped museformer.decoder.embed_regular_tokens
    embed_table = jax.random.normal(k2, (VOCAB, D_MODEL), dtype=jnp.float32) * 0.02
    # per-batch condition bias vector set via set_condition(bias=...)
    condition_bias = jax.random.normal(k3, (BATCH, D_MODEL), dtype=jnp.float32) * 0.1
    return {"src_tokens": src_tokens, "embed_table": embed_table, "condition_bias": condition_bias}


def reference(src_tokens, embed_table, condition_bias):
    # ConditionedEmbedding.forward:
    #   x = original_embedding(tokens)            -> gather rows from table
    #   x = x + condition_bias.unsqueeze(0)       -> broadcast over seq dim
    x = jnp.take(embed_table, src_tokens, axis=0)  # (seq_len, batch, dim)
    x = x + condition_bias[None, :, :]
    return x

if __name__ == "__main__":
    import jax
    _d = setup_inputs()
    print(jax.jit(kernel)(*tuple(_d.values())))

</pallas_src>

<mosaic_0001>
#map = affine_map<(d0, d1) -> (0)>
#map1 = affine_map<(d0, d1) -> (0, 0)>
#map2 = affine_map<(d0, d1) -> (0, 0, 0)>
module attributes {stable_mosaic.version = 14 : i64} {
  func.func @k(%arg0: i32, %arg1: i32, %arg2: memref<32768xi32, #tpu.memory_space<hbm>>, %arg3: memref<100000x1024xf32, #tpu.memory_space<hbm>>, %arg4: memref<4x1024xf32, #tpu.memory_space<hbm>>, %arg5: memref<8192x4x1024xf32, #tpu.memory_space<hbm>>, %arg6: memref<1024xi32, #tpu.memory_space<vmem>>, %arg7: memref<4x1024xf32, #tpu.memory_space<vmem>>, %arg8: memref<32x1024xf32, #tpu.memory_space<vmem>>, %arg9: memref<32x1024xf32, #tpu.memory_space<vmem>>, %arg10: memref<32x1024xf32, #tpu.memory_space<vmem>>, %arg11: memref<!tpu.dma_semaphore, #tpu.memory_space<semaphore_mem>>, %arg12: memref<!tpu.dma_semaphore, #tpu.memory_space<semaphore_mem>>, %arg13: memref<!tpu.dma_semaphore, #tpu.memory_space<semaphore_mem>>, %arg14: memref<!tpu.dma_semaphore, #tpu.memory_space<semaphore_mem>>, %arg15: memref<!tpu.dma_semaphore, #tpu.memory_space<semaphore_mem>>, %arg16: memref<!tpu.dma_semaphore, #tpu.memory_space<semaphore_mem>>) attributes {dimension_semantics = [#tpu.dimension_semantics<core_parallel>, #tpu.dimension_semantics<subcore_parallel>], iteration_bounds = array<i64: 2, 16>, scalar_prefetch = 0 : i64, scratch_operands = 11 : i64, tpu.core_type = #tpu.core_type<sc_vector_subcore>, window_params = [{transform_indices = #map}, {transform_indices = #map1}, {transform_indices = #map1}, {transform_indices = #map2}]} {
    %mul3A = arith.constant 2 : i32
    %mul3A_0 = arith.muli %arg1, %mul3A : i32
    %add3A = arith.addi %mul3A_0, %arg0 : i32
    %mul3A_1 = arith.constant 256 : i32
    %mul3A_2 = arith.muli %add3A, %mul3A_1 : i32
    %mul3A_3 = arith.constant 4 : i32
    %mul3A_4 = arith.muli %mul3A_2, %mul3A_3 : i32
    "tpu.region"() ({
      %run_scoped3A = tpu.sem_alloc : memref<!tpu.dma_semaphore, #tpu.memory_space<semaphore_mem>>
      %dma_start3A_95 = tpu.memref_slice %arg2[%mul3A_4] : memref<32768xi32, #tpu.memory_space<hbm>> -> memref<1024xi32, #tpu.memory_space<hbm>>
      %dma_start3A_96 = tpu.memref_slice %arg2[%mul3A_4] : memref<32768xi32, #tpu.memory_space<hbm>> -> memref<1024xi32, #tpu.memory_space<hbm>>
      tpu.enqueue_dma source(%dma_start3A_96 : memref<1024xi32, #tpu.memory_space<hbm>>) target(%arg6 : memref<1024xi32, #tpu.memory_space<vmem>>) target_semaphore(%run_scoped3A : memref<!tpu.dma_semaphore, #tpu.memory_space<semaphore_mem>>)
      %dma_wait3A_97 = tpu.memref_slice %arg2[%mul3A_4] : memref<32768xi32, #tpu.memory_space<hbm>> -> memref<1024xi32, #tpu.memory_space<hbm>>
      %dma_wait3A_98 = tpu.memref_slice %arg2[%mul3A_4] : memref<32768xi32, #tpu.memory_space<hbm>> -> memref<1024xi32, #tpu.memory_space<hbm>>
      tpu.wait_dma2 semaphore(%run_scoped3A : memref<!tpu.dma_semaphore, #tpu.memory_space<semaphore_mem>>) src(%dma_wait3A_98 : memref<1024xi32, #tpu.memory_space<hbm>>) dst(%arg6 : memref<1024xi32, #tpu.memory_space<vmem>>)
      tpu.yield
    }) : () -> ()
    "tpu.region"() ({
      %run_scoped3A = tpu.sem_alloc : memref<!tpu.dma_semaphore, #tpu.memory_space<semaphore_mem>>
      tpu.enqueue_dma source(%arg4 : memref<4x1024xf32, #tpu.memory_space<hbm>>) target(%arg7 : memref<4x1024xf32, #tpu.memory_space<vmem>>) target_semaphore(%run_scoped3A : memref<!tpu.dma_semaphore, #tpu.memory_space<semaphore_mem>>)
      tpu.wait_dma2 semaphore(%run_scoped3A : memref<!tpu.dma_semaphore, #tpu.memory_space<semaphore_mem>>) src(%arg4 : memref<4x1024xf32, #tpu.memory_space<hbm>>) dst(%arg7 : memref<4x1024xf32, #tpu.memory_space<vmem>>)
      tpu.yield
    }) : () -> ()
    %dma_start3A = arith.constant 0 : i32
    %dma_start3A_5 = tpu.memref_slice %arg6[%dma_start3A] : memref<1024xi32, #tpu.memory_space<vmem>> -> memref<32xi32, #tpu.memory_space<vmem>>
    %dma_start3A_6 = arith.constant 0 : i32
    %dma_start3A_7 = arith.constant 0 : i32
    %dma_start3A_8 = tpu.memref_slice %arg3[%dma_start3A_6, %dma_start3A_7] : memref<100000x1024xf32, #tpu.memory_space<hbm>> -> memref<100000x1024xf32, #tpu.memory_space<hbm>>
    tpu.enqueue_indirect_dma source(%dma_start3A_8 : memref<100000x1024xf32, #tpu.memory_space<hbm>>) target(%arg8 : memref<32x1024xf32, #tpu.memory_space<vmem>>) offsets(%dma_start3A_5 : memref<32xi32, #tpu.memory_space<vmem>>) semaphore(%arg11 : memref<!tpu.dma_semaphore, #tpu.memory_space<semaphore_mem>>)
    %dma_start3A_9 = arith.constant 32 : i32
    %dma_start3A_10 = tpu.memref_slice %arg6[%dma_start3A_9] : memref<1024xi32, #tpu.memory_space<vmem>> -> memref<32xi32, #tpu.memory_space<vmem>>
    %dma_start3A_11 = arith.constant 0 : i32
    %dma_start3A_12 = arith.constant 0 : i32
    %dma_start3A_13 = tpu.memref_slice %arg3[%dma_start3A_11, %dma_start3A_12] : memref<100000x1024xf32, #tpu.memory_space<hbm>> -> memref<100000x1024xf32, #tpu.memory_space<hbm>>
    tpu.enqueue_indirect_dma source(%dma_start3A_13 : memref<100000x1024xf32, #tpu.memory_space<hbm>>) target(%arg9 : memref<32x1024xf32, #tpu.memory_space<vmem>>) offsets(%dma_start3A_10 : memref<32xi32, #tpu.memory_space<vmem>>) semaphore(%arg12 : memref<!tpu.dma_semaphore, #tpu.memory_space<semaphore_mem>>)
    %dma_start3A_14 = arith.constant 64 : i32
    %dma_start3A_15 = tpu.memref_slice %arg6[%dma_start3A_14] : memref<1024xi32, #tpu.memory_space<vmem>> -> memref<32xi32, #tpu.memory_space<vmem>>
    %dma_start3A_16 = arith.constant 0 : i32
    %dma_start3A_17 = arith.constant 0 : i32
    %dma_start3A_18 = tpu.memref_slice %arg3[%dma_start3A_16, %dma_start3A_17] : memref<100000x1024xf32, #tpu.memory_space<hbm>> -> memref<100000x1024xf32, #tpu.memory_space<hbm>>
    tpu.enqueue_indirect_dma source(%dma_start3A_18 : memref<100000x1024xf32, #tpu.memory_space<hbm>>) target(%arg10 : memref<32x1024xf32, #tpu.memory_space<vmem>>) offsets(%dma_start3A_15 : memref<32xi32, #tpu.memory_space<vmem>>) semaphore(%arg13 : memref<!tpu.dma_semaphore, #tpu.memory_space<semaphore_mem>>)
    %scan3A = arith.constant 0 : i32
    %scan3A_19 = arith.constant 0 : i32
    %scan3A_20 = arith.constant 10 : i32
    %scan3A_21 = arith.addi %scan3A_19, %scan3A_20 : i32
    %scan3A_22 = arith.constant 1 : i32
    scf.for %scan3A_95 = %scan3A_19 to %scan3A_21 step %scan3A_22  : i32 {
      %mul3A_96 = arith.constant 3 : i32
      %mul3A_97 = arith.muli %mul3A_96, %scan3A_95 : i32
      %add3A_98 = arith.constant 0 : i32
      %add3A_99 = arith.addi %mul3A_97, %add3A_98 : i32
      %mul3A_100 = arith.constant 32 : i32
      %mul3A_101 = arith.muli %add3A_99, %mul3A_100 : i32
      %dma_wait3A_102 = tpu.memref_slice %arg6[%mul3A_101] : memref<1024xi32, #tpu.memory_space<vmem>> -> memref<32xi32, #tpu.memory_space<vmem>>
      %dma_wait3A_103 = arith.constant 0 : i32
      %dma_wait3A_104 = arith.constant 0 : i32
      %dma_wait3A_105 = tpu.memref_slice %arg3[%dma_wait3A_103, %dma_wait3A_104] : memref<100000x1024xf32, #tpu.memory_space<hbm>> -> memref<100000x1024xf32, #tpu.memory_space<hbm>>
      tpu.wait_indirect_dma semaphore(%arg11 : memref<!tpu.dma_semaphore, #tpu.memory_space<semaphore_mem>>) src(%dma_wait3A_105 : memref<100000x1024xf32, #tpu.memory_space<hbm>>) dst(%arg8 : memref<32x1024xf32, #tpu.memory_space<vmem>>)
      %ge3A = arith.constant 1 : i32
      %ge3A_106 = arith.cmpi sge, %scan3A_95, %ge3A : i32
      %convert_element_type3A = arith.extui %ge3A_106 : i1 to i32
      %cond3A = arith.constant 0 : i32
      %cond3A_107 = arith.cmpi ne, %convert_element_type3A, %cond3A : i32
      scf.if %cond3A_107 {
        %sub3A_224 = arith.constant 1 : i32
        %sub3A_225 = arith.subi %add3A_99, %sub3A_224 : i32
        %mul3A_226 = arith.constant 8 : i32
        %mul3A_227 = arith.muli %sub3A_225, %mul3A_226 : i32
        %add3A_228 = arith.addi %mul3A_2, %mul3A_227 : i32
        %dma_wait3A_229 = arith.constant 0 : i32
        %dma_wait3A_230 = arith.constant 0 : i32
        %dma_wait3A_231 = tpu.memref_slice %arg5[%add3A_228, %dma_wait3A_229, %dma_wait3A_230] : memref<8192x4x1024xf32, #tpu.memory_space<hbm>> -> memref<8x4x1024xf32, #tpu.memory_space<hbm>>
        %dma_wait3A_232 = tpu.memref_reshape %dma_wait3A_231 : memref<8x4x1024xf32, #tpu.memory_space<hbm>> -> memref<32x1024xf32, #tpu.memory_space<hbm>>
        %dma_wait3A_233 = arith.constant 0 : i32
        %dma_wait3A_234 = arith.constant 0 : i32
        %dma_wait3A_235 = tpu.memref_slice %arg5[%add3A_228, %dma_wait3A_233, %dma_wait3A_234] : memref<8192x4x1024xf32, #tpu.memory_space<hbm>> -> memref<8x4x1024xf32, #tpu.memory_space<hbm>>
        %dma_wait3A_236 = tpu.memref_reshape %dma_wait3A_235 : memref<8x4x1024xf32, #tpu.memory_space<hbm>> -> memref<32x1024xf32, #tpu.memory_space<hbm>>
        tpu.wait_dma2 semaphore(%arg16 : memref<!tpu.dma_semaphore, #tpu.memory_space<semaphore_mem>>) src(%arg10 : memref<32x1024xf32, #tpu.memory_space<vmem>>) dst(%dma_wait3A_236 : memref<32x1024xf32, #tpu.memory_space<hbm>>)
        %add3A_237 = arith.constant 3 : i32
        %add3A_238 = arith.addi %add3A_99, %add3A_237 : i32
        %sub3A_239 = arith.constant 1 : i32
        %sub3A_240 = arith.subi %add3A_238, %sub3A_239 : i32
        %mul3A_241 = arith.constant 32 : i32
        %mul3A_242 = arith.muli %sub3A_240, %mul3A_241 : i32
        %dma_start3A_243 = tpu.memref_slice %arg6[%mul3A_242] : memref<1024xi32, #tpu.memory_space<vmem>> -> memref<32xi32, #tpu.memory_space<vmem>>
        %dma_start3A_244 = arith.constant 0 : i32
        %dma_start3A_245 = arith.constant 0 : i32
        %dma_start3A_246 = tpu.memref_slice %arg3[%dma_start3A_244, %dma_start3A_245] : memref<100000x1024xf32, #tpu.memory_space<hbm>> -> memref<100000x1024xf32, #tpu.memory_space<hbm>>
        tpu.enqueue_indirect_dma source(%dma_start3A_246 : memref<100000x1024xf32, #tpu.memory_space<hbm>>) target(%arg10 : memref<32x1024xf32, #tpu.memory_space<vmem>>) offsets(%dma_start3A_243 : memref<32xi32, #tpu.memory_space<vmem>>) semaphore(%arg13 : memref<!tpu.dma_semaphore, #tpu.memory_space<semaphore_mem>>)
      } else {
      }
      %scan3A_108 = arith.constant 0 : i32
      %scan3A_109 = arith.constant 0 : i32
      %scan3A_110 = arith.constant 32 : i32
      %scan3A_111 = arith.addi %scan3A_109, %scan3A_110 : i32
      %scan3A_112 = arith.constant 1 : i32
      scf.for %scan3A_224 = %scan3A_109 to %scan3A_111 step %scan3A_112  : i32 {
        %mul3A_225 = arith.constant 2 : i32
        %mul3A_226 = arith.muli %mul3A_225, %scan3A_224 : i32
        %add3A_227 = arith.constant 0 : i32
        %add3A_228 = arith.addi %mul3A_226, %add3A_227 : i32
        %mul3A_229 = arith.constant 16 : i32
        %mul3A_230 = arith.muli %add3A_228, %mul3A_229 : i32
        %multiple_of3A = tpu.assume_multiple %mul3A_230, 16 : i32
        %get3A = arith.constant 0 : i32
        %get3A_231 = arith.index_cast %get3A : i32 to index
        %get3A_232 = arith.index_cast %multiple_of3A : i32 to index
        %get3A_233 = tpu.vector_load %arg7[%get3A_231, %get3A_232] {strides = array<i32>} : memref<4x1024xf32, #tpu.memory_space<vmem>>, vector<1x16xf32>,
        %get3A_234 = vector.shape_cast %get3A_233 : vector<1x16xf32> to vector<16xf32>
        %get3A_235 = arith.constant 1 : i32
        %get3A_236 = arith.index_cast %get3A_235 : i32 to index
        %get3A_237 = arith.index_cast %multiple_of3A : i32 to index
        %get3A_238 = tpu.vector_load %arg7[%get3A_236, %get3A_237] {strides = array<i32>} : memref<4x1024xf32, #tpu.memory_space<vmem>>, vector<1x16xf32>,
        %get3A_239 = vector.shape_cast %get3A_238 : vector<1x16xf32> to vector<16xf32>
        %get3A_240 = arith.constant 2 : i32
        %get3A_241 = arith.index_cast %get3A_240 : i32 to index
        %get3A_242 = arith.index_cast %multiple_of3A : i32 to index
        %get3A_243 = tpu.vector_load %arg7[%get3A_241, %get3A_242] {strides = array<i32>} : memref<4x1024xf32, #tpu.memory_space<vmem>>, vector<1x16xf32>,
        %get3A_244 = vector.shape_cast %get3A_243 : vector<1x16xf32> to vector<16xf32>
        %get3A_245 = arith.constant 3 : i32
        %get3A_246 = arith.index_cast %get3A_245 : i32 to index
        %get3A_247 = arith.index_cast %multiple_of3A : i32 to index
        %get3A_248 = tpu.vector_load %arg7[%get3A_246, %get3A_247] {strides = array<i32>} : memref<4x1024xf32, #tpu.memory_space<vmem>>, vector<1x16xf32>,
        %get3A_249 = vector.shape_cast %get3A_248 : vector<1x16xf32> to vector<16xf32>
        %swap3A = arith.constant 0 : i32
        %swap3A_250 = arith.index_cast %swap3A : i32 to index
        %swap3A_251 = arith.index_cast %multiple_of3A : i32 to index
        %swap3A_252 = tpu.vector_load %arg8[%swap3A_250, %swap3A_251] {strides = array<i32>} : memref<32x1024xf32, #tpu.memory_space<vmem>>, vector<1x16xf32>,
        %swap3A_253 = vector.shape_cast %swap3A_252 : vector<1x16xf32> to vector<16xf32>
        %swap3A_254 = vector.shape_cast %get3A_234 : vector<16xf32> to vector<1x16xf32>
        tpu.vector_store %arg8[%swap3A_250, %swap3A_251], %swap3A_254 {add = true, strides = array<i32>} : memref<32x1024xf32, #tpu.memory_space<vmem>>, vector<1x16xf32>,
        %swap3A_255 = arith.constant 1 : i32
        %swap3A_256 = arith.index_cast %swap3A_255 : i32 to index
        %swap3A_257 = arith.index_cast %multiple_of3A : i32 to index
        %swap3A_258 = tpu.vector_load %arg8[%swap3A_256, %swap3A_257] {strides = array<i32>} : memref<32x1024xf32, #tpu.memory_space<vmem>>, vector<1x16xf32>,
        %swap3A_259 = vector.shape_cast %swap3A_258 : vector<1x16xf32> to vector<16xf32>
        %swap3A_260 = vector.shape_cast %get3A_239 : vector<16xf32> to vector<1x16xf32>
        tpu.vector_store %arg8[%swap3A_256, %swap3A_257], %swap3A_260 {add = true, strides = array<i32>} : memref<32x1024xf32, #tpu.memory_space<vmem>>, vector<1x16xf32>,
        %swap3A_261 = arith.constant 2 : i32
        %swap3A_262 = arith.index_cast %swap3A_261 : i32 to index
        %swap3A_263 = arith.index_cast %multiple_of3A : i32 to index
        %swap3A_264 = tpu.vector_load %arg8[%swap3A_262, %swap3A_263] {strides = array<i32>} : memref<32x1024xf32, #tpu.memory_space<vmem>>, vector<1x16xf32>,
        %swap3A_265 = vector.shape_cast %swap3A_264 : vector<1x16xf32> to vector<16xf32>
        %swap3A_266 = vector.shape_cast %get3A_244 : vector<16xf32> to vector<1x16xf32>
        tpu.vector_store %arg8[%swap3A_262, %swap3A_263], %swap3A_266 {add = true, strides = array<i32>} : memref<32x1024xf32, #tpu.memory_space<vmem>>, vector<1x16xf32>,
        %swap3A_267 = arith.constant 3 : i32
        %swap3A_268 = arith.index_cast %swap3A_267 : i32 to index
        %swap3A_269 = arith.index_cast %multiple_of3A : i32 to index
        %swap3A_270 = tpu.vector_load %arg8[%swap3A_268, %swap3A_269] {strides = array<i32>} : memref<32x1024xf32, #tpu.memory_space<vmem>>, vector<1x16xf32>,
        %swap3A_271 = vector.shape_cast %swap3A_270 : vector<1x16xf32> to vector<16xf32>
        %swap3A_272 = vector.shape_cast %get3A_249 : vector<16xf32> to vector<1x16xf32>
        tpu.vector_store %arg8[%swap3A_268, %swap3A_269], %swap3A_272 {add = true, strides = array<i32>} : memref<32x1024xf32, #tpu.memory_space<vmem>>, vector<1x16xf32>,
        %swap3A_273 = arith.constant 4 : i32
        %swap3A_274 = arith.index_cast %swap3A_273 : i32 to index
        %swap3A_275 = arith.index_cast %multiple_of3A : i32 to index
        %swap3A_276 = tpu.vector_load %arg8[%swap3A_274, %swap3A_275] {strides = array<i32>} : memref<32x1024xf32, #tpu.memory_space<vmem>>, vector<1x16xf32>,
        %swap3A_277 = vector.shape_cast %swap3A_276 : vector<1x16xf32> to vector<16xf32>
        %swap3A_278 = vector.shape_cast %get3A_234 : vector<16xf32> to vector<1x16xf32>
        tpu.vector_store %arg8[%swap3A_274, %swap3A_275], %swap3A_278 {add = true, strides = array<i32>} : memref<32x1024xf32, #tpu.memory_space<vmem>>, vector<1x16xf32>,
        %swap3A_279 = arith.constant 5 : i32
        %swap3A_280 = arith.index_cast %swap3A_279 : i32 to index
        %swap3A_281 = arith.index_cast %multiple_of3A : i32 to index
        %swap3A_282 = tpu.vector_load %arg8[%swap3A_280, %swap3A_281] {strides = array<i32>} : memref<32x1024xf32, #tpu.memory_space<vmem>>, vector<1x16xf32>,
        %swap3A_283 = vector.shape_cast %swap3A_282 : vector<1x16xf32> to vector<16xf32>
        %swap3A_284 = vector.shape_cast %get3A_239 : vector<16xf32> to vector<1x16xf32>
        tpu.vector_store %arg8[%swap3A_280, %swap3A_281], %swap3A_284 {add = true, strides = array<i32>} : memref<32x1024xf32, #tpu.memory_space<vmem>>, vector<1x16xf32>,
        %swap3A_285 = arith.constant 6 : i32
        %swap3A_286 = arith.index_cast %swap3A_285 : i32 to index
        %swap3A_287 = arith.index_cast %multiple_of3A : i32 to index
        %swap3A_288 = tpu.vector_load %arg8[%swap3A_286, %swap3A_287] {strides = array<i32>} : memref<32x1024xf32, #tpu.memory_space<vmem>>, vector<1x16xf32>,
        %swap3A_289 = vector.shape_cast %swap3A_288 : vector<1x16xf32> to vector<16xf32>
        %swap3A_290 = vector.shape_cast %get3A_244 : vector<16xf32> to vector<1x16xf32>
        tpu.vector_store %arg8[%swap3A_286, %swap3A_287], %swap3A_290 {add = true, strides = array<i32>} : memref<32x1024xf32, #tpu.memory_space<vmem>>, vector<1x16xf32>,
        %swap3A_291 = arith.constant 7 : i32
        %swap3A_292 = arith.index_cast %swap3A_291 : i32 to index
        %swap3A_293 = arith.index_cast %multiple_of3A : i32 to index
        %swap3A_294 = tpu.vector_load %arg8[%swap3A_292, %swap3A_293] {strides = array<i32>} : memref<32x1024xf32, #tpu.memory_space<vmem>>, vector<1x16xf32>,
        %swap3A_295 = vector.shape_cast %swap3A_294 : vector<1x16xf32> to vector<16xf32>
        %swap3A_296 = vector.shape_cast %get3A_249 : vector<16xf32> to vector<1x16xf32>
        tpu.vector_store %arg8[%swap3A_292, %swap3A_293], %swap3A_296 {add = true, strides = array<i32>} : memref<32x1024xf32, #tpu.memory_space<vmem>>, vector<1x16xf32>,
        %swap3A_297 = arith.constant 8 : i32
        %swap3A_298 = arith.index_cast %swap3A_297 : i32 to index
        %swap3A_299 = arith.index_cast %multiple_of3A : i32 to index
        %swap3A_300 = tpu.vector_load %arg8[%swap3A_298, %swap3A_299] {strides = array<i32>} : memref<32x1024xf32, #tpu.memory_space<vmem>>, vector<1x16xf32>,
        %swap3A_301 = vector.shape_cast %swap3A_300 : vector<1x16xf32> to vector<16xf32>
        %swap3A_302 = vector.shape_cast %get3A_234 : vector<16xf32> to vector<1x16xf32>
        tpu.vector_store %arg8[%swap3A_298, %swap3A_299], %swap3A_302 {add = true, strides = array<i32>} : memref<32x1024xf32, #tpu.memory_space<vmem>>, vector<1x16xf32>,
        %swap3A_303 = arith.constant 9 : i32
        %swap3A_304 = arith.index_cast %swap3A_303 : i32 to index
        %swap3A_305 = arith.index_cast %multiple_of3A : i32 to index
        %swap3A_306 = tpu.vector_load %arg8[%swap3A_304, %swap3A_305] {strides = array<i32>} : memref<32x1024xf32, #tpu.memory_space<vmem>>, vector<1x16xf32>,
        %swap3A_307 = vector.shape_cast %swap3A_306 : vector<1x16xf32> to vector<16xf32>
        %swap3A_308 = vector.shape_cast %get3A_239 : vector<16xf32> to vector<1x16xf32>
        tpu.vector_store %arg8[%swap3A_304, %swap3A_305], %swap3A_308 {add = true, strides = array<i32>} : memref<32x1024xf32, #tpu.memory_space<vmem>>, vector<1x16xf32>,
        %swap3A_309 = arith.constant 10 : i32
        %swap3A_310 = arith.index_cast %swap3A_309 : i32 to index
        %swap3A_311 = arith.index_cast %multiple_of3A : i32 to index
        %swap3A_312 = tpu.vector_load %arg8[%swap3A_310, %swap3A_311] {strides = array<i32>} : memref<32x1024xf32, #tpu.memory_space<vmem>>, vector<1x16xf32>,
        %swap3A_313 = vector.shape_cast %swap3A_312 : vector<1x16xf32> to vector<16xf32>
        %swap3A_314 = vector.shape_cast %get3A_244 : vector<16xf32> to vector<1x16xf32>
        tpu.vector_store %arg8[%swap3A_310, %swap3A_311], %swap3A_314 {add = true, strides = array<i32>} : memref<32x1024xf32, #tpu.memory_space<vmem>>, vector<1x16xf32>,
        %swap3A_315 = arith.constant 11 : i32
        %swap3A_316 = arith.index_cast %swap3A_315 : i32 to index
        %swap3A_317 = arith.index_cast %multiple_of3A : i32 to index
        %swap3A_318 = tpu.vector_load %arg8[%swap3A_316, %swap3A_317] {strides = array<i32>} : memref<32x1024xf32, #tpu.memory_space<vmem>>, vector<1x16xf32>,
        %swap3A_319 = vector.shape_cast %swap3A_318 : vector<1x16xf32> to vector<16xf32>
        %swap3A_320 = vector.shape_cast %get3A_249 : vector<16xf32> to vector<1x16xf32>
        tpu.vector_store %arg8[%swap3A_316, %swap3A_317], %swap3A_320 {add = true, strides = array<i32>} : memref<32x1024xf32, #tpu.memory_space<vmem>>, vector<1x16xf32>,
        %swap3A_321 = arith.constant 12 : i32
        %swap3A_322 = arith.index_cast %swap3A_321 : i32 to index
        %swap3A_323 = arith.index_cast %multiple_of3A : i32 to index
        %swap3A_324 = tpu.vector_load %arg8[%swap3A_322, %swap3A_323] {strides = array<i32>} : memref<32x1024xf32, #tpu.memory_space<vmem>>, vector<1x16xf32>,
        %swap3A_325 = vector.shape_cast %swap3A_324 : vector<1x16xf32> to vector<16xf32>
        %swap3A_326 = vector.shape_cast %get3A_234 : vector<16xf32> to vector<1x16xf32>
        tpu.vector_store %arg8[%swap3A_322, %swap3A_323], %swap3A_326 {add = true, strides = array<i32>} : memref<32x1024xf32, #tpu.memory_space<vmem>>, vector<1x16xf32>,
        %swap3A_327 = arith.constant 13 : i32
        %swap3A_328 = arith.index_cast %swap3A_327 : i32 to index
        %swap3A_329 = arith.index_cast %multiple_of3A : i32 to index
        %swap3A_330 = tpu.vector_load %arg8[%swap3A_328, %swap3A_329] {strides = array<i32>} : memref<32x1024xf32, #tpu.memory_space<vmem>>, vector<1x16xf32>,
        %swap3A_331 = vector.shape_cast %swap3A_330 : vector<1x16xf32> to vector<16xf32>
        %swap3A_332 = vector.shape_cast %get3A_239 : vector<16xf32> to vector<1x16xf32>
        tpu.vector_store %arg8[%swap3A_328, %swap3A_329], %swap3A_332 {add = true, strides = array<i32>} : memref<32x1024xf32, #tpu.memory_space<vmem>>, vector<1x16xf32>,
        %swap3A_333 = arith.constant 14 : i32
        %swap3A_334 = arith.index_cast %swap3A_333 : i32 to index
        %swap3A_335 = arith.index_cast %multiple_of3A : i32 to index
        %swap3A_336 = tpu.vector_load %arg8[%swap3A_334, %swap3A_335] {strides = array<i32>} : memref<32x1024xf32, #tpu.memory_space<vmem>>, vector<1x16xf32>,
        %swap3A_337 = vector.shape_cast %swap3A_336 : vector<1x16xf32> to vector<16xf32>
        %swap3A_338 = vector.shape_cast %get3A_244 : vector<16xf32> to vector<1x16xf32>
        tpu.vector_store %arg8[%swap3A_334, %swap3A_335], %swap3A_338 {add = true, strides = array<i32>} : memref<32x1024xf32, #tpu.memory_space<vmem>>, vector<1x16xf32>,
        %swap3A_339 = arith.constant 15 : i32
        %swap3A_340 = arith.index_cast %swap3A_339 : i32 to index
        %swap3A_341 = arith.index_cast %multiple_of3A : i32 to index
        %swap3A_342 = tpu.vector_load %arg8[%swap3A_340, %swap3A_341] {strides = array<i32>} : memref<32x1024xf32, #tpu.memory_space<vmem>>, vector<1x16xf32>,
        %swap3A_343 = vector.shape_cast %swap3A_342 : vector<1x16xf32> to vector<16xf32>
        %swap3A_344 = vector.shape_cast %get3A_249 : vector<16xf32> to vector<1x16xf32>
        tpu.vector_store %arg8[%swap3A_340, %swap3A_341], %swap3A_344 {add = true, strides = array<i32>} : memref<32x1024xf32, #tpu.memory_space<vmem>>, vector<1x16xf32>,
        %swap3A_345 = arith.constant 16 : i32
        %swap3A_346 = arith.index_cast %swap3A_345 : i32 to index
        %swap3A_347 = arith.index_cast %multiple_of3A : i32 to index
        %swap3A_348 = tpu.vector_load %arg8[%swap3A_346, %swap3A_347] {strides = array<i32>} : memref<32x1024xf32, #tpu.memory_space<vmem>>, vector<1x16xf32>,
        %swap3A_349 = vector.shape_cast %swap3A_348 : vector<1x16xf32> to vector<16xf32>
        %swap3A_350 = vector.shape_cast %get3A_234 : vector<16xf32> to vector<1x16xf32>
        tpu.vector_store %arg8[%swap3A_346, %swap3A_347], %swap3A_350 {add = true, strides = array<i32>} : memref<32x1024xf32, #tpu.memory_space<vmem>>, vector<1x16xf32>,
        %swap3A_351 = arith.constant 17 : i32
        %swap3A_352 = arith.index_cast %swap3A_351 : i32 to index
        %swap3A_353 = arith.index_cast %multiple_of3A : i32 to index
        %swap3A_354 = tpu.vector_load %arg8[%swap3A_352, %swap3A_353] {strides = array<i32>} : memref<32x1024xf32, #tpu.memory_space<vmem>>, vector<1x16xf32>,
        %swap3A_355 = vector.shape_cast %swap3A_354 : vector<1x16xf32> to vector<16xf32>
        %swap3A_356 = vector.shape_cast %get3A_239 : vector<16xf32> to vector<1x16xf32>
        tpu.vector_store %arg8[%swap3A_352, %swap3A_353], %swap3A_356 {add = true, strides = array<i32>} : memref<32x1024xf32, #tpu.memory_space<vmem>>, vector<1x16xf32>,
        %swap3A_357 = arith.constant 18 : i32
        %swap3A_358 = arith.index_cast %swap3A_357 : i32 to index
        %swap3A_359 = arith.index_cast %multiple_of3A : i32 to index
        %swap3A_360 = tpu.vector_load %arg8[%swap3A_358, %swap3A_359] {strides = array<i32>} : memref<32x1024xf32, #tpu.memory_space<vmem>>, vector<1x16xf32>,
        %swap3A_361 = vector.shape_cast %swap3A_360 : vector<1x16xf32> to vector<16xf32>
        %swap3A_362 = vector.shape_cast %get3A_244 : vector<16xf32> to vector<1x16xf32>
        tpu.vector_store %arg8[%swap3A_358, %swap3A_359], %swap3A_362 {add = true, strides = array<i32>} : memref<32x1024xf32, #tpu.memory_space<vmem>>, vector<1x16xf32>,
        %swap3A_363 = arith.constant 19 : i32
        %swap3A_364 = arith.index_cast %swap3A_363 : i32 to index
        %swap3A_365 = arith.index_cast %multiple_of3A : i32 to index
        %swap3A_366 = tpu.vector_load %arg8[%swap3A_364, %swap3A_365] {strides = array<i32>} : memref<32x1024xf32, #tpu.memory_space<vmem>>, vector<1x16xf32>,
        %swap3A_367 = vector.shape_cast %swap3A_366 : vector<1x16xf32> to vector<16xf32>
        %swap3A_368 = vector.shape_cast %get3A_249 : vector<16xf32> to vector<1x16xf32>
        tpu.vector_store %arg8[%swap3A_364, %swap3A_365], %swap3A_368 {add = true, strides = array<i32>} : memref<32x1024xf32, #tpu.memory_space<vmem>>, vector<1x16xf32>,
        %swap3A_369 = arith.constant 20 : i32
        %swap3A_370 = arith.index_cast %swap3A_369 : i32 to index
        %swap3A_371 = arith.index_cast %multiple_of3A : i32 to index
        %swap3A_372 = tpu.vector_load %arg8[%swap3A_370, %swap3A_371] {strides = array<i32>} : memref<32x1024xf32, #tpu.memory_space<vmem>>, vector<1x16xf32>,
        %swap3A_373 = vector.shape_cast %swap3A_372 : vector<1x16xf32> to vector<16xf32>
        %swap3A_374 = vector.shape_cast %get3A_234 : vector<16xf32> to vector<1x16xf32>
        tpu.vector_store %arg8[%swap3A_370, %swap3A_371], %swap3A_374 {add = true, strides = array<i32>} : memref<32x1024xf32, #tpu.memory_space<vmem>>, vector<1x16xf32>,
        %swap3A_375 = arith.constant 21 : i32
        %swap3A_376 = arith.index_cast %swap3A_375 : i32 to index
        %swap3A_377 = arith.index_cast %multiple_of3A : i32 to index
        %swap3A_378 = tpu.vector_load %arg8[%swap3A_376, %swap3A_377] {strides = array<i32>} : memref<32x1024xf32, #tpu.memory_space<vmem>>, vector<1x16xf32>,
        %swap3A_379 = vector.shape_cast %swap3A_378 : vector<1x16xf32> to vector<16xf32>
        %swap3A_380 = vector.shape_cast %get3A_239 : vector<16xf32> to vector<1x16xf32>
        tpu.vector_store %arg8[%swap3A_376, %swap3A_377], %swap3A_380 {add = true, strides = array<i32>} : memref<32x1024xf32, #tpu.memory_space<vmem>>, vector<1x16xf32>,
        %swap3A_381 = arith.constant 22 : i32
        %swap3A_382 = arith.index_cast %swap3A_381 : i32 to index
        %swap3A_383 = arith.index_cast %multiple_of3A : i32 to index
        %swap3A_384 = tpu.vector_load %arg8[%swap3A_382, %swap3A_383] {strides = array<i32>} : memref<32x1024xf32, #tpu.memory_space<vmem>>, vector<1x16xf32>,
        %swap3A_385 = vector.shape_cast %swap3A_384 : vector<1x16xf32> to vector<16xf32>
        %swap3A_386 = vector.shape_cast %get3A_244 : vector<16xf32> to vector<1x16xf32>
        tpu.vector_store %arg8[%swap3A_382, %swap3A_383], %swap3A_386 {add = true, strides = array<i32>} : memref<32x1024xf32, #tpu.memory_space<vmem>>, vector<1x16xf32>,
        %swap3A_387 = arith.constant 23 : i32
        %swap3A_388 = arith.index_cast %swap3A_387 : i32 to index
        %swap3A_389 = arith.index_cast %multiple_of3A : i32 to index
        %swap3A_390 = tpu.vector_load %arg8[%swap3A_388, %swap3A_389] {strides = array<i32>} : memref<32x1024xf32, #tpu.memory_space<vmem>>, vector<1x16xf32>,
        %swap3A_391 = vector.shape_cast %swap3A_390 : vector<1x16xf32> to vector<16xf32>
        %swap3A_392 = vector.shape_cast %get3A_249 : vector<16xf32> to vector<1x16xf32>
        tpu.vector_store %arg8[%swap3A_388, %swap3A_389], %swap3A_392 {add = true, strides = array<i32>} : memref<32x1024xf32, #tpu.memory_space<vmem>>, vector<1x16xf32>,
        %swap3A_393 = arith.constant 24 : i32
        %swap3A_394 = arith.index_cast %swap3A_393 : i32 to index
        %swap3A_395 = arith.index_cast %multiple_of3A : i32 to index
        %swap3A_396 = tpu.vector_load %arg8[%swap3A_394, %swap3A_395] {strides = array<i32>} : memref<32x1024xf32, #tpu.memory_space<vmem>>, vector<1x16xf32>,
        %swap3A_397 = vector.shape_cast %swap3A_396 : vector<1x16xf32> to vector<16xf32>
        %swap3A_398 = vector.shape_cast %get3A_234 : vector<16xf32> to vector<1x16xf32>
        tpu.vector_store %arg8[%swap3A_394, %swap3A_395], %swap3A_398 {add = true, strides = array<i32>} : memref<32x1024xf32, #tpu.memory_space<vmem>>, vector<1x16xf32>,
        %swap3A_399 = arith.constant 25 : i32
        %swap3A_400 = arith.index_cast %swap3A_399 : i32 to index
        %swap3A_401 = arith.index_cast %multiple_of3A : i32 to index
        %swap3A_402 = tpu.vector_load %arg8[%swap3A_400, %swap3A_401] {strides = array<i32>} : memref<32x1024xf32, #tpu.memory_space<vmem>>, vector<1x16xf32>,
        %swap3A_403 = vector.shape_cast %swap3A_402 : vector<1x16xf32> to vector<16xf32>
        %swap3A_404 = vector.shape_cast %get3A_239 : vector<16xf32> to vector<1x16xf32>
        tpu.vector_store %arg8[%swap3A_400, %swap3A_401], %swap3A_404 {add = true, strides = array<i32>} : memref<32x1024xf32, #tpu.memory_space<vmem>>, vector<1x16xf32>,
        %swap3A_405 = arith.constant 26 : i32
        %swap3A_406 = arith.index_cast %swap3A_405 : i32 to index
        %swap3A_407 = arith.index_cast %multiple_of3A : i32 to index
        %swap3A_408 = tpu.vector_load %arg8[%swap3A_406, %swap3A_407] {strides = array<i32>} : memref<32x1024xf32, #tpu.memory_space<vmem>>, vector<1x16xf32>,
        %swap3A_409 = vector.shape_cast %swap3A_408 : vector<1x16xf32> to vector<16xf32>
        %swap3A_410 = vector.shape_cast %get3A_244 : vector<16xf32> to vector<1x16xf32>
        tpu.vector_store %arg8[%swap3A_406, %swap3A_407], %swap3A_410 {add = true, strides = array<i32>} : memref<32x1024xf32, #tpu.memory_space<vmem>>, vector<1x16xf32>,
        %swap3A_411 = arith.constant 27 : i32
        %swap3A_412 = arith.index_cast %swap3A_411 : i32 to index
        %swap3A_413 = arith.index_cast %multiple_of3A : i32 to index
        %swap3A_414 = tpu.vector_load %arg8[%swap3A_412, %swap3A_413] {strides = array<i32>} : memref<32x1024xf32, #tpu.memory_space<vmem>>, vector<1x16xf32>,
        %swap3A_415 = vector.shape_cast %swap3A_414 : vector<1x16xf32> to vector<16xf32>
        %swap3A_416 = vector.shape_cast %get3A_249 : vector<16xf32> to vector<1x16xf32>
        tpu.vector_store %arg8[%swap3A_412, %swap3A_413], %swap3A_416 {add = true, strides = array<i32>} : memref<32x1024xf32, #tpu.memory_space<vmem>>, vector<1x16xf32>,
        %swap3A_417 = arith.constant 28 : i32
        %swap3A_418 = arith.index_cast %swap3A_417 : i32 to index
        %swap3A_419 = arith.index_cast %multiple_of3A : i32 to index
        %swap3A_420 = tpu.vector_load %arg8[%swap3A_418, %swap3A_419] {strides = array<i32>} : memref<32x1024xf32, #tpu.memory_space<vmem>>, vector<1x16xf32>,
        %swap3A_421 = vector.shape_cast %swap3A_420 : vector<1x16xf32> to vector<16xf32>
        %swap3A_422 = vector.shape_cast %get3A_234 : vector<16xf32> to vector<1x16xf32>
        tpu.vector_store %arg8[%swap3A_418, %swap3A_419], %swap3A_422 {add = true, strides = array<i32>} : memref<32x1024xf32, #tpu.memory_space<vmem>>, vector<1x16xf32>,
        %swap3A_423 = arith.constant 29 : i32
        %swap3A_424 = arith.index_cast %swap3A_423 : i32 to index
        %swap3A_425 = arith.index_cast %multiple_of3A : i32 to index
        %swap3A_426 = tpu.vector_load %arg8[%swap3A_424, %swap3A_425] {strides = array<i32>} : memref<32x1024xf32, #tpu.memory_space<vmem>>, vector<1x16xf32>,
        %swap3A_427 = vector.shape_cast %swap3A_426 : vector<1x16xf32> to vector<16xf32>
        %swap3A_428 = vector.shape_cast %get3A_239 : vector<16xf32> to vector<1x16xf32>
        tpu.vector_store %arg8[%swap3A_424, %swap3A_425], %swap3A_428 {add = true, strides = array<i32>} : memref<32x1024xf32, #tpu.memory_space<vmem>>, vector<1x16xf32>,
        %swap3A_429 = arith.constant 30 : i32
        %swap3A_430 = arith.index_cast %swap3A_429 : i32 to index
        %swap3A_431 = arith.index_cast %multiple_of3A : i32 to index
        %swap3A_432 = tpu.vector_load %arg8[%swap3A_430, %swap3A_431] {strides = array<i32>} : memref<32x1024xf32, #tpu.memory_space<vmem>>, vector<1x16xf32>,
        %swap3A_433 = vector.shape_cast %swap3A_432 : vector<1x16xf32> to vector<16xf32>
        %swap3A_434 = vector.shape_cast %get3A_244 : vector<16xf32> to vector<1x16xf32>
        tpu.vector_store %arg8[%swap3A_430, %swap3A_431], %swap3A_434 {add = true, strides = array<i32>} : memref<32x1024xf32, #tpu.memory_space<vmem>>, vector<1x16xf32>,
        %swap3A_435 = arith.constant 31 : i32
        %swap3A_436 = arith.index_cast %swap3A_435 : i32 to index
        %swap3A_437 = arith.index_cast %multiple_of3A : i32 to index
        %swap3A_438 = tpu.vector_load %arg8[%swap3A_436, %swap3A_437] {strides = array<i32>} : memref<32x1024xf32, #tpu.memory_space<vmem>>, vector<1x16xf32>,
        %swap3A_439 = vector.shape_cast %swap3A_438 : vector<1x16xf32> to vector<16xf32>
        %swap3A_440 = vector.shape_cast %get3A_249 : vector<16xf32> to vector<1x16xf32>
        tpu.vector_store %arg8[%swap3A_436, %swap3A_437], %swap3A_440 {add = true, strides = array<i32>} : memref<32x1024xf32, #tpu.memory_space<vmem>>, vector<1x16xf32>,
        %mul3A_441 = arith.constant 2 : i32
        %mul3A_442 = arith.muli %mul3A_441, %scan3A_224 : i32
        %add3A_443 = arith.constant 1 : i32
        %add3A_444 = arith.addi %mul3A_442, %add3A_443 : i32
        %mul3A_445 = arith.constant 16 : i32
        %mul3A_446 = arith.muli %add3A_444, %mul3A_445 : i32
        %multiple_of3A_447 = tpu.assume_multiple %mul3A_446, 16 : i32
        %get3A_448 = arith.constant 0 : i32
        %get3A_449 = arith.index_cast %get3A_448 : i32 to index
        %get3A_450 = arith.index_cast %multiple_of3A_447 : i32 to index
        %get3A_451 = tpu.vector_load %arg7[%get3A_449, %get3A_450] {strides = array<i32>} : memref<4x1024xf32, #tpu.memory_space<vmem>>, vector<1x16xf32>,
        %get3A_452 = vector.shape_cast %get3A_451 : vector<1x16xf32> to vector<16xf32>
        %get3A_453 = arith.constant 1 : i32
        %get3A_454 = arith.index_cast %get3A_453 : i32 to index
        %get3A_455 = arith.index_cast %multiple_of3A_447 : i32 to index
        %get3A_456 = tpu.vector_load %arg7[%get3A_454, %get3A_455] {strides = array<i32>} : memref<4x1024xf32, #tpu.memory_space<vmem>>, vector<1x16xf32>,
        %get3A_457 = vector.shape_cast %get3A_456 : vector<1x16xf32> to vector<16xf32>
        %get3A_458 = arith.constant 2 : i32
        %get3A_459 = arith.index_cast %get3A_458 : i32 to index
        %get3A_460 = arith.index_cast %multiple_of3A_447 : i32 to index
        %get3A_461 = tpu.vector_load %arg7[%get3A_459, %get3A_460] {strides = array<i32>} : memref<4x1024xf32, #tpu.memory_space<vmem>>, vector<1x16xf32>,
        %get3A_462 = vector.shape_cast %get3A_461 : vector<1x16xf32> to vector<16xf32>
        %get3A_463 = arith.constant 3 : i32
        %get3A_464 = arith.index_cast %get3A_463 : i32 to index
        %get3A_465 = arith.index_cast %multiple_of3A_447 : i32 to index
        %get3A_466 = tpu.vector_load %arg7[%get3A_464, %get3A_465] {strides = array<i32>} : memref<4x1024xf32, #tpu.memory_space<vmem>>, vector<1x16xf32>,
        %get3A_467 = vector.shape_cast %get3A_466 : vector<1x16xf32> to vector<16xf32>
        %swap3A_468 = arith.constant 0 : i32
        %swap3A_469 = arith.index_cast %swap3A_468 : i32 to index
        %swap3A_470 = arith.index_cast %multiple_of3A_447 : i32 to index
        %swap3A_471 = tpu.vector_load %arg8[%swap3A_469, %swap3A_470] {strides = array<i32>} : memref<32x1024xf32, #tpu.memory_space<vmem>>, vector<1x16xf32>,
        %swap3A_472 = vector.shape_cast %swap3A_471 : vector<1x16xf32> to vector<16xf32>
        %swap3A_473 = vector.shape_cast %get3A_452 : vector<16xf32> to vector<1x16xf32>
        tpu.vector_store %arg8[%swap3A_469, %swap3A_470], %swap3A_473 {add = true, strides = array<i32>} : memref<32x1024xf32, #tpu.memory_space<vmem>>, vector<1x16xf32>,
        %swap3A_474 = arith.constant 1 : i32
        %swap3A_475 = arith.index_cast %swap3A_474 : i32 to index
        %swap3A_476 = arith.index_cast %multiple_of3A_447 : i32 to index
        %swap3A_477 = tpu.vector_load %arg8[%swap3A_475, %swap3A_476] {strides = array<i32>} : memref<32x1024xf32, #tpu.memory_space<vmem>>, vector<1x16xf32>,
        %swap3A_478 = vector.shape_cast %swap3A_477 : vector<1x16xf32> to vector<16xf32>
        %swap3A_479 = vector.shape_cast %get3A_457 : vector<16xf32> to vector<1x16xf32>
        tpu.vector_store %arg8[%swap3A_475, %swap3A_476], %swap3A_479 {add = true, strides = array<i32>} : memref<32x1024xf32, #tpu.memory_space<vmem>>, vector<1x16xf32>,
        %swap3A_480 = arith.constant 2 : i32
        %swap3A_481 = arith.index_cast %swap3A_480 : i32 to index
        %swap3A_482 = arith.index_cast %multiple_of3A_447 : i32 to index
        %swap3A_483 = tpu.vector_load %arg8[%swap3A_481, %swap3A_482] {strides = array<i32>} : memref<32x1024xf32, #tpu.memory_space<vmem>>, vector<1x16xf32>,
        %swap3A_484 = vector.shape_cast %swap3A_483 : vector<1x16xf32> to vector<16xf32>
        %swap3A_485 = vector.shape_cast %get3A_462 : vector<16xf32> to vector<1x16xf32>
        tpu.vector_store %arg8[%swap3A_481, %swap3A_482], %swap3A_485 {add = true, strides = array<i32>} : memref<32x1024xf32, #tpu.memory_space<vmem>>, vector<1x16xf32>,
        %swap3A_486 = arith.constant 3 : i32
        %swap3A_487 = arith.index_cast %swap3A_486 : i32 to index
        %swap3A_488 = arith.index_cast %multiple_of3A_447 : i32 to index
        %swap3A_489 = tpu.vector_load %arg8[%swap3A_487, %swap3A_488] {strides = array<i32>} : memref<32x1024xf32, #tpu.memory_space<vmem>>, vector<1x16xf32>,
        %swap3A_490 = vector.shape_cast %swap3A_489 : vector<1x16xf32> to vector<16xf32>
        %swap3A_491 = vector.shape_cast %get3A_467 : vector<16xf32> to vector<1x16xf32>
        tpu.vector_store %arg8[%swap3A_487, %swap3A_488], %swap3A_491 {add = true, strides = array<i32>} : memref<32x1024xf32, #tpu.memory_space<vmem>>, vector<1x16xf32>,
        %swap3A_492 = arith.constant 4 : i32
        %swap3A_493 = arith.index_cast %swap3A_492 : i32 to index
        %swap3A_494 = arith.index_cast %multiple_of3A_447 : i32 to index
        %swap3A_495 = tpu.vector_load %arg8[%swap3A_493, %swap3A_494] {strides = array<i32>} : memref<32x1024xf32, #tpu.memory_space<vmem>>, vector<1x16xf32>,
        %swap3A_496 = vector.shape_cast %swap3A_495 : vector<1x16xf32> to vector<16xf32>
        %swap3A_497 = vector.shape_cast %get3A_452 : vector<16xf32> to vector<1x16xf32>
        tpu.vector_store %arg8[%swap3A_493, %swap3A_494], %swap3A_497 {add = true, strides = array<i32>} : memref<32x1024xf32, #tpu.memory_space<vmem>>, vector<1x16xf32>,
        %swap3A_498 = arith.constant 5 : i32
        %swap3A_499 = arith.index_cast %swap3A_498 : i32 to index
        %swap3A_500 = arith.index_cast %multiple_of3A_447 : i32 to index
        %swap3A_501 = tpu.vector_load %arg8[%swap3A_499, %swap3A_500] {strides = array<i32>} : memref<32x1024xf32, #tpu.memory_space<vmem>>, vector<1x16xf32>,
        %swap3A_502 = vector.shape_cast %swap3A_501 : vector<1x16xf32> to vector<16xf32>
        %swap3A_503 = vector.shape_cast %get3A_457 : vector<16xf32> to vector<1x16xf32>
        tpu.vector_store %arg8[%swap3A_499, %swap3A_500], %swap3A_503 {add = true, strides = array<i32>} : memref<32x1024xf32, #tpu.memory_space<vmem>>, vector<1x16xf32>,
        %swap3A_504 = arith.constant 6 : i32
        %swap3A_505 = arith.index_cast %swap3A_504 : i32 to index
        %swap3A_506 = arith.index_cast %multiple_of3A_447 : i32 to index
        %swap3A_507 = tpu.vector_load %arg8[%swap3A_505, %swap3A_506] {strides = array<i32>} : memref<32x1024xf32, #tpu.memory_space<vmem>>, vector<1x16xf32>,
        %swap3A_508 = vector.shape_cast %swap3A_507 : vector<1x16xf32> to vector<16xf32>
        %swap3A_509 = vector.shape_cast %get3A_462 : vector<16xf32> to vector<1x16xf32>
        tpu.vector_store %arg8[%swap3A_505, %swap3A_506], %swap3A_509 {add = true, strides = array<i32>} : memref<32x1024xf32, #tpu.memory_space<vmem>>, vector<1x16xf32>,
        %swap3A_510 = arith.constant 7 : i32
        %swap3A_511 = arith.index_cast %swap3A_510 : i32 to index
        %swap3A_512 = arith.index_cast %multiple_of3A_447 : i32 to index
        %swap3A_513 = tpu.vector_load %arg8[%swap3A_511, %swap3A_512] {strides = array<i32>} : memref<32x1024xf32, #tpu.memory_space<vmem>>, vector<1x16xf32>,
        %swap3A_514 = vector.shape_cast %swap3A_513 : vector<1x16xf32> to vector<16xf32>
        %swap3A_515 = vector.shape_cast %get3A_467 : vector<16xf32> to vector<1x16xf32>
        tpu.vector_store %arg8[%swap3A_511, %swap3A_512], %swap3A_515 {add = true, strides = array<i32>} : memref<32x1024xf32, #tpu.memory_space<vmem>>, vector<1x16xf32>,
        %swap3A_516 = arith.constant 8 : i32
        %swap3A_517 = arith.index_cast %swap3A_516 : i32 to index
        %swap3A_518 = arith.index_cast %multiple_of3A_447 : i32 to index
        %swap3A_519 = tpu.vector_load %arg8[%swap3A_517, %swap3A_518] {strides = array<i32>} : memref<32x1024xf32, #tpu.memory_space<vmem>>, vector<1x16xf32>,
        %swap3A_520 = vector.shape_cast %swap3A_519 : vector<1x16xf32> to vector<16xf32>
        %swap3A_521 = vector.shape_cast %get3A_452 : vector<16xf32> to vector<1x16xf32>
        tpu.vector_store %arg8[%swap3A_517, %swap3A_518], %swap3A_521 {add = true, strides = array<i32>} : memref<32x1024xf32, #tpu.memory_space<vmem>>, vector<1x16xf32>,
        %swap3A_522 = arith.constant 9 : i32
        %swap3A_523 = arith.index_cast %swap3A_522 : i32 to index
        %swap3A_524 = arith.index_cast %multiple_of3A_447 : i32 to index
        %swap3A_525 = tpu.vector_load %arg8[%swap3A_523, %swap3A_524] {strides = array<i32>} : memref<32x1024xf32, #tpu.memory_space<vmem>>, vector<1x16xf32>,
        %swap3A_526 = vector.shape_cast %swap3A_525 : vector<1x16xf32> to vector<16xf32>
        %swap3A_527 = vector.shape_cast %get3A_457 : vector<16xf32> to vector<1x16xf32>
        tpu.vector_store %arg8[%swap3A_523, %swap3A_524], %swap3A_527 {add = true, strides = array<i32>} : memref<32x1024xf32, #tpu.memory_space<vmem>>, vector<1x16xf32>,
        %swap3A_528 = arith.constant 10 : i32
        %swap3A_529 = arith.index_cast %swap3A_528 : i32 to index
        %swap3A_530 = arith.index_cast %multiple_of3A_447 : i32 to index
        %swap3A_531 = tpu.vector_load %arg8[%swap3A_529, %swap3A_530] {strides = array<i32>} : memref<32x1024xf32, #tpu.memory_space<vmem>>, vector<1x16xf32>,
        %swap3A_532 = vector.shape_cast %swap3A_531 : vector<1x16xf32> to vector<16xf32>
        %swap3A_533 = vector.shape_cast %get3A_462 : vector<16xf32> to vector<1x16xf32>
        tpu.vector_store %arg8[%swap3A_529, %swap3A_530], %swap3A_533 {add = true, strides = array<i32>} : memref<32x1024xf32, #tpu.memory_space<vmem>>, vector<1x16xf32>,
        %swap3A_534 = arith.constant 11 : i32
        %swap3A_535 = arith.index_cast %swap3A_534 : i32 to index
        %swap3A_536 = arith.index_cast %multiple_of3A_447 : i32 to index
        %swap3A_537 = tpu.vector_load %arg8[%swap3A_535, %swap3A_536] {strides = array<i32>} : memref<32x1024xf32, #tpu.memory_space<vmem>>, vector<1x16xf32>,
        %swap3A_538 = vector.shape_cast %swap3A_537 : vector<1x16xf32> to vector<16xf32>
        %swap3A_539 = vector.shape_cast %get3A_467 : vector<16xf32> to vector<1x16xf32>
        tpu.vector_store %arg8[%swap3A_535, %swap3A_536], %swap3A_539 {add = true, strides = array<i32>} : memref<32x1024xf32, #tpu.memory_space<vmem>>, vector<1x16xf32>,
        %swap3A_540 = arith.constant 12 : i32
        %swap3A_541 = arith.index_cast %swap3A_540 : i32 to index
        %swap3A_542 = arith.index_cast %multiple_of3A_447 : i32 to index
        %swap3A_543 = tpu.vector_load %arg8[%swap3A_541, %swap3A_542] {strides = array<i32>} : memref<32x1024xf32, #tpu.memory_space<vmem>>, vector<1x16xf32>,
        %swap3A_544 = vector.shape_cast %swap3A_543 : vector<1x16xf32> to vector<16xf32>
        %swap3A_545 = vector.shape_cast %get3A_452 : vector<16xf32> to vector<1x16xf32>
        tpu.vector_store %arg8[%swap3A_541, %swap3A_542], %swap3A_545 {add = true, strides = array<i32>} : memref<32x1024xf32, #tpu.memory_space<vmem>>, vector<1x16xf32>,
        %swap3A_546 = arith.constant 13 : i32
        %swap3A_547 = arith.index_cast %swap3A_546 : i32 to index
        %swap3A_548 = arith.index_cast %multiple_of3A_447 : i32 to index
        %swap3A_549 = tpu.vector_load %arg8[%swap3A_547, %swap3A_548] {strides = array<i32>} : memref<32x1024xf32, #tpu.memory_space<vmem>>, vector<1x16xf32>,
        %swap3A_550 = vector.shape_cast %swap3A_549 : vector<1x16xf32> to vector<16xf32>
        %swap3A_551 = vector.shape_cast %get3A_457 : vector<16xf32> to vector<1x16xf32>
        tpu.vector_store %arg8[%swap3A_547, %swap3A_548], %swap3A_551 {add = true, strides = array<i32>} : memref<32x1024xf32, #tpu.memory_space<vmem>>, vector<1x16xf32>,
        %swap3A_552 = arith.constant 14 : i32
        %swap3A_553 = arith.index_cast %swap3A_552 : i32 to index
        %swap3A_554 = arith.index_cast %multiple_of3A_447 : i32 to index
        %swap3A_555 = tpu.vector_load %arg8[%swap3A_553, %swap3A_554] {strides = array<i32>} : memref<32x1024xf32, #tpu.memory_space<vmem>>, vector<1x16xf32>,
        %swap3A_556 = vector.shape_cast %swap3A_555 : vector<1x16xf32> to vector<16xf32>
        %swap3A_557 = vector.shape_cast %get3A_462 : vector<16xf32> to vector<1x16xf32>
        tpu.vector_store %arg8[%swap3A_553, %swap3A_554], %swap3A_557 {add = true, strides = array<i32>} : memref<32x1024xf32, #tpu.memory_space<vmem>>, vector<1x16xf32>,
        %swap3A_558 = arith.constant 15 : i32
        %swap3A_559 = arith.index_cast %swap3A_558 : i32 to index
        %swap3A_560 = arith.index_cast %multiple_of3A_447 : i32 to index
        %swap3A_561 = tpu.vector_load %arg8[%swap3A_559, %swap3A_560] {strides = array<i32>} : memref<32x1024xf32, #tpu.memory_space<vmem>>, vector<1x16xf32>,
        %swap3A_562 = vector.shape_cast %swap3A_561 : vector<1x16xf32> to vector<16xf32>
        %swap3A_563 = vector.shape_cast %get3A_467 : vector<16xf32> to vector<1x16xf32>
        tpu.vector_store %arg8[%swap3A_559, %swap3A_560], %swap3A_563 {add = true, strides = array<i32>} : memref<32x1024xf32, #tpu.memory_space<vmem>>, vector<1x16xf32>,
        %swap3A_564 = arith.constant 16 : i32
        %swap3A_565 = arith.index_cast %swap3A_564 : i32 to index
        %swap3A_566 = arith.index_cast %multiple_of3A_447 : i32 to index
        %swap3A_567 = tpu.vector_load %arg8[%swap3A_565, %swap3A_566] {strides = array<i32>} : memref<32x1024xf32, #tpu.memory_space<vmem>>, vector<1x16xf32>,
        %swap3A_568 = vector.shape_cast %swap3A_567 : vector<1x16xf32> to vector<16xf32>
        %swap3A_569 = vector.shape_cast %get3A_452 : vector<16xf32> to vector<1x16xf32>
        tpu.vector_store %arg8[%swap3A_565, %swap3A_566], %swap3A_569 {add = true, strides = array<i32>} : memref<32x1024xf32, #tpu.memory_space<vmem>>, vector<1x16xf32>,
        %swap3A_570 = arith.constant 17 : i32
        %swap3A_571 = arith.index_cast %swap3A_570 : i32 to index
        %swap3A_572 = arith.index_cast %multiple_of3A_447 : i32 to index
        %swap3A_573 = tpu.vector_load %arg8[%swap3A_571, %swap3A_572] {strides = array<i32>} : memref<32x1024xf32, #tpu.memory_space<vmem>>, vector<1x16xf32>,
        %swap3A_574 = vector.shape_cast %swap3A_573 : vector<1x16xf32> to vector<16xf32>
        %swap3A_575 = vector.shape_cast %get3A_457 : vector<16xf32> to vector<1x16xf32>
        tpu.vector_store %arg8[%swap3A_571, %swap3A_572], %swap3A_575 {add = true, strides = array<i32>} : memref<32x1024xf32, #tpu.memory_space<vmem>>, vector<1x16xf32>,
        %swap3A_576 = arith.constant 18 : i32
        %swap3A_577 = arith.index_cast %swap3A_576 : i32 to index
        %swap3A_578 = arith.index_cast %multiple_of3A_447 : i32 to index
        %swap3A_579 = tpu.vector_load %arg8[%swap3A_577, %swap3A_578] {strides = array<i32>} : memref<32x1024xf32, #tpu.memory_space<vmem>>, vector<1x16xf32>,
        %swap3A_580 = vector.shape_cast %swap3A_579 : vector<1x16xf32> to vector<16xf32>
        %swap3A_581 = vector.shape_cast %get3A_462 : vector<16xf32> to vector<1x16xf32>
        tpu.vector_store %arg8[%swap3A_577, %swap3A_578], %swap3A_581 {add = true, strides = array<i32>} : memref<32x1024xf32, #tpu.memory_space<vmem>>, vector<1x16xf32>,
        %swap3A_582 = arith.constant 19 : i32
        %swap3A_583 = arith.index_cast %swap3A_582 : i32 to index
        %swap3A_584 = arith.index_cast %multiple_of3A_447 : i32 to index
        %swap3A_585 = tpu.vector_load %arg8[%swap3A_583, %swap3A_584] {strides = array<i32>} : memref<32x1024xf32, #tpu.memory_space<vmem>>, vector<1x16xf32>,
        %swap3A_586 = vector.shape_cast %swap3A_585 : vector<1x16xf32> to vector<16xf32>
        %swap3A_587 = vector.shape_cast %get3A_467 : vector<16xf32> to vector<1x16xf32>
        tpu.vector_store %arg8[%swap3A_583, %swap3A_584], %swap3A_587 {add = true, strides = array<i32>} : memref<32x1024xf32, #tpu.memory_space<vmem>>, vector<1x16xf32>,
        %swap3A_588 = arith.constant 20 : i32
        %swap3A_589 = arith.index_cast %swap3A_588 : i32 to index
        %swap3A_590 = arith.index_cast %multiple_of3A_447 : i32 to index
        %swap3A_591 = tpu.vector_load %arg8[%swap3A_589, %swap3A_590] {strides = array<i32>} : memref<32x1024xf32, #tpu.memory_space<vmem>>, vector<1x16xf32>,
        %swap3A_592 = vector.shape_cast %swap3A_591 : vector<1x16xf32> to vector<16xf32>
        %swap3A_593 = vector.shape_cast %get3A_452 : vector<16xf32> to vector<1x16xf32>
        tpu.vector_store %arg8[%swap3A_589, %swap3A_590], %swap3A_593 {add = true, strides = array<i32>} : memref<32x1024xf32, #tpu.memory_space<vmem>>, vector<1x16xf32>,
        %swap3A_594 = arith.constant 21 : i32
        %swap3A_595 = arith.index_cast %swap3A_594 : i32 to index
        %swap3A_596 = arith.index_cast %multiple_of3A_447 : i32 to index
        %swap3A_597 = tpu.vector_load %arg8[%swap3A_595, %swap3A_596] {strides = array<i32>} : memref<32x1024xf32, #tpu.memory_space<vmem>>, vector<1x16xf32>,
        %swap3A_598 = vector.shape_cast %swap3A_597 : vector<1x16xf32> to vector<16xf32>
        %swap3A_599 = vector.shape_cast %get3A_457 : vector<16xf32> to vector<1x16xf32>
        tpu.vector_store %arg8[%swap3A_595, %swap3A_596], %swap3A_599 {add = true, strides = array<i32>} : memref<32x1024xf32, #tpu.memory_space<vmem>>, vector<1x16xf32>,
        %swap3A_600 = arith.constant 22 : i32
        %swap3A_601 = arith.index_cast %swap3A_600 : i32 to index
        %swap3A_602 = arith.index_cast %multiple_of3A_447 : i32 to index
        %swap3A_603 = tpu.vector_load %arg8[%swap3A_601, %swap3A_602] {strides = array<i32>} : memref<32x1024xf32, #tpu.memory_space<vmem>>, vector<1x16xf32>,
        %swap3A_604 = vector.shape_cast %swap3A_603 : vector<1x16xf32> to vector<16xf32>
        %swap3A_605 = vector.shape_cast %get3A_462 : vector<16xf32> to vector<1x16xf32>
        tpu.vector_store %arg8[%swap3A_601, %swap3A_602], %swap3A_605 {add = true, strides = array<i32>} : memref<32x1024xf32, #tpu.memory_space<vmem>>, vector<1x16xf32>,
        %swap3A_606 = arith.constant 23 : i32
        %swap3A_607 = arith.index_cast %swap3A_606 : i32 to index
        %swap3A_608 = arith.index_cast %multiple_of3A_447 : i32 to index
        %swap3A_609 = tpu.vector_load %arg8[%swap3A_607, %swap3A_608] {strides = array<i32>} : memref<32x1024xf32, #tpu.memory_space<vmem>>, vector<1x16xf32>,
        %swap3A_610 = vector.shape_cast %swap3A_609 : vector<1x16xf32> to vector<16xf32>
        %swap3A_611 = vector.shape_cast %get3A_467 : vector<16xf32> to vector<1x16xf32>
        tpu.vector_store %arg8[%swap3A_607, %swap3A_608], %swap3A_611 {add = true, strides = array<i32>} : memref<32x1024xf32, #tpu.memory_space<vmem>>, vector<1x16xf32>,
        %swap3A_612 = arith.constant 24 : i32
        %swap3A_613 = arith.index_cast %swap3A_612 : i32 to index
        %swap3A_614 = arith.index_cast %multiple_of3A_447 : i32 to index
        %swap3A_615 = tpu.vector_load %arg8[%swap3A_613, %swap3A_614] {strides = array<i32>} : memref<32x1024xf32, #tpu.memory_space<vmem>>, vector<1x16xf32>,
        %swap3A_616 = vector.shape_cast %swap3A_615 : vector<1x16xf32> to vector<16xf32>
        %swap3A_617 = vector.shape_cast %get3A_452 : vector<16xf32> to vector<1x16xf32>
        tpu.vector_store %arg8[%swap3A_613, %swap3A_614], %swap3A_617 {add = true, strides = array<i32>} : memref<32x1024xf32, #tpu.memory_space<vmem>>, vector<1x16xf32>,
        %swap3A_618 = arith.constant 25 : i32
        %swap3A_619 = arith.index_cast %swap3A_618 : i32 to index
        %swap3A_620 = arith.index_cast %multiple_of3A_447 : i32 to index
        %swap3A_621 = tpu.vector_load %arg8[%swap3A_619, %swap3A_620] {strides = array<i32>} : memref<32x1024xf32, #tpu.memory_space<vmem>>, vector<1x16xf32>,
        %swap3A_622 = vector.shape_cast %swap3A_621 : vector<1x16xf32> to vector<16xf32>
        %swap3A_623 = vector.shape_cast %get3A_457 : vector<16xf32> to vector<1x16xf32>
        tpu.vector_store %arg8[%swap3A_619, %swap3A_620], %swap3A_623 {add = true, strides = array<i32>} : memref<32x1024xf32, #tpu.memory_space<vmem>>, vector<1x16xf32>,
        %swap3A_624 = arith.constant 26 : i32
        %swap3A_625 = arith.index_cast %swap3A_624 : i32 to index
        %swap3A_626 = arith.index_cast %multiple_of3A_447 : i32 to index
        %swap3A_627 = tpu.vector_load %arg8[%swap3A_625, %swap3A_626] {strides = array<i32>} : memref<32x1024xf32, #tpu.memory_space<vmem>>, vector<1x16xf32>,
        %swap3A_628 = vector.shape_cast %swap3A_627 : vector<1x16xf32> to vector<16xf32>
        %swap3A_629 = vector.shape_cast %get3A_462 : vector<16xf32> to vector<1x16xf32>
        tpu.vector_store %arg8[%swap3A_625, %swap3A_626], %swap3A_629 {add = true, strides = array<i32>} : memref<32x1024xf32, #tpu.memory_space<vmem>>, vector<1x16xf32>,
        %swap3A_630 = arith.constant 27 : i32
        %swap3A_631 = arith.index_cast %swap3A_630 : i32 to index
        %swap3A_632 = arith.index_cast %multiple_of3A_447 : i32 to index
        %swap3A_633 = tpu.vector_load %arg8[%swap3A_631, %swap3A_632] {strides = array<i32>} : memref<32x1024xf32, #tpu.memory_space<vmem>>, vector<1x16xf32>,
        %swap3A_634 = vector.shape_cast %swap3A_633 : vector<1x16xf32> to vector<16xf32>
        %swap3A_635 = vector.shape_cast %get3A_467 : vector<16xf32> to vector<1x16xf32>
        tpu.vector_store %arg8[%swap3A_631, %swap3A_632], %swap3A_635 {add = true, strides = array<i32>} : memref<32x1024xf32, #tpu.memory_space<vmem>>, vector<1x16xf32>,
        %swap3A_636 = arith.constant 28 : i32
        %swap3A_637 = arith.index_cast %swap3A_636 : i32 to index
        %swap3A_638 = arith.index_cast %multiple_of3A_447 : i32 to index
        %swap3A_639 = tpu.vector_load %arg8[%swap3A_637, %swap3A_638] {strides = array<i32>} : memref<32x1024xf32, #tpu.memory_space<vmem>>, vector<1x16xf32>,
        %swap3A_640 = vector.shape_cast %swap3A_639 : vector<1x16xf32> to vector<16xf32>
        %swap3A_641 = vector.shape_cast %get3A_452 : vector<16xf32> to vector<1x16xf32>
        tpu.vector_store %arg8[%swap3A_637, %swap3A_638], %swap3A_641 {add = true, strides = array<i32>} : memref<32x1024xf32, #tpu.memory_space<vmem>>, vector<1x16xf32>,
        %swap3A_642 = arith.constant 29 : i32
        %swap3A_643 = arith.index_cast %swap3A_642 : i32 to index
        %swap3A_644 = arith.index_cast %multiple_of3A_447 : i32 to index
        %swap3A_645 = tpu.vector_load %arg8[%swap3A_643, %swap3A_644] {strides = array<i32>} : memref<32x1024xf32, #tpu.memory_space<vmem>>, vector<1x16xf32>,
        %swap3A_646 = vector.shape_cast %swap3A_645 : vector<1x16xf32> to vector<16xf32>
        %swap3A_647 = vector.shape_cast %get3A_457 : vector<16xf32> to vector<1x16xf32>
        tpu.vector_store %arg8[%swap3A_643, %swap3A_644], %swap3A_647 {add = true, strides = array<i32>} : memref<32x1024xf32, #tpu.memory_space<vmem>>, vector<1x16xf32>,
        %swap3A_648 = arith.constant 30 : i32
        %swap3A_649 = arith.index_cast %swap3A_648 : i32 to index
        %swap3A_650 = arith.index_cast %multiple_of3A_447 : i32 to index
        %swap3A_651 = tpu.vector_load %arg8[%swap3A_649, %swap3A_650] {strides = array<i32>} : memref<32x1024xf32, #tpu.memory_space<vmem>>, vector<1x16xf32>,
        %swap3A_652 = vector.shape_cast %swap3A_651 : vector<1x16xf32> to vector<16xf32>
        %swap3A_653 = vector.shape_cast %get3A_462 : vector<16xf32> to vector<1x16xf32>
        tpu.vector_store %arg8[%swap3A_649, %swap3A_650], %swap3A_653 {add = true, strides = array<i32>} : memref<32x1024xf32, #tpu.memory_space<vmem>>, vector<1x16xf32>,
        %swap3A_654 = arith.constant 31 : i32
        %swap3A_655 = arith.index_cast %swap3A_654 : i32 to index
        %swap3A_656 = arith.index_cast %multiple_of3A_447 : i32 to index
        %swap3A_657 = tpu.vector_load %arg8[%swap3A_655, %swap3A_656] {strides = array<i32>} : memref<32x1024xf32, #tpu.memory_space<vmem>>, vector<1x16xf32>,
        %swap3A_658 = vector.shape_cast %swap3A_657 : vector<1x16xf32> to vector<16xf32>
        %swap3A_659 = vector.shape_cast %get3A_467 : vector<16xf32> to vector<1x16xf32>
        tpu.vector_store %arg8[%swap3A_655, %swap3A_656], %swap3A_659 {add = true, strides = array<i32>} : memref<32x1024xf32, #tpu.memory_space<vmem>>, vector<1x16xf32>,
      }
      %scan3A_113 = arith.constant 32 : i32
      %mul3A_114 = arith.constant 8 : i32
      %mul3A_115 = arith.muli %add3A_99, %mul3A_114 : i32
      %add3A_116 = arith.addi %mul3A_2, %mul3A_115 : i32
      %dma_start3A_117 = arith.constant 0 : i32
      %dma_start3A_118 = arith.constant 0 : i32
      %dma_start3A_119 = tpu.memref_slice %arg5[%add3A_116, %dma_start3A_117, %dma_start3A_118] : memref<8192x4x1024xf32, #tpu.memory_space<hbm>> -> memref<8x4x1024xf32, #tpu.memory_space<hbm>>
      %dma_start3A_120 = tpu.memref_reshape %dma_start3A_119 : memref<8x4x1024xf32, #tpu.memory_space<hbm>> -> memref<32x1024xf32, #tpu.memory_space<hbm>>
      %dma_start3A_121 = arith.constant 0 : i32
      %dma_start3A_122 = arith.constant 0 : i32
      %dma_start3A_123 = tpu.memref_slice %arg5[%add3A_116, %dma_start3A_121, %dma_start3A_122] : memref<8192x4x1024xf32, #tpu.memory_space<hbm>> -> memref<8x4x1024xf32, #tpu.memory_space<hbm>>
      %dma_start3A_124 = tpu.memref_reshape %dma_start3A_123 : memref<8x4x1024xf32, #tpu.memory_space<hbm>> -> memref<32x1024xf32, #tpu.memory_space<hbm>>
      tpu.enqueue_dma source(%arg8 : memref<32x1024xf32, #tpu.memory_space<vmem>>) target(%dma_start3A_124 : memref<32x1024xf32, #tpu.memory_space<hbm>>) target_semaphore(%arg14 : memref<!tpu.dma_semaphore, #tpu.memory_space<semaphore_mem>>)
      %mul3A_125 = arith.constant 3 : i32
      %mul3A_126 = arith.muli %mul3A_125, %scan3A_95 : i32
      %add3A_127 = arith.constant 1 : i32
      %add3A_128 = arith.addi %mul3A_126, %add3A_127 : i32
      %mul3A_129 = arith.constant 32 : i32
      %mul3A_130 = arith.muli %add3A_128, %mul3A_129 : i32
      %dma_wait3A_131 = tpu.memref_slice %arg6[%mul3A_130] : memref<1024xi32, #tpu.memory_space<vmem>> -> memref<32xi32, #tpu.memory_space<vmem>>
      %dma_wait3A_132 = arith.constant 0 : i32
      %dma_wait3A_133 = arith.constant 0 : i32
      %dma_wait3A_134 = tpu.memref_slice %arg3[%dma_wait3A_132, %dma_wait3A_133] : memref<100000x1024xf32, #tpu.memory_space<hbm>> -> memref<100000x1024xf32, #tpu.memory_space<hbm>>
      tpu.wait_indirect_dma semaphore(%arg12 : memref<!tpu.dma_semaphore, #tpu.memory_space<semaphore_mem>>) src(%dma_wait3A_134 : memref<100000x1024xf32, #tpu.memory_space<hbm>>) dst(%arg9 : memref<32x1024xf32, #tpu.memory_space<vmem>>)
      %sub3A = arith.constant 1 : i32
      %sub3A_135 = arith.subi %add3A_128, %sub3A : i32
      %mul3A_136 = arith.constant 8 : i32
      %mul3A_137 = arith.muli %sub3A_135, %mul3A_136 : i32
      %add3A_138 = arith.addi %mul3A_2, %mul3A_137 : i32
      %dma_wait3A_139 = arith.constant 0 : i32
      %dma_wait3A_140 = arith.constant 0 : i32
      %dma_wait3A_141 = tpu.memref_slice %arg5[%add3A_138, %dma_wait3A_139, %dma_wait3A_140] : memref<8192x4x1024xf32, #tpu.memory_space<hbm>> -> memref<8x4x1024xf32, #tpu.memory_space<hbm>>
      %dma_wait3A_142 = tpu.memref_reshape %dma_wait3A_141 : memref<8x4x1024xf32, #tpu.memory_space<hbm>> -> memref<32x1024xf32, #tpu.memory_space<hbm>>
      %dma_wait3A_143 = arith.constant 0 : i32
      %dma_wait3A_144 = arith.constant 0 : i32
      %dma_wait3A_145 = tpu.memref_slice %arg5[%add3A_138, %dma_wait3A_143, %dma_wait3A_144] : memref<8192x4x1024xf32, #tpu.memory_space<hbm>> -> memref<8x4x1024xf32, #tpu.memory_space<hbm>>
      %dma_wait3A_146 = tpu.memref_reshape %dma_wait3A_145 : memref<8x4x1024xf32, #tpu.memory_space<hbm>> -> memref<32x1024xf32, #tpu.memory_space<hbm>>
      tpu.wait_dma2 semaphore(%arg14 : memref<!tpu.dma_semaphore, #tpu.memory_space<semaphore_mem>>) src(%arg8 : memref<32x1024xf32, #tpu.memory_space<vmem>>) dst(%dma_wait3A_146 : memref<32x1024xf32, #tpu.memory_space<hbm>>)
      %add3A_147 = arith.constant 3 : i32
      %add3A_148 = arith.addi %add3A_128, %add3A_147 : i32
      %sub3A_149 = arith.constant 1 : i32
      %sub3A_150 = arith.subi %add3A_148, %sub3A_149 : i32
      %mul3A_151 = arith.constant 32 : i32
      %mul3A_152 = arith.muli %sub3A_150, %mul3A_151 : i32
      %dma_start3A_153 = tpu.memref_slice %arg6[%mul3A_152] : memref<1024xi32, #tpu.memory_space<vmem>> -> memref<32xi32, #tpu.memory_space<vmem>>
      %dma_start3A_154 = arith.constant 0 : i32
      %dma_start3A_155 = arith.constant 0 : i32
      %dma_start3A_156 = tpu.memref_slice %arg3[%dma_start3A_154, %dma_start3A_155] : memref<100000x1024xf32, #tpu.memory_space<hbm>> -> memref<100000x1024xf32, #tpu.memory_space<hbm>>
      tpu.enqueue_indirect_dma source(%dma_start3A_156 : memref<100000x1024xf32, #tpu.memory_space<hbm>>) target(%arg8 : memref<32x1024xf32, #tpu.memory_space<vmem>>) offsets(%dma_start3A_153 : memref<32xi32, #tpu.memory_space<vmem>>) semaphore(%arg11 : memref<!tpu.dma_semaphore, #tpu.memory_space<semaphore_mem>>)
      %scan3A_157 = arith.constant 0 : i32
      %scan3A_158 = arith.constant 0 : i32
      %scan3A_159 = arith.constant 32 : i32
      %scan3A_160 = arith.addi %scan3A_158, %scan3A_159 : i32
      %scan3A_161 = arith.constant 1 : i32
      scf.for %scan3A_224 = %scan3A_158 to %scan3A_160 step %scan3A_161  : i32 {
        %mul3A_225 = arith.constant 2 : i32
        %mul3A_226 = arith.muli %mul3A_225, %scan3A_224 : i32
        %add3A_227 = arith.constant 0 : i32
        %add3A_228 = arith.addi %mul3A_226, %add3A_227 : i32
        %mul3A_229 = arith.constant 16 : i32
        %mul3A_230 = arith.muli %add3A_228, %mul3A_229 : i32
        %multiple_of3A = tpu.assume_multiple %mul3A_230, 16 : i32
        %get3A = arith.constant 0 : i32
        %get3A_231 = arith.index_cast %get3A : i32 to index
        %get3A_232 = arith.index_cast %multiple_of3A : i32 to index
        %get3A_233 = tpu.vector_load %arg7[%get3A_231, %get3A_232] {strides = array<i32>} : memref<4x1024xf32, #tpu.memory_space<vmem>>, vector<1x16xf32>,
        %get3A_234 = vector.shape_cast %get3A_233 : vector<1x16xf32> to vector<16xf32>
        %get3A_235 = arith.constant 1 : i32
        %get3A_236 = arith.index_cast %get3A_235 : i32 to index
        %get3A_237 = arith.index_cast %multiple_of3A : i32 to index
        %get3A_238 = tpu.vector_load %arg7[%get3A_236, %get3A_237] {strides = array<i32>} : memref<4x1024xf32, #tpu.memory_space<vmem>>, vector<1x16xf32>,
        %get3A_239 = vector.shape_cast %get3A_238 : vector<1x16xf32> to vector<16xf32>
        %get3A_240 = arith.constant 2 : i32
        %get3A_241 = arith.index_cast %get3A_240 : i32 to index
        %get3A_242 = arith.index_cast %multiple_of3A : i32 to index
        %get3A_243 = tpu.vector_load %arg7[%get3A_241, %get3A_242] {strides = array<i32>} : memref<4x1024xf32, #tpu.memory_space<vmem>>, vector<1x16xf32>,
        %get3A_244 = vector.shape_cast %get3A_243 : vector<1x16xf32> to vector<16xf32>
        %get3A_245 = arith.constant 3 : i32
        %get3A_246 = arith.index_cast %get3A_245 : i32 to index
        %get3A_247 = arith.index_cast %multiple_of3A : i32 to index
        %get3A_248 = tpu.vector_load %arg7[%get3A_246, %get3A_247] {strides = array<i32>} : memref<4x1024xf32, #tpu.memory_space<vmem>>, vector<1x16xf32>,
        %get3A_249 = vector.shape_cast %get3A_248 : vector<1x16xf32> to vector<16xf32>
        %swap3A = arith.constant 0 : i32
        %swap3A_250 = arith.index_cast %swap3A : i32 to index
        %swap3A_251 = arith.index_cast %multiple_of3A : i32 to index
        %swap3A_252 = tpu.vector_load %arg9[%swap3A_250, %swap3A_251] {strides = array<i32>} : memref<32x1024xf32, #tpu.memory_space<vmem>>, vector<1x16xf32>,
        %swap3A_253 = vector.shape_cast %swap3A_252 : vector<1x16xf32> to vector<16xf32>
        %swap3A_254 = vector.shape_cast %get3A_234 : vector<16xf32> to vector<1x16xf32>
        tpu.vector_store %arg9[%swap3A_250, %swap3A_251], %swap3A_254 {add = true, strides = array<i32>} : memref<32x1024xf32, #tpu.memory_space<vmem>>, vector<1x16xf32>,
        %swap3A_255 = arith.constant 1 : i32
        %swap3A_256 = arith.index_cast %swap3A_255 : i32 to index
        %swap3A_257 = arith.index_cast %multiple_of3A : i32 to index
        %swap3A_258 = tpu.vector_load %arg9[%swap3A_256, %swap3A_257] {strides = array<i32>} : memref<32x1024xf32, #tpu.memory_space<vmem>>, vector<1x16xf32>,
        %swap3A_259 = vector.shape_cast %swap3A_258 : vector<1x16xf32> to vector<16xf32>
        %swap3A_260 = vector.shape_cast %get3A_239 : vector<16xf32> to vector<1x16xf32>
        tpu.vector_store %arg9[%swap3A_256, %swap3A_257], %swap3A_260 {add = true, strides = array<i32>} : memref<32x1024xf32, #tpu.memory_space<vmem>>, vector<1x16xf32>,
        %swap3A_261 = arith.constant 2 : i32
        %swap3A_262 = arith.index_cast %swap3A_261 : i32 to index
        %swap3A_263 = arith.index_cast %multiple_of3A : i32 to index
        %swap3A_264 = tpu.vector_load %arg9[%swap3A_262, %swap3A_263] {strides = array<i32>} : memref<32x1024xf32, #tpu.memory_space<vmem>>, vector<1x16xf32>,
        %swap3A_265 = vector.shape_cast %swap3A_264 : vector<1x16xf32> to vector<16xf32>
        %swap3A_266 = vector.shape_cast %get3A_244 : vector<16xf32> to vector<1x16xf32>
        tpu.vector_store %arg9[%swap3A_262, %swap3A_263], %swap3A_266 {add = true, strides = array<i32>} : memref<32x1024xf32, #tpu.memory_space<vmem>>, vector<1x16xf32>,
        %swap3A_267 = arith.constant 3 : i32
        %swap3A_268 = arith.index_cast %swap3A_267 : i32 to index
        %swap3A_269 = arith.index_cast %multiple_of3A : i32 to index
        %swap3A_270 = tpu.vector_load %arg9[%swap3A_268, %swap3A_269] {strides = array<i32>} : memref<32x1024xf32, #tpu.memory_space<vmem>>, vector<1x16xf32>,
        %swap3A_271 = vector.shape_cast %swap3A_270 : vector<1x16xf32> to vector<16xf32>
        %swap3A_272 = vector.shape_cast %get3A_249 : vector<16xf32> to vector<1x16xf32>
        tpu.vector_store %arg9[%swap3A_268, %swap3A_269], %swap3A_272 {add = true, strides = array<i32>} : memref<32x1024xf32, #tpu.memory_space<vmem>>, vector<1x16xf32>,
        %swap3A_273 = arith.constant 4 : i32
        %swap3A_274 = arith.index_cast %swap3A_273 : i32 to index
        %swap3A_275 = arith.index_cast %multiple_of3A : i32 to index
        %swap3A_276 = tpu.vector_load %arg9[%swap3A_274, %swap3A_275] {strides = array<i32>} : memref<32x1024xf32, #tpu.memory_space<vmem>>, vector<1x16xf32>,
        %swap3A_277 = vector.shape_cast %swap3A_276 : vector<1x16xf32> to vector<16xf32>
        %swap3A_278 = vector.shape_cast %get3A_234 : vector<16xf32> to vector<1x16xf32>
        tpu.vector_store %arg9[%swap3A_274, %swap3A_275], %swap3A_278 {add = true, strides = array<i32>} : memref<32x1024xf32, #tpu.memory_space<vmem>>, vector<1x16xf32>,
        %swap3A_279 = arith.constant 5 : i32
        %swap3A_280 = arith.index_cast %swap3A_279 : i32 to index
        %swap3A_281 = arith.index_cast %multiple_of3A : i32 to index
        %swap3A_282 = tpu.vector_load %arg9[%swap3A_280, %swap3A_281] {strides = array<i32>} : memref<32x1024xf32, #tpu.memory_space<vmem>>, vector<1x16xf32>,
        %swap3A_283 = vector.shape_cast %swap3A_282 : vector<1x16xf32> to vector<16xf32>
        %swap3A_284 = vector.shape_cast %get3A_239 : vector<16xf32> to vector<1x16xf32>
        tpu.vector_store %arg9[%swap3A_280, %swap3A_281], %swap3A_284 {add = true, strides = array<i32>} : memref<32x1024xf32, #tpu.memory_space<vmem>>, vector<1x16xf32>,
        %swap3A_285 = arith.constant 6 : i32
        %swap3A_286 = arith.index_cast %swap3A_285 : i32 to index
        %swap3A_287 = arith.index_cast %multiple_of3A : i32 to index
        %swap3A_288 = tpu.vector_load %arg9[%swap3A_286, %swap3A_287] {strides = array<i32>} : memref<32x1024xf32, #tpu.memory_space<vmem>>, vector<1x16xf32>,
        %swap3A_289 = vector.shape_cast %swap3A_288 : vector<1x16xf32> to vector<16xf32>
        %swap3A_290 = vector.shape_cast %get3A_244 : vector<16xf32> to vector<1x16xf32>
        tpu.vector_store %arg9[%swap3A_286, %swap3A_287], %swap3A_290 {add = true, strides = array<i32>} : memref<32x1024xf32, #tpu.memory_space<vmem>>, vector<1x16xf32>,
        %swap3A_291 = arith.constant 7 : i32
        %swap3A_292 = arith.index_cast %swap3A_291 : i32 to index
        %swap3A_293 = arith.index_cast %multiple_of3A : i32 to index
        %swap3A_294 = tpu.vector_load %arg9[%swap3A_292, %swap3A_293] {strides = array<i32>} : memref<32x1024xf32, #tpu.memory_space<vmem>>, vector<1x16xf32>,
        %swap3A_295 = vector.shape_cast %swap3A_294 : vector<1x16xf32> to vector<16xf32>
        %swap3A_296 = vector.shape_cast %get3A_249 : vector<16xf32> to vector<1x16xf32>
        tpu.vector_store %arg9[%swap3A_292, %swap3A_293], %swap3A_296 {add = true, strides = array<i32>} : memref<32x1024xf32, #tpu.memory_space<vmem>>, vector<1x16xf32>,
        %swap3A_297 = arith.constant 8 : i32
        %swap3A_298 = arith.index_cast %swap3A_297 : i32 to index
        %swap3A_299 = arith.index_cast %multiple_of3A : i32 to index
        %swap3A_300 = tpu.vector_load %arg9[%swap3A_298, %swap3A_299] {strides = array<i32>} : memref<32x1024xf32, #tpu.memory_space<vmem>>, vector<1x16xf32>,
        %swap3A_301 = vector.shape_cast %swap3A_300 : vector<1x16xf32> to vector<16xf32>
        %swap3A_302 = vector.shape_cast %get3A_234 : vector<16xf32> to vector<1x16xf32>
        tpu.vector_store %arg9[%swap3A_298, %swap3A_299], %swap3A_302 {add = true, strides = array<i32>} : memref<32x1024xf32, #tpu.memory_space<vmem>>, vector<1x16xf32>,
        %swap3A_303 = arith.constant 9 : i32
        %swap3A_304 = arith.index_cast %swap3A_303 : i32 to index
        %swap3A_305 = arith.index_cast %multiple_of3A : i32 to index
        %swap3A_306 = tpu.vector_load %arg9[%swap3A_304, %swap3A_305] {strides = array<i32>} : memref<32x1024xf32, #tpu.memory_space<vmem>>, vector<1x16xf32>,
        %swap3A_307 = vector.shape_cast %swap3A_306 : vector<1x16xf32> to vector<16xf32>
        %swap3A_308 = vector.shape_cast %get3A_239 : vector<16xf32> to vector<1x16xf32>
        tpu.vector_store %arg9[%swap3A_304, %swap3A_305], %swap3A_308 {add = true, strides = array<i32>} : memref<32x1024xf32, #tpu.memory_space<vmem>>, vector<1x16xf32>,
        %swap3A_309 = arith.constant 10 : i32
        %swap3A_310 = arith.index_cast %swap3A_309 : i32 to index
        %swap3A_311 = arith.index_cast %multiple_of3A : i32 to index
        %swap3A_312 = tpu.vector_load %arg9[%swap3A_310, %swap3A_311] {strides = array<i32>} : memref<32x1024xf32, #tpu.memory_space<vmem>>, vector<1x16xf32>,
        %swap3A_313 = vector.shape_cast %swap3A_312 : vector<1x16xf32> to vector<16xf32>
        %swap3A_314 = vector.shape_cast %get3A_244 : vector<16xf32> to vector<1x16xf32>
        tpu.vector_store %arg9[%swap3A_310, %swap3A_311], %swap3A_314 {add = true, strides = array<i32>} : memref<32x1024xf32, #tpu.memory_space<vmem>>, vector<1x16xf32>,
        %swap3A_315 = arith.constant 11 : i32
        %swap3A_316 = arith.index_cast %swap3A_315 : i32 to index
        %swap3A_317 = arith.index_cast %multiple_of3A : i32 to index
        %swap3A_318 = tpu.vector_load %arg9[%swap3A_316, %swap3A_317] {strides = array<i32>} : memref<32x1024xf32, #tpu.memory_space<vmem>>, vector<1x16xf32>,
        %swap3A_319 = vector.shape_cast %swap3A_318 : vector<1x16xf32> to vector<16xf32>
        %swap3A_320 = vector.shape_cast %get3A_249 : vector<16xf32> to vector<1x16xf32>
        tpu.vector_store %arg9[%swap3A_316, %swap3A_317], %swap3A_320 {add = true, strides = array<i32>} : memref<32x1024xf32, #tpu.memory_space<vmem>>, vector<1x16xf32>,
        %swap3A_321 = arith.constant 12 : i32
        %swap3A_322 = arith.index_cast %swap3A_321 : i32 to index
        %swap3A_323 = arith.index_cast %multiple_of3A : i32 to index
        %swap3A_324 = tpu.vector_load %arg9[%swap3A_322, %swap3A_323] {strides = array<i32>} : memref<32x1024xf32, #tpu.memory_space<vmem>>, vector<1x16xf32>,
        %swap3A_325 = vector.shape_cast %swap3A_324 : vector<1x16xf32> to vector<16xf32>
        %swap3A_326 = vector.shape_cast %get3A_234 : vector<16xf32> to vector<1x16xf32>
        tpu.vector_store %arg9[%swap3A_322, %swap3A_323], %swap3A_326 {add = true, strides = array<i32>} : memref<32x1024xf32, #tpu.memory_space<vmem>>, vector<1x16xf32>,
        %swap3A_327 = arith.constant 13 : i32
        %swap3A_328 = arith.index_cast %swap3A_327 : i32 to index
        %swap3A_329 = arith.index_cast %multiple_of3A : i32 to index
        %swap3A_330 = tpu.vector_load %arg9[%swap3A_328, %swap3A_329] {strides = array<i32>} : memref<32x1024xf32, #tpu.memory_space<vmem>>, vector<1x16xf32>,
        %swap3A_331 = vector.shape_cast %swap3A_330 : vector<1x16xf32> to vector<16xf32>
        %swap3A_332 = vector.shape_cast %get3A_239 : vector<16xf32> to vector<1x16xf32>
        tpu.vector_store %arg9[%swap3A_328, %swap3A_329], %swap3A_332 {add = true, strides = array<i32>} : memref<32x1024xf32, #tpu.memory_space<vmem>>, vector<1x16xf32>,
        %swap3A_333 = arith.constant 14 : i32
        %swap3A_334 = arith.index_cast %swap3A_333 : i32 to index
        %swap3A_335 = arith.index_cast %multiple_of3A : i32 to index
        %swap3A_336 = tpu.vector_load %arg9[%swap3A_334, %swap3A_335] {strides = array<i32>} : memref<32x1024xf32, #tpu.memory_space<vmem>>, vector<1x16xf32>,
        %swap3A_337 = vector.shape_cast %swap3A_336 : vector<1x16xf32> to vector<16xf32>
        %swap3A_338 = vector.shape_cast %get3A_244 : vector<16xf32> to vector<1x16xf32>
        tpu.vector_store %arg9[%swap3A_334, %swap3A_335], %swap3A_338 {add = true, strides = array<i32>} : memref<32x1024xf32, #tpu.memory_space<vmem>>, vector<1x16xf32>,
        %swap3A_339 = arith.constant 15 : i32
        %swap3A_340 = arith.index_cast %swap3A_339 : i32 to index
        %swap3A_341 = arith.index_cast %multiple_of3A : i32 to index
        %swap3A_342 = tpu.vector_load %arg9[%swap3A_340, %swap3A_341] {strides = array<i32>} : memref<32x1024xf32, #tpu.memory_space<vmem>>, vector<1x16xf32>,
        %swap3A_343 = vector.shape_cast %swap3A_342 : vector<1x16xf32> to vector<16xf32>
        %swap3A_344 = vector.shape_cast %get3A_249 : vector<16xf32> to vector<1x16xf32>
        tpu.vector_store %arg9[%swap3A_340, %swap3A_341], %swap3A_344 {add = true, strides = array<i32>} : memref<32x1024xf32, #tpu.memory_space<vmem>>, vector<1x16xf32>,
        %swap3A_345 = arith.constant 16 : i32
        %swap3A_346 = arith.index_cast %swap3A_345 : i32 to index
        %swap3A_347 = arith.index_cast %multiple_of3A : i32 to index
        %swap3A_348 = tpu.vector_load %arg9[%swap3A_346, %swap3A_347] {strides = array<i32>} : memref<32x1024xf32, #tpu.memory_space<vmem>>, vector<1x16xf32>,
        %swap3A_349 = vector.shape_cast %swap3A_348 : vector<1x16xf32> to vector<16xf32>
        %swap3A_350 = vector.shape_cast %get3A_234 : vector<16xf32> to vector<1x16xf32>
        tpu.vector_store %arg9[%swap3A_346, %swap3A_347], %swap3A_350 {add = true, strides = array<i32>} : memref<32x1024xf32, #tpu.memory_space<vmem>>, vector<1x16xf32>,
        %swap3A_351 = arith.constant 17 : i32
        %swap3A_352 = arith.index_cast %swap3A_351 : i32 to index
        %swap3A_353 = arith.index_cast %multiple_of3A : i32 to index
        %swap3A_354 = tpu.vector_load %arg9[%swap3A_352, %swap3A_353] {strides = array<i32>} : memref<32x1024xf32, #tpu.memory_space<vmem>>, vector<1x16xf32>,
        %swap3A_355 = vector.shape_cast %swap3A_354 : vector<1x16xf32> to vector<16xf32>
        %swap3A_356 = vector.shape_cast %get3A_239 : vector<16xf32> to vector<1x16xf32>
        tpu.vector_store %arg9[%swap3A_352, %swap3A_353], %swap3A_356 {add = true, strides = array<i32>} : memref<32x1024xf32, #tpu.memory_space<vmem>>, vector<1x16xf32>,
        %swap3A_357 = arith.constant 18 : i32
        %swap3A_358 = arith.index_cast %swap3A_357 : i32 to index
        %swap3A_359 = arith.index_cast %multiple_of3A : i32 to index
        %swap3A_360 = tpu.vector_load %arg9[%swap3A_358, %swap3A_359] {strides = array<i32>} : memref<32x1024xf32, #tpu.memory_space<vmem>>, vector<1x16xf32>,
        %swap3A_361 = vector.shape_cast %swap3A_360 : vector<1x16xf32> to vector<16xf32>
        %swap3A_362 = vector.shape_cast %get3A_244 : vector<16xf32> to vector<1x16xf32>
        tpu.vector_store %arg9[%swap3A_358, %swap3A_359], %swap3A_362 {add = true, strides = array<i32>} : memref<32x1024xf32, #tpu.memory_space<vmem>>, vector<1x16xf32>,
        %swap3A_363 = arith.constant 19 : i32
        %swap3A_364 = arith.index_cast %swap3A_363 : i32 to index
        %swap3A_365 = arith.index_cast %multiple_of3A : i32 to index
        %swap3A_366 = tpu.vector_load %arg9[%swap3A_364, %swap3A_365] {strides = array<i32>} : memref<32x1024xf32, #tpu.memory_space<vmem>>, vector<1x16xf32>,
        %swap3A_367 = vector.shape_cast %swap3A_366 : vector<1x16xf32> to vector<16xf32>
        %swap3A_368 = vector.shape_cast %get3A_249 : vector<16xf32> to vector<1x16xf32>
        tpu.vector_store %arg9[%swap3A_364, %swap3A_365], %swap3A_368 {add = true, strides = array<i32>} : memref<32x1024xf32, #tpu.memory_space<vmem>>, vector<1x16xf32>,
        %swap3A_369 = arith.constant 20 : i32
        %swap3A_370 = arith.index_cast %swap3A_369 : i32 to index
        %swap3A_371 = arith.index_cast %multiple_of3A : i32 to index
        %swap3A_372 = tpu.vector_load %arg9[%swap3A_370, %swap3A_371] {strides = array<i32>} : memref<32x1024xf32, #tpu.memory_space<vmem>>, vector<1x16xf32>,
        %swap3A_373 = vector.shape_cast %swap3A_372 : vector<1x16xf32> to vector<16xf32>
        %swap3A_374 = vector.shape_cast %get3A_234 : vector<16xf32> to vector<1x16xf32>
        tpu.vector_store %arg9[%swap3A_370, %swap3A_371], %swap3A_374 {add = true, strides = array<i32>} : memref<32x1024xf32, #tpu.memory_space<vmem>>, vector<1x16xf32>,
        %swap3A_375 = arith.constant 21 : i32
        %swap3A_376 = arith.index_cast %swap3A_375 : i32 to index
        %swap3A_377 = arith.index_cast %multiple_of3A : i32 to index
        %swap3A_378 = tpu.vector_load %arg9[%swap3A_376, %swap3A_377] {strides = array<i32>} : memref<32x1024xf32, #tpu.memory_space<vmem>>, vector<1x16xf32>,
        %swap3A_379 = vector.shape_cast %swap3A_378 : vector<1x16xf32> to vector<16xf32>
        %swap3A_380 = vector.shape_cast %get3A_239 : vector<16xf32> to vector<1x16xf32>
        tpu.vector_store %arg9[%swap3A_376, %swap3A_377], %swap3A_380 {add = true, strides = array<i32>} : memref<32x1024xf32, #tpu.memory_space<vmem>>, vector<1x16xf32>,
        %swap3A_381 = arith.constant 22 : i32
        %swap3A_382 = arith.index_cast %swap3A_381 : i32 to index
        %swap3A_383 = arith.index_cast %multiple_of3A : i32 to index
        %swap3A_384 = tpu.vector_load %arg9[%swap3A_382, %swap3A_383] {strides = array<i32>} : memref<32x1024xf32, #tpu.memory_space<vmem>>, vector<1x16xf32>,
        %swap3A_385 = vector.shape_cast %swap3A_384 : vector<1x16xf32> to vector<16xf32>
        %swap3A_386 = vector.shape_cast %get3A_244 : vector<16xf32> to vector<1x16xf32>
        tpu.vector_store %arg9[%swap3A_382, %swap3A_383], %swap3A_386 {add = true, strides = array<i32>} : memref<32x1024xf32, #tpu.memory_space<vmem>>, vector<1x16xf32>,
        %swap3A_387 = arith.constant 23 : i32
        %swap3A_388 = arith.index_cast %swap3A_387 : i32 to index
        %swap3A_389 = arith.index_cast %multiple_of3A : i32 to index
        %swap3A_390 = tpu.vector_load %arg9[%swap3A_388, %swap3A_389] {strides = array<i32>} : memref<32x1024xf32, #tpu.memory_space<vmem>>, vector<1x16xf32>,
        %swap3A_391 = vector.shape_cast %swap3A_390 : vector<1x16xf32> to vector<16xf32>
        %swap3A_392 = vector.shape_cast %get3A_249 : vector<16xf32> to vector<1x16xf32>
        tpu.vector_store %arg9[%swap3A_388, %swap3A_389], %swap3A_392 {add = true, strides = array<i32>} : memref<32x1024xf32, #tpu.memory_space<vmem>>, vector<1x16xf32>,
        %swap3A_393 = arith.constant 24 : i32
        %swap3A_394 = arith.index_cast %swap3A_393 : i32 to index
        %swap3A_395 = arith.index_cast %multiple_of3A : i32 to index
        %swap3A_396 = tpu.vector_load %arg9[%swap3A_394, %swap3A_395] {strides = array<i32>} : memref<32x1024xf32, #tpu.memory_space<vmem>>, vector<1x16xf32>,
        %swap3A_397 = vector.shape_cast %swap3A_396 : vector<1x16xf32> to vector<16xf32>
        %swap3A_398 = vector.shape_cast %get3A_234 : vector<16xf32> to vector<1x16xf32>
        tpu.vector_store %arg9[%swap3A_394, %swap3A_395], %swap3A_398 {add = true, strides = array<i32>} : memref<32x1024xf32, #tpu.memory_space<vmem>>, vector<1x16xf32>,
        %swap3A_399 = arith.constant 25 : i32
        %swap3A_400 = arith.index_cast %swap3A_399 : i32 to index
        %swap3A_401 = arith.index_cast %multiple_of3A : i32 to index
        %swap3A_402 = tpu.vector_load %arg9[%swap3A_400, %swap3A_401] {strides = array<i32>} : memref<32x1024xf32, #tpu.memory_space<vmem>>, vector<1x16xf32>,
        %swap3A_403 = vector.shape_cast %swap3A_402 : vector<1x16xf32> to vector<16xf32>
        %swap3A_404 = vector.shape_cast %get3A_239 : vector<16xf32> to vector<1x16xf32>
        tpu.vector_store %arg9[%swap3A_400, %swap3A_401], %swap3A_404 {add = true, strides = array<i32>} : memref<32x1024xf32, #tpu.memory_space<vmem>>, vector<1x16xf32>,
        %swap3A_405 = arith.constant 26 : i32
        %swap3A_406 = arith.index_cast %swap3A_405 : i32 to index
        %swap3A_407 = arith.index_cast %multiple_of3A : i32 to index
        %swap3A_408 = tpu.vector_load %arg9[%swap3A_406, %swap3A_407] {strides = array<i32>} : memref<32x1024xf32, #tpu.memory_space<vmem>>, vector<1x16xf32>,
        %swap3A_409 = vector.shape_cast %swap3A_408 : vector<1x16xf32> to vector<16xf32>
        %swap3A_410 = vector.shape_cast %get3A_244 : vector<16xf32> to vector<1x16xf32>
        tpu.vector_store %arg9[%swap3A_406, %swap3A_407], %swap3A_410 {add = true, strides = array<i32>} : memref<32x1024xf32, #tpu.memory_space<vmem>>, vector<1x16xf32>,
        %swap3A_411 = arith.constant 27 : i32
        %swap3A_412 = arith.index_cast %swap3A_411 : i32 to index
        %swap3A_413 = arith.index_cast %multiple_of3A : i32 to index
        %swap3A_414 = tpu.vector_load %arg9[%swap3A_412, %swap3A_413] {strides = array<i32>} : memref<32x1024xf32, #tpu.memory_space<vmem>>, vector<1x16xf32>,
        %swap3A_415 = vector.shape_cast %swap3A_414 : vector<1x16xf32> to vector<16xf32>
        %swap3A_416 = vector.shape_cast %get3A_249 : vector<16xf32> to vector<1x16xf32>
        tpu.vector_store %arg9[%swap3A_412, %swap3A_413], %swap3A_416 {add = true, strides = array<i32>} : memref<32x1024xf32, #tpu.memory_space<vmem>>, vector<1x16xf32>,
        %swap3A_417 = arith.constant 28 : i32
        %swap3A_418 = arith.index_cast %swap3A_417 : i32 to index
        %swap3A_419 = arith.index_cast %multiple_of3A : i32 to index
        %swap3A_420 = tpu.vector_load %arg9[%swap3A_418, %swap3A_419] {strides = array<i32>} : memref<32x1024xf32, #tpu.memory_space<vmem>>, vector<1x16xf32>,
        %swap3A_421 = vector.shape_cast %swap3A_420 : vector<1x16xf32> to vector<16xf32>
        %swap3A_422 = vector.shape_cast %get3A_234 : vector<16xf32> to vector<1x16xf32>
        tpu.vector_store %arg9[%swap3A_418, %swap3A_419], %swap3A_422 {add = true, strides = array<i32>} : memref<32x1024xf32, #tpu.memory_space<vmem>>, vector<1x16xf32>,
        %swap3A_423 = arith.constant 29 : i32
        %swap3A_424 = arith.index_cast %swap3A_423 : i32 to index
        %swap3A_425 = arith.index_cast %multiple_of3A : i32 to index
        %swap3A_426 = tpu.vector_load %arg9[%swap3A_424, %swap3A_425] {strides = array<i32>} : memref<32x1024xf32, #tpu.memory_space<vmem>>, vector<1x16xf32>,
        %swap3A_427 = vector.shape_cast %swap3A_426 : vector<1x16xf32> to vector<16xf32>
        %swap3A_428 = vector.shape_cast %get3A_239 : vector<16xf32> to vector<1x16xf32>
        tpu.vector_store %arg9[%swap3A_424, %swap3A_425], %swap3A_428 {add = true, strides = array<i32>} : memref<32x1024xf32, #tpu.memory_space<vmem>>, vector<1x16xf32>,
        %swap3A_429 = arith.constant 30 : i32
        %swap3A_430 = arith.index_cast %swap3A_429 : i32 to index
        %swap3A_431 = arith.index_cast %multiple_of3A : i32 to index
        %swap3A_432 = tpu.vector_load %arg9[%swap3A_430, %swap3A_431] {strides = array<i32>} : memref<32x1024xf32, #tpu.memory_space<vmem>>, vector<1x16xf32>,
        %swap3A_433 = vector.shape_cast %swap3A_432 : vector<1x16xf32> to vector<16xf32>
        %swap3A_434 = vector.shape_cast %get3A_244 : vector<16xf32> to vector<1x16xf32>
        tpu.vector_store %arg9[%swap3A_430, %swap3A_431], %swap3A_434 {add = true, strides = array<i32>} : memref<32x1024xf32, #tpu.memory_space<vmem>>, vector<1x16xf32>,
        %swap3A_435 = arith.constant 31 : i32
        %swap3A_436 = arith.index_cast %swap3A_435 : i32 to index
        %swap3A_437 = arith.index_cast %multiple_of3A : i32 to index
        %swap3A_438 = tpu.vector_load %arg9[%swap3A_436, %swap3A_437] {strides = array<i32>} : memref<32x1024xf32, #tpu.memory_space<vmem>>, vector<1x16xf32>,
        %swap3A_439 = vector.shape_cast %swap3A_438 : vector<1x16xf32> to vector<16xf32>
        %swap3A_440 = vector.shape_cast %get3A_249 : vector<16xf32> to vector<1x16xf32>
        tpu.vector_store %arg9[%swap3A_436, %swap3A_437], %swap3A_440 {add = true, strides = array<i32>} : memref<32x1024xf32, #tpu.memory_space<vmem>>, vector<1x16xf32>,
        %mul3A_441 = arith.constant 2 : i32
        %mul3A_442 = arith.muli %mul3A_441, %scan3A_224 : i32
        %add3A_443 = arith.constant 1 : i32
        %add3A_444 = arith.addi %mul3A_442, %add3A_443 : i32
        %mul3A_445 = arith.constant 16 : i32
        %mul3A_446 = arith.muli %add3A_444, %mul3A_445 : i32
        %multiple_of3A_447 = tpu.assume_multiple %mul3A_446, 16 : i32
        %get3A_448 = arith.constant 0 : i32
        %get3A_449 = arith.index_cast %get3A_448 : i32 to index
        %get3A_450 = arith.index_cast %multiple_of3A_447 : i32 to index
        %get3A_451 = tpu.vector_load %arg7[%get3A_449, %get3A_450] {strides = array<i32>} : memref<4x1024xf32, #tpu.memory_space<vmem>>, vector<1x16xf32>,
        %get3A_452 = vector.shape_cast %get3A_451 : vector<1x16xf32> to vector<16xf32>
        %get3A_453 = arith.constant 1 : i32
        %get3A_454 = arith.index_cast %get3A_453 : i32 to index
        %get3A_455 = arith.index_cast %multiple_of3A_447 : i32 to index
        %get3A_456 = tpu.vector_load %arg7[%get3A_454, %get3A_455] {strides = array<i32>} : memref<4x1024xf32, #tpu.memory_space<vmem>>, vector<1x16xf32>,
        %get3A_457 = vector.shape_cast %get3A_456 : vector<1x16xf32> to vector<16xf32>
        %get3A_458 = arith.constant 2 : i32
        %get3A_459 = arith.index_cast %get3A_458 : i32 to index
        %get3A_460 = arith.index_cast %multiple_of3A_447 : i32 to index
        %get3A_461 = tpu.vector_load %arg7[%get3A_459, %get3A_460] {strides = array<i32>} : memref<4x1024xf32, #tpu.memory_space<vmem>>, vector<1x16xf32>,
        %get3A_462 = vector.shape_cast %get3A_461 : vector<1x16xf32> to vector<16xf32>
        %get3A_463 = arith.constant 3 : i32
        %get3A_464 = arith.index_cast %get3A_463 : i32 to index
        %get3A_465 = arith.index_cast %multiple_of3A_447 : i32 to index
        %get3A_466 = tpu.vector_load %arg7[%get3A_464, %get3A_465] {strides = array<i32>} : memref<4x1024xf32, #tpu.memory_space<vmem>>, vector<1x16xf32>,
        %get3A_467 = vector.shape_cast %get3A_466 : vector<1x16xf32> to vector<16xf32>
        %swap3A_468 = arith.constant 0 : i32
        %swap3A_469 = arith.index_cast %swap3A_468 : i32 to index
        %swap3A_470 = arith.index_cast %multiple_of3A_447 : i32 to index
        %swap3A_471 = tpu.vector_load %arg9[%swap3A_469, %swap3A_470] {strides = array<i32>} : memref<32x1024xf32, #tpu.memory_space<vmem>>, vector<1x16xf32>,
        %swap3A_472 = vector.shape_cast %swap3A_471 : vector<1x16xf32> to vector<16xf32>
        %swap3A_473 = vector.shape_cast %get3A_452 : vector<16xf32> to vector<1x16xf32>
        tpu.vector_store %arg9[%swap3A_469, %swap3A_470], %swap3A_473 {add = true, strides = array<i32>} : memref<32x1024xf32, #tpu.memory_space<vmem>>, vector<1x16xf32>,
        %swap3A_474 = arith.constant 1 : i32
        %swap3A_475 = arith.index_cast %swap3A_474 : i32 to index
        %swap3A_476 = arith.index_cast %multiple_of3A_447 : i32 to index
        %swap3A_477 = tpu.vector_load %arg9[%swap3A_475, %swap3A_476] {strides = array<i32>} : memref<32x1024xf32, #tpu.memory_space<vmem>>, vector<1x16xf32>,
        %swap3A_478 = vector.shape_cast %swap3A_477 : vector<1x16xf32> to vector<16xf32>
        %swap3A_479 = vector.shape_cast %get3A_457 : vector<16xf32> to vector<1x16xf32>
        tpu.vector_store %arg9[%swap3A_475, %swap3A_476], %swap3A_479 {add = true, strides = array<i32>} : memref<32x1024xf32, #tpu.memory_space<vmem>>, vector<1x16xf32>,
        %swap3A_480 = arith.constant 2 : i32
        %swap3A_481 = arith.index_cast %swap3A_480 : i32 to index
        %swap3A_482 = arith.index_cast %multiple_of3A_447 : i32 to index
        %swap3A_483 = tpu.vector_load %arg9[%swap3A_481, %swap3A_482] {strides = array<i32>} : memref<32x1024xf32, #tpu.memory_space<vmem>>, vector<1x16xf32>,
        %swap3A_484 = vector.shape_cast %swap3A_483 : vector<1x16xf32> to vector<16xf32>
        %swap3A_485 = vector.shape_cast %get3A_462 : vector<16xf32> to vector<1x16xf32>
        tpu.vector_store %arg9[%swap3A_481, %swap3A_482], %swap3A_485 {add = true, strides = array<i32>} : memref<32x1024xf32, #tpu.memory_space<vmem>>, vector<1x16xf32>,
        %swap3A_486 = arith.constant 3 : i32
        %swap3A_487 = arith.index_cast %swap3A_486 : i32 to index
        %swap3A_488 = arith.index_cast %multiple_of3A_447 : i32 to index
        %swap3A_489 = tpu.vector_load %arg9[%swap3A_487, %swap3A_488] {strides = array<i32>} : memref<32x1024xf32, #tpu.memory_space<vmem>>, vector<1x16xf32>,
        %swap3A_490 = vector.shape_cast %swap3A_489 : vector<1x16xf32> to vector<16xf32>
        %swap3A_491 = vector.shape_cast %get3A_467 : vector<16xf32> to vector<1x16xf32>
        tpu.vector_store %arg9[%swap3A_487, %swap3A_488], %swap3A_491 {add = true, strides = array<i32>} : memref<32x1024xf32, #tpu.memory_space<vmem>>, vector<1x16xf32>,
        %swap3A_492 = arith.constant 4 : i32
        %swap3A_493 = arith.index_cast %swap3A_492 : i32 to index
        %swap3A_494 = arith.index_cast %multiple_of3A_447 : i32 to index
        %swap3A_495 = tpu.vector_load %arg9[%swap3A_493, %swap3A_494] {strides = array<i32>} : memref<32x1024xf32, #tpu.memory_space<vmem>>, vector<1x16xf32>,
        %swap3A_496 = vector.shape_cast %swap3A_495 : vector<1x16xf32> to vector<16xf32>
        %swap3A_497 = vector.shape_cast %get3A_452 : vector<16xf32> to vector<1x16xf32>
        tpu.vector_store %arg9[%swap3A_493, %swap3A_494], %swap3A_497 {add = true, strides = array<i32>} : memref<32x1024xf32, #tpu.memory_space<vmem>>, vector<1x16xf32>,
        %swap3A_498 = arith.constant 5 : i32
        %swap3A_499 = arith.index_cast %swap3A_498 : i32 to index
        %swap3A_500 = arith.index_cast %multiple_of3A_447 : i32 to index
        %swap3A_501 = tpu.vector_load %arg9[%swap3A_499, %swap3A_500] {strides = array<i32>} : memref<32x1024xf32, #tpu.memory_space<vmem>>, vector<1x16xf32>,
        %swap3A_502 = vector.shape_cast %swap3A_501 : vector<1x16xf32> to vector<16xf32>
        %swap3A_503 = vector.shape_cast %get3A_457 : vector<16xf32> to vector<1x16xf32>
        tpu.vector_store %arg9[%swap3A_499, %swap3A_500], %swap3A_503 {add = true, strides = array<i32>} : memref<32x1024xf32, #tpu.memory_space<vmem>>, vector<1x16xf32>,
        %swap3A_504 = arith.constant 6 : i32
        %swap3A_505 = arith.index_cast %swap3A_504 : i32 to index
        %swap3A_506 = arith.index_cast %multiple_of3A_447 : i32 to index
        %swap3A_507 = tpu.vector_load %arg9[%swap3A_505, %swap3A_506] {strides = array<i32>} : memref<32x1024xf32, #tpu.memory_space<vmem>>, vector<1x16xf32>,
        %swap3A_508 = vector.shape_cast %swap3A_507 : vector<1x16xf32> to vector<16xf32>
        %swap3A_509 = vector.shape_cast %get3A_462 : vector<16xf32> to vector<1x16xf32>
        tpu.vector_store %arg9[%swap3A_505, %swap3A_506], %swap3A_509 {add = true, strides = array<i32>} : memref<32x1024xf32, #tpu.memory_space<vmem>>, vector<1x16xf32>,
        %swap3A_510 = arith.constant 7 : i32
        %swap3A_511 = arith.index_cast %swap3A_510 : i32 to index
        %swap3A_512 = arith.index_cast %multiple_of3A_447 : i32 to index
        %swap3A_513 = tpu.vector_load %arg9[%swap3A_511, %swap3A_512] {strides = array<i32>} : memref<32x1024xf32, #tpu.memory_space<vmem>>, vector<1x16xf32>,
        %swap3A_514 = vector.shape_cast %swap3A_513 : vector<1x16xf32> to vector<16xf32>
        %swap3A_515 = vector.shape_cast %get3A_467 : vector<16xf32> to vector<1x16xf32>
        tpu.vector_store %arg9[%swap3A_511, %swap3A_512], %swap3A_515 {add = true, strides = array<i32>} : memref<32x1024xf32, #tpu.memory_space<vmem>>, vector<1x16xf32>,
        %swap3A_516 = arith.constant 8 : i32
        %swap3A_517 = arith.index_cast %swap3A_516 : i32 to index
        %swap3A_518 = arith.index_cast %multiple_of3A_447 : i32 to index
        %swap3A_519 = tpu.vector_load %arg9[%swap3A_517, %swap3A_518] {strides = array<i32>} : memref<32x1024xf32, #tpu.memory_space<vmem>>, vector<1x16xf32>,
        %swap3A_520 = vector.shape_cast %swap3A_519 : vector<1x16xf32> to vector<16xf32>
        %swap3A_521 = vector.shape_cast %get3A_452 : vector<16xf32> to vector<1x16xf32>
        tpu.vector_store %arg9[%swap3A_517, %swap3A_518], %swap3A_521 {add = true, strides = array<i32>} : memref<32x1024xf32, #tpu.memory_space<vmem>>, vector<1x16xf32>,
        %swap3A_522 = arith.constant 9 : i32
        %swap3A_523 = arith.index_cast %swap3A_522 : i32 to index
        %swap3A_524 = arith.index_cast %multiple_of3A_447 : i32 to index
        %swap3A_525 = tpu.vector_load %arg9[%swap3A_523, %swap3A_524] {strides = array<i32>} : memref<32x1024xf32, #tpu.memory_space<vmem>>, vector<1x16xf32>,
        %swap3A_526 = vector.shape_cast %swap3A_525 : vector<1x16xf32> to vector<16xf32>
        %swap3A_527 = vector.shape_cast %get3A_457 : vector<16xf32> to vector<1x16xf32>
        tpu.vector_store %arg9[%swap3A_523, %swap3A_524], %swap3A_527 {add = true, strides = array<i32>} : memref<32x1024xf32, #tpu.memory_space<vmem>>, vector<1x16xf32>,
        %swap3A_528 = arith.constant 10 : i32
        %swap3A_529 = arith.index_cast %swap3A_528 : i32 to index
        %swap3A_530 = arith.index_cast %multiple_of3A_447 : i32 to index
        %swap3A_531 = tpu.vector_load %arg9[%swap3A_529, %swap3A_530] {strides = array<i32>} : memref<32x1024xf32, #tpu.memory_space<vmem>>, vector<1x16xf32>,
        %swap3A_532 = vector.shape_cast %swap3A_531 : vector<1x16xf32> to vector<16xf32>
        %swap3A_533 = vector.shape_cast %get3A_462 : vector<16xf32> to vector<1x16xf32>
        tpu.vector_store %arg9[%swap3A_529, %swap3A_530], %swap3A_533 {add = true, strides = array<i32>} : memref<32x1024xf32, #tpu.memory_space<vmem>>, vector<1x16xf32>,
        %swap3A_534 = arith.constant 11 : i32
        %swap3A_535 = arith.index_cast %swap3A_534 : i32 to index
        %swap3A_536 = arith.index_cast %multiple_of3A_447 : i32 to index
        %swap3A_537 = tpu.vector_load %arg9[%swap3A_535, %swap3A_536] {strides = array<i32>} : memref<32x1024xf32, #tpu.memory_space<vmem>>, vector<1x16xf32>,
        %swap3A_538 = vector.shape_cast %swap3A_537 : vector<1x16xf32> to vector<16xf32>
        %swap3A_539 = vector.shape_cast %get3A_467 : vector<16xf32> to vector<1x16xf32>
        tpu.vector_store %arg9[%swap3A_535, %swap3A_536], %swap3A_539 {add = true, strides = array<i32>} : memref<32x1024xf32, #tpu.memory_space<vmem>>, vector<1x16xf32>,
        %swap3A_540 = arith.constant 12 : i32
        %swap3A_541 = arith.index_cast %swap3A_540 : i32 to index
        %swap3A_542 = arith.index_cast %multiple_of3A_447 : i32 to index
        %swap3A_543 = tpu.vector_load %arg9[%swap3A_541, %swap3A_542] {strides = array<i32>} : memref<32x1024xf32, #tpu.memory_space<vmem>>, vector<1x16xf32>,
        %swap3A_544 = vector.shape_cast %swap3A_543 : vector<1x16xf32> to vector<16xf32>
        %swap3A_545 = vector.shape_cast %get3A_452 : vector<16xf32> to vector<1x16xf32>
        tpu.vector_store %arg9[%swap3A_541, %swap3A_542], %swap3A_545 {add = true, strides = array<i32>} : memref<32x1024xf32, #tpu.memory_space<vmem>>, vector<1x16xf32>,
        %swap3A_546 = arith.constant 13 : i32
        %swap3A_547 = arith.index_cast %swap3A_546 : i32 to index
        %swap3A_548 = arith.index_cast %multiple_of3A_447 : i32 to index
        %swap3A_549 = tpu.vector_load %arg9[%swap3A_547, %swap3A_548] {strides = array<i32>} : memref<32x1024xf32, #tpu.memory_space<vmem>>, vector<1x16xf32>,
        %swap3A_550 = vector.shape_cast %swap3A_549 : vector<1x16xf32> to vector<16xf32>
        %swap3A_551 = vector.shape_cast %get3A_457 : vector<16xf32> to vector<1x16xf32>
        tpu.vector_store %arg9[%swap3A_547, %swap3A_548], %swap3A_551 {add = true, strides = array<i32>} : memref<32x1024xf32, #tpu.memory_space<vmem>>, vector<1x16xf32>,
        %swap3A_552 = arith.constant 14 : i32
        %swap3A_553 = arith.index_cast %swap3A_552 : i32 to index
        %swap3A_554 = arith.index_cast %multiple_of3A_447 : i32 to index
        %swap3A_555 = tpu.vector_load %arg9[%swap3A_553, %swap3A_554] {strides = array<i32>} : memref<32x1024xf32, #tpu.memory_space<vmem>>, vector<1x16xf32>,
        %swap3A_556 = vector.shape_cast %swap3A_555 : vector<1x16xf32> to vector<16xf32>
        %swap3A_557 = vector.shape_cast %get3A_462 : vector<16xf32> to vector<1x16xf32>
        tpu.vector_store %arg9[%swap3A_553, %swap3A_554], %swap3A_557 {add = true, strides = array<i32>} : memref<32x1024xf32, #tpu.memory_space<vmem>>, vector<1x16xf32>,
        %swap3A_558 = arith.constant 15 : i32
        %swap3A_559 = arith.index_cast %swap3A_558 : i32 to index
        %swap3A_560 = arith.index_cast %multiple_of3A_447 : i32 to index
        %swap3A_561 = tpu.vector_load %arg9[%swap3A_559, %swap3A_560] {strides = array<i32>} : memref<32x1024xf32, #tpu.memory_space<vmem>>, vector<1x16xf32>,
        %swap3A_562 = vector.shape_cast %swap3A_561 : vector<1x16xf32> to vector<16xf32>
        %swap3A_563 = vector.shape_cast %get3A_467 : vector<16xf32> to vector<1x16xf32>
        tpu.vector_store %arg9[%swap3A_559, %swap3A_560], %swap3A_563 {add = true, strides = array<i32>} : memref<32x1024xf32, #tpu.memory_space<vmem>>, vector<1x16xf32>,
        %swap3A_564 = arith.constant 16 : i32
        %swap3A_565 = arith.index_cast %swap3A_564 : i32 to index
        %swap3A_566 = arith.index_cast %multiple_of3A_447 : i32 to index
        %swap3A_567 = tpu.vector_load %arg9[%swap3A_565, %swap3A_566] {strides = array<i32>} : memref<32x1024xf32, #tpu.memory_space<vmem>>, vector<1x16xf32>,
        %swap3A_568 = vector.shape_cast %swap3A_567 : vector<1x16xf32> to vector<16xf32>
        %swap3A_569 = vector.shape_cast %get3A_452 : vector<16xf32> to vector<1x16xf32>
        tpu.vector_store %arg9[%swap3A_565, %swap3A_566], %swap3A_569 {add = true, strides = array<i32>} : memref<32x1024xf32, #tpu.memory_space<vmem>>, vector<1x16xf32>,
        %swap3A_570 = arith.constant 17 : i32
        %swap3A_571 = arith.index_cast %swap3A_570 : i32 to index
        %swap3A_572 = arith.index_cast %multiple_of3A_447 : i32 to index
        %swap3A_573 = tpu.vector_load %arg9[%swap3A_571, %swap3A_572] {strides = array<i32>} : memref<32x1024xf32, #tpu.memory_space<vmem>>, vector<1x16xf32>,
        %swap3A_574 = vector.shape_cast %swap3A_573 : vector<1x16xf32> to vector<16xf32>
        %swap3A_575 = vector.shape_cast %get3A_457 : vector<16xf32> to vector<1x16xf32>
        tpu.vector_store %arg9[%swap3A_571, %swap3A_572], %swap3A_575 {add = true, strides = array<i32>} : memref<32x1024xf32, #tpu.memory_space<vmem>>, vector<1x16xf32>,
        %swap3A_576 = arith.constant 18 : i32
        %swap3A_577 = arith.index_cast %swap3A_576 : i32 to index
        %swap3A_578 = arith.index_cast %multiple_of3A_447 : i32 to index
        %swap3A_579 = tpu.vector_load %arg9[%swap3A_577, %swap3A_578] {strides = array<i32>} : memref<32x1024xf32, #tpu.memory_space<vmem>>, vector<1x16xf32>,
        %swap3A_580 = vector.shape_cast %swap3A_579 : vector<1x16xf32> to vector<16xf32>
        %swap3A_581 = vector.shape_cast %get3A_462 : vector<16xf32> to vector<1x16xf32>
        tpu.vector_store %arg9[%swap3A_577, %swap3A_578], %swap3A_581 {add = true, strides = array<i32>} : memref<32x1024xf32, #tpu.memory_space<vmem>>, vector<1x16xf32>,
        %swap3A_582 = arith.constant 19 : i32
        %swap3A_583 = arith.index_cast %swap3A_582 : i32 to index
        %swap3A_584 = arith.index_cast %multiple_of3A_447 : i32 to index
        %swap3A_585 = tpu.vector_load %arg9[%swap3A_583, %swap3A_584] {strides = array<i32>} : memref<32x1024xf32, #tpu.memory_space<vmem>>, vector<1x16xf32>,
        %swap3A_586 = vector.shape_cast %swap3A_585 : vector<1x16xf32> to vector<16xf32>
        %swap3A_587 = vector.shape_cast %get3A_467 : vector<16xf32> to vector<1x16xf32>
        tpu.vector_store %arg9[%swap3A_583, %swap3A_584], %swap3A_587 {add = true, strides = array<i32>} : memref<32x1024xf32, #tpu.memory_space<vmem>>, vector<1x16xf32>,
        %swap3A_588 = arith.constant 20 : i32
        %swap3A_589 = arith.index_cast %swap3A_588 : i32 to index
        %swap3A_590 = arith.index_cast %multiple_of3A_447 : i32 to index
        %swap3A_591 = tpu.vector_load %arg9[%swap3A_589, %swap3A_590] {strides = array<i32>} : memref<32x1024xf32, #tpu.memory_space<vmem>>, vector<1x16xf32>,
        %swap3A_592 = vector.shape_cast %swap3A_591 : vector<1x16xf32> to vector<16xf32>
        %swap3A_593 = vector.shape_cast %get3A_452 : vector<16xf32> to vector<1x16xf32>
        tpu.vector_store %arg9[%swap3A_589, %swap3A_590], %swap3A_593 {add = true, strides = array<i32>} : memref<32x1024xf32, #tpu.memory_space<vmem>>, vector<1x16xf32>,
        %swap3A_594 = arith.constant 21 : i32
        %swap3A_595 = arith.index_cast %swap3A_594 : i32 to index
        %swap3A_596 = arith.index_cast %multiple_of3A_447 : i32 to index
        %swap3A_597 = tpu.vector_load %arg9[%swap3A_595, %swap3A_596] {strides = array<i32>} : memref<32x1024xf32, #tpu.memory_space<vmem>>, vector<1x16xf32>,
        %swap3A_598 = vector.shape_cast %swap3A_597 : vector<1x16xf32> to vector<16xf32>
        %swap3A_599 = vector.shape_cast %get3A_457 : vector<16xf32> to vector<1x16xf32>
        tpu.vector_store %arg9[%swap3A_595, %swap3A_596], %swap3A_599 {add = true, strides = array<i32>} : memref<32x1024xf32, #tpu.memory_space<vmem>>, vector<1x16xf32>,
        %swap3A_600 = arith.constant 22 : i32
        %swap3A_601 = arith.index_cast %swap3A_600 : i32 to index
        %swap3A_602 = arith.index_cast %multiple_of3A_447 : i32 to index
        %swap3A_603 = tpu.vector_load %arg9[%swap3A_601, %swap3A_602] {strides = array<i32>} : memref<32x1024xf32, #tpu.memory_space<vmem>>, vector<1x16xf32>,
        %swap3A_604 = vector.shape_cast %swap3A_603 : vector<1x16xf32> to vector<16xf32>
        %swap3A_605 = vector.shape_cast %get3A_462 : vector<16xf32> to vector<1x16xf32>
        tpu.vector_store %arg9[%swap3A_601, %swap3A_602], %swap3A_605 {add = true, strides = array<i32>} : memref<32x1024xf32, #tpu.memory_space<vmem>>, vector<1x16xf32>,
        %swap3A_606 = arith.constant 23 : i32
        %swap3A_607 = arith.index_cast %swap3A_606 : i32 to index
        %swap3A_608 = arith.index_cast %multiple_of3A_447 : i32 to index
        %swap3A_609 = tpu.vector_load %arg9[%swap3A_607, %swap3A_608] {strides = array<i32>} : memref<32x1024xf32, #tpu.memory_space<vmem>>, vector<1x16xf32>,
        %swap3A_610 = vector.shape_cast %swap3A_609 : vector<1x16xf32> to vector<16xf32>
        %swap3A_611 = vector.shape_cast %get3A_467 : vector<16xf32> to vector<1x16xf32>
        tpu.vector_store %arg9[%swap3A_607, %swap3A_608], %swap3A_611 {add = true, strides = array<i32>} : memref<32x1024xf32, #tpu.memory_space<vmem>>, vector<1x16xf32>,
        %swap3A_612 = arith.constant 24 : i32
        %swap3A_613 = arith.index_cast %swap3A_612 : i32 to index
        %swap3A_614 = arith.index_cast %multiple_of3A_447 : i32 to index
        %swap3A_615 = tpu.vector_load %arg9[%swap3A_613, %swap3A_614] {strides = array<i32>} : memref<32x1024xf32, #tpu.memory_space<vmem>>, vector<1x16xf32>,
        %swap3A_616 = vector.shape_cast %swap3A_615 : vector<1x16xf32> to vector<16xf32>
        %swap3A_617 = vector.shape_cast %get3A_452 : vector<16xf32> to vector<1x16xf32>
        tpu.vector_store %arg9[%swap3A_613, %swap3A_614], %swap3A_617 {add = true, strides = array<i32>} : memref<32x1024xf32, #tpu.memory_space<vmem>>, vector<1x16xf32>,
        %swap3A_618 = arith.constant 25 : i32
        %swap3A_619 = arith.index_cast %swap3A_618 : i32 to index
        %swap3A_620 = arith.index_cast %multiple_of3A_447 : i32 to index
        %swap3A_621 = tpu.vector_load %arg9[%swap3A_619, %swap3A_620] {strides = array<i32>} : memref<32x1024xf32, #tpu.memory_space<vmem>>, vector<1x16xf32>,
        %swap3A_622 = vector.shape_cast %swap3A_621 : vector<1x16xf32> to vector<16xf32>
        %swap3A_623 = vector.shape_cast %get3A_457 : vector<16xf32> to vector<1x16xf32>
        tpu.vector_store %arg9[%swap3A_619, %swap3A_620], %swap3A_623 {add = true, strides = array<i32>} : memref<32x1024xf32, #tpu.memory_space<vmem>>, vector<1x16xf32>,
        %swap3A_624 = arith.constant 26 : i32
        %swap3A_625 = arith.index_cast %swap3A_624 : i32 to index
        %swap3A_626 = arith.index_cast %multiple_of3A_447 : i32 to index
        %swap3A_627 = tpu.vector_load %arg9[%swap3A_625, %swap3A_626] {strides = array<i32>} : memref<32x1024xf32, #tpu.memory_space<vmem>>, vector<1x16xf32>,
        %swap3A_628 = vector.shape_cast %swap3A_627 : vector<1x16xf32> to vector<16xf32>
        %swap3A_629 = vector.shape_cast %get3A_462 : vector<16xf32> to vector<1x16xf32>
        tpu.vector_store %arg9[%swap3A_625, %swap3A_626], %swap3A_629 {add = true, strides = array<i32>} : memref<32x1024xf32, #tpu.memory_space<vmem>>, vector<1x16xf32>,
        %swap3A_630 = arith.constant 27 : i32
        %swap3A_631 = arith.index_cast %swap3A_630 : i32 to index
        %swap3A_632 = arith.index_cast %multiple_of3A_447 : i32 to index
        %swap3A_633 = tpu.vector_load %arg9[%swap3A_631, %swap3A_632] {strides = array<i32>} : memref<32x1024xf32, #tpu.memory_space<vmem>>, vector<1x16xf32>,
        %swap3A_634 = vector.shape_cast %swap3A_633 : vector<1x16xf32> to vector<16xf32>
        %swap3A_635 = vector.shape_cast %get3A_467 : vector<16xf32> to vector<1x16xf32>
        tpu.vector_store %arg9[%swap3A_631, %swap3A_632], %swap3A_635 {add = true, strides = array<i32>} : memref<32x1024xf32, #tpu.memory_space<vmem>>, vector<1x16xf32>,
        %swap3A_636 = arith.constant 28 : i32
        %swap3A_637 = arith.index_cast %swap3A_636 : i32 to index
        %swap3A_638 = arith.index_cast %multiple_of3A_447 : i32 to index
        %swap3A_639 = tpu.vector_load %arg9[%swap3A_637, %swap3A_638] {strides = array<i32>} : memref<32x1024xf32, #tpu.memory_space<vmem>>, vector<1x16xf32>,
        %swap3A_640 = vector.shape_cast %swap3A_639 : vector<1x16xf32> to vector<16xf32>
        %swap3A_641 = vector.shape_cast %get3A_452 : vector<16xf32> to vector<1x16xf32>
        tpu.vector_store %arg9[%swap3A_637, %swap3A_638], %swap3A_641 {add = true, strides = array<i32>} : memref<32x1024xf32, #tpu.memory_space<vmem>>, vector<1x16xf32>,
        %swap3A_642 = arith.constant 29 : i32
        %swap3A_643 = arith.index_cast %swap3A_642 : i32 to index
        %swap3A_644 = arith.index_cast %multiple_of3A_447 : i32 to index
        %swap3A_645 = tpu.vector_load %arg9[%swap3A_643, %swap3A_644] {strides = array<i32>} : memref<32x1024xf32, #tpu.memory_space<vmem>>, vector<1x16xf32>,
        %swap3A_646 = vector.shape_cast %swap3A_645 : vector<1x16xf32> to vector<16xf32>
        %swap3A_647 = vector.shape_cast %get3A_457 : vector<16xf32> to vector<1x16xf32>
        tpu.vector_store %arg9[%swap3A_643, %swap3A_644], %swap3A_647 {add = true, strides = array<i32>} : memref<32x1024xf32, #tpu.memory_space<vmem>>, vector<1x16xf32>,
        %swap3A_648 = arith.constant 30 : i32
        %swap3A_649 = arith.index_cast %swap3A_648 : i32 to index
        %swap3A_650 = arith.index_cast %multiple_of3A_447 : i32 to index
        %swap3A_651 = tpu.vector_load %arg9[%swap3A_649, %swap3A_650] {strides = array<i32>} : memref<32x1024xf32, #tpu.memory_space<vmem>>, vector<1x16xf32>,
        %swap3A_652 = vector.shape_cast %swap3A_651 : vector<1x16xf32> to vector<16xf32>
        %swap3A_653 = vector.shape_cast %get3A_462 : vector<16xf32> to vector<1x16xf32>
        tpu.vector_store %arg9[%swap3A_649, %swap3A_650], %swap3A_653 {add = true, strides = array<i32>} : memref<32x1024xf32, #tpu.memory_space<vmem>>, vector<1x16xf32>,
        %swap3A_654 = arith.constant 31 : i32
        %swap3A_655 = arith.index_cast %swap3A_654 : i32 to index
        %swap3A_656 = arith.index_cast %multiple_of3A_447 : i32 to index
        %swap3A_657 = tpu.vector_load %arg9[%swap3A_655, %swap3A_656] {strides = array<i32>} : memref<32x1024xf32, #tpu.memory_space<vmem>>, vector<1x16xf32>,
        %swap3A_658 = vector.shape_cast %swap3A_657 : vector<1x16xf32> to vector<16xf32>
        %swap3A_659 = vector.shape_cast %get3A_467 : vector<16xf32> to vector<1x16xf32>
        tpu.vector_store %arg9[%swap3A_655, %swap3A_656], %swap3A_659 {add = true, strides = array<i32>} : memref<32x1024xf32, #tpu.memory_space<vmem>>, vector<1x16xf32>,
      }
      %scan3A_162 = arith.constant 32 : i32
      %mul3A_163 = arith.constant 8 : i32
      %mul3A_164 = arith.muli %add3A_128, %mul3A_163 : i32
      %add3A_165 = arith.addi %mul3A_2, %mul3A_164 : i32
      %dma_start3A_166 = arith.constant 0 : i32
      %dma_start3A_167 = arith.constant 0 : i32
      %dma_start3A_168 = tpu.memref_slice %arg5[%add3A_165, %dma_start3A_166, %dma_start3A_167] : memref<8192x4x1024xf32, #tpu.memory_space<hbm>> -> memref<8x4x1024xf32, #tpu.memory_space<hbm>>
      %dma_start3A_169 = tpu.memref_reshape %dma_start3A_168 : memref<8x4x1024xf32, #tpu.memory_space<hbm>> -> memref<32x1024xf32, #tpu.memory_space<hbm>>
      %dma_start3A_170 = arith.constant 0 : i32
      %dma_start3A_171 = arith.constant 0 : i32
      %dma_start3A_172 = tpu.memref_slice %arg5[%add3A_165, %dma_start3A_170, %dma_start3A_171] : memref<8192x4x1024xf32, #tpu.memory_space<hbm>> -> memref<8x4x1024xf32, #tpu.memory_space<hbm>>
      %dma_start3A_173 = tpu.memref_reshape %dma_start3A_172 : memref<8x4x1024xf32, #tpu.memory_space<hbm>> -> memref<32x1024xf32, #tpu.memory_space<hbm>>
      tpu.enqueue_dma source(%arg9 : memref<32x1024xf32, #tpu.memory_space<vmem>>) target(%dma_start3A_173 : memref<32x1024xf32, #tpu.memory_space<hbm>>) target_semaphore(%arg15 : memref<!tpu.dma_semaphore, #tpu.memory_space<semaphore_mem>>)
      %mul3A_174 = arith.constant 3 : i32
      %mul3A_175 = arith.muli %mul3A_174, %scan3A_95 : i32
      %add3A_176 = arith.constant 2 : i32
      %add3A_177 = arith.addi %mul3A_175, %add3A_176 : i32
      %mul3A_178 = arith.constant 32 : i32
      %mul3A_179 = arith.muli %add3A_177, %mul3A_178 : i32
      %dma_wait3A_180 = tpu.memref_slice %arg6[%mul3A_179] : memref<1024xi32, #tpu.memory_space<vmem>> -> memref<32xi32, #tpu.memory_space<vmem>>
      %dma_wait3A_181 = arith.constant 0 : i32
      %dma_wait3A_182 = arith.constant 0 : i32
      %dma_wait3A_183 = tpu.memref_slice %arg3[%dma_wait3A_181, %dma_wait3A_182] : memref<100000x1024xf32, #tpu.memory_space<hbm>> -> memref<100000x1024xf32, #tpu.memory_space<hbm>>
      tpu.wait_indirect_dma semaphore(%arg13 : memref<!tpu.dma_semaphore, #tpu.memory_space<semaphore_mem>>) src(%dma_wait3A_183 : memref<100000x1024xf32, #tpu.memory_space<hbm>>) dst(%arg10 : memref<32x1024xf32, #tpu.memory_space<vmem>>)
      %sub3A_184 = arith.constant 1 : i32
      %sub3A_185 = arith.subi %add3A_177, %sub3A_184 : i32
      %mul3A_186 = arith.constant 8 : i32
      %mul3A_187 = arith.muli %sub3A_185, %mul3A_186 : i32
      %add3A_188 = arith.addi %mul3A_2, %mul3A_187 : i32
      %dma_wait3A_189 = arith.constant 0 : i32
      %dma_wait3A_190 = arith.constant 0 : i32
      %dma_wait3A_191 = tpu.memref_slice %arg5[%add3A_188, %dma_wait3A_189, %dma_wait3A_190] : memref<8192x4x1024xf32, #tpu.memory_space<hbm>> -> memref<8x4x1024xf32, #tpu.memory_space<hbm>>
      %dma_wait3A_192 = tpu.memref_reshape %dma_wait3A_191 : memref<8x4x1024xf32, #tpu.memory_space<hbm>> -> memref<32x1024xf32, #tpu.memory_space<hbm>>
      %dma_wait3A_193 = arith.constant 0 : i32
      %dma_wait3A_194 = arith.constant 0 : i32
      %dma_wait3A_195 = tpu.memref_slice %arg5[%add3A_188, %dma_wait3A_193, %dma_wait3A_194] : memref<8192x4x1024xf32, #tpu.memory_space<hbm>> -> memref<8x4x1024xf32, #tpu.memory_space<hbm>>
      %dma_wait3A_196 = tpu.memref_reshape %dma_wait3A_195 : memref<8x4x1024xf32, #tpu.memory_space<hbm>> -> memref<32x1024xf32, #tpu.memory_space<hbm>>
      tpu.wait_dma2 semaphore(%arg15 : memref<!tpu.dma_semaphore, #tpu.memory_space<semaphore_mem>>) src(%arg9 : memref<32x1024xf32, #tpu.memory_space<vmem>>) dst(%dma_wait3A_196 : memref<32x1024xf32, #tpu.memory_space<hbm>>)
      %add3A_197 = arith.constant 3 : i32
      %add3A_198 = arith.addi %add3A_177, %add3A_197 : i32
      %sub3A_199 = arith.constant 1 : i32
      %sub3A_200 = arith.subi %add3A_198, %sub3A_199 : i32
      %mul3A_201 = arith.constant 32 : i32
      %mul3A_202 = arith.muli %sub3A_200, %mul3A_201 : i32
      %dma_start3A_203 = tpu.memref_slice %arg6[%mul3A_202] : memref<1024xi32, #tpu.memory_space<vmem>> -> memref<32xi32, #tpu.memory_space<vmem>>
      %dma_start3A_204 = arith.constant 0 : i32
      %dma_start3A_205 = arith.constant 0 : i32
      %dma_start3A_206 = tpu.memref_slice %arg3[%dma_start3A_204, %dma_start3A_205] : memref<100000x1024xf32, #tpu.memory_space<hbm>> -> memref<100000x1024xf32, #tpu.memory_space<hbm>>
      tpu.enqueue_indirect_dma source(%dma_start3A_206 : memref<100000x1024xf32, #tpu.memory_space<hbm>>) target(%arg9 : memref<32x1024xf32, #tpu.memory_space<vmem>>) offsets(%dma_start3A_203 : memref<32xi32, #tpu.memory_space<vmem>>) semaphore(%arg12 : memref<!tpu.dma_semaphore, #tpu.memory_space<semaphore_mem>>)
      %scan3A_207 = arith.constant 0 : i32
      %scan3A_208 = arith.constant 0 : i32
      %scan3A_209 = arith.constant 32 : i32
      %scan3A_210 = arith.addi %scan3A_208, %scan3A_209 : i32
      %scan3A_211 = arith.constant 1 : i32
      scf.for %scan3A_224 = %scan3A_208 to %scan3A_210 step %scan3A_211  : i32 {
        %mul3A_225 = arith.constant 2 : i32
        %mul3A_226 = arith.muli %mul3A_225, %scan3A_224 : i32
        %add3A_227 = arith.constant 0 : i32
        %add3A_228 = arith.addi %mul3A_226, %add3A_227 : i32
        %mul3A_229 = arith.constant 16 : i32
        %mul3A_230 = arith.muli %add3A_228, %mul3A_229 : i32
        %multiple_of3A = tpu.assume_multiple %mul3A_230, 16 : i32
        %get3A = arith.constant 0 : i32
        %get3A_231 = arith.index_cast %get3A : i32 to index
        %get3A_232 = arith.index_cast %multiple_of3A : i32 to index
        %get3A_233 = tpu.vector_load %arg7[%get3A_231, %get3A_232] {strides = array<i32>} : memref<4x1024xf32, #tpu.memory_space<vmem>>, vector<1x16xf32>,
        %get3A_234 = vector.shape_cast %get3A_233 : vector<1x16xf32> to vector<16xf32>
        %get3A_235 = arith.constant 1 : i32
        %get3A_236 = arith.index_cast %get3A_235 : i32 to index
        %get3A_237 = arith.index_cast %multiple_of3A : i32 to index
        %get3A_238 = tpu.vector_load %arg7[%get3A_236, %get3A_237] {strides = array<i32>} : memref<4x1024xf32, #tpu.memory_space<vmem>>, vector<1x16xf32>,
        %get3A_239 = vector.shape_cast %get3A_238 : vector<1x16xf32> to vector<16xf32>
        %get3A_240 = arith.constant 2 : i32
        %get3A_241 = arith.index_cast %get3A_240 : i32 to index
        %get3A_242 = arith.index_cast %multiple_of3A : i32 to index
        %get3A_243 = tpu.vector_load %arg7[%get3A_241, %get3A_242] {strides = array<i32>} : memref<4x1024xf32, #tpu.memory_space<vmem>>, vector<1x16xf32>,
        %get3A_244 = vector.shape_cast %get3A_243 : vector<1x16xf32> to vector<16xf32>
        %get3A_245 = arith.constant 3 : i32
        %get3A_246 = arith.index_cast %get3A_245 : i32 to index
        %get3A_247 = arith.index_cast %multiple_of3A : i32 to index
        %get3A_248 = tpu.vector_load %arg7[%get3A_246, %get3A_247] {strides = array<i32>} : memref<4x1024xf32, #tpu.memory_space<vmem>>, vector<1x16xf32>,
        %get3A_249 = vector.shape_cast %get3A_248 : vector<1x16xf32> to vector<16xf32>
        %swap3A = arith.constant 0 : i32
        %swap3A_250 = arith.index_cast %swap3A : i32 to index
        %swap3A_251 = arith.index_cast %multiple_of3A : i32 to index
        %swap3A_252 = tpu.vector_load %arg10[%swap3A_250, %swap3A_251] {strides = array<i32>} : memref<32x1024xf32, #tpu.memory_space<vmem>>, vector<1x16xf32>,
        %swap3A_253 = vector.shape_cast %swap3A_252 : vector<1x16xf32> to vector<16xf32>
        %swap3A_254 = vector.shape_cast %get3A_234 : vector<16xf32> to vector<1x16xf32>
        tpu.vector_store %arg10[%swap3A_250, %swap3A_251], %swap3A_254 {add = true, strides = array<i32>} : memref<32x1024xf32, #tpu.memory_space<vmem>>, vector<1x16xf32>,
        %swap3A_255 = arith.constant 1 : i32
        %swap3A_256 = arith.index_cast %swap3A_255 : i32 to index
        %swap3A_257 = arith.index_cast %multiple_of3A : i32 to index
        %swap3A_258 = tpu.vector_load %arg10[%swap3A_256, %swap3A_257] {strides = array<i32>} : memref<32x1024xf32, #tpu.memory_space<vmem>>, vector<1x16xf32>,
        %swap3A_259 = vector.shape_cast %swap3A_258 : vector<1x16xf32> to vector<16xf32>
        %swap3A_260 = vector.shape_cast %get3A_239 : vector<16xf32> to vector<1x16xf32>
        tpu.vector_store %arg10[%swap3A_256, %swap3A_257], %swap3A_260 {add = true, strides = array<i32>} : memref<32x1024xf32, #tpu.memory_space<vmem>>, vector<1x16xf32>,
        %swap3A_261 = arith.constant 2 : i32
        %swap3A_262 = arith.index_cast %swap3A_261 : i32 to index
        %swap3A_263 = arith.index_cast %multiple_of3A : i32 to index
        %swap3A_264 = tpu.vector_load %arg10[%swap3A_262, %swap3A_263] {strides = array<i32>} : memref<32x1024xf32, #tpu.memory_space<vmem>>, vector<1x16xf32>,
        %swap3A_265 = vector.shape_cast %swap3A_264 : vector<1x16xf32> to vector<16xf32>
        %swap3A_266 = vector.shape_cast %get3A_244 : vector<16xf32> to vector<1x16xf32>
        tpu.vector_store %arg10[%swap3A_262, %swap3A_263], %swap3A_266 {add = true, strides = array<i32>} : memref<32x1024xf32, #tpu.memory_space<vmem>>, vector<1x16xf32>,
        %swap3A_267 = arith.constant 3 : i32
        %swap3A_268 = arith.index_cast %swap3A_267 : i32 to index
        %swap3A_269 = arith.index_cast %multiple_of3A : i32 to index
        %swap3A_270 = tpu.vector_load %arg10[%swap3A_268, %swap3A_269] {strides = array<i32>} : memref<32x1024xf32, #tpu.memory_space<vmem>>, vector<1x16xf32>,
        %swap3A_271 = vector.shape_cast %swap3A_270 : vector<1x16xf32> to vector<16xf32>
        %swap3A_272 = vector.shape_cast %get3A_249 : vector<16xf32> to vector<1x16xf32>
        tpu.vector_store %arg10[%swap3A_268, %swap3A_269], %swap3A_272 {add = true, strides = array<i32>} : memref<32x1024xf32, #tpu.memory_space<vmem>>, vector<1x16xf32>,
        %swap3A_273 = arith.constant 4 : i32
        %swap3A_274 = arith.index_cast %swap3A_273 : i32 to index
        %swap3A_275 = arith.index_cast %multiple_of3A : i32 to index
        %swap3A_276 = tpu.vector_load %arg10[%swap3A_274, %swap3A_275] {strides = array<i32>} : memref<32x1024xf32, #tpu.memory_space<vmem>>, vector<1x16xf32>,
        %swap3A_277 = vector.shape_cast %swap3A_276 : vector<1x16xf32> to vector<16xf32>
        %swap3A_278 = vector.shape_cast %get3A_234 : vector<16xf32> to vector<1x16xf32>
        tpu.vector_store %arg10[%swap3A_274, %swap3A_275], %swap3A_278 {add = true, strides = array<i32>} : memref<32x1024xf32, #tpu.memory_space<vmem>>, vector<1x16xf32>,
        %swap3A_279 = arith.constant 5 : i32
        %swap3A_280 = arith.index_cast %swap3A_279 : i32 to index
        %swap3A_281 = arith.index_cast %multiple_of3A : i32 to index
        %swap3A_282 = tpu.vector_load %arg10[%swap3A_280, %swap3A_281] {strides = array<i32>} : memref<32x1024xf32, #tpu.memory_space<vmem>>, vector<1x16xf32>,
        %swap3A_283 = vector.shape_cast %swap3A_282 : vector<1x16xf32> to vector<16xf32>
        %swap3A_284 = vector.shape_cast %get3A_239 : vector<16xf32> to vector<1x16xf32>
        tpu.vector_store %arg10[%swap3A_280, %swap3A_281], %swap3A_284 {add = true, strides = array<i32>} : memref<32x1024xf32, #tpu.memory_space<vmem>>, vector<1x16xf32>,
        %swap3A_285 = arith.constant 6 : i32
        %swap3A_286 = arith.index_cast %swap3A_285 : i32 to index
        %swap3A_287 = arith.index_cast %multiple_of3A : i32 to index
        %swap3A_288 = tpu.vector_load %arg10[%swap3A_286, %swap3A_287] {strides = array<i32>} : memref<32x1024xf32, #tpu.memory_space<vmem>>, vector<1x16xf32>,
        %swap3A_289 = vector.shape_cast %swap3A_288 : vector<1x16xf32> to vector<16xf32>
        %swap3A_290 = vector.shape_cast %get3A_244 : vector<16xf32> to vector<1x16xf32>
        tpu.vector_store %arg10[%swap3A_286, %swap3A_287], %swap3A_290 {add = true, strides = array<i32>} : memref<32x1024xf32, #tpu.memory_space<vmem>>, vector<1x16xf32>,
        %swap3A_291 = arith.constant 7 : i32
        %swap3A_292 = arith.index_cast %swap3A_291 : i32 to index
        %swap3A_293 = arith.index_cast %multiple_of3A : i32 to index
        %swap3A_294 = tpu.vector_load %arg10[%swap3A_292, %swap3A_293] {strides = array<i32>} : memref<32x1024xf32, #tpu.memory_space<vmem>>, vector<1x16xf32>,
        %swap3A_295 = vector.shape_cast %swap3A_294 : vector<1x16xf32> to vector<16xf32>
        %swap3A_296 = vector.shape_cast %get3A_249 : vector<16xf32> to vector<1x16xf32>
        tpu.vector_store %arg10[%swap3A_292, %swap3A_293], %swap3A_296 {add = true, strides = array<i32>} : memref<32x1024xf32, #tpu.memory_space<vmem>>, vector<1x16xf32>,
        %swap3A_297 = arith.constant 8 : i32
        %swap3A_298 = arith.index_cast %swap3A_297 : i32 to index
        %swap3A_299 = arith.index_cast %multiple_of3A : i32 to index
        %swap3A_300 = tpu.vector_load %arg10[%swap3A_298, %swap3A_299] {strides = array<i32>} : memref<32x1024xf32, #tpu.memory_space<vmem>>, vector<1x16xf32>,
        %swap3A_301 = vector.shape_cast %swap3A_300 : vector<1x16xf32> to vector<16xf32>
        %swap3A_302 = vector.shape_cast %get3A_234 : vector<16xf32> to vector<1x16xf32>
        tpu.vector_store %arg10[%swap3A_298, %swap3A_299], %swap3A_302 {add = true, strides = array<i32>} : memref<32x1024xf32, #tpu.memory_space<vmem>>, vector<1x16xf32>,
        %swap3A_303 = arith.constant 9 : i32
        %swap3A_304 = arith.index_cast %swap3A_303 : i32 to index
        %swap3A_305 = arith.index_cast %multiple_of3A : i32 to index
        %swap3A_306 = tpu.vector_load %arg10[%swap3A_304, %swap3A_305] {strides = array<i32>} : memref<32x1024xf32, #tpu.memory_space<vmem>>, vector<1x16xf32>,
        %swap3A_307 = vector.shape_cast %swap3A_306 : vector<1x16xf32> to vector<16xf32>
        %swap3A_308 = vector.shape_cast %get3A_239 : vector<16xf32> to vector<1x16xf32>
        tpu.vector_store %arg10[%swap3A_304, %swap3A_305], %swap3A_308 {add = true, strides = array<i32>} : memref<32x1024xf32, #tpu.memory_space<vmem>>, vector<1x16xf32>,
        %swap3A_309 = arith.constant 10 : i32
        %swap3A_310 = arith.index_cast %swap3A_309 : i32 to index
        %swap3A_311 = arith.index_cast %multiple_of3A : i32 to index
        %swap3A_312 = tpu.vector_load %arg10[%swap3A_310, %swap3A_311] {strides = array<i32>} : memref<32x1024xf32, #tpu.memory_space<vmem>>, vector<1x16xf32>,
        %swap3A_313 = vector.shape_cast %swap3A_312 : vector<1x16xf32> to vector<16xf32>
        %swap3A_314 = vector.shape_cast %get3A_244 : vector<16xf32> to vector<1x16xf32>
        tpu.vector_store %arg10[%swap3A_310, %swap3A_311], %swap3A_314 {add = true, strides = array<i32>} : memref<32x1024xf32, #tpu.memory_space<vmem>>, vector<1x16xf32>,
        %swap3A_315 = arith.constant 11 : i32
        %swap3A_316 = arith.index_cast %swap3A_315 : i32 to index
        %swap3A_317 = arith.index_cast %multiple_of3A : i32 to index
        %swap3A_318 = tpu.vector_load %arg10[%swap3A_316, %swap3A_317] {strides = array<i32>} : memref<32x1024xf32, #tpu.memory_space<vmem>>, vector<1x16xf32>,
        %swap3A_319 = vector.shape_cast %swap3A_318 : vector<1x16xf32> to vector<16xf32>
        %swap3A_320 = vector.shape_cast %get3A_249 : vector<16xf32> to vector<1x16xf32>
        tpu.vector_store %arg10[%swap3A_316, %swap3A_317], %swap3A_320 {add = true, strides = array<i32>} : memref<32x1024xf32, #tpu.memory_space<vmem>>, vector<1x16xf32>,
        %swap3A_321 = arith.constant 12 : i32
        %swap3A_322 = arith.index_cast %swap3A_321 : i32 to index
        %swap3A_323 = arith.index_cast %multiple_of3A : i32 to index
        %swap3A_324 = tpu.vector_load %arg10[%swap3A_322, %swap3A_323] {strides = array<i32>} : memref<32x1024xf32, #tpu.memory_space<vmem>>, vector<1x16xf32>,
        %swap3A_325 = vector.shape_cast %swap3A_324 : vector<1x16xf32> to vector<16xf32>
        %swap3A_326 = vector.shape_cast %get3A_234 : vector<16xf32> to vector<1x16xf32>
        tpu.vector_store %arg10[%swap3A_322, %swap3A_323], %swap3A_326 {add = true, strides = array<i32>} : memref<32x1024xf32, #tpu.memory_space<vmem>>, vector<1x16xf32>,
        %swap3A_327 = arith.constant 13 : i32
        %swap3A_328 = arith.index_cast %swap3A_327 : i32 to index
        %swap3A_329 = arith.index_cast %multiple_of3A : i32 to index
        %swap3A_330 = tpu.vector_load %arg10[%swap3A_328, %swap3A_329] {strides = array<i32>} : memref<32x1024xf32, #tpu.memory_space<vmem>>, vector<1x16xf32>,
        %swap3A_331 = vector.shape_cast %swap3A_330 : vector<1x16xf32> to vector<16xf32>
        %swap3A_332 = vector.shape_cast %get3A_239 : vector<16xf32> to vector<1x16xf32>
        tpu.vector_store %arg10[%swap3A_328, %swap3A_329], %swap3A_332 {add = true, strides = array<i32>} : memref<32x1024xf32, #tpu.memory_space<vmem>>, vector<1x16xf32>,
        %swap3A_333 = arith.constant 14 : i32
        %swap3A_334 = arith.index_cast %swap3A_333 : i32 to index
        %swap3A_335 = arith.index_cast %multiple_of3A : i32 to index
        %swap3A_336 = tpu.vector_load %arg10[%swap3A_334, %swap3A_335] {strides = array<i32>} : memref<32x1024xf32, #tpu.memory_space<vmem>>, vector<1x16xf32>,
        %swap3A_337 = vector.shape_cast %swap3A_336 : vector<1x16xf32> to vector<16xf32>
        %swap3A_338 = vector.shape_cast %get3A_244 : vector<16xf32> to vector<1x16xf32>
        tpu.vector_store %arg10[%swap3A_334, %swap3A_335], %swap3A_338 {add = true, strides = array<i32>} : memref<32x1024xf32, #tpu.memory_space<vmem>>, vector<1x16xf32>,
        %swap3A_339 = arith.constant 15 : i32
        %swap3A_340 = arith.index_cast %swap3A_339 : i32 to index
        %swap3A_341 = arith.index_cast %multiple_of3A : i32 to index
        %swap3A_342 = tpu.vector_load %arg10[%swap3A_340, %swap3A_341] {strides = array<i32>} : memref<32x1024xf32, #tpu.memory_space<vmem>>, vector<1x16xf32>,
        %swap3A_343 = vector.shape_cast %swap3A_342 : vector<1x16xf32> to vector<16xf32>
        %swap3A_344 = vector.shape_cast %get3A_249 : vector<16xf32> to vector<1x16xf32>
        tpu.vector_store %arg10[%swap3A_340, %swap3A_341], %swap3A_344 {add = true, strides = array<i32>} : memref<32x1024xf32, #tpu.memory_space<vmem>>, vector<1x16xf32>,
        %swap3A_345 = arith.constant 16 : i32
        %swap3A_346 = arith.index_cast %swap3A_345 : i32 to index
        %swap3A_347 = arith.index_cast %multiple_of3A : i32 to index
        %swap3A_348 = tpu.vector_load %arg10[%swap3A_346, %swap3A_347] {strides = array<i32>} : memref<32x1024xf32, #tpu.memory_space<vmem>>, vector<1x16xf32>,
        %swap3A_349 = vector.shape_cast %swap3A_348 : vector<1x16xf32> to vector<16xf32>
        %swap3A_350 = vector.shape_cast %get3A_234 : vector<16xf32> to vector<1x16xf32>
        tpu.vector_store %arg10[%swap3A_346, %swap3A_347], %swap3A_350 {add = true, strides = array<i32>} : memref<32x1024xf32, #tpu.memory_space<vmem>>, vector<1x16xf32>,
        %swap3A_351 = arith.constant 17 : i32
        %swap3A_352 = arith.index_cast %swap3A_351 : i32 to index
        %swap3A_353 = arith.index_cast %multiple_of3A : i32 to index
        %swap3A_354 = tpu.vector_load %arg10[%swap3A_352, %swap3A_353] {strides = array<i32>} : memref<32x1024xf32, #tpu.memory_space<vmem>>, vector<1x16xf32>,
        %swap3A_355 = vector.shape_cast %swap3A_354 : vector<1x16xf32> to vector<16xf32>
        %swap3A_356 = vector.shape_cast %get3A_239 : vector<16xf32> to vector<1x16xf32>
        tpu.vector_store %arg10[%swap3A_352, %swap3A_353], %swap3A_356 {add = true, strides = array<i32>} : memref<32x1024xf32, #tpu.memory_space<vmem>>, vector<1x16xf32>,
        %swap3A_357 = arith.constant 18 : i32
        %swap3A_358 = arith.index_cast %swap3A_357 : i32 to index
        %swap3A_359 = arith.index_cast %multiple_of3A : i32 to index
        %swap3A_360 = tpu.vector_load %arg10[%swap3A_358, %swap3A_359] {strides = array<i32>} : memref<32x1024xf32, #tpu.memory_space<vmem>>, vector<1x16xf32>,
        %swap3A_361 = vector.shape_cast %swap3A_360 : vector<1x16xf32> to vector<16xf32>
        %swap3A_362 = vector.shape_cast %get3A_244 : vector<16xf32> to vector<1x16xf32>
        tpu.vector_store %arg10[%swap3A_358, %swap3A_359], %swap3A_362 {add = true, strides = array<i32>} : memref<32x1024xf32, #tpu.memory_space<vmem>>, vector<1x16xf32>,
        %swap3A_363 = arith.constant 19 : i32
        %swap3A_364 = arith.index_cast %swap3A_363 : i32 to index
        %swap3A_365 = arith.index_cast %multiple_of3A : i32 to index
        %swap3A_366 = tpu.vector_load %arg10[%swap3A_364, %swap3A_365] {strides = array<i32>} : memref<32x1024xf32, #tpu.memory_space<vmem>>, vector<1x16xf32>,
        %swap3A_367 = vector.shape_cast %swap3A_366 : vector<1x16xf32> to vector<16xf32>
        %swap3A_368 = vector.shape_cast %get3A_249 : vector<16xf32> to vector<1x16xf32>
        tpu.vector_store %arg10[%swap3A_364, %swap3A_365], %swap3A_368 {add = true, strides = array<i32>} : memref<32x1024xf32, #tpu.memory_space<vmem>>, vector<1x16xf32>,
        %swap3A_369 = arith.constant 20 : i32
        %swap3A_370 = arith.index_cast %swap3A_369 : i32 to index
        %swap3A_371 = arith.index_cast %multiple_of3A : i32 to index
        %swap3A_372 = tpu.vector_load %arg10[%swap3A_370, %swap3A_371] {strides = array<i32>} : memref<32x1024xf32, #tpu.memory_space<vmem>>, vector<1x16xf32>,
        %swap3A_373 = vector.shape_cast %swap3A_372 : vector<1x16xf32> to vector<16xf32>
        %swap3A_374 = vector.shape_cast %get3A_234 : vector<16xf32> to vector<1x16xf32>
        tpu.vector_store %arg10[%swap3A_370, %swap3A_371], %swap3A_374 {add = true, strides = array<i32>} : memref<32x1024xf32, #tpu.memory_space<vmem>>, vector<1x16xf32>,
        %swap3A_375 = arith.constant 21 : i32
        %swap3A_376 = arith.index_cast %swap3A_375 : i32 to index
        %swap3A_377 = arith.index_cast %multiple_of3A : i32 to index
        %swap3A_378 = tpu.vector_load %arg10[%swap3A_376, %swap3A_377] {strides = array<i32>} : memref<32x1024xf32, #tpu.memory_space<vmem>>, vector<1x16xf32>,
        %swap3A_379 = vector.shape_cast %swap3A_378 : vector<1x16xf32> to vector<16xf32>
        %swap3A_380 = vector.shape_cast %get3A_239 : vector<16xf32> to vector<1x16xf32>
        tpu.vector_store %arg10[%swap3A_376, %swap3A_377], %swap3A_380 {add = true, strides = array<i32>} : memref<32x1024xf32, #tpu.memory_space<vmem>>, vector<1x16xf32>,
        %swap3A_381 = arith.constant 22 : i32
        %swap3A_382 = arith.index_cast %swap3A_381 : i32 to index
        %swap3A_383 = arith.index_cast %multiple_of3A : i32 to index
        %swap3A_384 = tpu.vector_load %arg10[%swap3A_382, %swap3A_383] {strides = array<i32>} : memref<32x1024xf32, #tpu.memory_space<vmem>>, vector<1x16xf32>,
        %swap3A_385 = vector.shape_cast %swap3A_384 : vector<1x16xf32> to vector<16xf32>
        %swap3A_386 = vector.shape_cast %get3A_244 : vector<16xf32> to vector<1x16xf32>
        tpu.vector_store %arg10[%swap3A_382, %swap3A_383], %swap3A_386 {add = true, strides = array<i32>} : memref<32x1024xf32, #tpu.memory_space<vmem>>, vector<1x16xf32>,
        %swap3A_387 = arith.constant 23 : i32
        %swap3A_388 = arith.index_cast %swap3A_387 : i32 to index
        %swap3A_389 = arith.index_cast %multiple_of3A : i32 to index
        %swap3A_390 = tpu.vector_load %arg10[%swap3A_388, %swap3A_389] {strides = array<i32>} : memref<32x1024xf32, #tpu.memory_space<vmem>>, vector<1x16xf32>,
        %swap3A_391 = vector.shape_cast %swap3A_390 : vector<1x16xf32> to vector<16xf32>
        %swap3A_392 = vector.shape_cast %get3A_249 : vector<16xf32> to vector<1x16xf32>
        tpu.vector_store %arg10[%swap3A_388, %swap3A_389], %swap3A_392 {add = true, strides = array<i32>} : memref<32x1024xf32, #tpu.memory_space<vmem>>, vector<1x16xf32>,
        %swap3A_393 = arith.constant 24 : i32
        %swap3A_394 = arith.index_cast %swap3A_393 : i32 to index
        %swap3A_395 = arith.index_cast %multiple_of3A : i32 to index
        %swap3A_396 = tpu.vector_load %arg10[%swap3A_394, %swap3A_395] {strides = array<i32>} : memref<32x1024xf32, #tpu.memory_space<vmem>>, vector<1x16xf32>,
        %swap3A_397 = vector.shape_cast %swap3A_396 : vector<1x16xf32> to vector<16xf32>
        %swap3A_398 = vector.shape_cast %get3A_234 : vector<16xf32> to vector<1x16xf32>
        tpu.vector_store %arg10[%swap3A_394, %swap3A_395], %swap3A_398 {add = true, strides = array<i32>} : memref<32x1024xf32, #tpu.memory_space<vmem>>, vector<1x16xf32>,
        %swap3A_399 = arith.constant 25 : i32
        %swap3A_400 = arith.index_cast %swap3A_399 : i32 to index
        %swap3A_401 = arith.index_cast %multiple_of3A : i32 to index
        %swap3A_402 = tpu.vector_load %arg10[%swap3A_400, %swap3A_401] {strides = array<i32>} : memref<32x1024xf32, #tpu.memory_space<vmem>>, vector<1x16xf32>,
        %swap3A_403 = vector.shape_cast %swap3A_402 : vector<1x16xf32> to vector<16xf32>
        %swap3A_404 = vector.shape_cast %get3A_239 : vector<16xf32> to vector<1x16xf32>
        tpu.vector_store %arg10[%swap3A_400, %swap3A_401], %swap3A_404 {add = true, strides = array<i32>} : memref<32x1024xf32, #tpu.memory_space<vmem>>, vector<1x16xf32>,
        %swap3A_405 = arith.constant 26 : i32
        %swap3A_406 = arith.index_cast %swap3A_405 : i32 to index
        %swap3A_407 = arith.index_cast %multiple_of3A : i32 to index
        %swap3A_408 = tpu.vector_load %arg10[%swap3A_406, %swap3A_407] {strides = array<i32>} : memref<32x1024xf32, #tpu.memory_space<vmem>>, vector<1x16xf32>,
        %swap3A_409 = vector.shape_cast %swap3A_408 : vector<1x16xf32> to vector<16xf32>
        %swap3A_410 = vector.shape_cast %get3A_244 : vector<16xf32> to vector<1x16xf32>
        tpu.vector_store %arg10[%swap3A_406, %swap3A_407], %swap3A_410 {add = true, strides = array<i32>} : memref<32x1024xf32, #tpu.memory_space<vmem>>, vector<1x16xf32>,
        %swap3A_411 = arith.constant 27 : i32
        %swap3A_412 = arith.index_cast %swap3A_411 : i32 to index
        %swap3A_413 = arith.index_cast %multiple_of3A : i32 to index
        %swap3A_414 = tpu.vector_load %arg10[%swap3A_412, %swap3A_413] {strides = array<i32>} : memref<32x1024xf32, #tpu.memory_space<vmem>>, vector<1x16xf32>,
        %swap3A_415 = vector.shape_cast %swap3A_414 : vector<1x16xf32> to vector<16xf32>
        %swap3A_416 = vector.shape_cast %get3A_249 : vector<16xf32> to vector<1x16xf32>
        tpu.vector_store %arg10[%swap3A_412, %swap3A_413], %swap3A_416 {add = true, strides = array<i32>} : memref<32x1024xf32, #tpu.memory_space<vmem>>, vector<1x16xf32>,
        %swap3A_417 = arith.constant 28 : i32
        %swap3A_418 = arith.index_cast %swap3A_417 : i32 to index
        %swap3A_419 = arith.index_cast %multiple_of3A : i32 to index
        %swap3A_420 = tpu.vector_load %arg10[%swap3A_418, %swap3A_419] {strides = array<i32>} : memref<32x1024xf32, #tpu.memory_space<vmem>>, vector<1x16xf32>,
        %swap3A_421 = vector.shape_cast %swap3A_420 : vector<1x16xf32> to vector<16xf32>
        %swap3A_422 = vector.shape_cast %get3A_234 : vector<16xf32> to vector<1x16xf32>
        tpu.vector_store %arg10[%swap3A_418, %swap3A_419], %swap3A_422 {add = true, strides = array<i32>} : memref<32x1024xf32, #tpu.memory_space<vmem>>, vector<1x16xf32>,
        %swap3A_423 = arith.constant 29 : i32
        %swap3A_424 = arith.index_cast %swap3A_423 : i32 to index
        %swap3A_425 = arith.index_cast %multiple_of3A : i32 to index
        %swap3A_426 = tpu.vector_load %arg10[%swap3A_424, %swap3A_425] {strides = array<i32>} : memref<32x1024xf32, #tpu.memory_space<vmem>>, vector<1x16xf32>,
        %swap3A_427 = vector.shape_cast %swap3A_426 : vector<1x16xf32> to vector<16xf32>
        %swap3A_428 = vector.shape_cast %get3A_239 : vector<16xf32> to vector<1x16xf32>
        tpu.vector_store %arg10[%swap3A_424, %swap3A_425], %swap3A_428 {add = true, strides = array<i32>} : memref<32x1024xf32, #tpu.memory_space<vmem>>, vector<1x16xf32>,
        %swap3A_429 = arith.constant 30 : i32
        %swap3A_430 = arith.index_cast %swap3A_429 : i32 to index
        %swap3A_431 = arith.index_cast %multiple_of3A : i32 to index
        %swap3A_432 = tpu.vector_load %arg10[%swap3A_430, %swap3A_431] {strides = array<i32>} : memref<32x1024xf32, #tpu.memory_space<vmem>>, vector<1x16xf32>,
        %swap3A_433 = vector.shape_cast %swap3A_432 : vector<1x16xf32> to vector<16xf32>
        %swap3A_434 = vector.shape_cast %get3A_244 : vector<16xf32> to vector<1x16xf32>
        tpu.vector_store %arg10[%swap3A_430, %swap3A_431], %swap3A_434 {add = true, strides = array<i32>} : memref<32x1024xf32, #tpu.memory_space<vmem>>, vector<1x16xf32>,
        %swap3A_435 = arith.constant 31 : i32
        %swap3A_436 = arith.index_cast %swap3A_435 : i32 to index
        %swap3A_437 = arith.index_cast %multiple_of3A : i32 to index
        %swap3A_438 = tpu.vector_load %arg10[%swap3A_436, %swap3A_437] {strides = array<i32>} : memref<32x1024xf32, #tpu.memory_space<vmem>>, vector<1x16xf32>,
        %swap3A_439 = vector.shape_cast %swap3A_438 : vector<1x16xf32> to vector<16xf32>
        %swap3A_440 = vector.shape_cast %get3A_249 : vector<16xf32> to vector<1x16xf32>
        tpu.vector_store %arg10[%swap3A_436, %swap3A_437], %swap3A_440 {add = true, strides = array<i32>} : memref<32x1024xf32, #tpu.memory_space<vmem>>, vector<1x16xf32>,
        %mul3A_441 = arith.constant 2 : i32
        %mul3A_442 = arith.muli %mul3A_441, %scan3A_224 : i32
        %add3A_443 = arith.constant 1 : i32
        %add3A_444 = arith.addi %mul3A_442, %add3A_443 : i32
        %mul3A_445 = arith.constant 16 : i32
        %mul3A_446 = arith.muli %add3A_444, %mul3A_445 : i32
        %multiple_of3A_447 = tpu.assume_multiple %mul3A_446, 16 : i32
        %get3A_448 = arith.constant 0 : i32
        %get3A_449 = arith.index_cast %get3A_448 : i32 to index
        %get3A_450 = arith.index_cast %multiple_of3A_447 : i32 to index
        %get3A_451 = tpu.vector_load %arg7[%get3A_449, %get3A_450] {strides = array<i32>} : memref<4x1024xf32, #tpu.memory_space<vmem>>, vector<1x16xf32>,
        %get3A_452 = vector.shape_cast %get3A_451 : vector<1x16xf32> to vector<16xf32>
        %get3A_453 = arith.constant 1 : i32
        %get3A_454 = arith.index_cast %get3A_453 : i32 to index
        %get3A_455 = arith.index_cast %multiple_of3A_447 : i32 to index
        %get3A_456 = tpu.vector_load %arg7[%get3A_454, %get3A_455] {strides = array<i32>} : memref<4x1024xf32, #tpu.memory_space<vmem>>, vector<1x16xf32>,
        %get3A_457 = vector.shape_cast %get3A_456 : vector<1x16xf32> to vector<16xf32>
        %get3A_458 = arith.constant 2 : i32
        %get3A_459 = arith.index_cast %get3A_458 : i32 to index
        %get3A_460 = arith.index_cast %multiple_of3A_447 : i32 to index
        %get3A_461 = tpu.vector_load %arg7[%get3A_459, %get3A_460] {strides = array<i32>} : memref<4x1024xf32, #tpu.memory_space<vmem>>, vector<1x16xf32>,
        %get3A_462 = vector.shape_cast %get3A_461 : vector<1x16xf32> to vector<16xf32>
        %get3A_463 = arith.constant 3 : i32
        %get3A_464 = arith.index_cast %get3A_463 : i32 to index
        %get3A_465 = arith.index_cast %multiple_of3A_447 : i32 to index
        %get3A_466 = tpu.vector_load %arg7[%get3A_464, %get3A_465] {strides = array<i32>} : memref<4x1024xf32, #tpu.memory_space<vmem>>, vector<1x16xf32>,
        %get3A_467 = vector.shape_cast %get3A_466 : vector<1x16xf32> to vector<16xf32>
        %swap3A_468 = arith.constant 0 : i32
        %swap3A_469 = arith.index_cast %swap3A_468 : i32 to index
        %swap3A_470 = arith.index_cast %multiple_of3A_447 : i32 to index
        %swap3A_471 = tpu.vector_load %arg10[%swap3A_469, %swap3A_470] {strides = array<i32>} : memref<32x1024xf32, #tpu.memory_space<vmem>>, vector<1x16xf32>,
        %swap3A_472 = vector.shape_cast %swap3A_471 : vector<1x16xf32> to vector<16xf32>
        %swap3A_473 = vector.shape_cast %get3A_452 : vector<16xf32> to vector<1x16xf32>
        tpu.vector_store %arg10[%swap3A_469, %swap3A_470], %swap3A_473 {add = true, strides = array<i32>} : memref<32x1024xf32, #tpu.memory_space<vmem>>, vector<1x16xf32>,
        %swap3A_474 = arith.constant 1 : i32
        %swap3A_475 = arith.index_cast %swap3A_474 : i32 to index
        %swap3A_476 = arith.index_cast %multiple_of3A_447 : i32 to index
        %swap3A_477 = tpu.vector_load %arg10[%swap3A_475, %swap3A_476] {strides = array<i32>} : memref<32x1024xf32, #tpu.memory_space<vmem>>, vector<1x16xf32>,
        %swap3A_478 = vector.shape_cast %swap3A_477 : vector<1x16xf32> to vector<16xf32>
        %swap3A_479 = vector.shape_cast %get3A_457 : vector<16xf32> to vector<1x16xf32>
        tpu.vector_store %arg10[%swap3A_475, %swap3A_476], %swap3A_479 {add = true, strides = array<i32>} : memref<32x1024xf32, #tpu.memory_space<vmem>>, vector<1x16xf32>,
        %swap3A_480 = arith.constant 2 : i32
        %swap3A_481 = arith.index_cast %swap3A_480 : i32 to index
        %swap3A_482 = arith.index_cast %multiple_of3A_447 : i32 to index
        %swap3A_483 = tpu.vector_load %arg10[%swap3A_481, %swap3A_482] {strides = array<i32>} : memref<32x1024xf32, #tpu.memory_space<vmem>>, vector<1x16xf32>,
        %swap3A_484 = vector.shape_cast %swap3A_483 : vector<1x16xf32> to vector<16xf32>
        %swap3A_485 = vector.shape_cast %get3A_462 : vector<16xf32> to vector<1x16xf32>
        tpu.vector_store %arg10[%swap3A_481, %swap3A_482], %swap3A_485 {add = true, strides = array<i32>} : memref<32x1024xf32, #tpu.memory_space<vmem>>, vector<1x16xf32>,
        %swap3A_486 = arith.constant 3 : i32
        %swap3A_487 = arith.index_cast %swap3A_486 : i32 to index
        %swap3A_488 = arith.index_cast %multiple_of3A_447 : i32 to index
        %swap3A_489 = tpu.vector_load %arg10[%swap3A_487, %swap3A_488] {strides = array<i32>} : memref<32x1024xf32, #tpu.memory_space<vmem>>, vector<1x16xf32>,
        %swap3A_490 = vector.shape_cast %swap3A_489 : vector<1x16xf32> to vector<16xf32>
        %swap3A_491 = vector.shape_cast %get3A_467 : vector<16xf32> to vector<1x16xf32>
        tpu.vector_store %arg10[%swap3A_487, %swap3A_488], %swap3A_491 {add = true, strides = array<i32>} : memref<32x1024xf32, #tpu.memory_space<vmem>>, vector<1x16xf32>,
        %swap3A_492 = arith.constant 4 : i32
        %swap3A_493 = arith.index_cast %swap3A_492 : i32 to index
        %swap3A_494 = arith.index_cast %multiple_of3A_447 : i32 to index
        %swap3A_495 = tpu.vector_load %arg10[%swap3A_493, %swap3A_494] {strides = array<i32>} : memref<32x1024xf32, #tpu.memory_space<vmem>>, vector<1x16xf32>,
        %swap3A_496 = vector.shape_cast %swap3A_495 : vector<1x16xf32> to vector<16xf32>
        %swap3A_497 = vector.shape_cast %get3A_452 : vector<16xf32> to vector<1x16xf32>
        tpu.vector_store %arg10[%swap3A_493, %swap3A_494], %swap3A_497 {add = true, strides = array<i32>} : memref<32x1024xf32, #tpu.memory_space<vmem>>, vector<1x16xf32>,
        %swap3A_498 = arith.constant 5 : i32
        %swap3A_499 = arith.index_cast %swap3A_498 : i32 to index
        %swap3A_500 = arith.index_cast %multiple_of3A_447 : i32 to index
        %swap3A_501 = tpu.vector_load %arg10[%swap3A_499, %swap3A_500] {strides = array<i32>} : memref<32x1024xf32, #tpu.memory_space<vmem>>, vector<1x16xf32>,
        %swap3A_502 = vector.shape_cast %swap3A_501 : vector<1x16xf32> to vector<16xf32>
        %swap3A_503 = vector.shape_cast %get3A_457 : vector<16xf32> to vector<1x16xf32>
        tpu.vector_store %arg10[%swap3A_499, %swap3A_500], %swap3A_503 {add = true, strides = array<i32>} : memref<32x1024xf32, #tpu.memory_space<vmem>>, vector<1x16xf32>,
        %swap3A_504 = arith.constant 6 : i32
        %swap3A_505 = arith.index_cast %swap3A_504 : i32 to index
        %swap3A_506 = arith.index_cast %multiple_of3A_447 : i32 to index
        %swap3A_507 = tpu.vector_load %arg10[%swap3A_505, %swap3A_506] {strides = array<i32>} : memref<32x1024xf32, #tpu.memory_space<vmem>>, vector<1x16xf32>,
        %swap3A_508 = vector.shape_cast %swap3A_507 : vector<1x16xf32> to vector<16xf32>
        %swap3A_509 = vector.shape_cast %get3A_462 : vector<16xf32> to vector<1x16xf32>
        tpu.vector_store %arg10[%swap3A_505, %swap3A_506], %swap3A_509 {add = true, strides = array<i32>} : memref<32x1024xf32, #tpu.memory_space<vmem>>, vector<1x16xf32>,
        %swap3A_510 = arith.constant 7 : i32
        %swap3A_511 = arith.index_cast %swap3A_510 : i32 to index
        %swap3A_512 = arith.index_cast %multiple_of3A_447 : i32 to index
        %swap3A_513 = tpu.vector_load %arg10[%swap3A_511, %swap3A_512] {strides = array<i32>} : memref<32x1024xf32, #tpu.memory_space<vmem>>, vector<1x16xf32>,
        %swap3A_514 = vector.shape_cast %swap3A_513 : vector<1x16xf32> to vector<16xf32>
        %swap3A_515 = vector.shape_cast %get3A_467 : vector<16xf32> to vector<1x16xf32>
        tpu.vector_store %arg10[%swap3A_511, %swap3A_512], %swap3A_515 {add = true, strides = array<i32>} : memref<32x1024xf32, #tpu.memory_space<vmem>>, vector<1x16xf32>,
        %swap3A_516 = arith.constant 8 : i32
        %swap3A_517 = arith.index_cast %swap3A_516 : i32 to index
        %swap3A_518 = arith.index_cast %multiple_of3A_447 : i32 to index
        %swap3A_519 = tpu.vector_load %arg10[%swap3A_517, %swap3A_518] {strides = array<i32>} : memref<32x1024xf32, #tpu.memory_space<vmem>>, vector<1x16xf32>,
        %swap3A_520 = vector.shape_cast %swap3A_519 : vector<1x16xf32> to vector<16xf32>
        %swap3A_521 = vector.shape_cast %get3A_452 : vector<16xf32> to vector<1x16xf32>
        tpu.vector_store %arg10[%swap3A_517, %swap3A_518], %swap3A_521 {add = true, strides = array<i32>} : memref<32x1024xf32, #tpu.memory_space<vmem>>, vector<1x16xf32>,
        %swap3A_522 = arith.constant 9 : i32
        %swap3A_523 = arith.index_cast %swap3A_522 : i32 to index
        %swap3A_524 = arith.index_cast %multiple_of3A_447 : i32 to index
        %swap3A_525 = tpu.vector_load %arg10[%swap3A_523, %swap3A_524] {strides = array<i32>} : memref<32x1024xf32, #tpu.memory_space<vmem>>, vector<1x16xf32>,
        %swap3A_526 = vector.shape_cast %swap3A_525 : vector<1x16xf32> to vector<16xf32>
        %swap3A_527 = vector.shape_cast %get3A_457 : vector<16xf32> to vector<1x16xf32>
        tpu.vector_store %arg10[%swap3A_523, %swap3A_524], %swap3A_527 {add = true, strides = array<i32>} : memref<32x1024xf32, #tpu.memory_space<vmem>>, vector<1x16xf32>,
        %swap3A_528 = arith.constant 10 : i32
        %swap3A_529 = arith.index_cast %swap3A_528 : i32 to index
        %swap3A_530 = arith.index_cast %multiple_of3A_447 : i32 to index
        %swap3A_531 = tpu.vector_load %arg10[%swap3A_529, %swap3A_530] {strides = array<i32>} : memref<32x1024xf32, #tpu.memory_space<vmem>>, vector<1x16xf32>,
        %swap3A_532 = vector.shape_cast %swap3A_531 : vector<1x16xf32> to vector<16xf32>
        %swap3A_533 = vector.shape_cast %get3A_462 : vector<16xf32> to vector<1x16xf32>
        tpu.vector_store %arg10[%swap3A_529, %swap3A_530], %swap3A_533 {add = true, strides = array<i32>} : memref<32x1024xf32, #tpu.memory_space<vmem>>, vector<1x16xf32>,
        %swap3A_534 = arith.constant 11 : i32
        %swap3A_535 = arith.index_cast %swap3A_534 : i32 to index
        %swap3A_536 = arith.index_cast %multiple_of3A_447 : i32 to index
        %swap3A_537 = tpu.vector_load %arg10[%swap3A_535, %swap3A_536] {strides = array<i32>} : memref<32x1024xf32, #tpu.memory_space<vmem>>, vector<1x16xf32>,
        %swap3A_538 = vector.shape_cast %swap3A_537 : vector<1x16xf32> to vector<16xf32>
        %swap3A_539 = vector.shape_cast %get3A_467 : vector<16xf32> to vector<1x16xf32>
        tpu.vector_store %arg10[%swap3A_535, %swap3A_536], %swap3A_539 {add = true, strides = array<i32>} : memref<32x1024xf32, #tpu.memory_space<vmem>>, vector<1x16xf32>,
        %swap3A_540 = arith.constant 12 : i32
        %swap3A_541 = arith.index_cast %swap3A_540 : i32 to index
        %swap3A_542 = arith.index_cast %multiple_of3A_447 : i32 to index
        %swap3A_543 = tpu.vector_load %arg10[%swap3A_541, %swap3A_542] {strides = array<i32>} : memref<32x1024xf32, #tpu.memory_space<vmem>>, vector<1x16xf32>,
        %swap3A_544 = vector.shape_cast %swap3A_543 : vector<1x16xf32> to vector<16xf32>
        %swap3A_545 = vector.shape_cast %get3A_452 : vector<16xf32> to vector<1x16xf32>
        tpu.vector_store %arg10[%swap3A_541, %swap3A_542], %swap3A_545 {add = true, strides = array<i32>} : memref<32x1024xf32, #tpu.memory_space<vmem>>, vector<1x16xf32>,
        %swap3A_546 = arith.constant 13 : i32
        %swap3A_547 = arith.index_cast %swap3A_546 : i32 to index
        %swap3A_548 = arith.index_cast %multiple_of3A_447 : i32 to index
        %swap3A_549 = tpu.vector_load %arg10[%swap3A_547, %swap3A_548] {strides = array<i32>} : memref<32x1024xf32, #tpu.memory_space<vmem>>, vector<1x16xf32>,
        %swap3A_550 = vector.shape_cast %swap3A_549 : vector<1x16xf32> to vector<16xf32>
        %swap3A_551 = vector.shape_cast %get3A_457 : vector<16xf32> to vector<1x16xf32>
        tpu.vector_store %arg10[%swap3A_547, %swap3A_548], %swap3A_551 {add = true, strides = array<i32>} : memref<32x1024xf32, #tpu.memory_space<vmem>>, vector<1x16xf32>,
        %swap3A_552 = arith.constant 14 : i32
        %swap3A_553 = arith.index_cast %swap3A_552 : i32 to index
        %swap3A_554 = arith.index_cast %multiple_of3A_447 : i32 to index
        %swap3A_555 = tpu.vector_load %arg10[%swap3A_553, %swap3A_554] {strides = array<i32>} : memref<32x1024xf32, #tpu.memory_space<vmem>>, vector<1x16xf32>,
        %swap3A_556 = vector.shape_cast %swap3A_555 : vector<1x16xf32> to vector<16xf32>
        %swap3A_557 = vector.shape_cast %get3A_462 : vector<16xf32> to vector<1x16xf32>
        tpu.vector_store %arg10[%swap3A_553, %swap3A_554], %swap3A_557 {add = true, strides = array<i32>} : memref<32x1024xf32, #tpu.memory_space<vmem>>, vector<1x16xf32>,
        %swap3A_558 = arith.constant 15 : i32
        %swap3A_559 = arith.index_cast %swap3A_558 : i32 to index
        %swap3A_560 = arith.index_cast %multiple_of3A_447 : i32 to index
        %swap3A_561 = tpu.vector_load %arg10[%swap3A_559, %swap3A_560] {strides = array<i32>} : memref<32x1024xf32, #tpu.memory_space<vmem>>, vector<1x16xf32>,
        %swap3A_562 = vector.shape_cast %swap3A_561 : vector<1x16xf32> to vector<16xf32>
        %swap3A_563 = vector.shape_cast %get3A_467 : vector<16xf32> to vector<1x16xf32>
        tpu.vector_store %arg10[%swap3A_559, %swap3A_560], %swap3A_563 {add = true, strides = array<i32>} : memref<32x1024xf32, #tpu.memory_space<vmem>>, vector<1x16xf32>,
        %swap3A_564 = arith.constant 16 : i32
        %swap3A_565 = arith.index_cast %swap3A_564 : i32 to index
        %swap3A_566 = arith.index_cast %multiple_of3A_447 : i32 to index
        %swap3A_567 = tpu.vector_load %arg10[%swap3A_565, %swap3A_566] {strides = array<i32>} : memref<32x1024xf32, #tpu.memory_space<vmem>>, vector<1x16xf32>,
        %swap3A_568 = vector.shape_cast %swap3A_567 : vector<1x16xf32> to vector<16xf32>
        %swap3A_569 = vector.shape_cast %get3A_452 : vector<16xf32> to vector<1x16xf32>
        tpu.vector_store %arg10[%swap3A_565, %swap3A_566], %swap3A_569 {add = true, strides = array<i32>} : memref<32x1024xf32, #tpu.memory_space<vmem>>, vector<1x16xf32>,
        %swap3A_570 = arith.constant 17 : i32
        %swap3A_571 = arith.index_cast %swap3A_570 : i32 to index
        %swap3A_572 = arith.index_cast %multiple_of3A_447 : i32 to index
        %swap3A_573 = tpu.vector_load %arg10[%swap3A_571, %swap3A_572] {strides = array<i32>} : memref<32x1024xf32, #tpu.memory_space<vmem>>, vector<1x16xf32>,
        %swap3A_574 = vector.shape_cast %swap3A_573 : vector<1x16xf32> to vector<16xf32>
        %swap3A_575 = vector.shape_cast %get3A_457 : vector<16xf32> to vector<1x16xf32>
        tpu.vector_store %arg10[%swap3A_571, %swap3A_572], %swap3A_575 {add = true, strides = array<i32>} : memref<32x1024xf32, #tpu.memory_space<vmem>>, vector<1x16xf32>,
        %swap3A_576 = arith.constant 18 : i32
        %swap3A_577 = arith.index_cast %swap3A_576 : i32 to index
        %swap3A_578 = arith.index_cast %multiple_of3A_447 : i32 to index
        %swap3A_579 = tpu.vector_load %arg10[%swap3A_577, %swap3A_578] {strides = array<i32>} : memref<32x1024xf32, #tpu.memory_space<vmem>>, vector<1x16xf32>,
        %swap3A_580 = vector.shape_cast %swap3A_579 : vector<1x16xf32> to vector<16xf32>
        %swap3A_581 = vector.shape_cast %get3A_462 : vector<16xf32> to vector<1x16xf32>
        tpu.vector_store %arg10[%swap3A_577, %swap3A_578], %swap3A_581 {add = true, strides = array<i32>} : memref<32x1024xf32, #tpu.memory_space<vmem>>, vector<1x16xf32>,
        %swap3A_582 = arith.constant 19 : i32
        %swap3A_583 = arith.index_cast %swap3A_582 : i32 to index
        %swap3A_584 = arith.index_cast %multiple_of3A_447 : i32 to index
        %swap3A_585 = tpu.vector_load %arg10[%swap3A_583, %swap3A_584] {strides = array<i32>} : memref<32x1024xf32, #tpu.memory_space<vmem>>, vector<1x16xf32>,
        %swap3A_586 = vector.shape_cast %swap3A_585 : vector<1x16xf32> to vector<16xf32>
        %swap3A_587 = vector.shape_cast %get3A_467 : vector<16xf32> to vector<1x16xf32>
        tpu.vector_store %arg10[%swap3A_583, %swap3A_584], %swap3A_587 {add = true, strides = array<i32>} : memref<32x1024xf32, #tpu.memory_space<vmem>>, vector<1x16xf32>,
        %swap3A_588 = arith.constant 20 : i32
        %swap3A_589 = arith.index_cast %swap3A_588 : i32 to index
        %swap3A_590 = arith.index_cast %multiple_of3A_447 : i32 to index
        %swap3A_591 = tpu.vector_load %arg10[%swap3A_589, %swap3A_590] {strides = array<i32>} : memref<32x1024xf32, #tpu.memory_space<vmem>>, vector<1x16xf32>,
        %swap3A_592 = vector.shape_cast %swap3A_591 : vector<1x16xf32> to vector<16xf32>
        %swap3A_593 = vector.shape_cast %get3A_452 : vector<16xf32> to vector<1x16xf32>
        tpu.vector_store %arg10[%swap3A_589, %swap3A_590], %swap3A_593 {add = true, strides = array<i32>} : memref<32x1024xf32, #tpu.memory_space<vmem>>, vector<1x16xf32>,
        %swap3A_594 = arith.constant 21 : i32
        %swap3A_595 = arith.index_cast %swap3A_594 : i32 to index
        %swap3A_596 = arith.index_cast %multiple_of3A_447 : i32 to index
        %swap3A_597 = tpu.vector_load %arg10[%swap3A_595, %swap3A_596] {strides = array<i32>} : memref<32x1024xf32, #tpu.memory_space<vmem>>, vector<1x16xf32>,
        %swap3A_598 = vector.shape_cast %swap3A_597 : vector<1x16xf32> to vector<16xf32>
        %swap3A_599 = vector.shape_cast %get3A_457 : vector<16xf32> to vector<1x16xf32>
        tpu.vector_store %arg10[%swap3A_595, %swap3A_596], %swap3A_599 {add = true, strides = array<i32>} : memref<32x1024xf32, #tpu.memory_space<vmem>>, vector<1x16xf32>,
        %swap3A_600 = arith.constant 22 : i32
        %swap3A_601 = arith.index_cast %swap3A_600 : i32 to index
        %swap3A_602 = arith.index_cast %multiple_of3A_447 : i32 to index
        %swap3A_603 = tpu.vector_load %arg10[%swap3A_601, %swap3A_602] {strides = array<i32>} : memref<32x1024xf32, #tpu.memory_space<vmem>>, vector<1x16xf32>,
        %swap3A_604 = vector.shape_cast %swap3A_603 : vector<1x16xf32> to vector<16xf32>
        %swap3A_605 = vector.shape_cast %get3A_462 : vector<16xf32> to vector<1x16xf32>
        tpu.vector_store %arg10[%swap3A_601, %swap3A_602], %swap3A_605 {add = true, strides = array<i32>} : memref<32x1024xf32, #tpu.memory_space<vmem>>, vector<1x16xf32>,
        %swap3A_606 = arith.constant 23 : i32
        %swap3A_607 = arith.index_cast %swap3A_606 : i32 to index
        %swap3A_608 = arith.index_cast %multiple_of3A_447 : i32 to index
        %swap3A_609 = tpu.vector_load %arg10[%swap3A_607, %swap3A_608] {strides = array<i32>} : memref<32x1024xf32, #tpu.memory_space<vmem>>, vector<1x16xf32>,
        %swap3A_610 = vector.shape_cast %swap3A_609 : vector<1x16xf32> to vector<16xf32>
        %swap3A_611 = vector.shape_cast %get3A_467 : vector<16xf32> to vector<1x16xf32>
        tpu.vector_store %arg10[%swap3A_607, %swap3A_608], %swap3A_611 {add = true, strides = array<i32>} : memref<32x1024xf32, #tpu.memory_space<vmem>>, vector<1x16xf32>,
        %swap3A_612 = arith.constant 24 : i32
        %swap3A_613 = arith.index_cast %swap3A_612 : i32 to index
        %swap3A_614 = arith.index_cast %multiple_of3A_447 : i32 to index
        %swap3A_615 = tpu.vector_load %arg10[%swap3A_613, %swap3A_614] {strides = array<i32>} : memref<32x1024xf32, #tpu.memory_space<vmem>>, vector<1x16xf32>,
        %swap3A_616 = vector.shape_cast %swap3A_615 : vector<1x16xf32> to vector<16xf32>
        %swap3A_617 = vector.shape_cast %get3A_452 : vector<16xf32> to vector<1x16xf32>
        tpu.vector_store %arg10[%swap3A_613, %swap3A_614], %swap3A_617 {add = true, strides = array<i32>} : memref<32x1024xf32, #tpu.memory_space<vmem>>, vector<1x16xf32>,
        %swap3A_618 = arith.constant 25 : i32
        %swap3A_619 = arith.index_cast %swap3A_618 : i32 to index
        %swap3A_620 = arith.index_cast %multiple_of3A_447 : i32 to index
        %swap3A_621 = tpu.vector_load %arg10[%swap3A_619, %swap3A_620] {strides = array<i32>} : memref<32x1024xf32, #tpu.memory_space<vmem>>, vector<1x16xf32>,
        %swap3A_622 = vector.shape_cast %swap3A_621 : vector<1x16xf32> to vector<16xf32>
        %swap3A_623 = vector.shape_cast %get3A_457 : vector<16xf32> to vector<1x16xf32>
        tpu.vector_store %arg10[%swap3A_619, %swap3A_620], %swap3A_623 {add = true, strides = array<i32>} : memref<32x1024xf32, #tpu.memory_space<vmem>>, vector<1x16xf32>,
        %swap3A_624 = arith.constant 26 : i32
        %swap3A_625 = arith.index_cast %swap3A_624 : i32 to index
        %swap3A_626 = arith.index_cast %multiple_of3A_447 : i32 to index
        %swap3A_627 = tpu.vector_load %arg10[%swap3A_625, %swap3A_626] {strides = array<i32>} : memref<32x1024xf32, #tpu.memory_space<vmem>>, vector<1x16xf32>,
        %swap3A_628 = vector.shape_cast %swap3A_627 : vector<1x16xf32> to vector<16xf32>
        %swap3A_629 = vector.shape_cast %get3A_462 : vector<16xf32> to vector<1x16xf32>
        tpu.vector_store %arg10[%swap3A_625, %swap3A_626], %swap3A_629 {add = true, strides = array<i32>} : memref<32x1024xf32, #tpu.memory_space<vmem>>, vector<1x16xf32>,
        %swap3A_630 = arith.constant 27 : i32
        %swap3A_631 = arith.index_cast %swap3A_630 : i32 to index
        %swap3A_632 = arith.index_cast %multiple_of3A_447 : i32 to index
        %swap3A_633 = tpu.vector_load %arg10[%swap3A_631, %swap3A_632] {strides = array<i32>} : memref<32x1024xf32, #tpu.memory_space<vmem>>, vector<1x16xf32>,
        %swap3A_634 = vector.shape_cast %swap3A_633 : vector<1x16xf32> to vector<16xf32>
        %swap3A_635 = vector.shape_cast %get3A_467 : vector<16xf32> to vector<1x16xf32>
        tpu.vector_store %arg10[%swap3A_631, %swap3A_632], %swap3A_635 {add = true, strides = array<i32>} : memref<32x1024xf32, #tpu.memory_space<vmem>>, vector<1x16xf32>,
        %swap3A_636 = arith.constant 28 : i32
        %swap3A_637 = arith.index_cast %swap3A_636 : i32 to index
        %swap3A_638 = arith.index_cast %multiple_of3A_447 : i32 to index
        %swap3A_639 = tpu.vector_load %arg10[%swap3A_637, %swap3A_638] {strides = array<i32>} : memref<32x1024xf32, #tpu.memory_space<vmem>>, vector<1x16xf32>,
        %swap3A_640 = vector.shape_cast %swap3A_639 : vector<1x16xf32> to vector<16xf32>
        %swap3A_641 = vector.shape_cast %get3A_452 : vector<16xf32> to vector<1x16xf32>
        tpu.vector_store %arg10[%swap3A_637, %swap3A_638], %swap3A_641 {add = true, strides = array<i32>} : memref<32x1024xf32, #tpu.memory_space<vmem>>, vector<1x16xf32>,
        %swap3A_642 = arith.constant 29 : i32
        %swap3A_643 = arith.index_cast %swap3A_642 : i32 to index
        %swap3A_644 = arith.index_cast %multiple_of3A_447 : i32 to index
        %swap3A_645 = tpu.vector_load %arg10[%swap3A_643, %swap3A_644] {strides = array<i32>} : memref<32x1024xf32, #tpu.memory_space<vmem>>, vector<1x16xf32>,
        %swap3A_646 = vector.shape_cast %swap3A_645 : vector<1x16xf32> to vector<16xf32>
        %swap3A_647 = vector.shape_cast %get3A_457 : vector<16xf32> to vector<1x16xf32>
        tpu.vector_store %arg10[%swap3A_643, %swap3A_644], %swap3A_647 {add = true, strides = array<i32>} : memref<32x1024xf32, #tpu.memory_space<vmem>>, vector<1x16xf32>,
        %swap3A_648 = arith.constant 30 : i32
        %swap3A_649 = arith.index_cast %swap3A_648 : i32 to index
        %swap3A_650 = arith.index_cast %multiple_of3A_447 : i32 to index
        %swap3A_651 = tpu.vector_load %arg10[%swap3A_649, %swap3A_650] {strides = array<i32>} : memref<32x1024xf32, #tpu.memory_space<vmem>>, vector<1x16xf32>,
        %swap3A_652 = vector.shape_cast %swap3A_651 : vector<1x16xf32> to vector<16xf32>
        %swap3A_653 = vector.shape_cast %get3A_462 : vector<16xf32> to vector<1x16xf32>
        tpu.vector_store %arg10[%swap3A_649, %swap3A_650], %swap3A_653 {add = true, strides = array<i32>} : memref<32x1024xf32, #tpu.memory_space<vmem>>, vector<1x16xf32>,
        %swap3A_654 = arith.constant 31 : i32
        %swap3A_655 = arith.index_cast %swap3A_654 : i32 to index
        %swap3A_656 = arith.index_cast %multiple_of3A_447 : i32 to index
        %swap3A_657 = tpu.vector_load %arg10[%swap3A_655, %swap3A_656] {strides = array<i32>} : memref<32x1024xf32, #tpu.memory_space<vmem>>, vector<1x16xf32>,
        %swap3A_658 = vector.shape_cast %swap3A_657 : vector<1x16xf32> to vector<16xf32>
        %swap3A_659 = vector.shape_cast %get3A_467 : vector<16xf32> to vector<1x16xf32>
        tpu.vector_store %arg10[%swap3A_655, %swap3A_656], %swap3A_659 {add = true, strides = array<i32>} : memref<32x1024xf32, #tpu.memory_space<vmem>>, vector<1x16xf32>,
      }
      %scan3A_212 = arith.constant 32 : i32
      %mul3A_213 = arith.constant 8 : i32
      %mul3A_214 = arith.muli %add3A_177, %mul3A_213 : i32
      %add3A_215 = arith.addi %mul3A_2, %mul3A_214 : i32
      %dma_start3A_216 = arith.constant 0 : i32
      %dma_start3A_217 = arith.constant 0 : i32
      %dma_start3A_218 = tpu.memref_slice %arg5[%add3A_215, %dma_start3A_216, %dma_start3A_217] : memref<8192x4x1024xf32, #tpu.memory_space<hbm>> -> memref<8x4x1024xf32, #tpu.memory_space<hbm>>
      %dma_start3A_219 = tpu.memref_reshape %dma_start3A_218 : memref<8x4x1024xf32, #tpu.memory_space<hbm>> -> memref<32x1024xf32, #tpu.memory_space<hbm>>
      %dma_start3A_220 = arith.constant 0 : i32
      %dma_start3A_221 = arith.constant 0 : i32
      %dma_start3A_222 = tpu.memref_slice %arg5[%add3A_215, %dma_start3A_220, %dma_start3A_221] : memref<8192x4x1024xf32, #tpu.memory_space<hbm>> -> memref<8x4x1024xf32, #tpu.memory_space<hbm>>
      %dma_start3A_223 = tpu.memref_reshape %dma_start3A_222 : memref<8x4x1024xf32, #tpu.memory_space<hbm>> -> memref<32x1024xf32, #tpu.memory_space<hbm>>
      tpu.enqueue_dma source(%arg10 : memref<32x1024xf32, #tpu.memory_space<vmem>>) target(%dma_start3A_223 : memref<32x1024xf32, #tpu.memory_space<hbm>>) target_semaphore(%arg16 : memref<!tpu.dma_semaphore, #tpu.memory_space<semaphore_mem>>)
    }
    %scan3A_23 = arith.constant 10 : i32
    %dma_wait3A = arith.constant 960 : i32
    %dma_wait3A_24 = tpu.memref_slice %arg6[%dma_wait3A] : memref<1024xi32, #tpu.memory_space<vmem>> -> memref<32xi32, #tpu.memory_space<vmem>>
    %dma_wait3A_25 = arith.constant 0 : i32
    %dma_wait3A_26 = arith.constant 0 : i32
    %dma_wait3A_27 = tpu.memref_slice %arg3[%dma_wait3A_25, %dma_wait3A_26] : memref<100000x1024xf32, #tpu.memory_space<hbm>> -> memref<100000x1024xf32, #tpu.memory_space<hbm>>
    tpu.wait_indirect_dma semaphore(%arg11 : memref<!tpu.dma_semaphore, #tpu.memory_space<semaphore_mem>>) src(%dma_wait3A_27 : memref<100000x1024xf32, #tpu.memory_space<hbm>>) dst(%arg8 : memref<32x1024xf32, #tpu.memory_space<vmem>>)
    %scan3A_28 = arith.constant 0 : i32
    %scan3A_29 = arith.constant 0 : i32
    %scan3A_30 = arith.constant 32 : i32
    %scan3A_31 = arith.addi %scan3A_29, %scan3A_30 : i32
    %scan3A_32 = arith.constant 1 : i32
    scf.for %scan3A_95 = %scan3A_29 to %scan3A_31 step %scan3A_32  : i32 {
      %mul3A_96 = arith.constant 2 : i32
      %mul3A_97 = arith.muli %mul3A_96, %scan3A_95 : i32
      %add3A_98 = arith.constant 0 : i32
      %add3A_99 = arith.addi %mul3A_97, %add3A_98 : i32
      %mul3A_100 = arith.constant 16 : i32
      %mul3A_101 = arith.muli %add3A_99, %mul3A_100 : i32
      %multiple_of3A = tpu.assume_multiple %mul3A_101, 16 : i32
      %get3A = arith.constant 0 : i32
      %get3A_102 = arith.index_cast %get3A : i32 to index
      %get3A_103 = arith.index_cast %multiple_of3A : i32 to index
      %get3A_104 = tpu.vector_load %arg7[%get3A_102, %get3A_103] {strides = array<i32>} : memref<4x1024xf32, #tpu.memory_space<vmem>>, vector<1x16xf32>,
      %get3A_105 = vector.shape_cast %get3A_104 : vector<1x16xf32> to vector<16xf32>
      %get3A_106 = arith.constant 1 : i32
      %get3A_107 = arith.index_cast %get3A_106 : i32 to index
      %get3A_108 = arith.index_cast %multiple_of3A : i32 to index
      %get3A_109 = tpu.vector_load %arg7[%get3A_107, %get3A_108] {strides = array<i32>} : memref<4x1024xf32, #tpu.memory_space<vmem>>, vector<1x16xf32>,
      %get3A_110 = vector.shape_cast %get3A_109 : vector<1x16xf32> to vector<16xf32>
      %get3A_111 = arith.constant 2 : i32
      %get3A_112 = arith.index_cast %get3A_111 : i32 to index
      %get3A_113 = arith.index_cast %multiple_of3A : i32 to index
      %get3A_114 = tpu.vector_load %arg7[%get3A_112, %get3A_113] {strides = array<i32>} : memref<4x1024xf32, #tpu.memory_space<vmem>>, vector<1x16xf32>,
      %get3A_115 = vector.shape_cast %get3A_114 : vector<1x16xf32> to vector<16xf32>
      %get3A_116 = arith.constant 3 : i32
      %get3A_117 = arith.index_cast %get3A_116 : i32 to index
      %get3A_118 = arith.index_cast %multiple_of3A : i32 to index
      %get3A_119 = tpu.vector_load %arg7[%get3A_117, %get3A_118] {strides = array<i32>} : memref<4x1024xf32, #tpu.memory_space<vmem>>, vector<1x16xf32>,
      %get3A_120 = vector.shape_cast %get3A_119 : vector<1x16xf32> to vector<16xf32>
      %swap3A = arith.constant 0 : i32
      %swap3A_121 = arith.index_cast %swap3A : i32 to index
      %swap3A_122 = arith.index_cast %multiple_of3A : i32 to index
      %swap3A_123 = tpu.vector_load %arg8[%swap3A_121, %swap3A_122] {strides = array<i32>} : memref<32x1024xf32, #tpu.memory_space<vmem>>, vector<1x16xf32>,
      %swap3A_124 = vector.shape_cast %swap3A_123 : vector<1x16xf32> to vector<16xf32>
      %swap3A_125 = vector.shape_cast %get3A_105 : vector<16xf32> to vector<1x16xf32>
      tpu.vector_store %arg8[%swap3A_121, %swap3A_122], %swap3A_125 {add = true, strides = array<i32>} : memref<32x1024xf32, #tpu.memory_space<vmem>>, vector<1x16xf32>,
      %swap3A_126 = arith.constant 1 : i32
      %swap3A_127 = arith.index_cast %swap3A_126 : i32 to index
      %swap3A_128 = arith.index_cast %multiple_of3A : i32 to index
      %swap3A_129 = tpu.vector_load %arg8[%swap3A_127, %swap3A_128] {strides = array<i32>} : memref<32x1024xf32, #tpu.memory_space<vmem>>, vector<1x16xf32>,
      %swap3A_130 = vector.shape_cast %swap3A_129 : vector<1x16xf32> to vector<16xf32>
      %swap3A_131 = vector.shape_cast %get3A_110 : vector<16xf32> to vector<1x16xf32>
      tpu.vector_store %arg8[%swap3A_127, %swap3A_128], %swap3A_131 {add = true, strides = array<i32>} : memref<32x1024xf32, #tpu.memory_space<vmem>>, vector<1x16xf32>,
      %swap3A_132 = arith.constant 2 : i32
      %swap3A_133 = arith.index_cast %swap3A_132 : i32 to index
      %swap3A_134 = arith.index_cast %multiple_of3A : i32 to index
      %swap3A_135 = tpu.vector_load %arg8[%swap3A_133, %swap3A_134] {strides = array<i32>} : memref<32x1024xf32, #tpu.memory_space<vmem>>, vector<1x16xf32>,
      %swap3A_136 = vector.shape_cast %swap3A_135 : vector<1x16xf32> to vector<16xf32>
      %swap3A_137 = vector.shape_cast %get3A_115 : vector<16xf32> to vector<1x16xf32>
      tpu.vector_store %arg8[%swap3A_133, %swap3A_134], %swap3A_137 {add = true, strides = array<i32>} : memref<32x1024xf32, #tpu.memory_space<vmem>>, vector<1x16xf32>,
      %swap3A_138 = arith.constant 3 : i32
      %swap3A_139 = arith.index_cast %swap3A_138 : i32 to index
      %swap3A_140 = arith.index_cast %multiple_of3A : i32 to index
      %swap3A_141 = tpu.vector_load %arg8[%swap3A_139, %swap3A_140] {strides = array<i32>} : memref<32x1024xf32, #tpu.memory_space<vmem>>, vector<1x16xf32>,
      %swap3A_142 = vector.shape_cast %swap3A_141 : vector<1x16xf32> to vector<16xf32>
      %swap3A_143 = vector.shape_cast %get3A_120 : vector<16xf32> to vector<1x16xf32>
      tpu.vector_store %arg8[%swap3A_139, %swap3A_140], %swap3A_143 {add = true, strides = array<i32>} : memref<32x1024xf32, #tpu.memory_space<vmem>>, vector<1x16xf32>,
      %swap3A_144 = arith.constant 4 : i32
      %swap3A_145 = arith.index_cast %swap3A_144 : i32 to index
      %swap3A_146 = arith.index_cast %multiple_of3A : i32 to index
      %swap3A_147 = tpu.vector_load %arg8[%swap3A_145, %swap3A_146] {strides = array<i32>} : memref<32x1024xf32, #tpu.memory_space<vmem>>, vector<1x16xf32>,
      %swap3A_148 = vector.shape_cast %swap3A_147 : vector<1x16xf32> to vector<16xf32>
      %swap3A_149 = vector.shape_cast %get3A_105 : vector<16xf32> to vector<1x16xf32>
      tpu.vector_store %arg8[%swap3A_145, %swap3A_146], %swap3A_149 {add = true, strides = array<i32>} : memref<32x1024xf32, #tpu.memory_space<vmem>>, vector<1x16xf32>,
      %swap3A_150 = arith.constant 5 : i32
      %swap3A_151 = arith.index_cast %swap3A_150 : i32 to index
      %swap3A_152 = arith.index_cast %multiple_of3A : i32 to index
      %swap3A_153 = tpu.vector_load %arg8[%swap3A_151, %swap3A_152] {strides = array<i32>} : memref<32x1024xf32, #tpu.memory_space<vmem>>, vector<1x16xf32>,
      %swap3A_154 = vector.shape_cast %swap3A_153 : vector<1x16xf32> to vector<16xf32>
      %swap3A_155 = vector.shape_cast %get3A_110 : vector<16xf32> to vector<1x16xf32>
      tpu.vector_store %arg8[%swap3A_151, %swap3A_152], %swap3A_155 {add = true, strides = array<i32>} : memref<32x1024xf32, #tpu.memory_space<vmem>>, vector<1x16xf32>,
      %swap3A_156 = arith.constant 6 : i32
      %swap3A_157 = arith.index_cast %swap3A_156 : i32 to index
      %swap3A_158 = arith.index_cast %multiple_of3A : i32 to index
      %swap3A_159 = tpu.vector_load %arg8[%swap3A_157, %swap3A_158] {strides = array<i32>} : memref<32x1024xf32, #tpu.memory_space<vmem>>, vector<1x16xf32>,
      %swap3A_160 = vector.shape_cast %swap3A_159 : vector<1x16xf32> to vector<16xf32>
      %swap3A_161 = vector.shape_cast %get3A_115 : vector<16xf32> to vector<1x16xf32>
      tpu.vector_store %arg8[%swap3A_157, %swap3A_158], %swap3A_161 {add = true, strides = array<i32>} : memref<32x1024xf32, #tpu.memory_space<vmem>>, vector<1x16xf32>,
      %swap3A_162 = arith.constant 7 : i32
      %swap3A_163 = arith.index_cast %swap3A_162 : i32 to index
      %swap3A_164 = arith.index_cast %multiple_of3A : i32 to index
      %swap3A_165 = tpu.vector_load %arg8[%swap3A_163, %swap3A_164] {strides = array<i32>} : memref<32x1024xf32, #tpu.memory_space<vmem>>, vector<1x16xf32>,
      %swap3A_166 = vector.shape_cast %swap3A_165 : vector<1x16xf32> to vector<16xf32>
      %swap3A_167 = vector.shape_cast %get3A_120 : vector<16xf32> to vector<1x16xf32>
      tpu.vector_store %arg8[%swap3A_163, %swap3A_164], %swap3A_167 {add = true, strides = array<i32>} : memref<32x1024xf32, #tpu.memory_space<vmem>>, vector<1x16xf32>,
      %swap3A_168 = arith.constant 8 : i32
      %swap3A_169 = arith.index_cast %swap3A_168 : i32 to index
      %swap3A_170 = arith.index_cast %multiple_of3A : i32 to index
      %swap3A_171 = tpu.vector_load %arg8[%swap3A_169, %swap3A_170] {strides = array<i32>} : memref<32x1024xf32, #tpu.memory_space<vmem>>, vector<1x16xf32>,
      %swap3A_172 = vector.shape_cast %swap3A_171 : vector<1x16xf32> to vector<16xf32>
      %swap3A_173 = vector.shape_cast %get3A_105 : vector<16xf32> to vector<1x16xf32>
      tpu.vector_store %arg8[%swap3A_169, %swap3A_170], %swap3A_173 {add = true, strides = array<i32>} : memref<32x1024xf32, #tpu.memory_space<vmem>>, vector<1x16xf32>,
      %swap3A_174 = arith.constant 9 : i32
      %swap3A_175 = arith.index_cast %swap3A_174 : i32 to index
      %swap3A_176 = arith.index_cast %multiple_of3A : i32 to index
      %swap3A_177 = tpu.vector_load %arg8[%swap3A_175, %swap3A_176] {strides = array<i32>} : memref<32x1024xf32, #tpu.memory_space<vmem>>, vector<1x16xf32>,
      %swap3A_178 = vector.shape_cast %swap3A_177 : vector<1x16xf32> to vector<16xf32>
      %swap3A_179 = vector.shape_cast %get3A_110 : vector<16xf32> to vector<1x16xf32>
      tpu.vector_store %arg8[%swap3A_175, %swap3A_176], %swap3A_179 {add = true, strides = array<i32>} : memref<32x1024xf32, #tpu.memory_space<vmem>>, vector<1x16xf32>,
      %swap3A_180 = arith.constant 10 : i32
      %swap3A_181 = arith.index_cast %swap3A_180 : i32 to index
      %swap3A_182 = arith.index_cast %multiple_of3A : i32 to index
      %swap3A_183 = tpu.vector_load %arg8[%swap3A_181, %swap3A_182] {strides = array<i32>} : memref<32x1024xf32, #tpu.memory_space<vmem>>, vector<1x16xf32>,
      %swap3A_184 = vector.shape_cast %swap3A_183 : vector<1x16xf32> to vector<16xf32>
      %swap3A_185 = vector.shape_cast %get3A_115 : vector<16xf32> to vector<1x16xf32>
      tpu.vector_store %arg8[%swap3A_181, %swap3A_182], %swap3A_185 {add = true, strides = array<i32>} : memref<32x1024xf32, #tpu.memory_space<vmem>>, vector<1x16xf32>,
      %swap3A_186 = arith.constant 11 : i32
      %swap3A_187 = arith.index_cast %swap3A_186 : i32 to index
      %swap3A_188 = arith.index_cast %multiple_of3A : i32 to index
      %swap3A_189 = tpu.vector_load %arg8[%swap3A_187, %swap3A_188] {strides = array<i32>} : memref<32x1024xf32, #tpu.memory_space<vmem>>, vector<1x16xf32>,
      %swap3A_190 = vector.shape_cast %swap3A_189 : vector<1x16xf32> to vector<16xf32>
      %swap3A_191 = vector.shape_cast %get3A_120 : vector<16xf32> to vector<1x16xf32>
      tpu.vector_store %arg8[%swap3A_187, %swap3A_188], %swap3A_191 {add = true, strides = array<i32>} : memref<32x1024xf32, #tpu.memory_space<vmem>>, vector<1x16xf32>,
      %swap3A_192 = arith.constant 12 : i32
      %swap3A_193 = arith.index_cast %swap3A_192 : i32 to index
      %swap3A_194 = arith.index_cast %multiple_of3A : i32 to index
      %swap3A_195 = tpu.vector_load %arg8[%swap3A_193, %swap3A_194] {strides = array<i32>} : memref<32x1024xf32, #tpu.memory_space<vmem>>, vector<1x16xf32>,
      %swap3A_196 = vector.shape_cast %swap3A_195 : vector<1x16xf32> to vector<16xf32>
      %swap3A_197 = vector.shape_cast %get3A_105 : vector<16xf32> to vector<1x16xf32>
      tpu.vector_store %arg8[%swap3A_193, %swap3A_194], %swap3A_197 {add = true, strides = array<i32>} : memref<32x1024xf32, #tpu.memory_space<vmem>>, vector<1x16xf32>,
      %swap3A_198 = arith.constant 13 : i32
      %swap3A_199 = arith.index_cast %swap3A_198 : i32 to index
      %swap3A_200 = arith.index_cast %multiple_of3A : i32 to index
      %swap3A_201 = tpu.vector_load %arg8[%swap3A_199, %swap3A_200] {strides = array<i32>} : memref<32x1024xf32, #tpu.memory_space<vmem>>, vector<1x16xf32>,
      %swap3A_202 = vector.shape_cast %swap3A_201 : vector<1x16xf32> to vector<16xf32>
      %swap3A_203 = vector.shape_cast %get3A_110 : vector<16xf32> to vector<1x16xf32>
      tpu.vector_store %arg8[%swap3A_199, %swap3A_200], %swap3A_203 {add = true, strides = array<i32>} : memref<32x1024xf32, #tpu.memory_space<vmem>>, vector<1x16xf32>,
      %swap3A_204 = arith.constant 14 : i32
      %swap3A_205 = arith.index_cast %swap3A_204 : i32 to index
      %swap3A_206 = arith.index_cast %multiple_of3A : i32 to index
      %swap3A_207 = tpu.vector_load %arg8[%swap3A_205, %swap3A_206] {strides = array<i32>} : memref<32x1024xf32, #tpu.memory_space<vmem>>, vector<1x16xf32>,
      %swap3A_208 = vector.shape_cast %swap3A_207 : vector<1x16xf32> to vector<16xf32>
      %swap3A_209 = vector.shape_cast %get3A_115 : vector<16xf32> to vector<1x16xf32>
      tpu.vector_store %arg8[%swap3A_205, %swap3A_206], %swap3A_209 {add = true, strides = array<i32>} : memref<32x1024xf32, #tpu.memory_space<vmem>>, vector<1x16xf32>,
      %swap3A_210 = arith.constant 15 : i32
      %swap3A_211 = arith.index_cast %swap3A_210 : i32 to index
      %swap3A_212 = arith.index_cast %multiple_of3A : i32 to index
      %swap3A_213 = tpu.vector_load %arg8[%swap3A_211, %swap3A_212] {strides = array<i32>} : memref<32x1024xf32, #tpu.memory_space<vmem>>, vector<1x16xf32>,
      %swap3A_214 = vector.shape_cast %swap3A_213 : vector<1x16xf32> to vector<16xf32>
      %swap3A_215 = vector.shape_cast %get3A_120 : vector<16xf32> to vector<1x16xf32>
      tpu.vector_store %arg8[%swap3A_211, %swap3A_212], %swap3A_215 {add = true, strides = array<i32>} : memref<32x1024xf32, #tpu.memory_space<vmem>>, vector<1x16xf32>,
      %swap3A_216 = arith.constant 16 : i32
      %swap3A_217 = arith.index_cast %swap3A_216 : i32 to index
      %swap3A_218 = arith.index_cast %multiple_of3A : i32 to index
      %swap3A_219 = tpu.vector_load %arg8[%swap3A_217, %swap3A_218] {strides = array<i32>} : memref<32x1024xf32, #tpu.memory_space<vmem>>, vector<1x16xf32>,
      %swap3A_220 = vector.shape_cast %swap3A_219 : vector<1x16xf32> to vector<16xf32>
      %swap3A_221 = vector.shape_cast %get3A_105 : vector<16xf32> to vector<1x16xf32>
      tpu.vector_store %arg8[%swap3A_217, %swap3A_218], %swap3A_221 {add = true, strides = array<i32>} : memref<32x1024xf32, #tpu.memory_space<vmem>>, vector<1x16xf32>,
      %swap3A_222 = arith.constant 17 : i32
      %swap3A_223 = arith.index_cast %swap3A_222 : i32 to index
      %swap3A_224 = arith.index_cast %multiple_of3A : i32 to index
      %swap3A_225 = tpu.vector_load %arg8[%swap3A_223, %swap3A_224] {strides = array<i32>} : memref<32x1024xf32, #tpu.memory_space<vmem>>, vector<1x16xf32>,
      %swap3A_226 = vector.shape_cast %swap3A_225 : vector<1x16xf32> to vector<16xf32>
      %swap3A_227 = vector.shape_cast %get3A_110 : vector<16xf32> to vector<1x16xf32>
      tpu.vector_store %arg8[%swap3A_223, %swap3A_224], %swap3A_227 {add = true, strides = array<i32>} : memref<32x1024xf32, #tpu.memory_space<vmem>>, vector<1x16xf32>,
      %swap3A_228 = arith.constant 18 : i32
      %swap3A_229 = arith.index_cast %swap3A_228 : i32 to index
      %swap3A_230 = arith.index_cast %multiple_of3A : i32 to index
      %swap3A_231 = tpu.vector_load %arg8[%swap3A_229, %swap3A_230] {strides = array<i32>} : memref<32x1024xf32, #tpu.memory_space<vmem>>, vector<1x16xf32>,
      %swap3A_232 = vector.shape_cast %swap3A_231 : vector<1x16xf32> to vector<16xf32>
      %swap3A_233 = vector.shape_cast %get3A_115 : vector<16xf32> to vector<1x16xf32>
      tpu.vector_store %arg8[%swap3A_229, %swap3A_230], %swap3A_233 {add = true, strides = array<i32>} : memref<32x1024xf32, #tpu.memory_space<vmem>>, vector<1x16xf32>,
      %swap3A_234 = arith.constant 19 : i32
      %swap3A_235 = arith.index_cast %swap3A_234 : i32 to index
      %swap3A_236 = arith.index_cast %multiple_of3A : i32 to index
      %swap3A_237 = tpu.vector_load %arg8[%swap3A_235, %swap3A_236] {strides = array<i32>} : memref<32x1024xf32, #tpu.memory_space<vmem>>, vector<1x16xf32>,
      %swap3A_238 = vector.shape_cast %swap3A_237 : vector<1x16xf32> to vector<16xf32>
      %swap3A_239 = vector.shape_cast %get3A_120 : vector<16xf32> to vector<1x16xf32>
      tpu.vector_store %arg8[%swap3A_235, %swap3A_236], %swap3A_239 {add = true, strides = array<i32>} : memref<32x1024xf32, #tpu.memory_space<vmem>>, vector<1x16xf32>,
      %swap3A_240 = arith.constant 20 : i32
      %swap3A_241 = arith.index_cast %swap3A_240 : i32 to index
      %swap3A_242 = arith.index_cast %multiple_of3A : i32 to index
      %swap3A_243 = tpu.vector_load %arg8[%swap3A_241, %swap3A_242] {strides = array<i32>} : memref<32x1024xf32, #tpu.memory_space<vmem>>, vector<1x16xf32>,
      %swap3A_244 = vector.shape_cast %swap3A_243 : vector<1x16xf32> to vector<16xf32>
      %swap3A_245 = vector.shape_cast %get3A_105 : vector<16xf32> to vector<1x16xf32>
      tpu.vector_store %arg8[%swap3A_241, %swap3A_242], %swap3A_245 {add = true, strides = array<i32>} : memref<32x1024xf32, #tpu.memory_space<vmem>>, vector<1x16xf32>,
      %swap3A_246 = arith.constant 21 : i32
      %swap3A_247 = arith.index_cast %swap3A_246 : i32 to index
      %swap3A_248 = arith.index_cast %multiple_of3A : i32 to index
      %swap3A_249 = tpu.vector_load %arg8[%swap3A_247, %swap3A_248] {strides = array<i32>} : memref<32x1024xf32, #tpu.memory_space<vmem>>, vector<1x16xf32>,
      %swap3A_250 = vector.shape_cast %swap3A_249 : vector<1x16xf32> to vector<16xf32>
      %swap3A_251 = vector.shape_cast %get3A_110 : vector<16xf32> to vector<1x16xf32>
      tpu.vector_store %arg8[%swap3A_247, %swap3A_248], %swap3A_251 {add = true, strides = array<i32>} : memref<32x1024xf32, #tpu.memory_space<vmem>>, vector<1x16xf32>,
      %swap3A_252 = arith.constant 22 : i32
      %swap3A_253 = arith.index_cast %swap3A_252 : i32 to index
      %swap3A_254 = arith.index_cast %multiple_of3A : i32 to index
      %swap3A_255 = tpu.vector_load %arg8[%swap3A_253, %swap3A_254] {strides = array<i32>} : memref<32x1024xf32, #tpu.memory_space<vmem>>, vector<1x16xf32>,
      %swap3A_256 = vector.shape_cast %swap3A_255 : vector<1x16xf32> to vector<16xf32>
      %swap3A_257 = vector.shape_cast %get3A_115 : vector<16xf32> to vector<1x16xf32>
      tpu.vector_store %arg8[%swap3A_253, %swap3A_254], %swap3A_257 {add = true, strides = array<i32>} : memref<32x1024xf32, #tpu.memory_space<vmem>>, vector<1x16xf32>,
      %swap3A_258 = arith.constant 23 : i32
      %swap3A_259 = arith.index_cast %swap3A_258 : i32 to index
      %swap3A_260 = arith.index_cast %multiple_of3A : i32 to index
      %swap3A_261 = tpu.vector_load %arg8[%swap3A_259, %swap3A_260] {strides = array<i32>} : memref<32x1024xf32, #tpu.memory_space<vmem>>, vector<1x16xf32>,
      %swap3A_262 = vector.shape_cast %swap3A_261 : vector<1x16xf32> to vector<16xf32>
      %swap3A_263 = vector.shape_cast %get3A_120 : vector<16xf32> to vector<1x16xf32>
      tpu.vector_store %arg8[%swap3A_259, %swap3A_260], %swap3A_263 {add = true, strides = array<i32>} : memref<32x1024xf32, #tpu.memory_space<vmem>>, vector<1x16xf32>,
      %swap3A_264 = arith.constant 24 : i32
      %swap3A_265 = arith.index_cast %swap3A_264 : i32 to index
      %swap3A_266 = arith.index_cast %multiple_of3A : i32 to index
      %swap3A_267 = tpu.vector_load %arg8[%swap3A_265, %swap3A_266] {strides = array<i32>} : memref<32x1024xf32, #tpu.memory_space<vmem>>, vector<1x16xf32>,
      %swap3A_268 = vector.shape_cast %swap3A_267 : vector<1x16xf32> to vector<16xf32>
      %swap3A_269 = vector.shape_cast %get3A_105 : vector<16xf32> to vector<1x16xf32>
      tpu.vector_store %arg8[%swap3A_265, %swap3A_266], %swap3A_269 {add = true, strides = array<i32>} : memref<32x1024xf32, #tpu.memory_space<vmem>>, vector<1x16xf32>,
      %swap3A_270 = arith.constant 25 : i32
      %swap3A_271 = arith.index_cast %swap3A_270 : i32 to index
      %swap3A_272 = arith.index_cast %multiple_of3A : i32 to index
      %swap3A_273 = tpu.vector_load %arg8[%swap3A_271, %swap3A_272] {strides = array<i32>} : memref<32x1024xf32, #tpu.memory_space<vmem>>, vector<1x16xf32>,
      %swap3A_274 = vector.shape_cast %swap3A_273 : vector<1x16xf32> to vector<16xf32>
      %swap3A_275 = vector.shape_cast %get3A_110 : vector<16xf32> to vector<1x16xf32>
      tpu.vector_store %arg8[%swap3A_271, %swap3A_272], %swap3A_275 {add = true, strides = array<i32>} : memref<32x1024xf32, #tpu.memory_space<vmem>>, vector<1x16xf32>,
      %swap3A_276 = arith.constant 26 : i32
      %swap3A_277 = arith.index_cast %swap3A_276 : i32 to index
      %swap3A_278 = arith.index_cast %multiple_of3A : i32 to index
      %swap3A_279 = tpu.vector_load %arg8[%swap3A_277, %swap3A_278] {strides = array<i32>} : memref<32x1024xf32, #tpu.memory_space<vmem>>, vector<1x16xf32>,
      %swap3A_280 = vector.shape_cast %swap3A_279 : vector<1x16xf32> to vector<16xf32>
      %swap3A_281 = vector.shape_cast %get3A_115 : vector<16xf32> to vector<1x16xf32>
      tpu.vector_store %arg8[%swap3A_277, %swap3A_278], %swap3A_281 {add = true, strides = array<i32>} : memref<32x1024xf32, #tpu.memory_space<vmem>>, vector<1x16xf32>,
      %swap3A_282 = arith.constant 27 : i32
      %swap3A_283 = arith.index_cast %swap3A_282 : i32 to index
      %swap3A_284 = arith.index_cast %multiple_of3A : i32 to index
      %swap3A_285 = tpu.vector_load %arg8[%swap3A_283, %swap3A_284] {strides = array<i32>} : memref<32x1024xf32, #tpu.memory_space<vmem>>, vector<1x16xf32>,
      %swap3A_286 = vector.shape_cast %swap3A_285 : vector<1x16xf32> to vector<16xf32>
      %swap3A_287 = vector.shape_cast %get3A_120 : vector<16xf32> to vector<1x16xf32>
      tpu.vector_store %arg8[%swap3A_283, %swap3A_284], %swap3A_287 {add = true, strides = array<i32>} : memref<32x1024xf32, #tpu.memory_space<vmem>>, vector<1x16xf32>,
      %swap3A_288 = arith.constant 28 : i32
      %swap3A_289 = arith.index_cast %swap3A_288 : i32 to index
      %swap3A_290 = arith.index_cast %multiple_of3A : i32 to index
      %swap3A_291 = tpu.vector_load %arg8[%swap3A_289, %swap3A_290] {strides = array<i32>} : memref<32x1024xf32, #tpu.memory_space<vmem>>, vector<1x16xf32>,
      %swap3A_292 = vector.shape_cast %swap3A_291 : vector<1x16xf32> to vector<16xf32>
      %swap3A_293 = vector.shape_cast %get3A_105 : vector<16xf32> to vector<1x16xf32>
      tpu.vector_store %arg8[%swap3A_289, %swap3A_290], %swap3A_293 {add = true, strides = array<i32>} : memref<32x1024xf32, #tpu.memory_space<vmem>>, vector<1x16xf32>,
      %swap3A_294 = arith.constant 29 : i32
      %swap3A_295 = arith.index_cast %swap3A_294 : i32 to index
      %swap3A_296 = arith.index_cast %multiple_of3A : i32 to index
      %swap3A_297 = tpu.vector_load %arg8[%swap3A_295, %swap3A_296] {strides = array<i32>} : memref<32x1024xf32, #tpu.memory_space<vmem>>, vector<1x16xf32>,
      %swap3A_298 = vector.shape_cast %swap3A_297 : vector<1x16xf32> to vector<16xf32>
      %swap3A_299 = vector.shape_cast %get3A_110 : vector<16xf32> to vector<1x16xf32>
      tpu.vector_store %arg8[%swap3A_295, %swap3A_296], %swap3A_299 {add = true, strides = array<i32>} : memref<32x1024xf32, #tpu.memory_space<vmem>>, vector<1x16xf32>,
      %swap3A_300 = arith.constant 30 : i32
      %swap3A_301 = arith.index_cast %swap3A_300 : i32 to index
      %swap3A_302 = arith.index_cast %multiple_of3A : i32 to index
      %swap3A_303 = tpu.vector_load %arg8[%swap3A_301, %swap3A_302] {strides = array<i32>} : memref<32x1024xf32, #tpu.memory_space<vmem>>, vector<1x16xf32>,
      %swap3A_304 = vector.shape_cast %swap3A_303 : vector<1x16xf32> to vector<16xf32>
      %swap3A_305 = vector.shape_cast %get3A_115 : vector<16xf32> to vector<1x16xf32>
      tpu.vector_store %arg8[%swap3A_301, %swap3A_302], %swap3A_305 {add = true, strides = array<i32>} : memref<32x1024xf32, #tpu.memory_space<vmem>>, vector<1x16xf32>,
      %swap3A_306 = arith.constant 31 : i32
      %swap3A_307 = arith.index_cast %swap3A_306 : i32 to index
      %swap3A_308 = arith.index_cast %multiple_of3A : i32 to index
      %swap3A_309 = tpu.vector_load %arg8[%swap3A_307, %swap3A_308] {strides = array<i32>} : memref<32x1024xf32, #tpu.memory_space<vmem>>, vector<1x16xf32>,
      %swap3A_310 = vector.shape_cast %swap3A_309 : vector<1x16xf32> to vector<16xf32>
      %swap3A_311 = vector.shape_cast %get3A_120 : vector<16xf32> to vector<1x16xf32>
      tpu.vector_store %arg8[%swap3A_307, %swap3A_308], %swap3A_311 {add = true, strides = array<i32>} : memref<32x1024xf32, #tpu.memory_space<vmem>>, vector<1x16xf32>,
      %mul3A_312 = arith.constant 2 : i32
      %mul3A_313 = arith.muli %mul3A_312, %scan3A_95 : i32
      %add3A_314 = arith.constant 1 : i32
      %add3A_315 = arith.addi %mul3A_313, %add3A_314 : i32
      %mul3A_316 = arith.constant 16 : i32
      %mul3A_317 = arith.muli %add3A_315, %mul3A_316 : i32
      %multiple_of3A_318 = tpu.assume_multiple %mul3A_317, 16 : i32
      %get3A_319 = arith.constant 0 : i32
      %get3A_320 = arith.index_cast %get3A_319 : i32 to index
      %get3A_321 = arith.index_cast %multiple_of3A_318 : i32 to index
      %get3A_322 = tpu.vector_load %arg7[%get3A_320, %get3A_321] {strides = array<i32>} : memref<4x1024xf32, #tpu.memory_space<vmem>>, vector<1x16xf32>,
      %get3A_323 = vector.shape_cast %get3A_322 : vector<1x16xf32> to vector<16xf32>
      %get3A_324 = arith.constant 1 : i32
      %get3A_325 = arith.index_cast %get3A_324 : i32 to index
      %get3A_326 = arith.index_cast %multiple_of3A_318 : i32 to index
      %get3A_327 = tpu.vector_load %arg7[%get3A_325, %get3A_326] {strides = array<i32>} : memref<4x1024xf32, #tpu.memory_space<vmem>>, vector<1x16xf32>,
      %get3A_328 = vector.shape_cast %get3A_327 : vector<1x16xf32> to vector<16xf32>
      %get3A_329 = arith.constant 2 : i32
      %get3A_330 = arith.index_cast %get3A_329 : i32 to index
      %get3A_331 = arith.index_cast %multiple_of3A_318 : i32 to index
      %get3A_332 = tpu.vector_load %arg7[%get3A_330, %get3A_331] {strides = array<i32>} : memref<4x1024xf32, #tpu.memory_space<vmem>>, vector<1x16xf32>,
      %get3A_333 = vector.shape_cast %get3A_332 : vector<1x16xf32> to vector<16xf32>
      %get3A_334 = arith.constant 3 : i32
      %get3A_335 = arith.index_cast %get3A_334 : i32 to index
      %get3A_336 = arith.index_cast %multiple_of3A_318 : i32 to index
      %get3A_337 = tpu.vector_load %arg7[%get3A_335, %get3A_336] {strides = array<i32>} : memref<4x1024xf32, #tpu.memory_space<vmem>>, vector<1x16xf32>,
      %get3A_338 = vector.shape_cast %get3A_337 : vector<1x16xf32> to vector<16xf32>
      %swap3A_339 = arith.constant 0 : i32
      %swap3A_340 = arith.index_cast %swap3A_339 : i32 to index
      %swap3A_341 = arith.index_cast %multiple_of3A_318 : i32 to index
      %swap3A_342 = tpu.vector_load %arg8[%swap3A_340, %swap3A_341] {strides = array<i32>} : memref<32x1024xf32, #tpu.memory_space<vmem>>, vector<1x16xf32>,
      %swap3A_343 = vector.shape_cast %swap3A_342 : vector<1x16xf32> to vector<16xf32>
      %swap3A_344 = vector.shape_cast %get3A_323 : vector<16xf32> to vector<1x16xf32>
      tpu.vector_store %arg8[%swap3A_340, %swap3A_341], %swap3A_344 {add = true, strides = array<i32>} : memref<32x1024xf32, #tpu.memory_space<vmem>>, vector<1x16xf32>,
      %swap3A_345 = arith.constant 1 : i32
      %swap3A_346 = arith.index_cast %swap3A_345 : i32 to index
      %swap3A_347 = arith.index_cast %multiple_of3A_318 : i32 to index
      %swap3A_348 = tpu.vector_load %arg8[%swap3A_346, %swap3A_347] {strides = array<i32>} : memref<32x1024xf32, #tpu.memory_space<vmem>>, vector<1x16xf32>,
      %swap3A_349 = vector.shape_cast %swap3A_348 : vector<1x16xf32> to vector<16xf32>
      %swap3A_350 = vector.shape_cast %get3A_328 : vector<16xf32> to vector<1x16xf32>
      tpu.vector_store %arg8[%swap3A_346, %swap3A_347], %swap3A_350 {add = true, strides = array<i32>} : memref<32x1024xf32, #tpu.memory_space<vmem>>, vector<1x16xf32>,
      %swap3A_351 = arith.constant 2 : i32
      %swap3A_352 = arith.index_cast %swap3A_351 : i32 to index
      %swap3A_353 = arith.index_cast %multiple_of3A_318 : i32 to index
      %swap3A_354 = tpu.vector_load %arg8[%swap3A_352, %swap3A_353] {strides = array<i32>} : memref<32x1024xf32, #tpu.memory_space<vmem>>, vector<1x16xf32>,
      %swap3A_355 = vector.shape_cast %swap3A_354 : vector<1x16xf32> to vector<16xf32>
      %swap3A_356 = vector.shape_cast %get3A_333 : vector<16xf32> to vector<1x16xf32>
      tpu.vector_store %arg8[%swap3A_352, %swap3A_353], %swap3A_356 {add = true, strides = array<i32>} : memref<32x1024xf32, #tpu.memory_space<vmem>>, vector<1x16xf32>,
      %swap3A_357 = arith.constant 3 : i32
      %swap3A_358 = arith.index_cast %swap3A_357 : i32 to index
      %swap3A_359 = arith.index_cast %multiple_of3A_318 : i32 to index
      %swap3A_360 = tpu.vector_load %arg8[%swap3A_358, %swap3A_359] {strides = array<i32>} : memref<32x1024xf32, #tpu.memory_space<vmem>>, vector<1x16xf32>,
      %swap3A_361 = vector.shape_cast %swap3A_360 : vector<1x16xf32> to vector<16xf32>
      %swap3A_362 = vector.shape_cast %get3A_338 : vector<16xf32> to vector<1x16xf32>
      tpu.vector_store %arg8[%swap3A_358, %swap3A_359], %swap3A_362 {add = true, strides = array<i32>} : memref<32x1024xf32, #tpu.memory_space<vmem>>, vector<1x16xf32>,
      %swap3A_363 = arith.constant 4 : i32
      %swap3A_364 = arith.index_cast %swap3A_363 : i32 to index
      %swap3A_365 = arith.index_cast %multiple_of3A_318 : i32 to index
      %swap3A_366 = tpu.vector_load %arg8[%swap3A_364, %swap3A_365] {strides = array<i32>} : memref<32x1024xf32, #tpu.memory_space<vmem>>, vector<1x16xf32>,
      %swap3A_367 = vector.shape_cast %swap3A_366 : vector<1x16xf32> to vector<16xf32>
      %swap3A_368 = vector.shape_cast %get3A_323 : vector<16xf32> to vector<1x16xf32>
      tpu.vector_store %arg8[%swap3A_364, %swap3A_365], %swap3A_368 {add = true, strides = array<i32>} : memref<32x1024xf32, #tpu.memory_space<vmem>>, vector<1x16xf32>,
      %swap3A_369 = arith.constant 5 : i32
      %swap3A_370 = arith.index_cast %swap3A_369 : i32 to index
      %swap3A_371 = arith.index_cast %multiple_of3A_318 : i32 to index
      %swap3A_372 = tpu.vector_load %arg8[%swap3A_370, %swap3A_371] {strides = array<i32>} : memref<32x1024xf32, #tpu.memory_space<vmem>>, vector<1x16xf32>,
      %swap3A_373 = vector.shape_cast %swap3A_372 : vector<1x16xf32> to vector<16xf32>
      %swap3A_374 = vector.shape_cast %get3A_328 : vector<16xf32> to vector<1x16xf32>
      tpu.vector_store %arg8[%swap3A_370, %swap3A_371], %swap3A_374 {add = true, strides = array<i32>} : memref<32x1024xf32, #tpu.memory_space<vmem>>, vector<1x16xf32>,
      %swap3A_375 = arith.constant 6 : i32
      %swap3A_376 = arith.index_cast %swap3A_375 : i32 to index
      %swap3A_377 = arith.index_cast %multiple_of3A_318 : i32 to index
      %swap3A_378 = tpu.vector_load %arg8[%swap3A_376, %swap3A_377] {strides = array<i32>} : memref<32x1024xf32, #tpu.memory_space<vmem>>, vector<1x16xf32>,
      %swap3A_379 = vector.shape_cast %swap3A_378 : vector<1x16xf32> to vector<16xf32>
      %swap3A_380 = vector.shape_cast %get3A_333 : vector<16xf32> to vector<1x16xf32>
      tpu.vector_store %arg8[%swap3A_376, %swap3A_377], %swap3A_380 {add = true, strides = array<i32>} : memref<32x1024xf32, #tpu.memory_space<vmem>>, vector<1x16xf32>,
      %swap3A_381 = arith.constant 7 : i32
      %swap3A_382 = arith.index_cast %swap3A_381 : i32 to index
      %swap3A_383 = arith.index_cast %multiple_of3A_318 : i32 to index
      %swap3A_384 = tpu.vector_load %arg8[%swap3A_382, %swap3A_383] {strides = array<i32>} : memref<32x1024xf32, #tpu.memory_space<vmem>>, vector<1x16xf32>,
      %swap3A_385 = vector.shape_cast %swap3A_384 : vector<1x16xf32> to vector<16xf32>
      %swap3A_386 = vector.shape_cast %get3A_338 : vector<16xf32> to vector<1x16xf32>
      tpu.vector_store %arg8[%swap3A_382, %swap3A_383], %swap3A_386 {add = true, strides = array<i32>} : memref<32x1024xf32, #tpu.memory_space<vmem>>, vector<1x16xf32>,
      %swap3A_387 = arith.constant 8 : i32
      %swap3A_388 = arith.index_cast %swap3A_387 : i32 to index
      %swap3A_389 = arith.index_cast %multiple_of3A_318 : i32 to index
      %swap3A_390 = tpu.vector_load %arg8[%swap3A_388, %swap3A_389] {strides = array<i32>} : memref<32x1024xf32, #tpu.memory_space<vmem>>, vector<1x16xf32>,
      %swap3A_391 = vector.shape_cast %swap3A_390 : vector<1x16xf32> to vector<16xf32>
      %swap3A_392 = vector.shape_cast %get3A_323 : vector<16xf32> to vector<1x16xf32>
      tpu.vector_store %arg8[%swap3A_388, %swap3A_389], %swap3A_392 {add = true, strides = array<i32>} : memref<32x1024xf32, #tpu.memory_space<vmem>>, vector<1x16xf32>,
      %swap3A_393 = arith.constant 9 : i32
      %swap3A_394 = arith.index_cast %swap3A_393 : i32 to index
      %swap3A_395 = arith.index_cast %multiple_of3A_318 : i32 to index
      %swap3A_396 = tpu.vector_load %arg8[%swap3A_394, %swap3A_395] {strides = array<i32>} : memref<32x1024xf32, #tpu.memory_space<vmem>>, vector<1x16xf32>,
      %swap3A_397 = vector.shape_cast %swap3A_396 : vector<1x16xf32> to vector<16xf32>
      %swap3A_398 = vector.shape_cast %get3A_328 : vector<16xf32> to vector<1x16xf32>
      tpu.vector_store %arg8[%swap3A_394, %swap3A_395], %swap3A_398 {add = true, strides = array<i32>} : memref<32x1024xf32, #tpu.memory_space<vmem>>, vector<1x16xf32>,
      %swap3A_399 = arith.constant 10 : i32
      %swap3A_400 = arith.index_cast %swap3A_399 : i32 to index
      %swap3A_401 = arith.index_cast %multiple_of3A_318 : i32 to index
      %swap3A_402 = tpu.vector_load %arg8[%swap3A_400, %swap3A_401] {strides = array<i32>} : memref<32x1024xf32, #tpu.memory_space<vmem>>, vector<1x16xf32>,
      %swap3A_403 = vector.shape_cast %swap3A_402 : vector<1x16xf32> to vector<16xf32>
      %swap3A_404 = vector.shape_cast %get3A_333 : vector<16xf32> to vector<1x16xf32>
      tpu.vector_store %arg8[%swap3A_400, %swap3A_401], %swap3A_404 {add = true, strides = array<i32>} : memref<32x1024xf32, #tpu.memory_space<vmem>>, vector<1x16xf32>,
      %swap3A_405 = arith.constant 11 : i32
      %swap3A_406 = arith.index_cast %swap3A_405 : i32 to index
      %swap3A_407 = arith.index_cast %multiple_of3A_318 : i32 to index
      %swap3A_408 = tpu.vector_load %arg8[%swap3A_406, %swap3A_407] {strides = array<i32>} : memref<32x1024xf32, #tpu.memory_space<vmem>>, vector<1x16xf32>,
      %swap3A_409 = vector.shape_cast %swap3A_408 : vector<1x16xf32> to vector<16xf32>
      %swap3A_410 = vector.shape_cast %get3A_338 : vector<16xf32> to vector<1x16xf32>
      tpu.vector_store %arg8[%swap3A_406, %swap3A_407], %swap3A_410 {add = true, strides = array<i32>} : memref<32x1024xf32, #tpu.memory_space<vmem>>, vector<1x16xf32>,
      %swap3A_411 = arith.constant 12 : i32
      %swap3A_412 = arith.index_cast %swap3A_411 : i32 to index
      %swap3A_413 = arith.index_cast %multiple_of3A_318 : i32 to index
      %swap3A_414 = tpu.vector_load %arg8[%swap3A_412, %swap3A_413] {strides = array<i32>} : memref<32x1024xf32, #tpu.memory_space<vmem>>, vector<1x16xf32>,
      %swap3A_415 = vector.shape_cast %swap3A_414 : vector<1x16xf32> to vector<16xf32>
      %swap3A_416 = vector.shape_cast %get3A_323 : vector<16xf32> to vector<1x16xf32>
      tpu.vector_store %arg8[%swap3A_412, %swap3A_413], %swap3A_416 {add = true, strides = array<i32>} : memref<32x1024xf32, #tpu.memory_space<vmem>>, vector<1x16xf32>,
      %swap3A_417 = arith.constant 13 : i32
      %swap3A_418 = arith.index_cast %swap3A_417 : i32 to index
      %swap3A_419 = arith.index_cast %multiple_of3A_318 : i32 to index
      %swap3A_420 = tpu.vector_load %arg8[%swap3A_418, %swap3A_419] {strides = array<i32>} : memref<32x1024xf32, #tpu.memory_space<vmem>>, vector<1x16xf32>,
      %swap3A_421 = vector.shape_cast %swap3A_420 : vector<1x16xf32> to vector<16xf32>
      %swap3A_422 = vector.shape_cast %get3A_328 : vector<16xf32> to vector<1x16xf32>
      tpu.vector_store %arg8[%swap3A_418, %swap3A_419], %swap3A_422 {add = true, strides = array<i32>} : memref<32x1024xf32, #tpu.memory_space<vmem>>, vector<1x16xf32>,
      %swap3A_423 = arith.constant 14 : i32
      %swap3A_424 = arith.index_cast %swap3A_423 : i32 to index
      %swap3A_425 = arith.index_cast %multiple_of3A_318 : i32 to index
      %swap3A_426 = tpu.vector_load %arg8[%swap3A_424, %swap3A_425] {strides = array<i32>} : memref<32x1024xf32, #tpu.memory_space<vmem>>, vector<1x16xf32>,
      %swap3A_427 = vector.shape_cast %swap3A_426 : vector<1x16xf32> to vector<16xf32>
      %swap3A_428 = vector.shape_cast %get3A_333 : vector<16xf32> to vector<1x16xf32>
      tpu.vector_store %arg8[%swap3A_424, %swap3A_425], %swap3A_428 {add = true, strides = array<i32>} : memref<32x1024xf32, #tpu.memory_space<vmem>>, vector<1x16xf32>,
      %swap3A_429 = arith.constant 15 : i32
      %swap3A_430 = arith.index_cast %swap3A_429 : i32 to index
      %swap3A_431 = arith.index_cast %multiple_of3A_318 : i32 to index
      %swap3A_432 = tpu.vector_load %arg8[%swap3A_430, %swap3A_431] {strides = array<i32>} : memref<32x1024xf32, #tpu.memory_space<vmem>>, vector<1x16xf32>,
      %swap3A_433 = vector.shape_cast %swap3A_432 : vector<1x16xf32> to vector<16xf32>
      %swap3A_434 = vector.shape_cast %get3A_338 : vector<16xf32> to vector<1x16xf32>
      tpu.vector_store %arg8[%swap3A_430, %swap3A_431], %swap3A_434 {add = true, strides = array<i32>} : memref<32x1024xf32, #tpu.memory_space<vmem>>, vector<1x16xf32>,
      %swap3A_435 = arith.constant 16 : i32
      %swap3A_436 = arith.index_cast %swap3A_435 : i32 to index
      %swap3A_437 = arith.index_cast %multiple_of3A_318 : i32 to index
      %swap3A_438 = tpu.vector_load %arg8[%swap3A_436, %swap3A_437] {strides = array<i32>} : memref<32x1024xf32, #tpu.memory_space<vmem>>, vector<1x16xf32>,
      %swap3A_439 = vector.shape_cast %swap3A_438 : vector<1x16xf32> to vector<16xf32>
      %swap3A_440 = vector.shape_cast %get3A_323 : vector<16xf32> to vector<1x16xf32>
      tpu.vector_store %arg8[%swap3A_436, %swap3A_437], %swap3A_440 {add = true, strides = array<i32>} : memref<32x1024xf32, #tpu.memory_space<vmem>>, vector<1x16xf32>,
      %swap3A_441 = arith.constant 17 : i32
      %swap3A_442 = arith.index_cast %swap3A_441 : i32 to index
      %swap3A_443 = arith.index_cast %multiple_of3A_318 : i32 to index
      %swap3A_444 = tpu.vector_load %arg8[%swap3A_442, %swap3A_443] {strides = array<i32>} : memref<32x1024xf32, #tpu.memory_space<vmem>>, vector<1x16xf32>,
      %swap3A_445 = vector.shape_cast %swap3A_444 : vector<1x16xf32> to vector<16xf32>
      %swap3A_446 = vector.shape_cast %get3A_328 : vector<16xf32> to vector<1x16xf32>
      tpu.vector_store %arg8[%swap3A_442, %swap3A_443], %swap3A_446 {add = true, strides = array<i32>} : memref<32x1024xf32, #tpu.memory_space<vmem>>, vector<1x16xf32>,
      %swap3A_447 = arith.constant 18 : i32
      %swap3A_448 = arith.index_cast %swap3A_447 : i32 to index
      %swap3A_449 = arith.index_cast %multiple_of3A_318 : i32 to index
      %swap3A_450 = tpu.vector_load %arg8[%swap3A_448, %swap3A_449] {strides = array<i32>} : memref<32x1024xf32, #tpu.memory_space<vmem>>, vector<1x16xf32>,
      %swap3A_451 = vector.shape_cast %swap3A_450 : vector<1x16xf32> to vector<16xf32>
      %swap3A_452 = vector.shape_cast %get3A_333 : vector<16xf32> to vector<1x16xf32>
      tpu.vector_store %arg8[%swap3A_448, %swap3A_449], %swap3A_452 {add = true, strides = array<i32>} : memref<32x1024xf32, #tpu.memory_space<vmem>>, vector<1x16xf32>,
      %swap3A_453 = arith.constant 19 : i32
      %swap3A_454 = arith.index_cast %swap3A_453 : i32 to index
      %swap3A_455 = arith.index_cast %multiple_of3A_318 : i32 to index
      %swap3A_456 = tpu.vector_load %arg8[%swap3A_454, %swap3A_455] {strides = array<i32>} : memref<32x1024xf32, #tpu.memory_space<vmem>>, vector<1x16xf32>,
      %swap3A_457 = vector.shape_cast %swap3A_456 : vector<1x16xf32> to vector<16xf32>
      %swap3A_458 = vector.shape_cast %get3A_338 : vector<16xf32> to vector<1x16xf32>
      tpu.vector_store %arg8[%swap3A_454, %swap3A_455], %swap3A_458 {add = true, strides = array<i32>} : memref<32x1024xf32, #tpu.memory_space<vmem>>, vector<1x16xf32>,
      %swap3A_459 = arith.constant 20 : i32
      %swap3A_460 = arith.index_cast %swap3A_459 : i32 to index
      %swap3A_461 = arith.index_cast %multiple_of3A_318 : i32 to index
      %swap3A_462 = tpu.vector_load %arg8[%swap3A_460, %swap3A_461] {strides = array<i32>} : memref<32x1024xf32, #tpu.memory_space<vmem>>, vector<1x16xf32>,
      %swap3A_463 = vector.shape_cast %swap3A_462 : vector<1x16xf32> to vector<16xf32>
      %swap3A_464 = vector.shape_cast %get3A_323 : vector<16xf32> to vector<1x16xf32>
      tpu.vector_store %arg8[%swap3A_460, %swap3A_461], %swap3A_464 {add = true, strides = array<i32>} : memref<32x1024xf32, #tpu.memory_space<vmem>>, vector<1x16xf32>,
      %swap3A_465 = arith.constant 21 : i32
      %swap3A_466 = arith.index_cast %swap3A_465 : i32 to index
      %swap3A_467 = arith.index_cast %multiple_of3A_318 : i32 to index
      %swap3A_468 = tpu.vector_load %arg8[%swap3A_466, %swap3A_467] {strides = array<i32>} : memref<32x1024xf32, #tpu.memory_space<vmem>>, vector<1x16xf32>,
      %swap3A_469 = vector.shape_cast %swap3A_468 : vector<1x16xf32> to vector<16xf32>
      %swap3A_470 = vector.shape_cast %get3A_328 : vector<16xf32> to vector<1x16xf32>
      tpu.vector_store %arg8[%swap3A_466, %swap3A_467], %swap3A_470 {add = true, strides = array<i32>} : memref<32x1024xf32, #tpu.memory_space<vmem>>, vector<1x16xf32>,
      %swap3A_471 = arith.constant 22 : i32
      %swap3A_472 = arith.index_cast %swap3A_471 : i32 to index
      %swap3A_473 = arith.index_cast %multiple_of3A_318 : i32 to index
      %swap3A_474 = tpu.vector_load %arg8[%swap3A_472, %swap3A_473] {strides = array<i32>} : memref<32x1024xf32, #tpu.memory_space<vmem>>, vector<1x16xf32>,
      %swap3A_475 = vector.shape_cast %swap3A_474 : vector<1x16xf32> to vector<16xf32>
      %swap3A_476 = vector.shape_cast %get3A_333 : vector<16xf32> to vector<1x16xf32>
      tpu.vector_store %arg8[%swap3A_472, %swap3A_473], %swap3A_476 {add = true, strides = array<i32>} : memref<32x1024xf32, #tpu.memory_space<vmem>>, vector<1x16xf32>,
      %swap3A_477 = arith.constant 23 : i32
      %swap3A_478 = arith.index_cast %swap3A_477 : i32 to index
      %swap3A_479 = arith.index_cast %multiple_of3A_318 : i32 to index
      %swap3A_480 = tpu.vector_load %arg8[%swap3A_478, %swap3A_479] {strides = array<i32>} : memref<32x1024xf32, #tpu.memory_space<vmem>>, vector<1x16xf32>,
      %swap3A_481 = vector.shape_cast %swap3A_480 : vector<1x16xf32> to vector<16xf32>
      %swap3A_482 = vector.shape_cast %get3A_338 : vector<16xf32> to vector<1x16xf32>
      tpu.vector_store %arg8[%swap3A_478, %swap3A_479], %swap3A_482 {add = true, strides = array<i32>} : memref<32x1024xf32, #tpu.memory_space<vmem>>, vector<1x16xf32>,
      %swap3A_483 = arith.constant 24 : i32
      %swap3A_484 = arith.index_cast %swap3A_483 : i32 to index
      %swap3A_485 = arith.index_cast %multiple_of3A_318 : i32 to index
      %swap3A_486 = tpu.vector_load %arg8[%swap3A_484, %swap3A_485] {strides = array<i32>} : memref<32x1024xf32, #tpu.memory_space<vmem>>, vector<1x16xf32>,
      %swap3A_487 = vector.shape_cast %swap3A_486 : vector<1x16xf32> to vector<16xf32>
      %swap3A_488 = vector.shape_cast %get3A_323 : vector<16xf32> to vector<1x16xf32>
      tpu.vector_store %arg8[%swap3A_484, %swap3A_485], %swap3A_488 {add = true, strides = array<i32>} : memref<32x1024xf32, #tpu.memory_space<vmem>>, vector<1x16xf32>,
      %swap3A_489 = arith.constant 25 : i32
      %swap3A_490 = arith.index_cast %swap3A_489 : i32 to index
      %swap3A_491 = arith.index_cast %multiple_of3A_318 : i32 to index
      %swap3A_492 = tpu.vector_load %arg8[%swap3A_490, %swap3A_491] {strides = array<i32>} : memref<32x1024xf32, #tpu.memory_space<vmem>>, vector<1x16xf32>,
      %swap3A_493 = vector.shape_cast %swap3A_492 : vector<1x16xf32> to vector<16xf32>
      %swap3A_494 = vector.shape_cast %get3A_328 : vector<16xf32> to vector<1x16xf32>
      tpu.vector_store %arg8[%swap3A_490, %swap3A_491], %swap3A_494 {add = true, strides = array<i32>} : memref<32x1024xf32, #tpu.memory_space<vmem>>, vector<1x16xf32>,
      %swap3A_495 = arith.constant 26 : i32
      %swap3A_496 = arith.index_cast %swap3A_495 : i32 to index
      %swap3A_497 = arith.index_cast %multiple_of3A_318 : i32 to index
      %swap3A_498 = tpu.vector_load %arg8[%swap3A_496, %swap3A_497] {strides = array<i32>} : memref<32x1024xf32, #tpu.memory_space<vmem>>, vector<1x16xf32>,
      %swap3A_499 = vector.shape_cast %swap3A_498 : vector<1x16xf32> to vector<16xf32>
      %swap3A_500 = vector.shape_cast %get3A_333 : vector<16xf32> to vector<1x16xf32>
      tpu.vector_store %arg8[%swap3A_496, %swap3A_497], %swap3A_500 {add = true, strides = array<i32>} : memref<32x1024xf32, #tpu.memory_space<vmem>>, vector<1x16xf32>,
      %swap3A_501 = arith.constant 27 : i32
      %swap3A_502 = arith.index_cast %swap3A_501 : i32 to index
      %swap3A_503 = arith.index_cast %multiple_of3A_318 : i32 to index
      %swap3A_504 = tpu.vector_load %arg8[%swap3A_502, %swap3A_503] {strides = array<i32>} : memref<32x1024xf32, #tpu.memory_space<vmem>>, vector<1x16xf32>,
      %swap3A_505 = vector.shape_cast %swap3A_504 : vector<1x16xf32> to vector<16xf32>
      %swap3A_506 = vector.shape_cast %get3A_338 : vector<16xf32> to vector<1x16xf32>
      tpu.vector_store %arg8[%swap3A_502, %swap3A_503], %swap3A_506 {add = true, strides = array<i32>} : memref<32x1024xf32, #tpu.memory_space<vmem>>, vector<1x16xf32>,
      %swap3A_507 = arith.constant 28 : i32
      %swap3A_508 = arith.index_cast %swap3A_507 : i32 to index
      %swap3A_509 = arith.index_cast %multiple_of3A_318 : i32 to index
      %swap3A_510 = tpu.vector_load %arg8[%swap3A_508, %swap3A_509] {strides = array<i32>} : memref<32x1024xf32, #tpu.memory_space<vmem>>, vector<1x16xf32>,
      %swap3A_511 = vector.shape_cast %swap3A_510 : vector<1x16xf32> to vector<16xf32>
      %swap3A_512 = vector.shape_cast %get3A_323 : vector<16xf32> to vector<1x16xf32>
      tpu.vector_store %arg8[%swap3A_508, %swap3A_509], %swap3A_512 {add = true, strides = array<i32>} : memref<32x1024xf32, #tpu.memory_space<vmem>>, vector<1x16xf32>,
      %swap3A_513 = arith.constant 29 : i32
      %swap3A_514 = arith.index_cast %swap3A_513 : i32 to index
      %swap3A_515 = arith.index_cast %multiple_of3A_318 : i32 to index
      %swap3A_516 = tpu.vector_load %arg8[%swap3A_514, %swap3A_515] {strides = array<i32>} : memref<32x1024xf32, #tpu.memory_space<vmem>>, vector<1x16xf32>,
      %swap3A_517 = vector.shape_cast %swap3A_516 : vector<1x16xf32> to vector<16xf32>
      %swap3A_518 = vector.shape_cast %get3A_328 : vector<16xf32> to vector<1x16xf32>
      tpu.vector_store %arg8[%swap3A_514, %swap3A_515], %swap3A_518 {add = true, strides = array<i32>} : memref<32x1024xf32, #tpu.memory_space<vmem>>, vector<1x16xf32>,
      %swap3A_519 = arith.constant 30 : i32
      %swap3A_520 = arith.index_cast %swap3A_519 : i32 to index
      %swap3A_521 = arith.index_cast %multiple_of3A_318 : i32 to index
      %swap3A_522 = tpu.vector_load %arg8[%swap3A_520, %swap3A_521] {strides = array<i32>} : memref<32x1024xf32, #tpu.memory_space<vmem>>, vector<1x16xf32>,
      %swap3A_523 = vector.shape_cast %swap3A_522 : vector<1x16xf32> to vector<16xf32>
      %swap3A_524 = vector.shape_cast %get3A_333 : vector<16xf32> to vector<1x16xf32>
      tpu.vector_store %arg8[%swap3A_520, %swap3A_521], %swap3A_524 {add = true, strides = array<i32>} : memref<32x1024xf32, #tpu.memory_space<vmem>>, vector<1x16xf32>,
      %swap3A_525 = arith.constant 31 : i32
      %swap3A_526 = arith.index_cast %swap3A_525 : i32 to index
      %swap3A_527 = arith.index_cast %multiple_of3A_318 : i32 to index
      %swap3A_528 = tpu.vector_load %arg8[%swap3A_526, %swap3A_527] {strides = array<i32>} : memref<32x1024xf32, #tpu.memory_space<vmem>>, vector<1x16xf32>,
      %swap3A_529 = vector.shape_cast %swap3A_528 : vector<1x16xf32> to vector<16xf32>
      %swap3A_530 = vector.shape_cast %get3A_338 : vector<16xf32> to vector<1x16xf32>
      tpu.vector_store %arg8[%swap3A_526, %swap3A_527], %swap3A_530 {add = true, strides = array<i32>} : memref<32x1024xf32, #tpu.memory_space<vmem>>, vector<1x16xf32>,
    }
    %scan3A_33 = arith.constant 32 : i32
    %add3A_34 = arith.constant 240 : i32
    %add3A_35 = arith.addi %mul3A_2, %add3A_34 : i32
    %dma_start3A_36 = arith.constant 0 : i32
    %dma_start3A_37 = arith.constant 0 : i32
    %dma_start3A_38 = tpu.memref_slice %arg5[%add3A_35, %dma_start3A_36, %dma_start3A_37] : memref<8192x4x1024xf32, #tpu.memory_space<hbm>> -> memref<8x4x1024xf32, #tpu.memory_space<hbm>>
    %dma_start3A_39 = tpu.memref_reshape %dma_start3A_38 : memref<8x4x1024xf32, #tpu.memory_space<hbm>> -> memref<32x1024xf32, #tpu.memory_space<hbm>>
    %dma_start3A_40 = arith.constant 0 : i32
    %dma_start3A_41 = arith.constant 0 : i32
    %dma_start3A_42 = tpu.memref_slice %arg5[%add3A_35, %dma_start3A_40, %dma_start3A_41] : memref<8192x4x1024xf32, #tpu.memory_space<hbm>> -> memref<8x4x1024xf32, #tpu.memory_space<hbm>>
    %dma_start3A_43 = tpu.memref_reshape %dma_start3A_42 : memref<8x4x1024xf32, #tpu.memory_space<hbm>> -> memref<32x1024xf32, #tpu.memory_space<hbm>>
    tpu.enqueue_dma source(%arg8 : memref<32x1024xf32, #tpu.memory_space<vmem>>) target(%dma_start3A_43 : memref<32x1024xf32, #tpu.memory_space<hbm>>) target_semaphore(%arg14 : memref<!tpu.dma_semaphore, #tpu.memory_space<semaphore_mem>>)
    %dma_wait3A_44 = arith.constant 992 : i32
    %dma_wait3A_45 = tpu.memref_slice %arg6[%dma_wait3A_44] : memref<1024xi32, #tpu.memory_space<vmem>> -> memref<32xi32, #tpu.memory_space<vmem>>
    %dma_wait3A_46 = arith.constant 0 : i32
    %dma_wait3A_47 = arith.constant 0 : i32
    %dma_wait3A_48 = tpu.memref_slice %arg3[%dma_wait3A_46, %dma_wait3A_47] : memref<100000x1024xf32, #tpu.memory_space<hbm>> -> memref<100000x1024xf32, #tpu.memory_space<hbm>>
    tpu.wait_indirect_dma semaphore(%arg12 : memref<!tpu.dma_semaphore, #tpu.memory_space<semaphore_mem>>) src(%dma_wait3A_48 : memref<100000x1024xf32, #tpu.memory_space<hbm>>) dst(%arg9 : memref<32x1024xf32, #tpu.memory_space<vmem>>)
    %scan3A_49 = arith.constant 0 : i32
    %scan3A_50 = arith.constant 0 : i32
    %scan3A_51 = arith.constant 32 : i32
    %scan3A_52 = arith.addi %scan3A_50, %scan3A_51 : i32
    %scan3A_53 = arith.constant 1 : i32
    scf.for %scan3A_95 = %scan3A_50 to %scan3A_52 step %scan3A_53  : i32 {
      %mul3A_96 = arith.constant 2 : i32
      %mul3A_97 = arith.muli %mul3A_96, %scan3A_95 : i32
      %add3A_98 = arith.constant 0 : i32
      %add3A_99 = arith.addi %mul3A_97, %add3A_98 : i32
      %mul3A_100 = arith.constant 16 : i32
      %mul3A_101 = arith.muli %add3A_99, %mul3A_100 : i32
      %multiple_of3A = tpu.assume_multiple %mul3A_101, 16 : i32
      %get3A = arith.constant 0 : i32
      %get3A_102 = arith.index_cast %get3A : i32 to index
      %get3A_103 = arith.index_cast %multiple_of3A : i32 to index
      %get3A_104 = tpu.vector_load %arg7[%get3A_102, %get3A_103] {strides = array<i32>} : memref<4x1024xf32, #tpu.memory_space<vmem>>, vector<1x16xf32>,
      %get3A_105 = vector.shape_cast %get3A_104 : vector<1x16xf32> to vector<16xf32>
      %get3A_106 = arith.constant 1 : i32
      %get3A_107 = arith.index_cast %get3A_106 : i32 to index
      %get3A_108 = arith.index_cast %multiple_of3A : i32 to index
      %get3A_109 = tpu.vector_load %arg7[%get3A_107, %get3A_108] {strides = array<i32>} : memref<4x1024xf32, #tpu.memory_space<vmem>>, vector<1x16xf32>,
      %get3A_110 = vector.shape_cast %get3A_109 : vector<1x16xf32> to vector<16xf32>
      %get3A_111 = arith.constant 2 : i32
      %get3A_112 = arith.index_cast %get3A_111 : i32 to index
      %get3A_113 = arith.index_cast %multiple_of3A : i32 to index
      %get3A_114 = tpu.vector_load %arg7[%get3A_112, %get3A_113] {strides = array<i32>} : memref<4x1024xf32, #tpu.memory_space<vmem>>, vector<1x16xf32>,
      %get3A_115 = vector.shape_cast %get3A_114 : vector<1x16xf32> to vector<16xf32>
      %get3A_116 = arith.constant 3 : i32
      %get3A_117 = arith.index_cast %get3A_116 : i32 to index
      %get3A_118 = arith.index_cast %multiple_of3A : i32 to index
      %get3A_119 = tpu.vector_load %arg7[%get3A_117, %get3A_118] {strides = array<i32>} : memref<4x1024xf32, #tpu.memory_space<vmem>>, vector<1x16xf32>,
      %get3A_120 = vector.shape_cast %get3A_119 : vector<1x16xf32> to vector<16xf32>
      %swap3A = arith.constant 0 : i32
      %swap3A_121 = arith.index_cast %swap3A : i32 to index
      %swap3A_122 = arith.index_cast %multiple_of3A : i32 to index
      %swap3A_123 = tpu.vector_load %arg9[%swap3A_121, %swap3A_122] {strides = array<i32>} : memref<32x1024xf32, #tpu.memory_space<vmem>>, vector<1x16xf32>,
      %swap3A_124 = vector.shape_cast %swap3A_123 : vector<1x16xf32> to vector<16xf32>
      %swap3A_125 = vector.shape_cast %get3A_105 : vector<16xf32> to vector<1x16xf32>
      tpu.vector_store %arg9[%swap3A_121, %swap3A_122], %swap3A_125 {add = true, strides = array<i32>} : memref<32x1024xf32, #tpu.memory_space<vmem>>, vector<1x16xf32>,
      %swap3A_126 = arith.constant 1 : i32
      %swap3A_127 = arith.index_cast %swap3A_126 : i32 to index
      %swap3A_128 = arith.index_cast %multiple_of3A : i32 to index
      %swap3A_129 = tpu.vector_load %arg9[%swap3A_127, %swap3A_128] {strides = array<i32>} : memref<32x1024xf32, #tpu.memory_space<vmem>>, vector<1x16xf32>,
      %swap3A_130 = vector.shape_cast %swap3A_129 : vector<1x16xf32> to vector<16xf32>
      %swap3A_131 = vector.shape_cast %get3A_110 : vector<16xf32> to vector<1x16xf32>
      tpu.vector_store %arg9[%swap3A_127, %swap3A_128], %swap3A_131 {add = true, strides = array<i32>} : memref<32x1024xf32, #tpu.memory_space<vmem>>, vector<1x16xf32>,
      %swap3A_132 = arith.constant 2 : i32
      %swap3A_133 = arith.index_cast %swap3A_132 : i32 to index
      %swap3A_134 = arith.index_cast %multiple_of3A : i32 to index
      %swap3A_135 = tpu.vector_load %arg9[%swap3A_133, %swap3A_134] {strides = array<i32>} : memref<32x1024xf32, #tpu.memory_space<vmem>>, vector<1x16xf32>,
      %swap3A_136 = vector.shape_cast %swap3A_135 : vector<1x16xf32> to vector<16xf32>
      %swap3A_137 = vector.shape_cast %get3A_115 : vector<16xf32> to vector<1x16xf32>
      tpu.vector_store %arg9[%swap3A_133, %swap3A_134], %swap3A_137 {add = true, strides = array<i32>} : memref<32x1024xf32, #tpu.memory_space<vmem>>, vector<1x16xf32>,
      %swap3A_138 = arith.constant 3 : i32
      %swap3A_139 = arith.index_cast %swap3A_138 : i32 to index
      %swap3A_140 = arith.index_cast %multiple_of3A : i32 to index
      %swap3A_141 = tpu.vector_load %arg9[%swap3A_139, %swap3A_140] {strides = array<i32>} : memref<32x1024xf32, #tpu.memory_space<vmem>>, vector<1x16xf32>,
      %swap3A_142 = vector.shape_cast %swap3A_141 : vector<1x16xf32> to vector<16xf32>
      %swap3A_143 = vector.shape_cast %get3A_120 : vector<16xf32> to vector<1x16xf32>
      tpu.vector_store %arg9[%swap3A_139, %swap3A_140], %swap3A_143 {add = true, strides = array<i32>} : memref<32x1024xf32, #tpu.memory_space<vmem>>, vector<1x16xf32>,
      %swap3A_144 = arith.constant 4 : i32
      %swap3A_145 = arith.index_cast %swap3A_144 : i32 to index
      %swap3A_146 = arith.index_cast %multiple_of3A : i32 to index
      %swap3A_147 = tpu.vector_load %arg9[%swap3A_145, %swap3A_146] {strides = array<i32>} : memref<32x1024xf32, #tpu.memory_space<vmem>>, vector<1x16xf32>,
      %swap3A_148 = vector.shape_cast %swap3A_147 : vector<1x16xf32> to vector<16xf32>
      %swap3A_149 = vector.shape_cast %get3A_105 : vector<16xf32> to vector<1x16xf32>
      tpu.vector_store %arg9[%swap3A_145, %swap3A_146], %swap3A_149 {add = true, strides = array<i32>} : memref<32x1024xf32, #tpu.memory_space<vmem>>, vector<1x16xf32>,
      %swap3A_150 = arith.constant 5 : i32
      %swap3A_151 = arith.index_cast %swap3A_150 : i32 to index
      %swap3A_152 = arith.index_cast %multiple_of3A : i32 to index
      %swap3A_153 = tpu.vector_load %arg9[%swap3A_151, %swap3A_152] {strides = array<i32>} : memref<32x1024xf32, #tpu.memory_space<vmem>>, vector<1x16xf32>,
      %swap3A_154 = vector.shape_cast %swap3A_153 : vector<1x16xf32> to vector<16xf32>
      %swap3A_155 = vector.shape_cast %get3A_110 : vector<16xf32> to vector<1x16xf32>
      tpu.vector_store %arg9[%swap3A_151, %swap3A_152], %swap3A_155 {add = true, strides = array<i32>} : memref<32x1024xf32, #tpu.memory_space<vmem>>, vector<1x16xf32>,
      %swap3A_156 = arith.constant 6 : i32
      %swap3A_157 = arith.index_cast %swap3A_156 : i32 to index
      %swap3A_158 = arith.index_cast %multiple_of3A : i32 to index
      %swap3A_159 = tpu.vector_load %arg9[%swap3A_157, %swap3A_158] {strides = array<i32>} : memref<32x1024xf32, #tpu.memory_space<vmem>>, vector<1x16xf32>,
      %swap3A_160 = vector.shape_cast %swap3A_159 : vector<1x16xf32> to vector<16xf32>
      %swap3A_161 = vector.shape_cast %get3A_115 : vector<16xf32> to vector<1x16xf32>
      tpu.vector_store %arg9[%swap3A_157, %swap3A_158], %swap3A_161 {add = true, strides = array<i32>} : memref<32x1024xf32, #tpu.memory_space<vmem>>, vector<1x16xf32>,
      %swap3A_162 = arith.constant 7 : i32
      %swap3A_163 = arith.index_cast %swap3A_162 : i32 to index
      %swap3A_164 = arith.index_cast %multiple_of3A : i32 to index
      %swap3A_165 = tpu.vector_load %arg9[%swap3A_163, %swap3A_164] {strides = array<i32>} : memref<32x1024xf32, #tpu.memory_space<vmem>>, vector<1x16xf32>,
      %swap3A_166 = vector.shape_cast %swap3A_165 : vector<1x16xf32> to vector<16xf32>
      %swap3A_167 = vector.shape_cast %get3A_120 : vector<16xf32> to vector<1x16xf32>
      tpu.vector_store %arg9[%swap3A_163, %swap3A_164], %swap3A_167 {add = true, strides = array<i32>} : memref<32x1024xf32, #tpu.memory_space<vmem>>, vector<1x16xf32>,
      %swap3A_168 = arith.constant 8 : i32
      %swap3A_169 = arith.index_cast %swap3A_168 : i32 to index
      %swap3A_170 = arith.index_cast %multiple_of3A : i32 to index
      %swap3A_171 = tpu.vector_load %arg9[%swap3A_169, %swap3A_170] {strides = array<i32>} : memref<32x1024xf32, #tpu.memory_space<vmem>>, vector<1x16xf32>,
      %swap3A_172 = vector.shape_cast %swap3A_171 : vector<1x16xf32> to vector<16xf32>
      %swap3A_173 = vector.shape_cast %get3A_105 : vector<16xf32> to vector<1x16xf32>
      tpu.vector_store %arg9[%swap3A_169, %swap3A_170], %swap3A_173 {add = true, strides = array<i32>} : memref<32x1024xf32, #tpu.memory_space<vmem>>, vector<1x16xf32>,
      %swap3A_174 = arith.constant 9 : i32
      %swap3A_175 = arith.index_cast %swap3A_174 : i32 to index
      %swap3A_176 = arith.index_cast %multiple_of3A : i32 to index
      %swap3A_177 = tpu.vector_load %arg9[%swap3A_175, %swap3A_176] {strides = array<i32>} : memref<32x1024xf32, #tpu.memory_space<vmem>>, vector<1x16xf32>,
      %swap3A_178 = vector.shape_cast %swap3A_177 : vector<1x16xf32> to vector<16xf32>
      %swap3A_179 = vector.shape_cast %get3A_110 : vector<16xf32> to vector<1x16xf32>
      tpu.vector_store %arg9[%swap3A_175, %swap3A_176], %swap3A_179 {add = true, strides = array<i32>} : memref<32x1024xf32, #tpu.memory_space<vmem>>, vector<1x16xf32>,
      %swap3A_180 = arith.constant 10 : i32
      %swap3A_181 = arith.index_cast %swap3A_180 : i32 to index
      %swap3A_182 = arith.index_cast %multiple_of3A : i32 to index
      %swap3A_183 = tpu.vector_load %arg9[%swap3A_181, %swap3A_182] {strides = array<i32>} : memref<32x1024xf32, #tpu.memory_space<vmem>>, vector<1x16xf32>,
      %swap3A_184 = vector.shape_cast %swap3A_183 : vector<1x16xf32> to vector<16xf32>
      %swap3A_185 = vector.shape_cast %get3A_115 : vector<16xf32> to vector<1x16xf32>
      tpu.vector_store %arg9[%swap3A_181, %swap3A_182], %swap3A_185 {add = true, strides = array<i32>} : memref<32x1024xf32, #tpu.memory_space<vmem>>, vector<1x16xf32>,
      %swap3A_186 = arith.constant 11 : i32
      %swap3A_187 = arith.index_cast %swap3A_186 : i32 to index
      %swap3A_188 = arith.index_cast %multiple_of3A : i32 to index
      %swap3A_189 = tpu.vector_load %arg9[%swap3A_187, %swap3A_188] {strides = array<i32>} : memref<32x1024xf32, #tpu.memory_space<vmem>>, vector<1x16xf32>,
      %swap3A_190 = vector.shape_cast %swap3A_189 : vector<1x16xf32> to vector<16xf32>
      %swap3A_191 = vector.shape_cast %get3A_120 : vector<16xf32> to vector<1x16xf32>
      tpu.vector_store %arg9[%swap3A_187, %swap3A_188], %swap3A_191 {add = true, strides = array<i32>} : memref<32x1024xf32, #tpu.memory_space<vmem>>, vector<1x16xf32>,
      %swap3A_192 = arith.constant 12 : i32
      %swap3A_193 = arith.index_cast %swap3A_192 : i32 to index
      %swap3A_194 = arith.index_cast %multiple_of3A : i32 to index
      %swap3A_195 = tpu.vector_load %arg9[%swap3A_193, %swap3A_194] {strides = array<i32>} : memref<32x1024xf32, #tpu.memory_space<vmem>>, vector<1x16xf32>,
      %swap3A_196 = vector.shape_cast %swap3A_195 : vector<1x16xf32> to vector<16xf32>
      %swap3A_197 = vector.shape_cast %get3A_105 : vector<16xf32> to vector<1x16xf32>
      tpu.vector_store %arg9[%swap3A_193, %swap3A_194], %swap3A_197 {add = true, strides = array<i32>} : memref<32x1024xf32, #tpu.memory_space<vmem>>, vector<1x16xf32>,
      %swap3A_198 = arith.constant 13 : i32
      %swap3A_199 = arith.index_cast %swap3A_198 : i32 to index
      %swap3A_200 = arith.index_cast %multiple_of3A : i32 to index
      %swap3A_201 = tpu.vector_load %arg9[%swap3A_199, %swap3A_200] {strides = array<i32>} : memref<32x1024xf32, #tpu.memory_space<vmem>>, vector<1x16xf32>,
      %swap3A_202 = vector.shape_cast %swap3A_201 : vector<1x16xf32> to vector<16xf32>
      %swap3A_203 = vector.shape_cast %get3A_110 : vector<16xf32> to vector<1x16xf32>
      tpu.vector_store %arg9[%swap3A_199, %swap3A_200], %swap3A_203 {add = true, strides = array<i32>} : memref<32x1024xf32, #tpu.memory_space<vmem>>, vector<1x16xf32>,
      %swap3A_204 = arith.constant 14 : i32
      %swap3A_205 = arith.index_cast %swap3A_204 : i32 to index
      %swap3A_206 = arith.index_cast %multiple_of3A : i32 to index
      %swap3A_207 = tpu.vector_load %arg9[%swap3A_205, %swap3A_206] {strides = array<i32>} : memref<32x1024xf32, #tpu.memory_space<vmem>>, vector<1x16xf32>,
      %swap3A_208 = vector.shape_cast %swap3A_207 : vector<1x16xf32> to vector<16xf32>
      %swap3A_209 = vector.shape_cast %get3A_115 : vector<16xf32> to vector<1x16xf32>
      tpu.vector_store %arg9[%swap3A_205, %swap3A_206], %swap3A_209 {add = true, strides = array<i32>} : memref<32x1024xf32, #tpu.memory_space<vmem>>, vector<1x16xf32>,
      %swap3A_210 = arith.constant 15 : i32
      %swap3A_211 = arith.index_cast %swap3A_210 : i32 to index
      %swap3A_212 = arith.index_cast %multiple_of3A : i32 to index
      %swap3A_213 = tpu.vector_load %arg9[%swap3A_211, %swap3A_212] {strides = array<i32>} : memref<32x1024xf32, #tpu.memory_space<vmem>>, vector<1x16xf32>,
      %swap3A_214 = vector.shape_cast %swap3A_213 : vector<1x16xf32> to vector<16xf32>
      %swap3A_215 = vector.shape_cast %get3A_120 : vector<16xf32> to vector<1x16xf32>
      tpu.vector_store %arg9[%swap3A_211, %swap3A_212], %swap3A_215 {add = true, strides = array<i32>} : memref<32x1024xf32, #tpu.memory_space<vmem>>, vector<1x16xf32>,
      %swap3A_216 = arith.constant 16 : i32
      %swap3A_217 = arith.index_cast %swap3A_216 : i32 to index
      %swap3A_218 = arith.index_cast %multiple_of3A : i32 to index
      %swap3A_219 = tpu.vector_load %arg9[%swap3A_217, %swap3A_218] {strides = array<i32>} : memref<32x1024xf32, #tpu.memory_space<vmem>>, vector<1x16xf32>,
      %swap3A_220 = vector.shape_cast %swap3A_219 : vector<1x16xf32> to vector<16xf32>
      %swap3A_221 = vector.shape_cast %get3A_105 : vector<16xf32> to vector<1x16xf32>
      tpu.vector_store %arg9[%swap3A_217, %swap3A_218], %swap3A_221 {add = true, strides = array<i32>} : memref<32x1024xf32, #tpu.memory_space<vmem>>, vector<1x16xf32>,
      %swap3A_222 = arith.constant 17 : i32
      %swap3A_223 = arith.index_cast %swap3A_222 : i32 to index
      %swap3A_224 = arith.index_cast %multiple_of3A : i32 to index
      %swap3A_225 = tpu.vector_load %arg9[%swap3A_223, %swap3A_224] {strides = array<i32>} : memref<32x1024xf32, #tpu.memory_space<vmem>>, vector<1x16xf32>,
      %swap3A_226 = vector.shape_cast %swap3A_225 : vector<1x16xf32> to vector<16xf32>
      %swap3A_227 = vector.shape_cast %get3A_110 : vector<16xf32> to vector<1x16xf32>
      tpu.vector_store %arg9[%swap3A_223, %swap3A_224], %swap3A_227 {add = true, strides = array<i32>} : memref<32x1024xf32, #tpu.memory_space<vmem>>, vector<1x16xf32>,
      %swap3A_228 = arith.constant 18 : i32
      %swap3A_229 = arith.index_cast %swap3A_228 : i32 to index
      %swap3A_230 = arith.index_cast %multiple_of3A : i32 to index
      %swap3A_231 = tpu.vector_load %arg9[%swap3A_229, %swap3A_230] {strides = array<i32>} : memref<32x1024xf32, #tpu.memory_space<vmem>>, vector<1x16xf32>,
      %swap3A_232 = vector.shape_cast %swap3A_231 : vector<1x16xf32> to vector<16xf32>
      %swap3A_233 = vector.shape_cast %get3A_115 : vector<16xf32> to vector<1x16xf32>
      tpu.vector_store %arg9[%swap3A_229, %swap3A_230], %swap3A_233 {add = true, strides = array<i32>} : memref<32x1024xf32, #tpu.memory_space<vmem>>, vector<1x16xf32>,
      %swap3A_234 = arith.constant 19 : i32
      %swap3A_235 = arith.index_cast %swap3A_234 : i32 to index
      %swap3A_236 = arith.index_cast %multiple_of3A : i32 to index
      %swap3A_237 = tpu.vector_load %arg9[%swap3A_235, %swap3A_236] {strides = array<i32>} : memref<32x1024xf32, #tpu.memory_space<vmem>>, vector<1x16xf32>,
      %swap3A_238 = vector.shape_cast %swap3A_237 : vector<1x16xf32> to vector<16xf32>
      %swap3A_239 = vector.shape_cast %get3A_120 : vector<16xf32> to vector<1x16xf32>
      tpu.vector_store %arg9[%swap3A_235, %swap3A_236], %swap3A_239 {add = true, strides = array<i32>} : memref<32x1024xf32, #tpu.memory_space<vmem>>, vector<1x16xf32>,
      %swap3A_240 = arith.constant 20 : i32
      %swap3A_241 = arith.index_cast %swap3A_240 : i32 to index
      %swap3A_242 = arith.index_cast %multiple_of3A : i32 to index
      %swap3A_243 = tpu.vector_load %arg9[%swap3A_241, %swap3A_242] {strides = array<i32>} : memref<32x1024xf32, #tpu.memory_space<vmem>>, vector<1x16xf32>,
      %swap3A_244 = vector.shape_cast %swap3A_243 : vector<1x16xf32> to vector<16xf32>
      %swap3A_245 = vector.shape_cast %get3A_105 : vector<16xf32> to vector<1x16xf32>
      tpu.vector_store %arg9[%swap3A_241, %swap3A_242], %swap3A_245 {add = true, strides = array<i32>} : memref<32x1024xf32, #tpu.memory_space<vmem>>, vector<1x16xf32>,
      %swap3A_246 = arith.constant 21 : i32
      %swap3A_247 = arith.index_cast %swap3A_246 : i32 to index
      %swap3A_248 = arith.index_cast %multiple_of3A : i32 to index
      %swap3A_249 = tpu.vector_load %arg9[%swap3A_247, %swap3A_248] {strides = array<i32>} : memref<32x1024xf32, #tpu.memory_space<vmem>>, vector<1x16xf32>,
      %swap3A_250 = vector.shape_cast %swap3A_249 : vector<1x16xf32> to vector<16xf32>
      %swap3A_251 = vector.shape_cast %get3A_110 : vector<16xf32> to vector<1x16xf32>
      tpu.vector_store %arg9[%swap3A_247, %swap3A_248], %swap3A_251 {add = true, strides = array<i32>} : memref<32x1024xf32, #tpu.memory_space<vmem>>, vector<1x16xf32>,
      %swap3A_252 = arith.constant 22 : i32
      %swap3A_253 = arith.index_cast %swap3A_252 : i32 to index
      %swap3A_254 = arith.index_cast %multiple_of3A : i32 to index
      %swap3A_255 = tpu.vector_load %arg9[%swap3A_253, %swap3A_254] {strides = array<i32>} : memref<32x1024xf32, #tpu.memory_space<vmem>>, vector<1x16xf32>,
      %swap3A_256 = vector.shape_cast %swap3A_255 : vector<1x16xf32> to vector<16xf32>
      %swap3A_257 = vector.shape_cast %get3A_115 : vector<16xf32> to vector<1x16xf32>
      tpu.vector_store %arg9[%swap3A_253, %swap3A_254], %swap3A_257 {add = true, strides = array<i32>} : memref<32x1024xf32, #tpu.memory_space<vmem>>, vector<1x16xf32>,
      %swap3A_258 = arith.constant 23 : i32
      %swap3A_259 = arith.index_cast %swap3A_258 : i32 to index
      %swap3A_260 = arith.index_cast %multiple_of3A : i32 to index
      %swap3A_261 = tpu.vector_load %arg9[%swap3A_259, %swap3A_260] {strides = array<i32>} : memref<32x1024xf32, #tpu.memory_space<vmem>>, vector<1x16xf32>,
      %swap3A_262 = vector.shape_cast %swap3A_261 : vector<1x16xf32> to vector<16xf32>
      %swap3A_263 = vector.shape_cast %get3A_120 : vector<16xf32> to vector<1x16xf32>
      tpu.vector_store %arg9[%swap3A_259, %swap3A_260], %swap3A_263 {add = true, strides = array<i32>} : memref<32x1024xf32, #tpu.memory_space<vmem>>, vector<1x16xf32>,
      %swap3A_264 = arith.constant 24 : i32
      %swap3A_265 = arith.index_cast %swap3A_264 : i32 to index
      %swap3A_266 = arith.index_cast %multiple_of3A : i32 to index
      %swap3A_267 = tpu.vector_load %arg9[%swap3A_265, %swap3A_266] {strides = array<i32>} : memref<32x1024xf32, #tpu.memory_space<vmem>>, vector<1x16xf32>,
      %swap3A_268 = vector.shape_cast %swap3A_267 : vector<1x16xf32> to vector<16xf32>
      %swap3A_269 = vector.shape_cast %get3A_105 : vector<16xf32> to vector<1x16xf32>
      tpu.vector_store %arg9[%swap3A_265, %swap3A_266], %swap3A_269 {add = true, strides = array<i32>} : memref<32x1024xf32, #tpu.memory_space<vmem>>, vector<1x16xf32>,
      %swap3A_270 = arith.constant 25 : i32
      %swap3A_271 = arith.index_cast %swap3A_270 : i32 to index
      %swap3A_272 = arith.index_cast %multiple_of3A : i32 to index
      %swap3A_273 = tpu.vector_load %arg9[%swap3A_271, %swap3A_272] {strides = array<i32>} : memref<32x1024xf32, #tpu.memory_space<vmem>>, vector<1x16xf32>,
      %swap3A_274 = vector.shape_cast %swap3A_273 : vector<1x16xf32> to vector<16xf32>
      %swap3A_275 = vector.shape_cast %get3A_110 : vector<16xf32> to vector<1x16xf32>
      tpu.vector_store %arg9[%swap3A_271, %swap3A_272], %swap3A_275 {add = true, strides = array<i32>} : memref<32x1024xf32, #tpu.memory_space<vmem>>, vector<1x16xf32>,
      %swap3A_276 = arith.constant 26 : i32
      %swap3A_277 = arith.index_cast %swap3A_276 : i32 to index
      %swap3A_278 = arith.index_cast %multiple_of3A : i32 to index
      %swap3A_279 = tpu.vector_load %arg9[%swap3A_277, %swap3A_278] {strides = array<i32>} : memref<32x1024xf32, #tpu.memory_space<vmem>>, vector<1x16xf32>,
      %swap3A_280 = vector.shape_cast %swap3A_279 : vector<1x16xf32> to vector<16xf32>
      %swap3A_281 = vector.shape_cast %get3A_115 : vector<16xf32> to vector<1x16xf32>
      tpu.vector_store %arg9[%swap3A_277, %swap3A_278], %swap3A_281 {add = true, strides = array<i32>} : memref<32x1024xf32, #tpu.memory_space<vmem>>, vector<1x16xf32>,
      %swap3A_282 = arith.constant 27 : i32
      %swap3A_283 = arith.index_cast %swap3A_282 : i32 to index
      %swap3A_284 = arith.index_cast %multiple_of3A : i32 to index
      %swap3A_285 = tpu.vector_load %arg9[%swap3A_283, %swap3A_284] {strides = array<i32>} : memref<32x1024xf32, #tpu.memory_space<vmem>>, vector<1x16xf32>,
      %swap3A_286 = vector.shape_cast %swap3A_285 : vector<1x16xf32> to vector<16xf32>
      %swap3A_287 = vector.shape_cast %get3A_120 : vector<16xf32> to vector<1x16xf32>
      tpu.vector_store %arg9[%swap3A_283, %swap3A_284], %swap3A_287 {add = true, strides = array<i32>} : memref<32x1024xf32, #tpu.memory_space<vmem>>, vector<1x16xf32>,
      %swap3A_288 = arith.constant 28 : i32
      %swap3A_289 = arith.index_cast %swap3A_288 : i32 to index
      %swap3A_290 = arith.index_cast %multiple_of3A : i32 to index
      %swap3A_291 = tpu.vector_load %arg9[%swap3A_289, %swap3A_290] {strides = array<i32>} : memref<32x1024xf32, #tpu.memory_space<vmem>>, vector<1x16xf32>,
      %swap3A_292 = vector.shape_cast %swap3A_291 : vector<1x16xf32> to vector<16xf32>
      %swap3A_293 = vector.shape_cast %get3A_105 : vector<16xf32> to vector<1x16xf32>
      tpu.vector_store %arg9[%swap3A_289, %swap3A_290], %swap3A_293 {add = true, strides = array<i32>} : memref<32x1024xf32, #tpu.memory_space<vmem>>, vector<1x16xf32>,
      %swap3A_294 = arith.constant 29 : i32
      %swap3A_295 = arith.index_cast %swap3A_294 : i32 to index
      %swap3A_296 = arith.index_cast %multiple_of3A : i32 to index
      %swap3A_297 = tpu.vector_load %arg9[%swap3A_295, %swap3A_296] {strides = array<i32>} : memref<32x1024xf32, #tpu.memory_space<vmem>>, vector<1x16xf32>,
      %swap3A_298 = vector.shape_cast %swap3A_297 : vector<1x16xf32> to vector<16xf32>
      %swap3A_299 = vector.shape_cast %get3A_110 : vector<16xf32> to vector<1x16xf32>
      tpu.vector_store %arg9[%swap3A_295, %swap3A_296], %swap3A_299 {add = true, strides = array<i32>} : memref<32x1024xf32, #tpu.memory_space<vmem>>, vector<1x16xf32>,
      %swap3A_300 = arith.constant 30 : i32
      %swap3A_301 = arith.index_cast %swap3A_300 : i32 to index
      %swap3A_302 = arith.index_cast %multiple_of3A : i32 to index
      %swap3A_303 = tpu.vector_load %arg9[%swap3A_301, %swap3A_302] {strides = array<i32>} : memref<32x1024xf32, #tpu.memory_space<vmem>>, vector<1x16xf32>,
      %swap3A_304 = vector.shape_cast %swap3A_303 : vector<1x16xf32> to vector<16xf32>
      %swap3A_305 = vector.shape_cast %get3A_115 : vector<16xf32> to vector<1x16xf32>
      tpu.vector_store %arg9[%swap3A_301, %swap3A_302], %swap3A_305 {add = true, strides = array<i32>} : memref<32x1024xf32, #tpu.memory_space<vmem>>, vector<1x16xf32>,
      %swap3A_306 = arith.constant 31 : i32
      %swap3A_307 = arith.index_cast %swap3A_306 : i32 to index
      %swap3A_308 = arith.index_cast %multiple_of3A : i32 to index
      %swap3A_309 = tpu.vector_load %arg9[%swap3A_307, %swap3A_308] {strides = array<i32>} : memref<32x1024xf32, #tpu.memory_space<vmem>>, vector<1x16xf32>,
      %swap3A_310 = vector.shape_cast %swap3A_309 : vector<1x16xf32> to vector<16xf32>
      %swap3A_311 = vector.shape_cast %get3A_120 : vector<16xf32> to vector<1x16xf32>
      tpu.vector_store %arg9[%swap3A_307, %swap3A_308], %swap3A_311 {add = true, strides = array<i32>} : memref<32x1024xf32, #tpu.memory_space<vmem>>, vector<1x16xf32>,
      %mul3A_312 = arith.constant 2 : i32
      %mul3A_313 = arith.muli %mul3A_312, %scan3A_95 : i32
      %add3A_314 = arith.constant 1 : i32
      %add3A_315 = arith.addi %mul3A_313, %add3A_314 : i32
      %mul3A_316 = arith.constant 16 : i32
      %mul3A_317 = arith.muli %add3A_315, %mul3A_316 : i32
      %multiple_of3A_318 = tpu.assume_multiple %mul3A_317, 16 : i32
      %get3A_319 = arith.constant 0 : i32
      %get3A_320 = arith.index_cast %get3A_319 : i32 to index
      %get3A_321 = arith.index_cast %multiple_of3A_318 : i32 to index
      %get3A_322 = tpu.vector_load %arg7[%get3A_320, %get3A_321] {strides = array<i32>} : memref<4x1024xf32, #tpu.memory_space<vmem>>, vector<1x16xf32>,
      %get3A_323 = vector.shape_cast %get3A_322 : vector<1x16xf32> to vector<16xf32>
      %get3A_324 = arith.constant 1 : i32
      %get3A_325 = arith.index_cast %get3A_324 : i32 to index
      %get3A_326 = arith.index_cast %multiple_of3A_318 : i32 to index
      %get3A_327 = tpu.vector_load %arg7[%get3A_325, %get3A_326] {strides = array<i32>} : memref<4x1024xf32, #tpu.memory_space<vmem>>, vector<1x16xf32>,
      %get3A_328 = vector.shape_cast %get3A_327 : vector<1x16xf32> to vector<16xf32>
      %get3A_329 = arith.constant 2 : i32
      %get3A_330 = arith.index_cast %get3A_329 : i32 to index
      %get3A_331 = arith.index_cast %multiple_of3A_318 : i32 to index
      %get3A_332 = tpu.vector_load %arg7[%get3A_330, %get3A_331] {strides = array<i32>} : memref<4x1024xf32, #tpu.memory_space<vmem>>, vector<1x16xf32>,
      %get3A_333 = vector.shape_cast %get3A_332 : vector<1x16xf32> to vector<16xf32>
      %get3A_334 = arith.constant 3 : i32
      %get3A_335 = arith.index_cast %get3A_334 : i32 to index
      %get3A_336 = arith.index_cast %multiple_of3A_318 : i32 to index
      %get3A_337 = tpu.vector_load %arg7[%get3A_335, %get3A_336] {strides = array<i32>} : memref<4x1024xf32, #tpu.memory_space<vmem>>, vector<1x16xf32>,
      %get3A_338 = vector.shape_cast %get3A_337 : vector<1x16xf32> to vector<16xf32>
      %swap3A_339 = arith.constant 0 : i32
      %swap3A_340 = arith.index_cast %swap3A_339 : i32 to index
      %swap3A_341 = arith.index_cast %multiple_of3A_318 : i32 to index
      %swap3A_342 = tpu.vector_load %arg9[%swap3A_340, %swap3A_341] {strides = array<i32>} : memref<32x1024xf32, #tpu.memory_space<vmem>>, vector<1x16xf32>,
      %swap3A_343 = vector.shape_cast %swap3A_342 : vector<1x16xf32> to vector<16xf32>
      %swap3A_344 = vector.shape_cast %get3A_323 : vector<16xf32> to vector<1x16xf32>
      tpu.vector_store %arg9[%swap3A_340, %swap3A_341], %swap3A_344 {add = true, strides = array<i32>} : memref<32x1024xf32, #tpu.memory_space<vmem>>, vector<1x16xf32>,
      %swap3A_345 = arith.constant 1 : i32
      %swap3A_346 = arith.index_cast %swap3A_345 : i32 to index
      %swap3A_347 = arith.index_cast %multiple_of3A_318 : i32 to index
      %swap3A_348 = tpu.vector_load %arg9[%swap3A_346, %swap3A_347] {strides = array<i32>} : memref<32x1024xf32, #tpu.memory_space<vmem>>, vector<1x16xf32>,
      %swap3A_349 = vector.shape_cast %swap3A_348 : vector<1x16xf32> to vector<16xf32>
      %swap3A_350 = vector.shape_cast %get3A_328 : vector<16xf32> to vector<1x16xf32>
      tpu.vector_store %arg9[%swap3A_346, %swap3A_347], %swap3A_350 {add = true, strides = array<i32>} : memref<32x1024xf32, #tpu.memory_space<vmem>>, vector<1x16xf32>,
      %swap3A_351 = arith.constant 2 : i32
      %swap3A_352 = arith.index_cast %swap3A_351 : i32 to index
      %swap3A_353 = arith.index_cast %multiple_of3A_318 : i32 to index
      %swap3A_354 = tpu.vector_load %arg9[%swap3A_352, %swap3A_353] {strides = array<i32>} : memref<32x1024xf32, #tpu.memory_space<vmem>>, vector<1x16xf32>,
      %swap3A_355 = vector.shape_cast %swap3A_354 : vector<1x16xf32> to vector<16xf32>
      %swap3A_356 = vector.shape_cast %get3A_333 : vector<16xf32> to vector<1x16xf32>
      tpu.vector_store %arg9[%swap3A_352, %swap3A_353], %swap3A_356 {add = true, strides = array<i32>} : memref<32x1024xf32, #tpu.memory_space<vmem>>, vector<1x16xf32>,
      %swap3A_357 = arith.constant 3 : i32
      %swap3A_358 = arith.index_cast %swap3A_357 : i32 to index
      %swap3A_359 = arith.index_cast %multiple_of3A_318 : i32 to index
      %swap3A_360 = tpu.vector_load %arg9[%swap3A_358, %swap3A_359] {strides = array<i32>} : memref<32x1024xf32, #tpu.memory_space<vmem>>, vector<1x16xf32>,
      %swap3A_361 = vector.shape_cast %swap3A_360 : vector<1x16xf32> to vector<16xf32>
      %swap3A_362 = vector.shape_cast %get3A_338 : vector<16xf32> to vector<1x16xf32>
      tpu.vector_store %arg9[%swap3A_358, %swap3A_359], %swap3A_362 {add = true, strides = array<i32>} : memref<32x1024xf32, #tpu.memory_space<vmem>>, vector<1x16xf32>,
      %swap3A_363 = arith.constant 4 : i32
      %swap3A_364 = arith.index_cast %swap3A_363 : i32 to index
      %swap3A_365 = arith.index_cast %multiple_of3A_318 : i32 to index
      %swap3A_366 = tpu.vector_load %arg9[%swap3A_364, %swap3A_365] {strides = array<i32>} : memref<32x1024xf32, #tpu.memory_space<vmem>>, vector<1x16xf32>,
      %swap3A_367 = vector.shape_cast %swap3A_366 : vector<1x16xf32> to vector<16xf32>
      %swap3A_368 = vector.shape_cast %get3A_323 : vector<16xf32> to vector<1x16xf32>
      tpu.vector_store %arg9[%swap3A_364, %swap3A_365], %swap3A_368 {add = true, strides = array<i32>} : memref<32x1024xf32, #tpu.memory_space<vmem>>, vector<1x16xf32>,
      %swap3A_369 = arith.constant 5 : i32
      %swap3A_370 = arith.index_cast %swap3A_369 : i32 to index
      %swap3A_371 = arith.index_cast %multiple_of3A_318 : i32 to index
      %swap3A_372 = tpu.vector_load %arg9[%swap3A_370, %swap3A_371] {strides = array<i32>} : memref<32x1024xf32, #tpu.memory_space<vmem>>, vector<1x16xf32>,
      %swap3A_373 = vector.shape_cast %swap3A_372 : vector<1x16xf32> to vector<16xf32>
      %swap3A_374 = vector.shape_cast %get3A_328 : vector<16xf32> to vector<1x16xf32>
      tpu.vector_store %arg9[%swap3A_370, %swap3A_371], %swap3A_374 {add = true, strides = array<i32>} : memref<32x1024xf32, #tpu.memory_space<vmem>>, vector<1x16xf32>,
      %swap3A_375 = arith.constant 6 : i32
      %swap3A_376 = arith.index_cast %swap3A_375 : i32 to index
      %swap3A_377 = arith.index_cast %multiple_of3A_318 : i32 to index
      %swap3A_378 = tpu.vector_load %arg9[%swap3A_376, %swap3A_377] {strides = array<i32>} : memref<32x1024xf32, #tpu.memory_space<vmem>>, vector<1x16xf32>,
      %swap3A_379 = vector.shape_cast %swap3A_378 : vector<1x16xf32> to vector<16xf32>
      %swap3A_380 = vector.shape_cast %get3A_333 : vector<16xf32> to vector<1x16xf32>
      tpu.vector_store %arg9[%swap3A_376, %swap3A_377], %swap3A_380 {add = true, strides = array<i32>} : memref<32x1024xf32, #tpu.memory_space<vmem>>, vector<1x16xf32>,
      %swap3A_381 = arith.constant 7 : i32
      %swap3A_382 = arith.index_cast %swap3A_381 : i32 to index
      %swap3A_383 = arith.index_cast %multiple_of3A_318 : i32 to index
      %swap3A_384 = tpu.vector_load %arg9[%swap3A_382, %swap3A_383] {strides = array<i32>} : memref<32x1024xf32, #tpu.memory_space<vmem>>, vector<1x16xf32>,
      %swap3A_385 = vector.shape_cast %swap3A_384 : vector<1x16xf32> to vector<16xf32>
      %swap3A_386 = vector.shape_cast %get3A_338 : vector<16xf32> to vector<1x16xf32>
      tpu.vector_store %arg9[%swap3A_382, %swap3A_383], %swap3A_386 {add = true, strides = array<i32>} : memref<32x1024xf32, #tpu.memory_space<vmem>>, vector<1x16xf32>,
      %swap3A_387 = arith.constant 8 : i32
      %swap3A_388 = arith.index_cast %swap3A_387 : i32 to index
      %swap3A_389 = arith.index_cast %multiple_of3A_318 : i32 to index
      %swap3A_390 = tpu.vector_load %arg9[%swap3A_388, %swap3A_389] {strides = array<i32>} : memref<32x1024xf32, #tpu.memory_space<vmem>>, vector<1x16xf32>,
      %swap3A_391 = vector.shape_cast %swap3A_390 : vector<1x16xf32> to vector<16xf32>
      %swap3A_392 = vector.shape_cast %get3A_323 : vector<16xf32> to vector<1x16xf32>
      tpu.vector_store %arg9[%swap3A_388, %swap3A_389], %swap3A_392 {add = true, strides = array<i32>} : memref<32x1024xf32, #tpu.memory_space<vmem>>, vector<1x16xf32>,
      %swap3A_393 = arith.constant 9 : i32
      %swap3A_394 = arith.index_cast %swap3A_393 : i32 to index
      %swap3A_395 = arith.index_cast %multiple_of3A_318 : i32 to index
      %swap3A_396 = tpu.vector_load %arg9[%swap3A_394, %swap3A_395] {strides = array<i32>} : memref<32x1024xf32, #tpu.memory_space<vmem>>, vector<1x16xf32>,
      %swap3A_397 = vector.shape_cast %swap3A_396 : vector<1x16xf32> to vector<16xf32>
      %swap3A_398 = vector.shape_cast %get3A_328 : vector<16xf32> to vector<1x16xf32>
      tpu.vector_store %arg9[%swap3A_394, %swap3A_395], %swap3A_398 {add = true, strides = array<i32>} : memref<32x1024xf32, #tpu.memory_space<vmem>>, vector<1x16xf32>,
      %swap3A_399 = arith.constant 10 : i32
      %swap3A_400 = arith.index_cast %swap3A_399 : i32 to index
      %swap3A_401 = arith.index_cast %multiple_of3A_318 : i32 to index
      %swap3A_402 = tpu.vector_load %arg9[%swap3A_400, %swap3A_401] {strides = array<i32>} : memref<32x1024xf32, #tpu.memory_space<vmem>>, vector<1x16xf32>,
      %swap3A_403 = vector.shape_cast %swap3A_402 : vector<1x16xf32> to vector<16xf32>
      %swap3A_404 = vector.shape_cast %get3A_333 : vector<16xf32> to vector<1x16xf32>
      tpu.vector_store %arg9[%swap3A_400, %swap3A_401], %swap3A_404 {add = true, strides = array<i32>} : memref<32x1024xf32, #tpu.memory_space<vmem>>, vector<1x16xf32>,
      %swap3A_405 = arith.constant 11 : i32
      %swap3A_406 = arith.index_cast %swap3A_405 : i32 to index
      %swap3A_407 = arith.index_cast %multiple_of3A_318 : i32 to index
      %swap3A_408 = tpu.vector_load %arg9[%swap3A_406, %swap3A_407] {strides = array<i32>} : memref<32x1024xf32, #tpu.memory_space<vmem>>, vector<1x16xf32>,
      %swap3A_409 = vector.shape_cast %swap3A_408 : vector<1x16xf32> to vector<16xf32>
      %swap3A_410 = vector.shape_cast %get3A_338 : vector<16xf32> to vector<1x16xf32>
      tpu.vector_store %arg9[%swap3A_406, %swap3A_407], %swap3A_410 {add = true, strides = array<i32>} : memref<32x1024xf32, #tpu.memory_space<vmem>>, vector<1x16xf32>,
      %swap3A_411 = arith.constant 12 : i32
      %swap3A_412 = arith.index_cast %swap3A_411 : i32 to index
      %swap3A_413 = arith.index_cast %multiple_of3A_318 : i32 to index
      %swap3A_414 = tpu.vector_load %arg9[%swap3A_412, %swap3A_413] {strides = array<i32>} : memref<32x1024xf32, #tpu.memory_space<vmem>>, vector<1x16xf32>,
      %swap3A_415 = vector.shape_cast %swap3A_414 : vector<1x16xf32> to vector<16xf32>
      %swap3A_416 = vector.shape_cast %get3A_323 : vector<16xf32> to vector<1x16xf32>
      tpu.vector_store %arg9[%swap3A_412, %swap3A_413], %swap3A_416 {add = true, strides = array<i32>} : memref<32x1024xf32, #tpu.memory_space<vmem>>, vector<1x16xf32>,
      %swap3A_417 = arith.constant 13 : i32
      %swap3A_418 = arith.index_cast %swap3A_417 : i32 to index
      %swap3A_419 = arith.index_cast %multiple_of3A_318 : i32 to index
      %swap3A_420 = tpu.vector_load %arg9[%swap3A_418, %swap3A_419] {strides = array<i32>} : memref<32x1024xf32, #tpu.memory_space<vmem>>, vector<1x16xf32>,
      %swap3A_421 = vector.shape_cast %swap3A_420 : vector<1x16xf32> to vector<16xf32>
      %swap3A_422 = vector.shape_cast %get3A_328 : vector<16xf32> to vector<1x16xf32>
      tpu.vector_store %arg9[%swap3A_418, %swap3A_419], %swap3A_422 {add = true, strides = array<i32>} : memref<32x1024xf32, #tpu.memory_space<vmem>>, vector<1x16xf32>,
      %swap3A_423 = arith.constant 14 : i32
      %swap3A_424 = arith.index_cast %swap3A_423 : i32 to index
      %swap3A_425 = arith.index_cast %multiple_of3A_318 : i32 to index
      %swap3A_426 = tpu.vector_load %arg9[%swap3A_424, %swap3A_425] {strides = array<i32>} : memref<32x1024xf32, #tpu.memory_space<vmem>>, vector<1x16xf32>,
      %swap3A_427 = vector.shape_cast %swap3A_426 : vector<1x16xf32> to vector<16xf32>
      %swap3A_428 = vector.shape_cast %get3A_333 : vector<16xf32> to vector<1x16xf32>
      tpu.vector_store %arg9[%swap3A_424, %swap3A_425], %swap3A_428 {add = true, strides = array<i32>} : memref<32x1024xf32, #tpu.memory_space<vmem>>, vector<1x16xf32>,
      %swap3A_429 = arith.constant 15 : i32
      %swap3A_430 = arith.index_cast %swap3A_429 : i32 to index
      %swap3A_431 = arith.index_cast %multiple_of3A_318 : i32 to index
      %swap3A_432 = tpu.vector_load %arg9[%swap3A_430, %swap3A_431] {strides = array<i32>} : memref<32x1024xf32, #tpu.memory_space<vmem>>, vector<1x16xf32>,
      %swap3A_433 = vector.shape_cast %swap3A_432 : vector<1x16xf32> to vector<16xf32>
      %swap3A_434 = vector.shape_cast %get3A_338 : vector<16xf32> to vector<1x16xf32>
      tpu.vector_store %arg9[%swap3A_430, %swap3A_431], %swap3A_434 {add = true, strides = array<i32>} : memref<32x1024xf32, #tpu.memory_space<vmem>>, vector<1x16xf32>,
      %swap3A_435 = arith.constant 16 : i32
      %swap3A_436 = arith.index_cast %swap3A_435 : i32 to index
      %swap3A_437 = arith.index_cast %multiple_of3A_318 : i32 to index
      %swap3A_438 = tpu.vector_load %arg9[%swap3A_436, %swap3A_437] {strides = array<i32>} : memref<32x1024xf32, #tpu.memory_space<vmem>>, vector<1x16xf32>,
      %swap3A_439 = vector.shape_cast %swap3A_438 : vector<1x16xf32> to vector<16xf32>
      %swap3A_440 = vector.shape_cast %get3A_323 : vector<16xf32> to vector<1x16xf32>
      tpu.vector_store %arg9[%swap3A_436, %swap3A_437], %swap3A_440 {add = true, strides = array<i32>} : memref<32x1024xf32, #tpu.memory_space<vmem>>, vector<1x16xf32>,
      %swap3A_441 = arith.constant 17 : i32
      %swap3A_442 = arith.index_cast %swap3A_441 : i32 to index
      %swap3A_443 = arith.index_cast %multiple_of3A_318 : i32 to index
      %swap3A_444 = tpu.vector_load %arg9[%swap3A_442, %swap3A_443] {strides = array<i32>} : memref<32x1024xf32, #tpu.memory_space<vmem>>, vector<1x16xf32>,
      %swap3A_445 = vector.shape_cast %swap3A_444 : vector<1x16xf32> to vector<16xf32>
      %swap3A_446 = vector.shape_cast %get3A_328 : vector<16xf32> to vector<1x16xf32>
      tpu.vector_store %arg9[%swap3A_442, %swap3A_443], %swap3A_446 {add = true, strides = array<i32>} : memref<32x1024xf32, #tpu.memory_space<vmem>>, vector<1x16xf32>,
      %swap3A_447 = arith.constant 18 : i32
      %swap3A_448 = arith.index_cast %swap3A_447 : i32 to index
      %swap3A_449 = arith.index_cast %multiple_of3A_318 : i32 to index
      %swap3A_450 = tpu.vector_load %arg9[%swap3A_448, %swap3A_449] {strides = array<i32>} : memref<32x1024xf32, #tpu.memory_space<vmem>>, vector<1x16xf32>,
      %swap3A_451 = vector.shape_cast %swap3A_450 : vector<1x16xf32> to vector<16xf32>
      %swap3A_452 = vector.shape_cast %get3A_333 : vector<16xf32> to vector<1x16xf32>
      tpu.vector_store %arg9[%swap3A_448, %swap3A_449], %swap3A_452 {add = true, strides = array<i32>} : memref<32x1024xf32, #tpu.memory_space<vmem>>, vector<1x16xf32>,
      %swap3A_453 = arith.constant 19 : i32
      %swap3A_454 = arith.index_cast %swap3A_453 : i32 to index
      %swap3A_455 = arith.index_cast %multiple_of3A_318 : i32 to index
      %swap3A_456 = tpu.vector_load %arg9[%swap3A_454, %swap3A_455] {strides = array<i32>} : memref<32x1024xf32, #tpu.memory_space<vmem>>, vector<1x16xf32>,
      %swap3A_457 = vector.shape_cast %swap3A_456 : vector<1x16xf32> to vector<16xf32>
      %swap3A_458 = vector.shape_cast %get3A_338 : vector<16xf32> to vector<1x16xf32>
      tpu.vector_store %arg9[%swap3A_454, %swap3A_455], %swap3A_458 {add = true, strides = array<i32>} : memref<32x1024xf32, #tpu.memory_space<vmem>>, vector<1x16xf32>,
      %swap3A_459 = arith.constant 20 : i32
      %swap3A_460 = arith.index_cast %swap3A_459 : i32 to index
      %swap3A_461 = arith.index_cast %multiple_of3A_318 : i32 to index
      %swap3A_462 = tpu.vector_load %arg9[%swap3A_460, %swap3A_461] {strides = array<i32>} : memref<32x1024xf32, #tpu.memory_space<vmem>>, vector<1x16xf32>,
      %swap3A_463 = vector.shape_cast %swap3A_462 : vector<1x16xf32> to vector<16xf32>
      %swap3A_464 = vector.shape_cast %get3A_323 : vector<16xf32> to vector<1x16xf32>
      tpu.vector_store %arg9[%swap3A_460, %swap3A_461], %swap3A_464 {add = true, strides = array<i32>} : memref<32x1024xf32, #tpu.memory_space<vmem>>, vector<1x16xf32>,
      %swap3A_465 = arith.constant 21 : i32
      %swap3A_466 = arith.index_cast %swap3A_465 : i32 to index
      %swap3A_467 = arith.index_cast %multiple_of3A_318 : i32 to index
      %swap3A_468 = tpu.vector_load %arg9[%swap3A_466, %swap3A_467] {strides = array<i32>} : memref<32x1024xf32, #tpu.memory_space<vmem>>, vector<1x16xf32>,
      %swap3A_469 = vector.shape_cast %swap3A_468 : vector<1x16xf32> to vector<16xf32>
      %swap3A_470 = vector.shape_cast %get3A_328 : vector<16xf32> to vector<1x16xf32>
      tpu.vector_store %arg9[%swap3A_466, %swap3A_467], %swap3A_470 {add = true, strides = array<i32>} : memref<32x1024xf32, #tpu.memory_space<vmem>>, vector<1x16xf32>,
      %swap3A_471 = arith.constant 22 : i32
      %swap3A_472 = arith.index_cast %swap3A_471 : i32 to index
      %swap3A_473 = arith.index_cast %multiple_of3A_318 : i32 to index
      %swap3A_474 = tpu.vector_load %arg9[%swap3A_472, %swap3A_473] {strides = array<i32>} : memref<32x1024xf32, #tpu.memory_space<vmem>>, vector<1x16xf32>,
      %swap3A_475 = vector.shape_cast %swap3A_474 : vector<1x16xf32> to vector<16xf32>
      %swap3A_476 = vector.shape_cast %get3A_333 : vector<16xf32> to vector<1x16xf32>
      tpu.vector_store %arg9[%swap3A_472, %swap3A_473], %swap3A_476 {add = true, strides = array<i32>} : memref<32x1024xf32, #tpu.memory_space<vmem>>, vector<1x16xf32>,
      %swap3A_477 = arith.constant 23 : i32
      %swap3A_478 = arith.index_cast %swap3A_477 : i32 to index
      %swap3A_479 = arith.index_cast %multiple_of3A_318 : i32 to index
      %swap3A_480 = tpu.vector_load %arg9[%swap3A_478, %swap3A_479] {strides = array<i32>} : memref<32x1024xf32, #tpu.memory_space<vmem>>, vector<1x16xf32>,
      %swap3A_481 = vector.shape_cast %swap3A_480 : vector<1x16xf32> to vector<16xf32>
      %swap3A_482 = vector.shape_cast %get3A_338 : vector<16xf32> to vector<1x16xf32>
      tpu.vector_store %arg9[%swap3A_478, %swap3A_479], %swap3A_482 {add = true, strides = array<i32>} : memref<32x1024xf32, #tpu.memory_space<vmem>>, vector<1x16xf32>,
      %swap3A_483 = arith.constant 24 : i32
      %swap3A_484 = arith.index_cast %swap3A_483 : i32 to index
      %swap3A_485 = arith.index_cast %multiple_of3A_318 : i32 to index
      %swap3A_486 = tpu.vector_load %arg9[%swap3A_484, %swap3A_485] {strides = array<i32>} : memref<32x1024xf32, #tpu.memory_space<vmem>>, vector<1x16xf32>,
      %swap3A_487 = vector.shape_cast %swap3A_486 : vector<1x16xf32> to vector<16xf32>
      %swap3A_488 = vector.shape_cast %get3A_323 : vector<16xf32> to vector<1x16xf32>
      tpu.vector_store %arg9[%swap3A_484, %swap3A_485], %swap3A_488 {add = true, strides = array<i32>} : memref<32x1024xf32, #tpu.memory_space<vmem>>, vector<1x16xf32>,
      %swap3A_489 = arith.constant 25 : i32
      %swap3A_490 = arith.index_cast %swap3A_489 : i32 to index
      %swap3A_491 = arith.index_cast %multiple_of3A_318 : i32 to index
      %swap3A_492 = tpu.vector_load %arg9[%swap3A_490, %swap3A_491] {strides = array<i32>} : memref<32x1024xf32, #tpu.memory_space<vmem>>, vector<1x16xf32>,
      %swap3A_493 = vector.shape_cast %swap3A_492 : vector<1x16xf32> to vector<16xf32>
      %swap3A_494 = vector.shape_cast %get3A_328 : vector<16xf32> to vector<1x16xf32>
      tpu.vector_store %arg9[%swap3A_490, %swap3A_491], %swap3A_494 {add = true, strides = array<i32>} : memref<32x1024xf32, #tpu.memory_space<vmem>>, vector<1x16xf32>,
      %swap3A_495 = arith.constant 26 : i32
      %swap3A_496 = arith.index_cast %swap3A_495 : i32 to index
      %swap3A_497 = arith.index_cast %multiple_of3A_318 : i32 to index
      %swap3A_498 = tpu.vector_load %arg9[%swap3A_496, %swap3A_497] {strides = array<i32>} : memref<32x1024xf32, #tpu.memory_space<vmem>>, vector<1x16xf32>,
      %swap3A_499 = vector.shape_cast %swap3A_498 : vector<1x16xf32> to vector<16xf32>
      %swap3A_500 = vector.shape_cast %get3A_333 : vector<16xf32> to vector<1x16xf32>
      tpu.vector_store %arg9[%swap3A_496, %swap3A_497], %swap3A_500 {add = true, strides = array<i32>} : memref<32x1024xf32, #tpu.memory_space<vmem>>, vector<1x16xf32>,
      %swap3A_501 = arith.constant 27 : i32
      %swap3A_502 = arith.index_cast %swap3A_501 : i32 to index
      %swap3A_503 = arith.index_cast %multiple_of3A_318 : i32 to index
      %swap3A_504 = tpu.vector_load %arg9[%swap3A_502, %swap3A_503] {strides = array<i32>} : memref<32x1024xf32, #tpu.memory_space<vmem>>, vector<1x16xf32>,
      %swap3A_505 = vector.shape_cast %swap3A_504 : vector<1x16xf32> to vector<16xf32>
      %swap3A_506 = vector.shape_cast %get3A_338 : vector<16xf32> to vector<1x16xf32>
      tpu.vector_store %arg9[%swap3A_502, %swap3A_503], %swap3A_506 {add = true, strides = array<i32>} : memref<32x1024xf32, #tpu.memory_space<vmem>>, vector<1x16xf32>,
      %swap3A_507 = arith.constant 28 : i32
      %swap3A_508 = arith.index_cast %swap3A_507 : i32 to index
      %swap3A_509 = arith.index_cast %multiple_of3A_318 : i32 to index
      %swap3A_510 = tpu.vector_load %arg9[%swap3A_508, %swap3A_509] {strides = array<i32>} : memref<32x1024xf32, #tpu.memory_space<vmem>>, vector<1x16xf32>,
      %swap3A_511 = vector.shape_cast %swap3A_510 : vector<1x16xf32> to vector<16xf32>
      %swap3A_512 = vector.shape_cast %get3A_323 : vector<16xf32> to vector<1x16xf32>
      tpu.vector_store %arg9[%swap3A_508, %swap3A_509], %swap3A_512 {add = true, strides = array<i32>} : memref<32x1024xf32, #tpu.memory_space<vmem>>, vector<1x16xf32>,
      %swap3A_513 = arith.constant 29 : i32
      %swap3A_514 = arith.index_cast %swap3A_513 : i32 to index
      %swap3A_515 = arith.index_cast %multiple_of3A_318 : i32 to index
      %swap3A_516 = tpu.vector_load %arg9[%swap3A_514, %swap3A_515] {strides = array<i32>} : memref<32x1024xf32, #tpu.memory_space<vmem>>, vector<1x16xf32>,
      %swap3A_517 = vector.shape_cast %swap3A_516 : vector<1x16xf32> to vector<16xf32>
      %swap3A_518 = vector.shape_cast %get3A_328 : vector<16xf32> to vector<1x16xf32>
      tpu.vector_store %arg9[%swap3A_514, %swap3A_515], %swap3A_518 {add = true, strides = array<i32>} : memref<32x1024xf32, #tpu.memory_space<vmem>>, vector<1x16xf32>,
      %swap3A_519 = arith.constant 30 : i32
      %swap3A_520 = arith.index_cast %swap3A_519 : i32 to index
      %swap3A_521 = arith.index_cast %multiple_of3A_318 : i32 to index
      %swap3A_522 = tpu.vector_load %arg9[%swap3A_520, %swap3A_521] {strides = array<i32>} : memref<32x1024xf32, #tpu.memory_space<vmem>>, vector<1x16xf32>,
      %swap3A_523 = vector.shape_cast %swap3A_522 : vector<1x16xf32> to vector<16xf32>
      %swap3A_524 = vector.shape_cast %get3A_333 : vector<16xf32> to vector<1x16xf32>
      tpu.vector_store %arg9[%swap3A_520, %swap3A_521], %swap3A_524 {add = true, strides = array<i32>} : memref<32x1024xf32, #tpu.memory_space<vmem>>, vector<1x16xf32>,
      %swap3A_525 = arith.constant 31 : i32
      %swap3A_526 = arith.index_cast %swap3A_525 : i32 to index
      %swap3A_527 = arith.index_cast %multiple_of3A_318 : i32 to index
      %swap3A_528 = tpu.vector_load %arg9[%swap3A_526, %swap3A_527] {strides = array<i32>} : memref<32x1024xf32, #tpu.memory_space<vmem>>, vector<1x16xf32>,
      %swap3A_529 = vector.shape_cast %swap3A_528 : vector<1x16xf32> to vector<16xf32>
      %swap3A_530 = vector.shape_cast %get3A_338 : vector<16xf32> to vector<1x16xf32>
      tpu.vector_store %arg9[%swap3A_526, %swap3A_527], %swap3A_530 {add = true, strides = array<i32>} : memref<32x1024xf32, #tpu.memory_space<vmem>>, vector<1x16xf32>,
    }
    %scan3A_54 = arith.constant 32 : i32
    %add3A_55 = arith.constant 248 : i32
    %add3A_56 = arith.addi %mul3A_2, %add3A_55 : i32
    %dma_start3A_57 = arith.constant 0 : i32
    %dma_start3A_58 = arith.constant 0 : i32
    %dma_start3A_59 = tpu.memref_slice %arg5[%add3A_56, %dma_start3A_57, %dma_start3A_58] : memref<8192x4x1024xf32, #tpu.memory_space<hbm>> -> memref<8x4x1024xf32, #tpu.memory_space<hbm>>
    %dma_start3A_60 = tpu.memref_reshape %dma_start3A_59 : memref<8x4x1024xf32, #tpu.memory_space<hbm>> -> memref<32x1024xf32, #tpu.memory_space<hbm>>
    %dma_start3A_61 = arith.constant 0 : i32
    %dma_start3A_62 = arith.constant 0 : i32
    %dma_start3A_63 = tpu.memref_slice %arg5[%add3A_56, %dma_start3A_61, %dma_start3A_62] : memref<8192x4x1024xf32, #tpu.memory_space<hbm>> -> memref<8x4x1024xf32, #tpu.memory_space<hbm>>
    %dma_start3A_64 = tpu.memref_reshape %dma_start3A_63 : memref<8x4x1024xf32, #tpu.memory_space<hbm>> -> memref<32x1024xf32, #tpu.memory_space<hbm>>
    tpu.enqueue_dma source(%arg9 : memref<32x1024xf32, #tpu.memory_space<vmem>>) target(%dma_start3A_64 : memref<32x1024xf32, #tpu.memory_space<hbm>>) target_semaphore(%arg15 : memref<!tpu.dma_semaphore, #tpu.memory_space<semaphore_mem>>)
    %add3A_65 = arith.constant 232 : i32
    %add3A_66 = arith.addi %mul3A_2, %add3A_65 : i32
    %dma_wait3A_67 = arith.constant 0 : i32
    %dma_wait3A_68 = arith.constant 0 : i32
    %dma_wait3A_69 = tpu.memref_slice %arg5[%add3A_66, %dma_wait3A_67, %dma_wait3A_68] : memref<8192x4x1024xf32, #tpu.memory_space<hbm>> -> memref<8x4x1024xf32, #tpu.memory_space<hbm>>
    %dma_wait3A_70 = tpu.memref_reshape %dma_wait3A_69 : memref<8x4x1024xf32, #tpu.memory_space<hbm>> -> memref<32x1024xf32, #tpu.memory_space<hbm>>
    %dma_wait3A_71 = arith.constant 0 : i32
    %dma_wait3A_72 = arith.constant 0 : i32
    %dma_wait3A_73 = tpu.memref_slice %arg5[%add3A_66, %dma_wait3A_71, %dma_wait3A_72] : memref<8192x4x1024xf32, #tpu.memory_space<hbm>> -> memref<8x4x1024xf32, #tpu.memory_space<hbm>>
    %dma_wait3A_74 = tpu.memref_reshape %dma_wait3A_73 : memref<8x4x1024xf32, #tpu.memory_space<hbm>> -> memref<32x1024xf32, #tpu.memory_space<hbm>>
    tpu.wait_dma2 semaphore(%arg16 : memref<!tpu.dma_semaphore, #tpu.memory_space<semaphore_mem>>) src(%arg10 : memref<32x1024xf32, #tpu.memory_space<vmem>>) dst(%dma_wait3A_74 : memref<32x1024xf32, #tpu.memory_space<hbm>>)
    %add3A_75 = arith.constant 240 : i32
    %add3A_76 = arith.addi %mul3A_2, %add3A_75 : i32
    %dma_wait3A_77 = arith.constant 0 : i32
    %dma_wait3A_78 = arith.constant 0 : i32
    %dma_wait3A_79 = tpu.memref_slice %arg5[%add3A_76, %dma_wait3A_77, %dma_wait3A_78] : memref<8192x4x1024xf32, #tpu.memory_space<hbm>> -> memref<8x4x1024xf32, #tpu.memory_space<hbm>>
    %dma_wait3A_80 = tpu.memref_reshape %dma_wait3A_79 : memref<8x4x1024xf32, #tpu.memory_space<hbm>> -> memref<32x1024xf32, #tpu.memory_space<hbm>>
    %dma_wait3A_81 = arith.constant 0 : i32
    %dma_wait3A_82 = arith.constant 0 : i32
    %dma_wait3A_83 = tpu.memref_slice %arg5[%add3A_76, %dma_wait3A_81, %dma_wait3A_82] : memref<8192x4x1024xf32, #tpu.memory_space<hbm>> -> memref<8x4x1024xf32, #tpu.memory_space<hbm>>
    %dma_wait3A_84 = tpu.memref_reshape %dma_wait3A_83 : memref<8x4x1024xf32, #tpu.memory_space<hbm>> -> memref<32x1024xf32, #tpu.memory_space<hbm>>
    tpu.wait_dma2 semaphore(%arg14 : memref<!tpu.dma_semaphore, #tpu.memory_space<semaphore_mem>>) src(%arg8 : memref<32x1024xf32, #tpu.memory_space<vmem>>) dst(%dma_wait3A_84 : memref<32x1024xf32, #tpu.memory_space<hbm>>)
    %add3A_85 = arith.constant 248 : i32
    %add3A_86 = arith.addi %mul3A_2, %add3A_85 : i32
    %dma_wait3A_87 = arith.constant 0 : i32
    %dma_wait3A_88 = arith.constant 0 : i32
    %dma_wait3A_89 = tpu.memref_slice %arg5[%add3A_86, %dma_wait3A_87, %dma_wait3A_88] : memref<8192x4x1024xf32, #tpu.memory_space<hbm>> -> memref<8x4x1024xf32, #tpu.memory_space<hbm>>
    %dma_wait3A_90 = tpu.memref_reshape %dma_wait3A_89 : memref<8x4x1024xf32, #tpu.memory_space<hbm>> -> memref<32x1024xf32, #tpu.memory_space<hbm>>
    %dma_wait3A_91 = arith.constant 0 : i32
    %dma_wait3A_92 = arith.constant 0 : i32
    %dma_wait3A_93 = tpu.memref_slice %arg5[%add3A_86, %dma_wait3A_91, %dma_wait3A_92] : memref<8192x4x1024xf32, #tpu.memory_space<hbm>> -> memref<8x4x1024xf32, #tpu.memory_space<hbm>>
    %dma_wait3A_94 = tpu.memref_reshape %dma_wait3A_93 : memref<8x4x1024xf32, #tpu.memory_space<hbm>> -> memref<32x1024xf32, #tpu.memory_space<hbm>>
    tpu.wait_dma2 semaphore(%arg15 : memref<!tpu.dma_semaphore, #tpu.memory_space<semaphore_mem>>) src(%arg9 : memref<32x1024xf32, #tpu.memory_space<vmem>>) dst(%dma_wait3A_94 : memref<32x1024xf32, #tpu.memory_space<hbm>>)
    return
  }
}

</mosaic_0001>

<sc_bundles>
// kernel: kernel.3.cloned.1.call-start
scs
__scs_entry_jumppad:
0x0: {  	(pc) =	sbr.rel $0x88, $3  }
0x1: {  	(tag) =	ssettag $0x0;
	lr =	simm.s32 $0x1  }
0x2: {  	[smem:$0x3F9E] =	sst lr;
	_ =	strace $0xD0000000  }
0x3: {  	_ = 	snop  }
0x4: {  	_ = 	snop  }
0x5: {  	_ = 	snop  }
0x6: {  	_ = 	snop  }
0x7: {  	_ = 	snop  }
__scs_overlays_trampoline_lowered:
0x8: {  	[smem:$0x3FAD] =	sst s0  }
0x9: {  	[smem:$0x3FAE] =	sst s1  }
0xa: {  	[smem:$0x3FAF] =	sst s2  }
0xb: {  	[smem:$0x3FB0] =	sst s3  }
0xc: {  	[smem:$0x3FB1] =	sst s4  }
0xd: {  	[smem:$0x3FB2] =	sst s5  }
0xe: {  	[smem:$0x3FB3] =	sst s6  }
0xf: {  	[smem:$0x3FB4] =	sst s7  }
0x10: {  	[smem:$0x3FB5] =	sst s8  }
0x11: {  	[smem:$0x3FB6] =	sst s9;
	s0 =	simm.s32 @!p0 $0x0  }
0x12: {  	s1 =	sld [smem:$0x3F9C];
	s0 =	simm.s32 @p0 $0x1  }
0x13: {  	[smem:$0x3FB7] =	sst s0;
	s0 =	simm.s32 @!p1 $0x0  }
0x14: {  	s2 =	sld [smem:$0x3F9B];
	s0 =	simm.s32 @p1 $0x1  }
0x15: {  	[smem:$0x3FB8] =	sst s0;
	s0 =	simm.s32 @!p2 $0x0  }
0x16: {  	s3 =	sld [smem:$0x3FDB];
	s0 =	simm.s32 @p2 $0x1  }
0x17: {  	s4 =	simm.s32 $0x1BF5;
	[smem:$0x3FBA] =	sst s0  }
0x18: {  	s0 =	sld [smem:$0x3F9D];
	_ =	swait.ge [sflag:s4], $0x0  }
0x19: {  	s7 =	sld [smem:$0x3F9E]  }
0x1a: {  	s8 =	sadd.s32 $0xFFFFE003, lr  }
0x1b: {  	s9 =	sadd.s32 $0xFFFFFEF7, lr;
	s5 =	simm.s32 $0xFFFFFFFF;
	p2 =	slt.u32 s8, $0xFFFFF086  }
0x1c: {  	p1 =	slt.u32 s9, $0xF7A;
	s5 =	simm.s32 @!p2 $0x0  }
0x1d: {  	s5 =	simm.s32 @p1 $0x1;
	p0 =	seq.s32 s7, s2  }
0x1e: {  	s7 =	smul.u32 @!p0 $0xF7A, s2;
	p2 =	seq.s32 @!p0 s5, $0x0  }
0x1f: {  	s9 =	smul.u32 $0xF7A, s1;
	s8 =	simm.s32 @!p0 $0x1BF5;
	p2 =	por !p2, p0  }
0x20: {  	[sflag:s8] =	ssyncset.s32 @!p0 $0xFFFFF086;
	s6 =	sadd.s32 @!p0 s3, s7;
	s7 =	simm.s32 @!p0 $0x108  }
0x21: {  	s3 =	sadd.s32 s3, s9;
	s6 =	sadd.s32 @!p0 $0x88, s6;
	s7 =	simm.s32 @p2 $0x1082  }
0x22: {  	[simem:s7], [sflag:s8] =	dma.local @!p0 [hbm:s6], $0xF7A  }
0x23: {  	s9 =	sor.u32 $0xD0000000, s2;
	s6 =	simm.s32 $0x108;
	_ =	swait.ge @!p0 [sflag:s8], $0x0  }
0x24: {  	s3 =	sadd.s32 $0x88, s3;
	s6 =	simm.s32 @!p1 $0x1082;
	[sflag:s4] =	ssyncset.s32 $0xFFFFF086  }
0x25: {  	[simem:s6], [sflag:s4] =	dma.local [hbm:s3], $0xF7A  }
0x26: {  	[smem:$0x3F9E] =	sst s1;
	(tag) =	ssettag s2;
	_ =	strace s9  }
0x27: {  	s1 =	sld [smem:$0x3FAE]  }
0x28: {  	s2 =	sld [smem:$0x3FAF]  }
0x29: {  	s4 =	sld [smem:$0x3FB1]  }
0x2a: {  	p0 =	seq.s32 s5, $0x0;
	s5 =	sld [smem:$0x3FB2]  }
0x2b: {  	s6 =	sld [smem:$0x3FB3]  }
0x2c: {  	s7 =	sld [smem:$0x3FB4]  }
0x2d: {  	s3 =	simm.s32 $0x108;
	s8 =	sld [smem:$0x3FB5]  }
0x2e: {  	s3 =	simm.s32 @!p0 $0x1082;
	s9 =	sld [smem:$0x3FB6]  }
0x2f: {  	lr =	sadd.s32 s0, s3;
	s0 =	sld [smem:$0x3FAD]  }
0x30: {  	s3 =	sld [smem:$0x3FB0]  }
0x31: {  	[smem:$0x3FB9] =	sst s10  }
0x32: {  	s10 =	sld [smem:$0x3FB7];
	_ =	sdelay $0x3  }
0x33: {  	p0 =	seq.s32 s10, $0x1;
	s10 =	sld [smem:$0x3FB9];
	_ =	sdelay $0x3  }
0x34: {  	[smem:$0x3FB9] =	sst s10  }
0x35: {  	s10 =	sld [smem:$0x3FB8];
	_ =	sdelay $0x3  }
0x36: {  	p1 =	seq.s32 s10, $0x1;
	s10 =	sld [smem:$0x3FB9];
	_ =	sdelay $0x3  }
0x37: {  	[smem:$0x3FB9] =	sst s10  }
0x38: {  	s10 =	sld [smem:$0x3FBA]  }
0x39: {  	_ = 	snop;
	(pc) =	sbr.ind lr, $3  }
0x3a: {  	_ = 	snop  }
0x3b: {  	_ = 	snop  }
0x3c: {  	p2 =	seq.s32 s10, $0x1;
	s10 =	sld [smem:$0x3FB9]  }
0x3d: {  	_ =	shalt  }
0x3e: {  	_ =	shalt  }
0x3f: {  	_ =	shalt  }
0x40: {  	_ =	shalt  }
0x41: {  	_ =	shalt  }
0x42: {  	_ =	shalt  }
0x43: {  	_ =	shalt  }
0x44: {  	_ =	shalt  }
0x45: {  	_ =	shalt  }
0x46: {  	_ =	shalt  }
0x47: {  	_ =	shalt  }
0x48: {  	_ =	shalt  }
0x49: {  	_ =	shalt  }
0x4a: {  	_ =	shalt  }
0x4b: {  	_ =	shalt  }
0x4c: {  	_ =	shalt  }
0x4d: {  	_ =	shalt  }
0x4e: {  	_ =	shalt  }
0x4f: {  	_ =	shalt  }
0x50: {  	_ =	shalt  }
0x51: {  	_ =	shalt  }
0x52: {  	_ =	shalt  }
0x53: {  	_ =	shalt  }
0x54: {  	_ =	shalt  }
0x55: {  	_ =	shalt  }
0x56: {  	_ =	shalt  }
0x57: {  	_ =	shalt  }
0x58: {  	_ =	shalt  }
0x59: {  	_ =	shalt  }
0x5a: {  	_ =	shalt  }
0x5b: {  	_ =	shalt  }
0x5c: {  	_ =	shalt  }
0x5d: {  	_ =	shalt  }
0x5e: {  	_ =	shalt  }
0x5f: {  	_ =	shalt  }
0x60: {  	_ =	shalt  }
0x61: {  	_ =	shalt  }
0x62: {  	_ =	shalt  }
0x63: {  	_ =	shalt  }
0x64: {  	_ =	shalt  }
0x65: {  	_ =	shalt  }
0x66: {  	_ =	shalt  }
0x67: {  	_ =	shalt  }
0x68: {  	_ =	shalt  }
0x69: {  	_ =	shalt  }
0x6a: {  	_ =	shalt  }
0x6b: {  	_ =	shalt  }
0x6c: {  	_ =	shalt  }
0x6d: {  	_ =	shalt  }
0x6e: {  	_ =	shalt  }
0x6f: {  	_ =	shalt  }
0x70: {  	_ =	shalt  }
0x71: {  	_ =	shalt  }
0x72: {  	_ =	shalt  }
0x73: {  	_ =	shalt  }
0x74: {  	_ =	shalt  }
0x75: {  	_ =	shalt  }
0x76: {  	_ =	shalt  }
0x77: {  	_ =	shalt  }
0x78: {  	_ =	shalt  }
0x79: {  	_ =	shalt  }
0x7a: {  	_ =	shalt  }
0x7b: {  	_ =	shalt  }
0x7c: {  	_ =	shalt  }
0x7d: {  	_ =	shalt  }
0x7e: {  	_ =	shalt  }
0x7f: {  	_ =	shalt  }
0x80: {  	_ =	shalt  }
0x81: {  	_ =	shalt  }
0x82: {  	_ =	shalt  }
0x83: {  	_ =	shalt  }
0x84: {  	_ =	shalt  }
0x85: {  	_ =	shalt  }
0x86: {  	_ =	shalt  }
0x87: {  	_ =	shalt  }
.Lfunc_end0:
.L_simem_size_0:
called_computation_lowered:
.L_overlay_start_0:
0x88: {  	s2 =	sld [smem:$0x3FD9]  }
0x89: {  	s3 =	sld [smem:$0x3FFE];
	_ =	sdelay $0x1  }
0x8a: {  	s1 =	srdreg.scid  }
0x8b: {  	s0 =	sand.u32 $0x1, s1  }
0x8c: {  	s17 =	sshll.u32 s0, $0xA;
	s2 =	sadd.s32 s3, s2  }
0x8d: {  	s2 =	sadd.s32 s2, s17  }
0x8e: {  	[smem:$0x3FC5] =	sst s2  }
0x8f: {  	_ = 	snop  }
0x90: {  	s2 =	sld [smem:$0x3FC8]  }
0x91: {  	s18 =	sld [smem:$0x3FC7]  }
0x92: {  	s4 =	sld [smem:$0x3FD0];
	(tm) =	ssettm $0x1  }
0x93: {  	s5 =	sld [smem:$0x3FFB];
	_ =	sdelay $0x3  }
0x94: {  	_ =	strace s5  }
0x95: {  	s5 =	sld [smem:$0x3FFC];
	_ =	sdelay $0x3  }
0x96: {  	_ =	strace s5  }
0x97: {  	s5 =	sld [smem:$0x3FFD];
	_ =	sdelay $0x3  }
0x98: {  	_ =	strace s5  }
0x99: {  	_ =	strace $0x8FFFFFFF  }
0x9a: {  	s19 =	sld [smem:$0x3FDB];
	_ =	sdelay $0x1  }
0x9b: {  	s6 =	simm.s32 $_scs_section_size  }
0x9c: {  	s7 =	simm.s32 $_size__tile_overlayer_lowered;
	s8 =	simm.s32 $_tile_overlayer_lowered  }
0x9d: {  	s22 =	simm.s32 $0x1BFF;
	s21 =	sshll.u32 s8, $0x1;
	s5 =	sadd.s32 s6, s19  }
0x9e: {  	s9 =	simm.s32 $0x0;
	s20 =	sshll.u32 s7, $0x1;
	s7 =	sadd.s32 s21, s5  }
0x9f: {  	[timem:s9], [sflag:s22] =	dma.local [hbm:s7], s20  }
0xa0: {  	_ =	swait.ge [sflag:s22], s20  }
0xa1: {  	s6 =	ssub.s32 $0x0, s20;
	[sflag:s22] =	ssyncset.done $0x0  }
0xa2: {  	[sflag:s22] =	ssyncadd.s32 s6;
	_ =	sdelay $0x1  }
0xa3: {  	s23 =	simm.s32 $0x1B8B  }
0xa4: {  	_ =	swait.ge [sflag:s23], $0x1  }
0xa5: {  	[sflag:s23] =	ssyncset.done $0x0  }
0xa6: {  	s25 =	simm.s32 $0x1B8E;
	s24 =	sld [smem:$0x3FFE];
	[sflag:s23] =	ssyncadd.s32 $0xFFFFFFFF  }
0xa7: {  	s26 =	simm.s32 $execute0_lowered;
	[smem:$0x3FD2] =	sst s25  }
0xa8: {  	s7 =	sshll.u32 s26, $0x1;
	_ =	strace $0x80000046;
	[dreg:$0x1] =	wrdreg $0xFFFFFFFF  }
0xa9: {  	s28 =	simm.s32 $_size_execute0_lowered;
	s5 =	sadd.s32 s5, s7;
	[dreg:$0x0] =	wrdreg $0x0  }
0xaa: {  	s7 =	sshll.u32 s28, $0x1;
	[dreg:$0x2] =	wrdreg s5  }
0xab: {  	[dreg:$0x3] =	wrdreg s7  }
0xac: {  	[dreg:$0x4] =	wrdreg $0xC0  }
0xad: {  	_ =	task [dreg:s9], $0x5FFFF  }
0xae: {  	[dreg:$0x1] =	wrdreg $0xFFFFFFFF  }
0xaf: {  	[dreg:$0x0] =	wrdreg $0x60  }
0xb0: {  	[dreg:$0x2] =	wrdreg s24  }
0xb1: {  	[dreg:$0x3] =	wrdreg s2  }
0xb2: {  	[dreg:$0x4] =	wrdreg s18  }
0xb3: {  	[dreg:$0x5] =	wrdreg s4  }
0xb4: {  	[dreg:$0x6] =	wrdreg $0x9  }
0xb5: {  	_ =	task.clear_ibuf [dreg:s9], $0x7FFFF;
	_ =	strace $0x90000046  }
0xb6: {  	s29 =	simm.s32 $0x9;
	_ =	strace $0x80000048  }
0xb7: {  	_ =	swait.ge [sflag:s29], $0x1  }
0xb8: {  	[sflag:s29] =	ssyncadd.s32 $0xFFFFFFFF  }
0xb9: {  	_ =	strace $0x90000048  }
0xba: {  	_ =	sfence  }
0xbb: {  	s30 =	sld [smem:$0x0];
	_ =	sdelay $0x2  }
0xbc: {  	s31 =	sshll.u32 s1, $0xD;
	s1 =	sshrl.u32 s1, $0x2  }
0xbd: {  	s3 =	sand.u32 $0x4000, s31;
	s1 =	sadd.s32 s1, s30  }
0xbe: {  	s0 =	sor.u32 s3, s0;
	s1 =	sshll.u32 s1, $0x11  }
0xbf: {  	s0 =	sor.u32 s1, s0  }
0xc0: {  	s0 =	sadd.s32 $0x8F2B, s0  }
0xc1: {  	[sflag:s0] =	ssyncadd.remote.s32 $0x1  }
0xc2: {  	_ =	sfence.sel $0xFFFF  }
0xc3: {  	[dreg:$0x0] =	wrdreg $0xFFFFFFFF;
	(pc) =	sbr.abs _section_cstart, $3  }
0xc4: {  	[dreg:$0x1] =	wrdreg $0xFFFFFFFF  }
0xc5: {  	_ =	task.clear_ibuf [dreg:s9], $0x2FFFF;
	_ =	strace $0x9FFFFFFF  }
0xc6: {  	(tm) =	ssettm $0x7FFFFFFF  }
0xc7: {  	_ =	shalt  }
tec
execute0_lowered:
.L_overlay_start_1:
0x0: {  	(tag) =	ssettag $0x1  }
0x1: {  	s0 =	rddreg [dreg:$0x0]  }
0x2: {  	s4 =	rddreg [dreg:$0x1];
	s1 =	srdreg.scid  }
0x3: {  	s2 =	stileid.u32;
	s5 =	rddreg [dreg:$0x3];
	s3 =	simm.s32 $0x0  }
0x4: {  	s1 =	sand.u32 $0x1, s1;
	[smem:$0x7FF] =	sst s3;
	s23 =	sadd.s32 $0x100, s4  }
0x5: {  	s24 =	sadd.s32 $0x200, s4;
	_ =	strace $0x80000047;
	[smem:$0x7F5] =	sst s23  }
0x6: {  	s2 =	sshll.u32 s2, $0x1;
	s26 =	sadd.s32 $0x300, s4;
	[smem:$0x7F6] =	sst s24  }
0x7: {  	s2 =	sor.u32 s1, s2;
	s1 =	ssub.s32 $0x2, s1;
	[smem:$0x7F7] =	sst s26  }
0x8: {  	s20 =	sshll.u32 s2, $0x7;
	s21 =	sshrl.u32 s1, $0x1;
	s22 =	sshll.u32 s2, $0x8  }
0x9: {  	s25 =	sshll.u32 s2, $0x11;
	s28 =	sor.u32 $0x8, s22;
	[smem:$0x7F9] =	sst s22  }
0xa: {  	s0 =	sadd.s32 s20, s0;
	s29 =	sor.u32 $0x10, s22;
	[smem:$0x7F8] =	sst s28  }
0xb: {  	s1 =	ssub.s32 s1, s21;
	s0 =	sadd.s32 $0x400, s0;
	[smem:$0x7FA] =	sst s29  }
0xc: {  	s31 =	smax.u32 s1, $0x1;
	[smem:$0x7F4] =	sst s0;
	s0 =	sadd.s32 s25, s5  }
0xd: {  	v2 =	vlaneseq.u32;
	[smem:$0x7FD] =	sst s31;
	s30 =	sadd.s32 $0x1E000, s0  }
0xe: {  	vm0 =	vmmov $0xffff;
	v1 =	vshrl.u32 v2, $0x3;
	s0 =	sadd.s32 $0x1F000, s0;
	[smem:$0x7FB] =	sst s30  }
0xf: {  	v0 =	vand.u32 $0x7, v2;
	v2 =	vor.u32 $0x8, v2;
	v1 =	vmul.u32 $0x8, v1;
	s2 =	simm.s32 $0x0;
	[smem:$0x7FC] =	sst s0  }
.LBB2_1:
0x10: {  	s0 =	sld [smem:$0x7F4];
	_ =	sdelay $0x1  }
0x11: {  	[smem:$0x7F3] =	sst s2;
	s1 =	simm.s32 $0x0;
	s8 =	simm.s32 $0x7  }
0x12: {  	[tilespmem:s1], [sflag:$0x7] =	stream.linear.gather [hbm4b:s0+s1], $0x400, $0x38;
	[tilespmem:$0x19400] =	vst v63  }
0x13: {  	_ =	swait.ge [sflag:s8], $0x400  }
0x14: {  	[sflag:s8] =	ssyncset.done $0x0  }
0x15: {  	[sflag:s8] =	ssyncadd.s32 $0xFFFFFC00  }
0x16: {  	s3 =	simm.s32 $0x400;
	s9 =	rddreg [dreg:$0x2]  }
0x17: {  	[tilespmem:s3], [sflag:$0x7] =	stream.linear.gather [hbm4b:s9+s1], $0x1000, $0x38;
	[tilespmem:$0x19400] =	vst v63  }
0x18: {  	_ =	swait.ge [sflag:s8], $0x1000  }
0x19: {  	[sflag:s8] =	ssyncset.done $0x0  }
0x1a: {  	[sflag:s8] =	ssyncadd.s32 $0xFFFFF000  }
0x1b: {  	v3 =	vld [tilespmem:$0x0];
	_ =	sdelay $0x4  }
0x1c: {  	v4 =	vshll.u32 v3, $0x3  }
0x1d: {  	v3 =	vand.u32 $0x7, v3;
	v4 =	vand.u32 $0xFFFFFFC0, v4  }
0x1e: {  	v3 =	vor.u32 v3, v4  }
0x1f: {  	v4 =	vperm.xlane v3, v0;
	_ =	sdelay $0x1  }
0x20: {  	v4 =	vadd.s32 v1, v4;
	_ =	sdelay $0x2  }
0x21: {  	s2 =	sld [smem:$0x7F5]  }
0x22: {  	s10 =	simm.s32 $0x1400;
	s0 =	rddreg [dreg:$0x1]  }
0x23: {  	[tilespmem:s10], [sflag:$0x1] =	stream.indirect_vreg.gather [hbm4b:s0+s1], $0x80, v4, vm0, $0xb8;
	[tilespmem:$0x19400] =	vst v63  }
0x24: {  	s11 =	simm.s32 $0x1C00;
	s3 =	sld [smem:$0x7F6]  }
0x25: {  	[tilespmem:s11], [sflag:$0x1] =	stream.indirect_vreg.gather [hbm4b:s2+s1], $0x80, v4, vm0, $0xb8;
	[tilespmem:$0x19400] =	vst v63  }
0x26: {  	s4 =	simm.s32 $0x2400;
	v3 =	vperm.xlane v3, v2  }
0x27: {  	[tilespmem:s4], [sflag:$0x1] =	stream.indirect_vreg.gather [hbm4b:s3+s1], $0x80, v4, vm0, $0xb8;
	[tilespmem:$0x19400] =	vst v63  }
0x28: {  	v3 =	vadd.s32 v1, v3;
	s4 =	sld [smem:$0x7F7];
	_ =	sdelay $0x1  }
0x29: {  	s5 =	simm.s32 $0x2C00  }
0x2a: {  	[tilespmem:s5], [sflag:$0x1] =	stream.indirect_vreg.gather [hbm4b:s4+s1], $0x80, v4, vm0, $0xb8;
	[tilespmem:$0x19400] =	vst v63  }
0x2b: {  	s12 =	simm.s32 $0x3400  }
0x2c: {  	[tilespmem:s12], [sflag:$0x1] =	stream.indirect_vreg.gather [hbm4b:s0+s1], $0x80, v3, vm0, $0xb8;
	[tilespmem:$0x19400] =	vst v63  }
0x2d: {  	s13 =	simm.s32 $0x3C00  }
0x2e: {  	[tilespmem:s13], [sflag:$0x1] =	stream.indirect_vreg.gather [hbm4b:s2+s1], $0x80, v3, vm0, $0xb8;
	[tilespmem:$0x19400] =	vst v63  }
0x2f: {  	s14 =	simm.s32 $0x4400  }
0x30: {  	[tilespmem:s14], [sflag:$0x1] =	stream.indirect_vreg.gather [hbm4b:s3+s1], $0x80, v3, vm0, $0xb8;
	[tilespmem:$0x19400] =	vst v63  }
0x31: {  	s15 =	simm.s32 $0x4C00  }
0x32: {  	[tilespmem:s15], [sflag:$0x1] =	stream.indirect_vreg.gather [hbm4b:s4+s1], $0x80, v3, vm0, $0xb8;
	[tilespmem:$0x19400] =	vst v63  }
0x33: {  	v3 =	vld [tilespmem:$0x10];
	_ =	sdelay $0x4  }
0x34: {  	v59 =	vshll.u32 v3, $0x3  }
0x35: {  	v3 =	vand.u32 $0x7, v3;
	v4 =	vand.u32 $0xFFFFFFC0, v59  }
0x36: {  	v3 =	vor.u32 v3, v4  }
0x37: {  	v4 =	vperm.xlane v3, v0;
	_ =	sdelay $0x1  }
0x38: {  	v4 =	vadd.s32 v1, v4;
	_ =	sdelay $0x3  }
0x39: {  	s16 =	simm.s32 $0x5400  }
0x3a: {  	[tilespmem:s16], [sflag:$0x1] =	stream.indirect_vreg.gather [hbm4b:s0+s1], $0x80, v4, vm0, $0xb8;
	[tilespmem:$0x19400] =	vst v63  }
0x3b: {  	s17 =	simm.s32 $0x5C00;
	v3 =	vperm.xlane v3, v2  }
0x3c: {  	[tilespmem:s17], [sflag:$0x1] =	stream.indirect_vreg.gather [hbm4b:s2+s1], $0x80, v4, vm0, $0xb8;
	[tilespmem:$0x19400] =	vst v63  }
0x3d: {  	s18 =	simm.s32 $0x6400;
	v3 =	vadd.s32 v1, v3  }
0x3e: {  	[tilespmem:s18], [sflag:$0x1] =	stream.indirect_vreg.gather [hbm4b:s3+s1], $0x80, v4, vm0, $0xb8;
	[tilespmem:$0x19400] =	vst v63  }
0x3f: {  	s19 =	simm.s32 $0x6C00  }
0x40: {  	[tilespmem:s19], [sflag:$0x1] =	stream.indirect_vreg.gather [hbm4b:s4+s1], $0x80, v4, vm0, $0xb8;
	[tilespmem:$0x19400] =	vst v63  }
0x41: {  	s20 =	simm.s32 $0x7400  }
0x42: {  	[tilespmem:s20], [sflag:$0x1] =	stream.indirect_vreg.gather [hbm4b:s0+s1], $0x80, v3, vm0, $0xb8;
	[tilespmem:$0x19400] =	vst v63  }
0x43: {  	s21 =	simm.s32 $0x7C00  }
0x44: {  	[tilespmem:s21], [sflag:$0x1] =	stream.indirect_vreg.gather [hbm4b:s2+s1], $0x80, v3, vm0, $0xb8;
	[tilespmem:$0x19400] =	vst v63  }
0x45: {  	s22 =	simm.s32 $0x8400  }
0x46: {  	[tilespmem:s22], [sflag:$0x1] =	stream.indirect_vreg.gather [hbm4b:s3+s1], $0x80, v3, vm0, $0xb8;
	[tilespmem:$0x19400] =	vst v63  }
0x47: {  	s23 =	simm.s32 $0x8C00  }
0x48: {  	[tilespmem:s23], [sflag:$0x1] =	stream.indirect_vreg.gather [hbm4b:s4+s1], $0x80, v3, vm0, $0xb8;
	[tilespmem:$0x19400] =	vst v63  }
0x49: {  	v3 =	vld [tilespmem:$0x20];
	_ =	sdelay $0x4  }
0x4a: {  	v60 =	vshll.u32 v3, $0x3  }
0x4b: {  	v3 =	vand.u32 $0x7, v3;
	v4 =	vand.u32 $0xFFFFFFC0, v60  }
0x4c: {  	v3 =	vor.u32 v3, v4  }
0x4d: {  	v4 =	vperm.xlane v3, v0;
	_ =	sdelay $0x1  }
0x4e: {  	v4 =	vadd.s32 v1, v4;
	_ =	sdelay $0x3  }
0x4f: {  	s24 =	simm.s32 $0x9400  }
0x50: {  	[tilespmem:s24], [sflag:$0x2] =	stream.indirect_vreg.gather [hbm4b:s0+s1], $0x80, v4, vm0, $0xb8;
	[tilespmem:$0x19400] =	vst v63  }
0x51: {  	s25 =	simm.s32 $0x9C00;
	v3 =	vperm.xlane v3, v2  }
0x52: {  	[tilespmem:s25], [sflag:$0x2] =	stream.indirect_vreg.gather [hbm4b:s2+s1], $0x80, v4, vm0, $0xb8;
	[tilespmem:$0x19400] =	vst v63  }
0x53: {  	s26 =	simm.s32 $0xA400;
	v3 =	vadd.s32 v1, v3  }
0x54: {  	[tilespmem:s26], [sflag:$0x2] =	stream.indirect_vreg.gather [hbm4b:s3+s1], $0x80, v4, vm0, $0xb8;
	[tilespmem:$0x19400] =	vst v63  }
0x55: {  	s28 =	simm.s32 $0xAC00  }
0x56: {  	[tilespmem:s28], [sflag:$0x2] =	stream.indirect_vreg.gather [hbm4b:s4+s1], $0x80, v4, vm0, $0xb8;
	[tilespmem:$0x19400] =	vst v63  }
0x57: {  	s29 =	simm.s32 $0xB400  }
0x58: {  	[tilespmem:s29], [sflag:$0x2] =	stream.indirect_vreg.gather [hbm4b:s0+s1], $0x80, v3, vm0, $0xb8;
	[tilespmem:$0x19400] =	vst v63  }
0x59: {  	s30 =	simm.s32 $0xBC00  }
0x5a: {  	[tilespmem:s30], [sflag:$0x2] =	stream.indirect_vreg.gather [hbm4b:s2+s1], $0x80, v3, vm0, $0xb8;
	[tilespmem:$0x19400] =	vst v63  }
0x5b: {  	s31 =	simm.s32 $0xC400  }
0x5c: {  	[tilespmem:s31], [sflag:$0x2] =	stream.indirect_vreg.gather [hbm4b:s3+s1], $0x80, v3, vm0, $0xb8;
	[tilespmem:$0x19400] =	vst v63  }
0x5d: {  	s6 =	simm.s32 $0xCC00  }
0x5e: {  	[tilespmem:s6], [sflag:$0x2] =	stream.indirect_vreg.gather [hbm4b:s4+s1], $0x80, v3, vm0, $0xb8;
	[tilespmem:$0x19400] =	vst v63  }
0x5f: {  	v3 =	vld [tilespmem:$0x30];
	_ =	sdelay $0x4  }
0x60: {  	v61 =	vshll.u32 v3, $0x3  }
0x61: {  	v3 =	vand.u32 $0x7, v3;
	v4 =	vand.u32 $0xFFFFFFC0, v61  }
0x62: {  	v3 =	vor.u32 v3, v4  }
0x63: {  	v4 =	vperm.xlane v3, v0;
	_ =	sdelay $0x1  }
0x64: {  	v4 =	vadd.s32 v1, v4;
	_ =	sdelay $0x3  }
0x65: {  	s7 =	simm.s32 $0xD400  }
0x66: {  	[tilespmem:s7], [sflag:$0x2] =	stream.indirect_vreg.gather [hbm4b:s0+s1], $0x80, v4, vm0, $0xb8;
	[tilespmem:$0x19400] =	vst v63  }
0x67: {  	s8 =	simm.s32 $0xDC00;
	v3 =	vperm.xlane v3, v2  }
0x68: {  	[tilespmem:s8], [sflag:$0x2] =	stream.indirect_vreg.gather [hbm4b:s2+s1], $0x80, v4, vm0, $0xb8;
	[tilespmem:$0x19400] =	vst v63  }
0x69: {  	s9 =	simm.s32 $0xE400;
	v3 =	vadd.s32 v1, v3  }
0x6a: {  	[tilespmem:s9], [sflag:$0x2] =	stream.indirect_vreg.gather [hbm4b:s3+s1], $0x80, v4, vm0, $0xb8;
	[tilespmem:$0x19400] =	vst v63  }
0x6b: {  	s10 =	simm.s32 $0xEC00  }
0x6c: {  	[tilespmem:s10], [sflag:$0x2] =	stream.indirect_vreg.gather [hbm4b:s4+s1], $0x80, v4, vm0, $0xb8;
	[tilespmem:$0x19400] =	vst v63  }
0x6d: {  	s11 =	simm.s32 $0xF400  }
0x6e: {  	[tilespmem:s11], [sflag:$0x2] =	stream.indirect_vreg.gather [hbm4b:s0+s1], $0x80, v3, vm0, $0xb8;
	[tilespmem:$0x19400] =	vst v63  }
0x6f: {  	s12 =	simm.s32 $0xFC00  }
0x70: {  	[tilespmem:s12], [sflag:$0x2] =	stream.indirect_vreg.gather [hbm4b:s2+s1], $0x80, v3, vm0, $0xb8;
	[tilespmem:$0x19400] =	vst v63  }
0x71: {  	s13 =	simm.s32 $0x10400  }
0x72: {  	[tilespmem:s13], [sflag:$0x2] =	stream.indirect_vreg.gather [hbm4b:s3+s1], $0x80, v3, vm0, $0xb8;
	[tilespmem:$0x19400] =	vst v63  }
0x73: {  	s14 =	simm.s32 $0x10C00  }
0x74: {  	[tilespmem:s14], [sflag:$0x2] =	stream.indirect_vreg.gather [hbm4b:s4+s1], $0x80, v3, vm0, $0xb8;
	[tilespmem:$0x19400] =	vst v63  }
0x75: {  	v3 =	vld [tilespmem:$0x40];
	_ =	sdelay $0x4  }
0x76: {  	v62 =	vshll.u32 v3, $0x3  }
0x77: {  	v3 =	vand.u32 $0x7, v3;
	v4 =	vand.u32 $0xFFFFFFC0, v62  }
0x78: {  	v3 =	vor.u32 v3, v4  }
0x79: {  	v4 =	vperm.xlane v3, v0;
	_ =	sdelay $0x1  }
0x7a: {  	v4 =	vadd.s32 v1, v4;
	_ =	sdelay $0x3  }
0x7b: {  	s15 =	simm.s32 $0x11400  }
0x7c: {  	[tilespmem:s15], [sflag:$0x3] =	stream.indirect_vreg.gather [hbm4b:s0+s1], $0x80, v4, vm0, $0xb8;
	[tilespmem:$0x19400] =	vst v63  }
0x7d: {  	s16 =	simm.s32 $0x11C00;
	v3 =	vperm.xlane v3, v2  }
0x7e: {  	[tilespmem:s16], [sflag:$0x3] =	stream.indirect_vreg.gather [hbm4b:s2+s1], $0x80, v4, vm0, $0xb8;
	[tilespmem:$0x19400] =	vst v63  }
0x7f: {  	s17 =	simm.s32 $0x12400;
	v3 =	vadd.s32 v1, v3  }
0x80: {  	[tilespmem:s17], [sflag:$0x3] =	stream.indirect_vreg.gather [hbm4b:s3+s1], $0x80, v4, vm0, $0xb8;
	[tilespmem:$0x19400] =	vst v63  }
0x81: {  	s18 =	simm.s32 $0x12C00  }
0x82: {  	[tilespmem:s18], [sflag:$0x3] =	stream.indirect_vreg.gather [hbm4b:s4+s1], $0x80, v4, vm0, $0xb8;
	[tilespmem:$0x19400] =	vst v63  }
0x83: {  	s19 =	simm.s32 $0x13400  }
0x84: {  	[tilespmem:s19], [sflag:$0x3] =	stream.indirect_vreg.gather [hbm4b:s0+s1], $0x80, v3, vm0, $0xb8;
	[tilespmem:$0x19400] =	vst v63  }
0x85: {  	s20 =	simm.s32 $0x13C00  }
0x86: {  	[tilespmem:s20], [sflag:$0x3] =	stream.indirect_vreg.gather [hbm4b:s2+s1], $0x80, v3, vm0, $0xb8;
	[tilespmem:$0x19400] =	vst v63  }
0x87: {  	s21 =	simm.s32 $0x14400  }
0x88: {  	[tilespmem:s21], [sflag:$0x3] =	stream.indirect_vreg.gather [hbm4b:s3+s1], $0x80, v3, vm0, $0xb8;
	[tilespmem:$0x19400] =	vst v63  }
0x89: {  	s22 =	simm.s32 $0x14C00  }
0x8a: {  	[tilespmem:s22], [sflag:$0x3] =	stream.indirect_vreg.gather [hbm4b:s4+s1], $0x80, v3, vm0, $0xb8;
	[tilespmem:$0x19400] =	vst v63  }
0x8b: {  	v3 =	vld [tilespmem:$0x50];
	_ =	sdelay $0x4  }
0x8c: {  	v63 =	vshll.u32 v3, $0x3  }
0x8d: {  	v3 =	vand.u32 $0x7, v3;
	v4 =	vand.u32 $0xFFFFFFC0, v63  }
0x8e: {  	v3 =	vor.u32 v3, v4  }
0x8f: {  	v4 =	vperm.xlane v3, v0;
	_ =	sdelay $0x1  }
0x90: {  	v4 =	vadd.s32 v1, v4;
	_ =	sdelay $0x3  }
0x91: {  	s23 =	simm.s32 $0x15400  }
0x92: {  	[tilespmem:s23], [sflag:$0x3] =	stream.indirect_vreg.gather [hbm4b:s0+s1], $0x80, v4, vm0, $0xb8;
	[tilespmem:$0x19400] =	vst v63  }
0x93: {  	s24 =	simm.s32 $0x15C00;
	v3 =	vperm.xlane v3, v2  }
0x94: {  	[tilespmem:s24], [sflag:$0x3] =	stream.indirect_vreg.gather [hbm4b:s2+s1], $0x80, v4, vm0, $0xb8;
	[tilespmem:$0x19400] =	vst v63  }
0x95: {  	s25 =	simm.s32 $0x16400;
	v3 =	vadd.s32 v1, v3  }
0x96: {  	[tilespmem:s25], [sflag:$0x3] =	stream.indirect_vreg.gather [hbm4b:s3+s1], $0x80, v4, vm0, $0xb8;
	[tilespmem:$0x19400] =	vst v63  }
0x97: {  	s26 =	simm.s32 $0x16C00  }
0x98: {  	[tilespmem:s26], [sflag:$0x3] =	stream.indirect_vreg.gather [hbm4b:s4+s1], $0x80, v4, vm0, $0xb8;
	[tilespmem:$0x19400] =	vst v63  }
0x99: {  	s28 =	simm.s32 $0x17400  }
0x9a: {  	[tilespmem:s28], [sflag:$0x3] =	stream.indirect_vreg.gather [hbm4b:s0+s1], $0x80, v3, vm0, $0xb8;
	[tilespmem:$0x19400] =	vst v63  }
0x9b: {  	s29 =	simm.s32 $0x17C00  }
0x9c: {  	[tilespmem:s29], [sflag:$0x3] =	stream.indirect_vreg.gather [hbm4b:s2+s1], $0x80, v3, vm0, $0xb8;
	[tilespmem:$0x19400] =	vst v63  }
0x9d: {  	s30 =	simm.s32 $0x18400  }
0x9e: {  	[tilespmem:s30], [sflag:$0x3] =	stream.indirect_vreg.gather [hbm4b:s3+s1], $0x80, v3, vm0, $0xb8;
	[tilespmem:$0x19400] =	vst v63  }
0x9f: {  	s31 =	simm.s32 $0x18C00  }
0xa0: {  	[tilespmem:s31], [sflag:$0x3] =	stream.indirect_vreg.gather [hbm4b:s4+s1], $0x80, v3, vm0, $0xb8;
	[tilespmem:$0x19400] =	vst v63  }
0xa1: {  	s1 =	simm.s32 $0x0  }
.LBB2_2:
0xa2: {  	s0 =	simm.s32 $0x1  }
0xa3: {  	_ =	swait.ge [sflag:s0], $0x8000  }
0xa4: {  	p0 =	seq.s32 s1, $0x0;
	[sflag:s0] =	ssyncset.done $0x0  }
0xa5: {  	[sflag:s0] =	ssyncadd.s32 $0xFFFF8000;
	s0 =	simm.s32 @!p0 $0x6  }
0xa6: {  	_ =	swait.ge @!p0 [sflag:s0], $0x8000  }
0xa7: {  	[smem:$0x7F2] =	sst s1;
	s1 =	smul.u32 @!p0 $0x180, s1  }
0xa8: {  	[sflag:s0] =	ssyncset.done @!p0 $0x0  }
0xa9: {  	[sflag:s0] =	ssyncadd.s32 @!p0 $0xFFFF8000;
	s0 =	sshra.s32 @!p0 s1, $0x2  }
0xaa: {  	v3 =	vld @!p0 [tilespmem:s0+$0x40];
	_ =	sdelay $0x4  }
0xab: {  	v4 =	vshll.u32 @!p0 v3, $0x3  }
0xac: {  	v5 =	vlaneseq.u32 @!p0;
	v3 =	vand.u32 @!p0 $0x7, v3;
	v4 =	vand.u32 @!p0 $0xFFFFFFC0, v4  }
0xad: {  	v6 =	vshrl.u32 @!p0 v5, $0x3;
	v3 =	vor.u32 @!p0 v3, v4;
	v4 =	vand.u32 @!p0 $0x7, v5  }
0xae: {  	v6 =	vmul.u32 @!p0 $0x8, v6;
	v7 =	vperm.xlane @!p0 v3, v4;
	_ =	sdelay $0x1  }
0xaf: {  	v7 =	vadd.s32 @!p0 v6, v7;
	_ =	sdelay $0x2  }
0xb0: {  	s4 =	sld [smem:$0x7F5]  }
0xb1: {  	vm1 =	vmmov @!p0 $0xffff;
	s2 =	simm.s32 @!p0 $0x11400;
	s1 =	simm.s32 @!p0 $0x0;
	s3 =	rddreg [dreg:$0x1]  }
0xb2: {  	v5 =	vor.u32 @!p0 $0x8, v5;
	[tilespmem:s2], [sflag:$0x3] =	stream.indirect_vreg.gather @!p0 [hbm4b:s3+s1], $0x80, v7, vm1, $0xb8;
	[tilespmem:$0x19400] =	vst v63  }
0xb3: {  	s5 =	sld [smem:$0x7F6];
	v3 =	vperm.xlane @!p0 v3, v5;
	s2 =	simm.s32 @!p0 $0x11C00  }
0xb4: {  	[tilespmem:s2], [sflag:$0x3] =	stream.indirect_vreg.gather @!p0 [hbm4b:s4+s1], $0x80, v7, vm1, $0xb8;
	[tilespmem:$0x19400] =	vst v63  }
0xb5: {  	s6 =	sld [smem:$0x7F7];
	v3 =	vadd.s32 @!p0 v6, v3;
	s2 =	simm.s32 @!p0 $0x12400  }
0xb6: {  	[tilespmem:s2], [sflag:$0x3] =	stream.indirect_vreg.gather @!p0 [hbm4b:s5+s1], $0x80, v7, vm1, $0xb8;
	[tilespmem:$0x19400] =	vst v63  }
0xb7: {  	s2 =	simm.s32 @!p0 $0x12C00  }
0xb8: {  	[tilespmem:s2], [sflag:$0x3] =	stream.indirect_vreg.gather @!p0 [hbm4b:s6+s1], $0x80, v7, vm1, $0xb8;
	[tilespmem:$0x19400] =	vst v63  }
0xb9: {  	s2 =	simm.s32 @!p0 $0x13400  }
0xba: {  	[tilespmem:s2], [sflag:$0x3] =	stream.indirect_vreg.gather @!p0 [hbm4b:s3+s1], $0x80, v3, vm1, $0xb8;
	[tilespmem:$0x19400] =	vst v63  }
0xbb: {  	s2 =	simm.s32 @!p0 $0x13C00  }
0xbc: {  	[tilespmem:s2], [sflag:$0x3] =	stream.indirect_vreg.gather @!p0 [hbm4b:s4+s1], $0x80, v3, vm1, $0xb8;
	[tilespmem:$0x19400] =	vst v63  }
0xbd: {  	s2 =	simm.s32 @!p0 $0x14400  }
0xbe: {  	[tilespmem:s2], [sflag:$0x3] =	stream.indirect_vreg.gather @!p0 [hbm4b:s5+s1], $0x80, v3, vm1, $0xb8;
	[tilespmem:$0x19400] =	vst v63  }
0xbf: {  	s2 =	simm.s32 @!p0 $0x14C00  }
0xc0: {  	[tilespmem:s2], [sflag:$0x3] =	stream.indirect_vreg.gather @!p0 [hbm4b:s6+s1], $0x80, v3, vm1, $0xb8;
	[tilespmem:$0x19400] =	vst v63  }
0xc1: {  	v3 =	vld @!p0 [tilespmem:s0+$0x50];
	_ =	sdelay $0x4  }
0xc2: {  	v7 =	vshll.u32 @!p0 v3, $0x3  }
0xc3: {  	v3 =	vand.u32 @!p0 $0x7, v3;
	v7 =	vand.u32 @!p0 $0xFFFFFFC0, v7  }
0xc4: {  	v3 =	vor.u32 @!p0 v3, v7  }
0xc5: {  	v4 =	vperm.xlane @!p0 v3, v4;
	_ =	sdelay $0x1  }
0xc6: {  	v4 =	vadd.s32 @!p0 v6, v4;
	_ =	sdelay $0x3  }
0xc7: {  	s0 =	simm.s32 @!p0 $0x15400  }
0xc8: {  	[tilespmem:s0], [sflag:$0x3] =	stream.indirect_vreg.gather @!p0 [hbm4b:s3+s1], $0x80, v4, vm1, $0xb8;
	[tilespmem:$0x19400] =	vst v63  }
0xc9: {  	v3 =	vperm.xlane @!p0 v3, v5;
	s0 =	simm.s32 @!p0 $0x15C00  }
0xca: {  	[tilespmem:s0], [sflag:$0x3] =	stream.indirect_vreg.gather @!p0 [hbm4b:s4+s1], $0x80, v4, vm1, $0xb8;
	[tilespmem:$0x19400] =	vst v63  }
0xcb: {  	v3 =	vadd.s32 @!p0 v6, v3;
	s0 =	simm.s32 @!p0 $0x16400  }
0xcc: {  	[tilespmem:s0], [sflag:$0x3] =	stream.indirect_vreg.gather @!p0 [hbm4b:s5+s1], $0x80, v4, vm1, $0xb8;
	[tilespmem:$0x19400] =	vst v63  }
0xcd: {  	s0 =	simm.s32 @!p0 $0x16C00  }
0xce: {  	[tilespmem:s0], [sflag:$0x3] =	stream.indirect_vreg.gather @!p0 [hbm4b:s6+s1], $0x80, v4, vm1, $0xb8;
	[tilespmem:$0x19400] =	vst v63  }
0xcf: {  	s0 =	simm.s32 @!p0 $0x17400  }
0xd0: {  	[tilespmem:s0], [sflag:$0x3] =	stream.indirect_vreg.gather @!p0 [hbm4b:s3+s1], $0x80, v3, vm1, $0xb8;
	[tilespmem:$0x19400] =	vst v63  }
0xd1: {  	s0 =	simm.s32 @!p0 $0x17C00  }
0xd2: {  	[tilespmem:s0], [sflag:$0x3] =	stream.indirect_vreg.gather @!p0 [hbm4b:s4+s1], $0x80, v3, vm1, $0xb8;
	[tilespmem:$0x19400] =	vst v63  }
0xd3: {  	s0 =	simm.s32 @!p0 $0x18400  }
0xd4: {  	[tilespmem:s0], [sflag:$0x3] =	stream.indirect_vreg.gather @!p0 [hbm4b:s5+s1], $0x80, v3, vm1, $0xb8;
	[tilespmem:$0x19400] =	vst v63  }
0xd5: {  	s29 =	simm.s32 $0x0;
	s0 =	simm.s32 @!p0 $0x18C00  }
0xd6: {  	[tilespmem:s0], [sflag:$0x3] =	stream.indirect_vreg.gather @!p0 [hbm4b:s6+s1], $0x80, v3, vm1, $0xb8;
	[tilespmem:$0x19400] =	vst v63  }
0xd7: {  	s13 =	simm.s32 $0x0;
	s0 =	sand.u32 $0x3FFFFE00, s29  }
0xd8: {  	s15 =	sand.u32 $0x60, s13;
	s14 =	sadd.s32 $0x400, s0  }
0xd9: {  	s0 =	sor.u32 s15, s14  }
0xda: {  	v3 =	vld [tilespmem:s0+$0x0]  }
0xdb: {  	s30 =	simm.s32 $0x0;
	v4 =	vld [tilespmem:s0+$0x80]  }
0xdc: {  	s4 =	sand.u32 $0x3FFFFC00, s30;
	v5 =	vld [tilespmem:s0+$0x100]  }
0xdd: {  	s19 =	sadd.s32 $0x1400, s4;
	v6 =	vld [tilespmem:s0+$0x180]  }
0xde: {  	s31 =	sor.u32 s15, s19  }
0xdf: {  	s2 =	sor.u32 $0x80, s31;
	[tilespmem:s31+$0x0] =	vst.add.f32.msk $0xffff, v3  }
0xe0: {  	s3 =	sor.u32 $0x100, s31;
	[tilespmem:s2+$0x0] =	vst.add.f32.msk $0xffff, v4  }
0xe1: {  	s5 =	sor.u32 $0x180, s31;
	[tilespmem:s3+$0x0] =	vst.add.f32.msk $0xffff, v5  }
0xe2: {  	s6 =	sor.u32 $0x200, s31;
	[tilespmem:s5+$0x0] =	vst.add.f32.msk $0xffff, v6  }
0xe3: {  	s7 =	sor.u32 $0x280, s31;
	[tilespmem:s6+$0x0] =	vst.add.f32.msk $0xffff, v3  }
0xe4: {  	s8 =	sor.u32 $0x300, s31;
	[tilespmem:s7+$0x0] =	vst.add.f32.msk $0xffff, v4  }
0xe5: {  	s16 =	sadd.s32 $0x3400, s4;
	s0 =	sor.u32 $0x380, s31;
	[tilespmem:s8+$0x0] =	vst.add.f32.msk $0xffff, v5  }
0xe6: {  	s18 =	sadd.s32 $0x3480, s4;
	s9 =	sor.u32 s15, s16;
	[tilespmem:s0+$0x0] =	vst.add.f32.msk $0xffff, v6  }
0xe7: {  	s20 =	sadd.s32 $0x3500, s4;
	s10 =	sor.u32 s15, s18;
	[tilespmem:s9+$0x0] =	vst.add.f32.msk $0xffff, v3  }
0xe8: {  	s21 =	sadd.s32 $0x3580, s4;
	s11 =	sor.u32 s15, s20;
	[tilespmem:s10+$0x0] =	vst.add.f32.msk $0xffff, v4  }
0xe9: {  	s12 =	sor.u32 s15, s21;
	s5 =	sadd.s32 $0x3600, s4;
	[tilespmem:s11+$0x0] =	vst.add.f32.msk $0xffff, v5  }
0xea: {  	s22 =	sadd.s32 $0x3680, s4;
	s17 =	sor.u32 s15, s5;
	[tilespmem:s12+$0x0] =	vst.add.f32.msk $0xffff, v6  }
0xeb: {  	s23 =	sor.u32 s15, s22;
	s2 =	sadd.s32 $0x3700, s4;
	[tilespmem:s17+$0x0] =	vst.add.f32.msk $0xffff, v3  }
0xec: {  	s3 =	sadd.s32 $0x3780, s4;
	s24 =	sor.u32 s15, s2;
	[tilespmem:s23+$0x0] =	vst.add.f32.msk $0xffff, v4  }
0xed: {  	s25 =	sor.u32 s15, s3;
	s0 =	sadd.s32 $0x5400, s4;
	[tilespmem:s24+$0x0] =	vst.add.f32.msk $0xffff, v5  }
0xee: {  	s1 =	sadd.s32 $0x5480, s4;
	s7 =	sor.u32 s15, s0;
	[tilespmem:s25+$0x0] =	vst.add.f32.msk $0xffff, v6  }
0xef: {  	s6 =	sadd.s32 $0x5500, s4;
	s9 =	sor.u32 s15, s1;
	[tilespmem:s7+$0x0] =	vst.add.f32.msk $0xffff, v3  }
0xf0: {  	s26 =	sor.u32 s15, s6;
	s8 =	sadd.s32 $0x5580, s4;
	[tilespmem:s9+$0x0] =	vst.add.f32.msk $0xffff, v4  }
0xf1: {  	s11 =	sor.u32 s15, s8;
	s9 =	sadd.s32 $0x5600, s4;
	[tilespmem:s26+$0x0] =	vst.add.f32.msk $0xffff, v5  }
0xf2: {  	s10 =	sadd.s32 $0x5680, s4;
	s12 =	sor.u32 s15, s9;
	[tilespmem:s11+$0x0] =	vst.add.f32.msk $0xffff, v6  }
0xf3: {  	s17 =	sor.u32 s15, s10;
	s7 =	sadd.s32 $0x5700, s4;
	[tilespmem:s12+$0x0] =	vst.add.f32.msk $0xffff, v3  }
0xf4: {  	s23 =	sor.u32 s15, s7;
	s11 =	sadd.s32 $0x5780, s4;
	[tilespmem:s17+$0x0] =	vst.add.f32.msk $0xffff, v4  }
0xf5: {  	s24 =	sor.u32 s15, s11;
	s12 =	sadd.s32 $0x7400, s4;
	[tilespmem:s23+$0x0] =	vst.add.f32.msk $0xffff, v5  }
0xf6: {  	s25 =	sor.u32 s15, s12;
	s17 =	sadd.s32 $0x7480, s4;
	[tilespmem:s24+$0x0] =	vst.add.f32.msk $0xffff, v6  }
0xf7: {  	s23 =	sadd.s32 $0x7500, s4;
	s29 =	sor.u32 s15, s17;
	[tilespmem:s25+$0x0] =	vst.add.f32.msk $0xffff, v3  }
0xf8: {  	s30 =	sor.u32 s15, s23;
	s24 =	sadd.s32 $0x7580, s4;
	[tilespmem:s29+$0x0] =	vst.add.f32.msk $0xffff, v4  }
0xf9: {  	s26 =	sor.u32 s15, s24;
	s25 =	sadd.s32 $0x7600, s4;
	[tilespmem:s30+$0x0] =	vst.add.f32.msk $0xffff, v5  }
0xfa: {  	s28 =	sor.u32 s15, s25;
	[tilespmem:s26+$0x0] =	vst.add.f32.msk $0xffff, v6;
	s26 =	sadd.s32 $0x7680, s4  }
0xfb: {  	[tilespmem:s28+$0x0] =	vst.add.f32.msk $0xffff, v3;
	s29 =	sor.u32 s15, s26;
	s28 =	sadd.s32 $0x7700, s4  }
0xfc: {  	s4 =	sadd.s32 $0x7780, s4;
	[tilespmem:s29+$0x0] =	vst.add.f32.msk $0xffff, v4;
	s31 =	sor.u32 s15, s28  }
0xfd: {  	s29 =	sor.u32 $0x10, s15;
	s15 =	sor.u32 s15, s4;
	[tilespmem:s31+$0x0] =	vst.add.f32.msk $0xffff, v5  }
0xfe: {  	s14 =	sor.u32 s29, s14;
	[tilespmem:s15+$0x0] =	vst.add.f32.msk $0xffff, v6  }
0xff: {  	v6 =	vld [tilespmem:s14+$0x0]  }
0x100: {  	v5 =	vld [tilespmem:s14+$0x80]  }
0x101: {  	v4 =	vld [tilespmem:s14+$0x100]  }
0x102: {  	v3 =	vld [tilespmem:s14+$0x180]  }
0x103: {  	s14 =	sor.u32 s29, s19  }
0x104: {  	s19 =	sor.u32 $0x80, s14;
	[tilespmem:s14+$0x0] =	vst.add.f32.msk $0xffff, v6  }
0x105: {  	s30 =	sor.u32 $0x100, s14;
	[tilespmem:s19+$0x0] =	vst.add.f32.msk $0xffff, v5  }
0x106: {  	s31 =	sor.u32 $0x180, s14;
	[tilespmem:s30+$0x0] =	vst.add.f32.msk $0xffff, v4  }
0x107: {  	s19 =	sor.u32 $0x200, s14;
	[tilespmem:s31+$0x0] =	vst.add.f32.msk $0xffff, v3  }
0x108: {  	s30 =	sor.u32 $0x280, s14;
	[tilespmem:s19+$0x0] =	vst.add.f32.msk $0xffff, v6  }
0x109: {  	s31 =	sor.u32 $0x300, s14;
	[tilespmem:s30+$0x0] =	vst.add.f32.msk $0xffff, v5  }
0x10a: {  	s14 =	sor.u32 $0x380, s14;
	[tilespmem:s31+$0x0] =	vst.add.f32.msk $0xffff, v4  }
0x10b: {  	s16 =	sor.u32 s29, s16;
	[tilespmem:s14+$0x0] =	vst.add.f32.msk $0xffff, v3  }
0x10c: {  	s19 =	sor.u32 s29, s18;
	[tilespmem:s16+$0x0] =	vst.add.f32.msk $0xffff, v6  }
0x10d: {  	s20 =	sor.u32 s29, s20;
	[tilespmem:s19+$0x0] =	vst.add.f32.msk $0xffff, v5  }
0x10e: {  	s30 =	sor.u32 s29, s21;
	[tilespmem:s20+$0x0] =	vst.add.f32.msk $0xffff, v4  }
0x10f: {  	s5 =	sor.u32 s29, s5;
	[tilespmem:s30+$0x0] =	vst.add.f32.msk $0xffff, v3  }
0x110: {  	s31 =	sor.u32 s29, s22;
	[tilespmem:s5+$0x0] =	vst.add.f32.msk $0xffff, v6  }
0x111: {  	s2 =	sor.u32 s29, s2;
	[tilespmem:s31+$0x0] =	vst.add.f32.msk $0xffff, v5  }
0x112: {  	s3 =	sor.u32 s29, s3;
	[tilespmem:s2+$0x0] =	vst.add.f32.msk $0xffff, v4  }
0x113: {  	s0 =	sor.u32 s29, s0;
	[tilespmem:s3+$0x0] =	vst.add.f32.msk $0xffff, v3  }
0x114: {  	s5 =	sor.u32 s29, s1;
	[tilespmem:s0+$0x0] =	vst.add.f32.msk $0xffff, v6  }
0x115: {  	s14 =	sor.u32 s29, s6;
	[tilespmem:s5+$0x0] =	vst.add.f32.msk $0xffff, v5  }
0x116: {  	s15 =	sor.u32 s29, s8;
	[tilespmem:s14+$0x0] =	vst.add.f32.msk $0xffff, v4  }
0x117: {  	s16 =	sor.u32 s29, s9;
	[tilespmem:s15+$0x0] =	vst.add.f32.msk $0xffff, v3  }
0x118: {  	s18 =	sor.u32 s29, s10;
	[tilespmem:s16+$0x0] =	vst.add.f32.msk $0xffff, v6  }
0x119: {  	s19 =	sor.u32 s29, s7;
	[tilespmem:s18+$0x0] =	vst.add.f32.msk $0xffff, v5  }
0x11a: {  	s20 =	sor.u32 s29, s11;
	[tilespmem:s19+$0x0] =	vst.add.f32.msk $0xffff, v4  }
0x11b: {  	s21 =	sor.u32 s29, s12;
	[tilespmem:s20+$0x0] =	vst.add.f32.msk $0xffff, v3  }
0x11c: {  	s22 =	sor.u32 s29, s17;
	[tilespmem:s21+$0x0] =	vst.add.f32.msk $0xffff, v6  }
0x11d: {  	s30 =	sor.u32 s29, s23;
	[tilespmem:s22+$0x0] =	vst.add.f32.msk $0xffff, v5  }
0x11e: {  	s31 =	sor.u32 s29, s24;
	s18 =	sor.u32 s29, s4;
	s19 =	sor.u32 s29, s28;
	[tilespmem:s30+$0x0] =	vst.add.f32.msk $0xffff, v4  }
0x11f: {  	s28 =	simm.s32 $0x1;
	s20 =	sor.u32 s29, s26;
	s21 =	sor.u32 s29, s25;
	[tilespmem:s31+$0x0] =	vst.add.f32.msk $0xffff, v3  }
.LBB2_3:
0x120: {  	s0 =	sshll.u32 s28, $0x7;
	[tilespmem:s21+$0x0] =	vst.add.f32.msk $0xffff, v6  }
0x121: {  	s13 =	sadd.s32 $0x20, s13;
	s0 =	sand.u32 $0x3FFFFE00, s0;
	[tilespmem:s20+$0x0] =	vst.add.f32.msk $0xffff, v5  }
0x122: {  	s1 =	smov.u32 s28;
	s20 =	sand.u32 $0x60, s13;
	s0 =	sadd.s32 $0x400, s0;
	[tilespmem:s19+$0x0] =	vst.add.f32.msk $0xffff, v4  }
0x123: {  	s1 =	sshll.u32 s1, $0x8;
	[dreg:$0x9] =	wrdreg s0;
	s0 =	sor.u32 s20, s0;
	[tilespmem:s18+$0x0] =	vst.add.f32.msk $0xffff, v3  }
0x124: {  	[dreg:$0x8] =	wrdreg s13;
	s22 =	sand.u32 $0x3FFFFC00, s1;
	v3 =	vld [tilespmem:s0+$0x0]  }
0x125: {  	s16 =	sor.u32 $0x10, s20;
	s1 =	sadd.s32 $0x1400, s22;
	s3 =	sadd.s32 $0x3400, s22;
	v4 =	vld [tilespmem:s0+$0x80]  }
0x126: {  	s24 =	sadd.s32 $0x3480, s22;
	s19 =	sadd.s32 $0x3500, s22;
	s4 =	sadd.s32 $0x3580, s22;
	v5 =	vld [tilespmem:s0+$0x100]  }
0x127: {  	s18 =	sadd.s32 $0x3680, s22;
	s7 =	sadd.s32 $0x3700, s22;
	v6 =	vld [tilespmem:s0+$0x180];
	[smem:$0x7E3] =	sst s1  }
0x128: {  	s15 =	sadd.s32 $0x5780, s22;
	[smem:$0x7E4] =	sst s3;
	s1 =	sor.u32 s20, s1  }
0x129: {  	[dreg:$0xe] =	wrdreg s24;
	s2 =	sor.u32 s20, s3;
	s25 =	sor.u32 $0x80, s1;
	[tilespmem:s1+$0x0] =	vst.add.f32.msk $0xffff, v3  }
0x12a: {  	s0 =	sor.u32 s20, s24;
	[smem:$0x7E6] =	sst s4;
	s26 =	sor.u32 $0x100, s1;
	[tilespmem:s25+$0x0] =	vst.add.f32.msk $0xffff, v4  }
0x12b: {  	s9 =	sor.u32 s20, s19;
	s5 =	sor.u32 s20, s4;
	s6 =	sor.u32 $0x180, s1;
	[tilespmem:s26+$0x0] =	vst.add.f32.msk $0xffff, v5  }
0x12c: {  	s4 =	sadd.s32 $0x3600, s22;
	s8 =	sor.u32 s20, s18;
	s29 =	sor.u32 $0x200, s1;
	[tilespmem:s6+$0x0] =	vst.add.f32.msk $0xffff, v6  }
0x12d: {  	s23 =	sor.u32 s20, s7;
	s24 =	sadd.s32 $0x5500, s22;
	s12 =	sor.u32 $0x280, s1;
	[tilespmem:s29+$0x0] =	vst.add.f32.msk $0xffff, v3  }
0x12e: {  	s14 =	sor.u32 s20, s15;
	s19 =	sor.u32 s16, s19;
	s30 =	sor.u32 $0x300, s1;
	[tilespmem:s12+$0x0] =	vst.add.f32.msk $0xffff, v4  }
0x12f: {  	[smem:$0x7E9] =	sst s14;
	s14 =	sadd.s32 $0x7400, s22;
	s1 =	sor.u32 $0x380, s1;
	[tilespmem:s30+$0x0] =	vst.add.f32.msk $0xffff, v5  }
0x130: {  	s7 =	sor.u32 s16, s7;
	[smem:$0x7F0] =	sst s19;
	s17 =	sor.u32 s20, s14;
	[tilespmem:s1+$0x0] =	vst.add.f32.msk $0xffff, v6  }
0x131: {  	s11 =	sor.u32 s20, s4;
	[smem:$0x7EA] =	sst s17;
	s25 =	sadd.s32 $0x5580, s22;
	[tilespmem:s2+$0x0] =	vst.add.f32.msk $0xffff, v3  }
0x132: {  	s26 =	sadd.s32 $0x5600, s22;
	s31 =	sor.u32 s20, s25;
	s6 =	sadd.s32 $0x3780, s22;
	[tilespmem:s0+$0x0] =	vst.add.f32.msk $0xffff, v4  }
0x133: {  	[smem:$0x7E5] =	sst s31;
	s31 =	sadd.s32 $0x7500, s22;
	s10 =	sor.u32 s20, s6;
	[tilespmem:s9+$0x0] =	vst.add.f32.msk $0xffff, v5  }
0x134: {  	s29 =	sadd.s32 $0x5400, s22;
	s2 =	sor.u32 s20, s26;
	s0 =	sadd.s32 $0x5700, s22;
	[tilespmem:s5+$0x0] =	vst.add.f32.msk $0xffff, v6  }
0x135: {  	s12 =	sadd.s32 $0x5480, s22;
	[smem:$0x7E7] =	sst s2;
	s13 =	sor.u32 s20, s0;
	[tilespmem:s11+$0x0] =	vst.add.f32.msk $0xffff, v3  }
0x136: {  	[smem:$0x7E8] =	sst s13;
	s13 =	sadd.s32 $0x7480, s22;
	[tilespmem:s8+$0x0] =	vst.add.f32.msk $0xffff, v4;
	s8 =	sor.u32 s20, s31  }
0x137: {  	s30 =	sor.u32 s20, s13;
	[smem:$0x7EC] =	sst s8;
	s8 =	sadd.s32 $0x7680, s22  }
0x138: {  	s2 =	sadd.s32 $0x5680, s22;
	[smem:$0x7EB] =	sst s30;
	s17 =	sor.u32 s20, s8  }
0x139: {  	s5 =	sadd.s32 $0x7580, s22;
	s30 =	sadd.s32 $0x7600, s22;
	[tilespmem:s23+$0x0] =	vst.add.f32.msk $0xffff, v5;
	[smem:$0x7EE] =	sst s17  }
0x13a: {  	[tilespmem:s10+$0x0] =	vst.add.f32.msk $0xffff, v6;
	s10 =	sadd.s32 $0x7700, s22;
	s17 =	sadd.s32 $0x7780, s22;
	s22 =	sld [smem:$0x7E3]  }
0x13b: {  	[dreg:$0x18] =	wrdreg s7;
	s19 =	sor.u32 s16, s29  }
0x13c: {  	[dreg:$0x13] =	wrdreg s19;
	s1 =	sor.u32 s20, s29  }
0x13d: {  	s21 =	sor.u32 s20, s24;
	[tilespmem:s1+$0x0] =	vst.add.f32.msk $0xffff, v3;
	s1 =	sor.u32 s16, s22;
	s22 =	sld [smem:$0x7E4]  }
0x13e: {  	s3 =	sor.u32 s20, s12;
	s29 =	sld [smem:$0x7E7];
	s11 =	sor.u32 s20, s5  }
0x13f: {  	s9 =	sor.u32 s20, s2;
	[smem:$0x7ED] =	sst s11;
	s23 =	sor.u32 s20, s30  }
0x140: {  	s11 =	sor.u32 s20, s10;
	[tilespmem:s3+$0x0] =	vst.add.f32.msk $0xffff, v4;
	s3 =	sor.u32 s20, s17;
	s20 =	sor.u32 s16, s22  }
0x141: {  	[smem:$0x7EF] =	sst s20  }
0x142: {  	s20 =	sld [smem:$0x7E5]  }
0x143: {  	s19 =	sld [smem:$0x7E8]  }
0x144: {  	[tilespmem:s21+$0x0] =	vst.add.f32.msk $0xffff, v5;
	s21 =	rddreg [dreg:$0xe]  }
0x145: {  	s7 =	sor.u32 s16, s21;
	s21 =	sld [smem:$0x7EA];
	[tilespmem:s20+$0x0] =	vst.add.f32.msk $0xffff, v6  }
0x146: {  	s4 =	sor.u32 s16, s4;
	s20 =	sld [smem:$0x7E9];
	[tilespmem:s29+$0x0] =	vst.add.f32.msk $0xffff, v3  }
0x147: {  	s22 =	sld [smem:$0x7E6];
	s29 =	sor.u32 s16, s12;
	s12 =	sor.u32 s16, s24;
	[tilespmem:s9+$0x0] =	vst.add.f32.msk $0xffff, v4  }
0x148: {  	s24 =	sor.u32 s16, s26;
	s26 =	sor.u32 s16, s31;
	s31 =	sld [smem:$0x7EB];
	[tilespmem:s19+$0x0] =	vst.add.f32.msk $0xffff, v5  }
0x149: {  	s9 =	sor.u32 s16, s25;
	s19 =	sor.u32 s16, s10;
	s10 =	sld [smem:$0x7EC];
	[tilespmem:s20+$0x0] =	vst.add.f32.msk $0xffff, v6  }
0x14a: {  	s25 =	sor.u32 s16, s0;
	s0 =	sor.u32 s16, s15;
	s15 =	sld [smem:$0x7ED];
	[tilespmem:s21+$0x0] =	vst.add.f32.msk $0xffff, v3  }
0x14b: {  	[smem:$0x7F1] =	sst s4;
	s4 =	sor.u32 s16, s22;
	[tilespmem:s31+$0x0] =	vst.add.f32.msk $0xffff, v4  }
0x14c: {  	s22 =	sor.u32 s16, s18;
	s18 =	sor.u32 s16, s17;
	s17 =	sld [smem:$0x7EE];
	[tilespmem:s10+$0x0] =	vst.add.f32.msk $0xffff, v5  }
0x14d: {  	[tilespmem:s15+$0x0] =	vst.add.f32.msk $0xffff, v6  }
0x14e: {  	[tilespmem:s23+$0x0] =	vst.add.f32.msk $0xffff, v3  }
0x14f: {  	[tilespmem:s17+$0x0] =	vst.add.f32.msk $0xffff, v4  }
0x150: {  	s23 =	rddreg [dreg:$0x9];
	[tilespmem:s11+$0x0] =	vst.add.f32.msk $0xffff, v5  }
0x151: {  	[tilespmem:s3+$0x0] =	vst.add.f32.msk $0xffff, v6;
	s3 =	sor.u32 s16, s23  }
0x152: {  	v6 =	vld [tilespmem:s3+$0x0]  }
0x153: {  	v5 =	vld [tilespmem:s3+$0x80]  }
0x154: {  	v4 =	vld [tilespmem:s3+$0x100]  }
0x155: {  	v3 =	vld [tilespmem:s3+$0x180];
	_ =	sdelay $0x1  }
0x156: {  	s21 =	sor.u32 s16, s30;
	s30 =	sor.u32 $0x80, s1;
	[tilespmem:s1+$0x0] =	vst.add.f32.msk $0xffff, v6  }
0x157: {  	s31 =	sor.u32 $0x100, s1;
	[tilespmem:s30+$0x0] =	vst.add.f32.msk $0xffff, v5  }
0x158: {  	s20 =	sor.u32 s16, s8;
	s8 =	sor.u32 $0x180, s1;
	[tilespmem:s31+$0x0] =	vst.add.f32.msk $0xffff, v4  }
0x159: {  	s14 =	sor.u32 s16, s14;
	s6 =	sor.u32 s16, s6;
	s10 =	sor.u32 $0x200, s1;
	[tilespmem:s8+$0x0] =	vst.add.f32.msk $0xffff, v3  }
0x15a: {  	s2 =	sor.u32 s16, s2;
	s13 =	sor.u32 s16, s13;
	s11 =	sor.u32 $0x280, s1;
	[tilespmem:s10+$0x0] =	vst.add.f32.msk $0xffff, v6  }
0x15b: {  	s5 =	sor.u32 s16, s5;
	s15 =	sor.u32 $0x300, s1;
	s16 =	sld [smem:$0x7EF];
	[tilespmem:s11+$0x0] =	vst.add.f32.msk $0xffff, v5  }
0x15c: {  	s1 =	sor.u32 $0x380, s1;
	[tilespmem:s15+$0x0] =	vst.add.f32.msk $0xffff, v4  }
0x15d: {  	s17 =	sld [smem:$0x7F0];
	[tilespmem:s1+$0x0] =	vst.add.f32.msk $0xffff, v3  }
0x15e: {  	[tilespmem:s16+$0x0] =	vst.add.f32.msk $0xffff, v6  }
0x15f: {  	s23 =	sld [smem:$0x7F1];
	[tilespmem:s7+$0x0] =	vst.add.f32.msk $0xffff, v5  }
0x160: {  	[tilespmem:s17+$0x0] =	vst.add.f32.msk $0xffff, v4  }
0x161: {  	[tilespmem:s4+$0x0] =	vst.add.f32.msk $0xffff, v3  }
0x162: {  	[tilespmem:s23+$0x0] =	vst.add.f32.msk $0xffff, v6  }
0x163: {  	s30 =	rddreg [dreg:$0x18];
	[tilespmem:s22+$0x0] =	vst.add.f32.msk $0xffff, v5  }
0x164: {  	[tilespmem:s30+$0x0] =	vst.add.f32.msk $0xffff, v4  }
0x165: {  	s31 =	rddreg [dreg:$0x13];
	[tilespmem:s6+$0x0] =	vst.add.f32.msk $0xffff, v3  }
0x166: {  	[tilespmem:s31+$0x0] =	vst.add.f32.msk $0xffff, v6  }
0x167: {  	[tilespmem:s29+$0x0] =	vst.add.f32.msk $0xffff, v5  }
0x168: {  	[tilespmem:s12+$0x0] =	vst.add.f32.msk $0xffff, v4  }
0x169: {  	[tilespmem:s9+$0x0] =	vst.add.f32.msk $0xffff, v3  }
0x16a: {  	[tilespmem:s24+$0x0] =	vst.add.f32.msk $0xffff, v6  }
0x16b: {  	[tilespmem:s2+$0x0] =	vst.add.f32.msk $0xffff, v5  }
0x16c: {  	p0 =	sne.s32 s28, $0x1F;
	[tilespmem:s25+$0x0] =	vst.add.f32.msk $0xffff, v4  }
.Ltmp0:
0x16d: {  	[tilespmem:s0+$0x0] =	vst.add.f32.msk $0xffff, v3;
	(pc) =	sbr.rel @p0 .LBB2_3-.Ltmp0, $4  }
0x16e: {  	[tilespmem:s14+$0x0] =	vst.add.f32.msk $0xffff, v6  }
0x16f: {  	[tilespmem:s13+$0x0] =	vst.add.f32.msk $0xffff, v5  }
0x170: {  	[tilespmem:s26+$0x0] =	vst.add.f32.msk $0xffff, v4  }
0x171: {  	s28 =	sadd.s32 $0x1, s28;
	s13 =	rddreg [dreg:$0x8];
	[tilespmem:s5+$0x0] =	vst.add.f32.msk $0xffff, v3  }
0x172: {  	s8 =	sld [smem:$0x7F2];
	_ =	sdelay $0x1  }
0x173: {  	s0 =	sld [smem:$0x7F9]  }
0x174: {  	[tilespmem:s21+$0x0] =	vst.add.f32.msk $0xffff, v6;
	s1 =	smul.u32 $0x18, s8  }
0x175: {  	[tilespmem:s20+$0x0] =	vst.add.f32.msk $0xffff, v5  }
0x176: {  	s6 =	simm.s32 $0x200;
	[tilespmem:s19+$0x0] =	vst.add.f32.msk $0xffff, v4;
	s0 =	sadd.s32 s0, s1  }
0x177: {  	s7 =	simm.s32 $0x1000;
	[tilespmem:s18+$0x0] =	vst.add.f32.msk $0xffff, v3;
	s18 =	rddreg [dreg:$0x3];
	s0 =	sshll.u32 s0, $0x9  }
0x178: {  	s19 =	simm.s32 $0x1400;
	[smem:$0x7E2] =	sst s1;
	s1 =	sadd.s32 s18, s0  }
0x179: {  	[hbm4b:s1+s6] =	stream.strided.scatter [tilespmem:s19], [sflag:$0x4], $0x400, s7, s6, $0x38;
	[tilespmem:$0x19400] =	vst v63  }
0x17a: {  	s20 =	simm.s32 $0x1800;
	s2 =	sadd.s32 $0x40, s1  }
0x17b: {  	[hbm4b:s2+s6] =	stream.strided.scatter [tilespmem:s20], [sflag:$0x4], $0x400, s7, s6, $0x38;
	[tilespmem:$0x19400] =	vst v63  }
0x17c: {  	s21 =	simm.s32 $0x1C00;
	s23 =	simm.s32 $0x2000;
	s22 =	sadd.s32 $0x80, s1  }
0x17d: {  	[hbm4b:s22+s6] =	stream.strided.scatter [tilespmem:s21], [sflag:$0x4], $0x400, s7, s6, $0x38;
	[tilespmem:$0x19400] =	vst v63  }
0x17e: {  	s25 =	simm.s32 $0x2400;
	s28 =	simm.s32 $0x2800;
	s24 =	sadd.s32 $0xC0, s1  }
0x17f: {  	[hbm4b:s24+s6] =	stream.strided.scatter [tilespmem:s23], [sflag:$0x4], $0x400, s7, s6, $0x38;
	[tilespmem:$0x19400] =	vst v63  }
0x180: {  	s30 =	simm.s32 $0x2C00;
	s3 =	simm.s32 $0x3000;
	s26 =	sadd.s32 $0x100, s1  }
0x181: {  	[hbm4b:s26+s6] =	stream.strided.scatter [tilespmem:s25], [sflag:$0x4], $0x400, s7, s6, $0x38;
	[tilespmem:$0x19400] =	vst v63  }
0x182: {  	s0 =	simm.s32 $0x2000;
	s29 =	sadd.s32 $0x140, s1;
	s31 =	sadd.s32 $0x180, s1  }
0x183: {  	[hbm4b:s29+s6] =	stream.strided.scatter [tilespmem:s28], [sflag:$0x4], $0x400, s7, s6, $0x38;
	[tilespmem:$0x19400] =	vst v63  }
0x184: {  	s4 =	sadd.s32 $0x1C0, s1;
	s1 =	sadd.s32 $0x400, s1;
	s2 =	simm.s32 $0x10000  }
0x185: {  	[hbm4b:s31+s6] =	stream.strided.scatter [tilespmem:s30], [sflag:$0x4], $0x400, s7, s6, $0x38;
	[tilespmem:$0x19400] =	vst v63  }
.LBB2_5:
0x186: {  	[hbm4b:s4+s6] =	stream.strided.scatter [tilespmem:s3], [sflag:$0x4], $0x400, s7, s6, $0x38;
	[tilespmem:$0x19400] =	vst v63  }
0x187: {  	s3 =	smov.u32 s0;
	s0 =	smov.u32 s2  }
0x188: {  	s5 =	sadd.s32 $0x8000, s2;
	s0 =	sshra.s32 s0, $0x2;
	s4 =	sadd.s32 $0x1400, s3  }
0x189: {  	[hbm4b:s1+s6] =	stream.strided.scatter [tilespmem:s4], [sflag:$0x4], $0x400, s7, s6, $0x38;
	[tilespmem:$0x19400] =	vst v63  }
0x18a: {  	p0 =	sne.s32 s2, $0x18000;
	s2 =	sadd.s32 $0x1800, s3;
	s4 =	sadd.s32 $0x40, s1  }
0x18b: {  	[hbm4b:s4+s6] =	stream.strided.scatter [tilespmem:s2], [sflag:$0x4], $0x400, s7, s6, $0x38;
	[tilespmem:$0x19400] =	vst v63  }
0x18c: {  	s2 =	sadd.s32 $0x1C00, s3;
	s4 =	sadd.s32 $0x80, s1  }
0x18d: {  	[hbm4b:s4+s6] =	stream.strided.scatter [tilespmem:s2], [sflag:$0x4], $0x400, s7, s6, $0x38;
	[tilespmem:$0x19400] =	vst v63  }
0x18e: {  	s2 =	sadd.s32 $0x2000, s3;
	s4 =	sadd.s32 $0xC0, s1  }
0x18f: {  	[hbm4b:s4+s6] =	stream.strided.scatter [tilespmem:s2], [sflag:$0x4], $0x400, s7, s6, $0x38;
	[tilespmem:$0x19400] =	vst v63  }
0x190: {  	s2 =	sadd.s32 $0x2400, s3;
	s4 =	sadd.s32 $0x100, s1  }
0x191: {  	[hbm4b:s4+s6] =	stream.strided.scatter [tilespmem:s2], [sflag:$0x4], $0x400, s7, s6, $0x38;
	[tilespmem:$0x19400] =	vst v63  }
.Ltmp1:
0x192: {  	s2 =	sadd.s32 $0x2800, s3;
	s4 =	sadd.s32 $0x140, s1;
	(pc) =	sbr.rel @p0 .LBB2_5-.Ltmp1, $4  }
0x193: {  	[hbm4b:s4+s6] =	stream.strided.scatter [tilespmem:s2], [sflag:$0x4], $0x400, s7, s6, $0x38;
	[tilespmem:$0x19400] =	vst v63  }
0x194: {  	s2 =	sadd.s32 $0x2C00, s3;
	s4 =	sadd.s32 $0x180, s1;
	s3 =	sadd.s32 $0x3000, s3  }
0x195: {  	[hbm4b:s4+s6] =	stream.strided.scatter [tilespmem:s2], [sflag:$0x4], $0x400, s7, s6, $0x38;
	[tilespmem:$0x19400] =	vst v63  }
0x196: {  	s4 =	sadd.s32 $0x1C0, s1;
	s1 =	sadd.s32 $0x400, s1;
	s2 =	smov.u32 s5  }
0x197: {  	[hbm4b:s4+s6] =	stream.strided.scatter [tilespmem:s3], [sflag:$0x4], $0x400, s7, s6, $0x38;
	[tilespmem:$0x19400] =	vst v63  }
0x198: {  	s2 =	sadd.s32 $0x1400, s0  }
0x199: {  	[hbm4b:s1+s6] =	stream.strided.scatter [tilespmem:s2], [sflag:$0x4], $0x400, s7, s6, $0x38;
	[tilespmem:$0x19400] =	vst v63  }
0x19a: {  	s18 =	sadd.s32 $0x1800, s0;
	s19 =	sadd.s32 $0x40, s1  }
0x19b: {  	[hbm4b:s19+s6] =	stream.strided.scatter [tilespmem:s18], [sflag:$0x4], $0x400, s7, s6, $0x38;
	[tilespmem:$0x19400] =	vst v63  }
0x19c: {  	s20 =	sadd.s32 $0x1C00, s0;
	s21 =	sadd.s32 $0x80, s1  }
0x19d: {  	[hbm4b:s21+s6] =	stream.strided.scatter [tilespmem:s20], [sflag:$0x4], $0x400, s7, s6, $0x38;
	[tilespmem:$0x19400] =	vst v63  }
0x19e: {  	s22 =	sadd.s32 $0x2000, s0;
	s23 =	sadd.s32 $0xC0, s1  }
0x19f: {  	[hbm4b:s23+s6] =	stream.strided.scatter [tilespmem:s22], [sflag:$0x4], $0x400, s7, s6, $0x38;
	[tilespmem:$0x19400] =	vst v63  }
0x1a0: {  	s24 =	sadd.s32 $0x2400, s0;
	s25 =	sadd.s32 $0x100, s1  }
0x1a1: {  	[hbm4b:s25+s6] =	stream.strided.scatter [tilespmem:s24], [sflag:$0x4], $0x400, s7, s6, $0x38;
	[tilespmem:$0x19400] =	vst v63  }
0x1a2: {  	s26 =	sadd.s32 $0x2800, s0;
	s28 =	sadd.s32 $0x140, s1  }
0x1a3: {  	[hbm4b:s28+s6] =	stream.strided.scatter [tilespmem:s26], [sflag:$0x4], $0x400, s7, s6, $0x38;
	[tilespmem:$0x19400] =	vst v63  }
0x1a4: {  	s29 =	sadd.s32 $0x2C00, s0;
	s31 =	sadd.s32 $0x180, s1  }
0x1a5: {  	[hbm4b:s31+s6] =	stream.strided.scatter [tilespmem:s29], [sflag:$0x4], $0x400, s7, s6, $0x38;
	[tilespmem:$0x19400] =	vst v63  }
0x1a6: {  	s3 =	sadd.s32 $0x3000, s0;
	s4 =	sadd.s32 $0x1C0, s1;
	s5 =	simm.s32 $0x2  }
0x1a7: {  	[hbm4b:s4+s6] =	stream.strided.scatter [tilespmem:s3], [sflag:$0x4], $0x400, s7, s6, $0x38;
	[tilespmem:$0x19400] =	vst v63  }
0x1a8: {  	_ =	swait.ge [sflag:s5], $0x8000  }
0x1a9: {  	[sflag:s5] =	ssyncset.done $0x0  }
0x1aa: {  	s6 =	simm.s32 $0x4;
	[sflag:s5] =	ssyncadd.s32 $0xFFFF8000  }
0x1ab: {  	s7 =	smul.u32 $0x180, s8;
	_ =	swait.ge [sflag:s6], $0x8000  }
0x1ac: {  	[sflag:s6] =	ssyncset.done $0x0  }
0x1ad: {  	s5 =	sshra.s32 s7, $0x2;
	[sflag:s6] =	ssyncadd.s32 $0xFFFF8000  }
0x1ae: {  	v3 =	vld [tilespmem:s5+$0x60];
	_ =	sdelay $0x4  }
0x1af: {  	v4 =	vshll.u32 v3, $0x3  }
0x1b0: {  	v3 =	vand.u32 $0x7, v3;
	v4 =	vand.u32 $0xFFFFFFC0, v4  }
0x1b1: {  	v3 =	vor.u32 v3, v4  }
0x1b2: {  	v4 =	vperm.xlane v3, v0;
	_ =	sdelay $0x1  }
0x1b3: {  	v4 =	vadd.s32 v1, v4;
	_ =	sdelay $0x2  }
0x1b4: {  	s10 =	sld [smem:$0x7F5]  }
0x1b5: {  	s30 =	simm.s32 $0x0;
	s9 =	simm.s32 $0x1400;
	s8 =	rddreg [dreg:$0x1]  }
0x1b6: {  	[tilespmem:s9], [sflag:$0x1] =	stream.indirect_vreg.gather [hbm4b:s8+s30], $0x80, v4, vm0, $0xb8;
	[tilespmem:$0x19400] =	vst v63  }
0x1b7: {  	s11 =	simm.s32 $0x1C00;
	s12 =	sld [smem:$0x7F6];
	v3 =	vperm.xlane v3, v2  }
0x1b8: {  	[tilespmem:s11], [sflag:$0x1] =	stream.indirect_vreg.gather [hbm4b:s10+s30], $0x80, v4, vm0, $0xb8;
	[tilespmem:$0x19400] =	vst v63  }
0x1b9: {  	s13 =	simm.s32 $0x2400;
	s14 =	sld [smem:$0x7F7];
	v3 =	vadd.s32 v1, v3  }
0x1ba: {  	[tilespmem:s13], [sflag:$0x1] =	stream.indirect_vreg.gather [hbm4b:s12+s30], $0x80, v4, vm0, $0xb8;
	[tilespmem:$0x19400] =	vst v63  }
0x1bb: {  	s15 =	simm.s32 $0x2C00  }
0x1bc: {  	[tilespmem:s15], [sflag:$0x1] =	stream.indirect_vreg.gather [hbm4b:s14+s30], $0x80, v4, vm0, $0xb8;
	[tilespmem:$0x19400] =	vst v63  }
0x1bd: {  	s16 =	simm.s32 $0x3400  }
0x1be: {  	[tilespmem:s16], [sflag:$0x1] =	stream.indirect_vreg.gather [hbm4b:s8+s30], $0x80, v3, vm0, $0xb8;
	[tilespmem:$0x19400] =	vst v63  }
0x1bf: {  	s17 =	simm.s32 $0x3C00  }
0x1c0: {  	[tilespmem:s17], [sflag:$0x1] =	stream.indirect_vreg.gather [hbm4b:s10+s30], $0x80, v3, vm0, $0xb8;
	[tilespmem:$0x19400] =	vst v63  }
0x1c1: {  	s18 =	simm.s32 $0x4400  }
0x1c2: {  	[tilespmem:s18], [sflag:$0x1] =	stream.indirect_vreg.gather [hbm4b:s12+s30], $0x80, v3, vm0, $0xb8;
	[tilespmem:$0x19400] =	vst v63  }
0x1c3: {  	s19 =	simm.s32 $0x4C00  }
0x1c4: {  	[tilespmem:s19], [sflag:$0x1] =	stream.indirect_vreg.gather [hbm4b:s14+s30], $0x80, v3, vm0, $0xb8;
	[tilespmem:$0x19400] =	vst v63  }
0x1c5: {  	v3 =	vld [tilespmem:s5+$0x70];
	_ =	sdelay $0x4  }
0x1c6: {  	v4 =	vshll.u32 v3, $0x3  }
0x1c7: {  	v3 =	vand.u32 $0x7, v3;
	v4 =	vand.u32 $0xFFFFFFC0, v4  }
0x1c8: {  	v3 =	vor.u32 v3, v4  }
0x1c9: {  	v4 =	vperm.xlane v3, v0;
	_ =	sdelay $0x1  }
0x1ca: {  	v4 =	vadd.s32 v1, v4;
	_ =	sdelay $0x3  }
0x1cb: {  	s20 =	simm.s32 $0x5400  }
0x1cc: {  	[tilespmem:s20], [sflag:$0x1] =	stream.indirect_vreg.gather [hbm4b:s8+s30], $0x80, v4, vm0, $0xb8;
	[tilespmem:$0x19400] =	vst v63  }
0x1cd: {  	s21 =	simm.s32 $0x5C00;
	v3 =	vperm.xlane v3, v2  }
0x1ce: {  	[tilespmem:s21], [sflag:$0x1] =	stream.indirect_vreg.gather [hbm4b:s10+s30], $0x80, v4, vm0, $0xb8;
	[tilespmem:$0x19400] =	vst v63  }
0x1cf: {  	s22 =	simm.s32 $0x6400;
	v3 =	vadd.s32 v1, v3  }
0x1d0: {  	[tilespmem:s22], [sflag:$0x1] =	stream.indirect_vreg.gather [hbm4b:s12+s30], $0x80, v4, vm0, $0xb8;
	[tilespmem:$0x19400] =	vst v63  }
0x1d1: {  	s23 =	simm.s32 $0x6C00  }
0x1d2: {  	[tilespmem:s23], [sflag:$0x1] =	stream.indirect_vreg.gather [hbm4b:s14+s30], $0x80, v4, vm0, $0xb8;
	[tilespmem:$0x19400] =	vst v63  }
0x1d3: {  	s24 =	simm.s32 $0x7400  }
0x1d4: {  	[tilespmem:s24], [sflag:$0x1] =	stream.indirect_vreg.gather [hbm4b:s8+s30], $0x80, v3, vm0, $0xb8;
	[tilespmem:$0x19400] =	vst v63  }
0x1d5: {  	s25 =	simm.s32 $0x7C00  }
0x1d6: {  	[tilespmem:s25], [sflag:$0x1] =	stream.indirect_vreg.gather [hbm4b:s10+s30], $0x80, v3, vm0, $0xb8;
	[tilespmem:$0x19400] =	vst v63  }
0x1d7: {  	s26 =	simm.s32 $0x8400;
	s29 =	simm.s32 $0x0  }
0x1d8: {  	[tilespmem:s26], [sflag:$0x1] =	stream.indirect_vreg.gather [hbm4b:s12+s30], $0x80, v3, vm0, $0xb8;
	[tilespmem:$0x19400] =	vst v63  }
0x1d9: {  	s28 =	simm.s32 $0x8C00;
	s0 =	sand.u32 $0x3FFFFE00, s29  }
0x1da: {  	[tilespmem:s28], [sflag:$0x1] =	stream.indirect_vreg.gather [hbm4b:s14+s30], $0x80, v3, vm0, $0xb8;
	[tilespmem:$0x19400] =	vst v63  }
0x1db: {  	s18 =	sand.u32 $0x60, s30;
	s14 =	sadd.s32 $0x400, s0  }
0x1dc: {  	s0 =	sor.u32 s18, s14  }
0x1dd: {  	v3 =	vld [tilespmem:s0+$0x0]  }
0x1de: {  	s31 =	simm.s32 $0x0;
	v4 =	vld [tilespmem:s0+$0x80]  }
0x1df: {  	s4 =	sand.u32 $0x3FFFFC00, s31;
	v5 =	vld [tilespmem:s0+$0x100]  }
0x1e0: {  	s21 =	sadd.s32 $0x9400, s4;
	v6 =	vld [tilespmem:s0+$0x180]  }
0x1e1: {  	s2 =	sor.u32 s18, s21  }
0x1e2: {  	s3 =	sor.u32 $0x80, s2;
	[tilespmem:s2+$0x0] =	vst.add.f32.msk $0xffff, v3  }
0x1e3: {  	[smem:$0x7E1] =	sst s5;
	s5 =	sor.u32 $0x100, s2;
	[tilespmem:s3+$0x0] =	vst.add.f32.msk $0xffff, v4  }
0x1e4: {  	s6 =	sor.u32 $0x180, s2;
	[tilespmem:s5+$0x0] =	vst.add.f32.msk $0xffff, v5  }
0x1e5: {  	s7 =	sor.u32 $0x200, s2;
	[tilespmem:s6+$0x0] =	vst.add.f32.msk $0xffff, v6  }
0x1e6: {  	s8 =	sor.u32 $0x280, s2;
	[tilespmem:s7+$0x0] =	vst.add.f32.msk $0xffff, v3  }
0x1e7: {  	s9 =	sor.u32 $0x300, s2;
	[tilespmem:s8+$0x0] =	vst.add.f32.msk $0xffff, v4  }
0x1e8: {  	s19 =	sadd.s32 $0xB400, s4;
	s0 =	sor.u32 $0x380, s2;
	[tilespmem:s9+$0x0] =	vst.add.f32.msk $0xffff, v5  }
0x1e9: {  	s20 =	sadd.s32 $0xB480, s4;
	s10 =	sor.u32 s18, s19;
	[tilespmem:s0+$0x0] =	vst.add.f32.msk $0xffff, v6  }
0x1ea: {  	s11 =	sor.u32 s18, s20;
	s22 =	sadd.s32 $0xB500, s4;
	[tilespmem:s10+$0x0] =	vst.add.f32.msk $0xffff, v3  }
0x1eb: {  	s23 =	sadd.s32 $0xB580, s4;
	s12 =	sor.u32 s18, s22;
	[tilespmem:s11+$0x0] =	vst.add.f32.msk $0xffff, v4  }
0x1ec: {  	s13 =	sor.u32 s18, s23;
	s5 =	sadd.s32 $0xB600, s4;
	[tilespmem:s12+$0x0] =	vst.add.f32.msk $0xffff, v5  }
0x1ed: {  	s24 =	sadd.s32 $0xB680, s4;
	s15 =	sor.u32 s18, s5;
	[tilespmem:s13+$0x0] =	vst.add.f32.msk $0xffff, v6  }
0x1ee: {  	s16 =	sor.u32 s18, s24;
	s2 =	sadd.s32 $0xB700, s4;
	[tilespmem:s15+$0x0] =	vst.add.f32.msk $0xffff, v3  }
0x1ef: {  	s3 =	sadd.s32 $0xB780, s4;
	s17 =	sor.u32 s18, s2;
	[tilespmem:s16+$0x0] =	vst.add.f32.msk $0xffff, v4  }
0x1f0: {  	s25 =	sor.u32 s18, s3;
	s0 =	sadd.s32 $0xD400, s4;
	[tilespmem:s17+$0x0] =	vst.add.f32.msk $0xffff, v5  }
0x1f1: {  	s1 =	sadd.s32 $0xD480, s4;
	s26 =	sor.u32 s18, s0;
	[tilespmem:s25+$0x0] =	vst.add.f32.msk $0xffff, v6  }
0x1f2: {  	s6 =	sadd.s32 $0xD500, s4;
	s9 =	sor.u32 s18, s1;
	[tilespmem:s26+$0x0] =	vst.add.f32.msk $0xffff, v3  }
0x1f3: {  	s28 =	sor.u32 s18, s6;
	s8 =	sadd.s32 $0xD580, s4;
	[tilespmem:s9+$0x0] =	vst.add.f32.msk $0xffff, v4  }
0x1f4: {  	s11 =	sor.u32 s18, s8;
	s9 =	sadd.s32 $0xD600, s4;
	[tilespmem:s28+$0x0] =	vst.add.f32.msk $0xffff, v5  }
0x1f5: {  	s10 =	sadd.s32 $0xD680, s4;
	s12 =	sor.u32 s18, s9;
	[tilespmem:s11+$0x0] =	vst.add.f32.msk $0xffff, v6  }
0x1f6: {  	s7 =	sadd.s32 $0xD700, s4;
	s15 =	sor.u32 s18, s10;
	[tilespmem:s12+$0x0] =	vst.add.f32.msk $0xffff, v3  }
0x1f7: {  	s16 =	sor.u32 s18, s7;
	s11 =	sadd.s32 $0xD780, s4;
	[tilespmem:s15+$0x0] =	vst.add.f32.msk $0xffff, v4  }
0x1f8: {  	s17 =	sor.u32 s18, s11;
	s12 =	sadd.s32 $0xF400, s4;
	[tilespmem:s16+$0x0] =	vst.add.f32.msk $0xffff, v5  }
0x1f9: {  	s25 =	sor.u32 s18, s12;
	s15 =	sadd.s32 $0xF480, s4;
	[tilespmem:s17+$0x0] =	vst.add.f32.msk $0xffff, v6  }
0x1fa: {  	s16 =	sadd.s32 $0xF500, s4;
	s29 =	sor.u32 s18, s15;
	[tilespmem:s25+$0x0] =	vst.add.f32.msk $0xffff, v3  }
0x1fb: {  	s31 =	sor.u32 s18, s16;
	s17 =	sadd.s32 $0xF580, s4;
	[tilespmem:s29+$0x0] =	vst.add.f32.msk $0xffff, v4  }
0x1fc: {  	s26 =	sor.u32 s18, s17;
	s25 =	sadd.s32 $0xF600, s4;
	[tilespmem:s31+$0x0] =	vst.add.f32.msk $0xffff, v5  }
0x1fd: {  	s28 =	sor.u32 s18, s25;
	[tilespmem:s26+$0x0] =	vst.add.f32.msk $0xffff, v6;
	s26 =	sadd.s32 $0xF680, s4  }
0x1fe: {  	[tilespmem:s28+$0x0] =	vst.add.f32.msk $0xffff, v3;
	s29 =	sor.u32 s18, s26;
	s28 =	sadd.s32 $0xF700, s4  }
0x1ff: {  	s4 =	sadd.s32 $0xF780, s4;
	[tilespmem:s29+$0x0] =	vst.add.f32.msk $0xffff, v4;
	s13 =	sor.u32 s18, s28  }
0x200: {  	s29 =	sor.u32 $0x10, s18;
	s18 =	sor.u32 s18, s4;
	[tilespmem:s13+$0x0] =	vst.add.f32.msk $0xffff, v5  }
0x201: {  	s14 =	sor.u32 s29, s14;
	[tilespmem:s18+$0x0] =	vst.add.f32.msk $0xffff, v6  }
0x202: {  	v6 =	vld [tilespmem:s14+$0x0]  }
0x203: {  	v5 =	vld [tilespmem:s14+$0x80]  }
0x204: {  	v4 =	vld [tilespmem:s14+$0x100]  }
0x205: {  	v3 =	vld [tilespmem:s14+$0x180]  }
0x206: {  	s14 =	sor.u32 s29, s21  }
0x207: {  	s21 =	sor.u32 $0x80, s14;
	[tilespmem:s14+$0x0] =	vst.add.f32.msk $0xffff, v6  }
0x208: {  	s31 =	sor.u32 $0x100, s14;
	[tilespmem:s21+$0x0] =	vst.add.f32.msk $0xffff, v5  }
0x209: {  	s13 =	sor.u32 $0x180, s14;
	[tilespmem:s31+$0x0] =	vst.add.f32.msk $0xffff, v4  }
0x20a: {  	s21 =	sor.u32 $0x200, s14;
	[tilespmem:s13+$0x0] =	vst.add.f32.msk $0xffff, v3  }
0x20b: {  	s31 =	sor.u32 $0x280, s14;
	[tilespmem:s21+$0x0] =	vst.add.f32.msk $0xffff, v6  }
0x20c: {  	s13 =	sor.u32 $0x300, s14;
	[tilespmem:s31+$0x0] =	vst.add.f32.msk $0xffff, v5  }
0x20d: {  	s14 =	sor.u32 $0x380, s14;
	[tilespmem:s13+$0x0] =	vst.add.f32.msk $0xffff, v4  }
0x20e: {  	s19 =	sor.u32 s29, s19;
	[tilespmem:s14+$0x0] =	vst.add.f32.msk $0xffff, v3  }
0x20f: {  	s21 =	sor.u32 s29, s20;
	[tilespmem:s19+$0x0] =	vst.add.f32.msk $0xffff, v6  }
0x210: {  	s22 =	sor.u32 s29, s22;
	[tilespmem:s21+$0x0] =	vst.add.f32.msk $0xffff, v5  }
0x211: {  	s23 =	sor.u32 s29, s23;
	[tilespmem:s22+$0x0] =	vst.add.f32.msk $0xffff, v4  }
0x212: {  	s5 =	sor.u32 s29, s5;
	[tilespmem:s23+$0x0] =	vst.add.f32.msk $0xffff, v3  }
0x213: {  	s31 =	sor.u32 s29, s24;
	[tilespmem:s5+$0x0] =	vst.add.f32.msk $0xffff, v6  }
0x214: {  	s2 =	sor.u32 s29, s2;
	[tilespmem:s31+$0x0] =	vst.add.f32.msk $0xffff, v5  }
0x215: {  	s3 =	sor.u32 s29, s3;
	[tilespmem:s2+$0x0] =	vst.add.f32.msk $0xffff, v4  }
0x216: {  	s0 =	sor.u32 s29, s0;
	[tilespmem:s3+$0x0] =	vst.add.f32.msk $0xffff, v3  }
0x217: {  	s5 =	sor.u32 s29, s1;
	[tilespmem:s0+$0x0] =	vst.add.f32.msk $0xffff, v6  }
0x218: {  	s13 =	sor.u32 s29, s6;
	[tilespmem:s5+$0x0] =	vst.add.f32.msk $0xffff, v5  }
0x219: {  	s14 =	sor.u32 s29, s8;
	[tilespmem:s13+$0x0] =	vst.add.f32.msk $0xffff, v4  }
0x21a: {  	s18 =	sor.u32 s29, s9;
	[tilespmem:s14+$0x0] =	vst.add.f32.msk $0xffff, v3  }
0x21b: {  	s19 =	sor.u32 s29, s10;
	[tilespmem:s18+$0x0] =	vst.add.f32.msk $0xffff, v6  }
0x21c: {  	s20 =	sor.u32 s29, s7;
	[tilespmem:s19+$0x0] =	vst.add.f32.msk $0xffff, v5  }
0x21d: {  	s21 =	sor.u32 s29, s11;
	[tilespmem:s20+$0x0] =	vst.add.f32.msk $0xffff, v4  }
0x21e: {  	s22 =	sor.u32 s29, s12;
	[tilespmem:s21+$0x0] =	vst.add.f32.msk $0xffff, v3  }
0x21f: {  	s23 =	sor.u32 s29, s15;
	[tilespmem:s22+$0x0] =	vst.add.f32.msk $0xffff, v6  }
0x220: {  	s24 =	sor.u32 s29, s16;
	[tilespmem:s23+$0x0] =	vst.add.f32.msk $0xffff, v5  }
0x221: {  	s10 =	sor.u32 s29, s4;
	s31 =	sor.u32 s29, s17;
	s13 =	sor.u32 s29, s28;
	[tilespmem:s24+$0x0] =	vst.add.f32.msk $0xffff, v4  }
0x222: {  	s21 =	simm.s32 $0x1;
	s22 =	sor.u32 s29, s26;
	s23 =	sor.u32 s29, s25;
	[tilespmem:s31+$0x0] =	vst.add.f32.msk $0xffff, v3  }
.LBB2_7:
0x223: {  	s0 =	sshll.u32 s21, $0x7  }
0x224: {  	[tilespmem:s23+$0x0] =	vst.add.f32.msk $0xffff, v6;
	s1 =	smov.u32 s21;
	s30 =	sadd.s32 $0x20, s30;
	s0 =	sand.u32 $0x3FFFFE00, s0  }
0x225: {  	[tilespmem:s22+$0x0] =	vst.add.f32.msk $0xffff, v5;
	s22 =	sand.u32 $0x60, s30;
	s1 =	sshll.u32 s1, $0x8;
	s0 =	sadd.s32 $0x400, s0  }
0x226: {  	s19 =	sor.u32 $0x10, s22;
	s24 =	sand.u32 $0x3FFFFC00, s1;
	[dreg:$0xa] =	wrdreg s0  }
0x227: {  	[tilespmem:s13+$0x0] =	vst.add.f32.msk $0xffff, v4;
	s0 =	sor.u32 s22, s0;
	s2 =	sadd.s32 $0x9400, s24;
	s1 =	sadd.s32 $0xB400, s24  }
0x228: {  	[tilespmem:s10+$0x0] =	vst.add.f32.msk $0xffff, v3;
	s8 =	sadd.s32 $0xB480, s24;
	s10 =	sadd.s32 $0xB500, s24;
	s11 =	sadd.s32 $0xB580, s24  }
0x229: {  	s13 =	sadd.s32 $0xB680, s24;
	s6 =	sadd.s32 $0xB700, s24;
	v3 =	vld [tilespmem:s0+$0x0];
	[smem:$0x7D1] =	sst s2  }
0x22a: {  	s29 =	sadd.s32 $0xD400, s24;
	s26 =	sadd.s32 $0xD580, s24;
	v4 =	vld [tilespmem:s0+$0x80];
	[smem:$0x7D2] =	sst s1  }
0x22b: {  	s28 =	sadd.s32 $0xD600, s24;
	v5 =	vld [tilespmem:s0+$0x100];
	[dreg:$0xf] =	wrdreg s8;
	s3 =	sor.u32 s22, s2  }
0x22c: {  	v6 =	vld [tilespmem:s0+$0x180];
	s7 =	sor.u32 s22, s1;
	s8 =	sor.u32 s22, s8;
	[smem:$0x7D3] =	sst s10  }
0x22d: {  	[smem:$0x7D5] =	sst s11;
	s5 =	sor.u32 s22, s11;
	s2 =	sadd.s32 $0xB600, s24  }
0x22e: {  	[smem:$0x7D6] =	sst s13;
	s16 =	sor.u32 s22, s13;
	s9 =	sor.u32 $0x80, s3;
	[tilespmem:s3+$0x0] =	vst.add.f32.msk $0xffff, v3  }
0x22f: {  	s17 =	sor.u32 s22, s6;
	s20 =	sor.u32 s22, s26;
	s12 =	sor.u32 $0x100, s3;
	[tilespmem:s9+$0x0] =	vst.add.f32.msk $0xffff, v4  }
0x230: {  	s25 =	sor.u32 s22, s28;
	s0 =	sadd.s32 $0xD680, s24;
	s4 =	sor.u32 $0x180, s3;
	[tilespmem:s12+$0x0] =	vst.add.f32.msk $0xffff, v5  }
0x231: {  	s14 =	sor.u32 $0x200, s3;
	s15 =	sor.u32 s22, s2;
	[smem:$0x7D4] =	sst s20;
	[tilespmem:s4+$0x0] =	vst.add.f32.msk $0xffff, v6  }
0x232: {  	s11 =	sor.u32 $0x280, s3;
	[smem:$0x7D7] =	sst s25;
	s31 =	sor.u32 s22, s0;
	[tilespmem:s14+$0x0] =	vst.add.f32.msk $0xffff, v3  }
0x233: {  	s18 =	sor.u32 $0x300, s3;
	s2 =	sor.u32 s19, s2;
	[smem:$0x7D8] =	sst s31;
	[tilespmem:s11+$0x0] =	vst.add.f32.msk $0xffff, v4  }
0x234: {  	s31 =	sadd.s32 $0xF480, s24;
	s3 =	sor.u32 $0x380, s3;
	[tilespmem:s18+$0x0] =	vst.add.f32.msk $0xffff, v5;
	s18 =	sadd.s32 $0xD780, s24  }
0x235: {  	[smem:$0x7E0] =	sst s2;
	s9 =	sor.u32 s22, s10;
	[tilespmem:s3+$0x0] =	vst.add.f32.msk $0xffff, v6;
	s13 =	sor.u32 s22, s18  }
0x236: {  	s3 =	sor.u32 s22, s29;
	s29 =	sor.u32 s19, s29;
	[tilespmem:s7+$0x0] =	vst.add.f32.msk $0xffff, v3;
	[smem:$0x7DA] =	sst s13  }
0x237: {  	s10 =	sadd.s32 $0xF600, s24;
	s14 =	sadd.s32 $0xD700, s24;
	[dreg:$0x14] =	wrdreg s29;
	[tilespmem:s8+$0x0] =	vst.add.f32.msk $0xffff, v4  }
0x238: {  	s12 =	sadd.s32 $0xD500, s24;
	s29 =	sld [smem:$0x7D7];
	[tilespmem:s9+$0x0] =	vst.add.f32.msk $0xffff, v5;
	s9 =	sor.u32 s22, s14  }
0x239: {  	s4 =	sadd.s32 $0xB780, s24;
	s13 =	sadd.s32 $0xF400, s24;
	[tilespmem:s5+$0x0] =	vst.add.f32.msk $0xffff, v6;
	[smem:$0x7D9] =	sst s9  }
0x23a: {  	s5 =	sadd.s32 $0xF500, s24;
	s9 =	smov.u32 s30;
	[tilespmem:s15+$0x0] =	vst.add.f32.msk $0xffff, v3;
	s15 =	sor.u32 s22, s13  }
0x23b: {  	s30 =	sadd.s32 $0xF580, s24;
	s20 =	sor.u32 s22, s5;
	[smem:$0x7DB] =	sst s15;
	[tilespmem:s16+$0x0] =	vst.add.f32.msk $0xffff, v4  }
0x23c: {  	s1 =	sor.u32 s22, s4;
	s25 =	sor.u32 s22, s30;
	[smem:$0x7DD] =	sst s20;
	[tilespmem:s17+$0x0] =	vst.add.f32.msk $0xffff, v5  }
0x23d: {  	s11 =	sadd.s32 $0xD480, s24;
	s16 =	sor.u32 s22, s31;
	[smem:$0x7DE] =	sst s25;
	[tilespmem:s1+$0x0] =	vst.add.f32.msk $0xffff, v6  }
0x23e: {  	s23 =	sor.u32 s22, s11;
	s7 =	sor.u32 s22, s12;
	[smem:$0x7DC] =	sst s16;
	[tilespmem:s3+$0x0] =	vst.add.f32.msk $0xffff, v3  }
0x23f: {  	s15 =	sor.u32 s22, s10;
	s16 =	sadd.s32 $0xF680, s24;
	[tilespmem:s23+$0x0] =	vst.add.f32.msk $0xffff, v4;
	s23 =	sld [smem:$0x7D3]  }
0x240: {  	s25 =	sadd.s32 $0xF700, s24;
	s20 =	sadd.s32 $0xF780, s24;
	s17 =	sor.u32 s22, s16  }
0x241: {  	s1 =	sor.u32 s22, s20;
	s3 =	sor.u32 s22, s25;
	[tilespmem:s7+$0x0] =	vst.add.f32.msk $0xffff, v5;
	s7 =	rddreg [dreg:$0xf]  }
0x242: {  	s22 =	sor.u32 s19, s23;
	s23 =	sor.u32 s19, s6;
	s6 =	sld [smem:$0x7D4]  }
0x243: {  	[dreg:$0x19] =	wrdreg s23  }
0x244: {  	s23 =	sld [smem:$0x7D6]  }
0x245: {  	[smem:$0x7DF] =	sst s22  }
0x246: {  	s22 =	sld [smem:$0x7D5]  }
0x247: {  	[tilespmem:s6+$0x0] =	vst.add.f32.msk $0xffff, v6;
	s6 =	sor.u32 s19, s23;
	s23 =	sld [smem:$0x7D8]  }
0x248: {  	[tilespmem:s29+$0x0] =	vst.add.f32.msk $0xffff, v3;
	s29 =	sor.u32 s19, s28;
	s28 =	sld [smem:$0x7D9]  }
0x249: {  	s2 =	sor.u32 s19, s7;
	s7 =	sor.u32 s19, s22;
	s22 =	sld [smem:$0x7DA]  }
0x24a: {  	[tilespmem:s23+$0x0] =	vst.add.f32.msk $0xffff, v4  }
0x24b: {  	[tilespmem:s28+$0x0] =	vst.add.f32.msk $0xffff, v5;
	s28 =	sor.u32 s19, s13;
	s13 =	sld [smem:$0x7DB]  }
0x24c: {  	[tilespmem:s22+$0x0] =	vst.add.f32.msk $0xffff, v6;
	s22 =	sor.u32 s19, s16;
	s16 =	sld [smem:$0x7DC];
	_ =	sdelay $0x1  }
0x24d: {  	[tilespmem:s13+$0x0] =	vst.add.f32.msk $0xffff, v3;
	s13 =	sor.u32 s19, s25;
	s25 =	sld [smem:$0x7DD]  }
0x24e: {  	[tilespmem:s16+$0x0] =	vst.add.f32.msk $0xffff, v4;
	s16 =	sld [smem:$0x7DE];
	_ =	sdelay $0x1  }
0x24f: {  	[tilespmem:s25+$0x0] =	vst.add.f32.msk $0xffff, v5  }
0x250: {  	[tilespmem:s16+$0x0] =	vst.add.f32.msk $0xffff, v6  }
0x251: {  	[tilespmem:s15+$0x0] =	vst.add.f32.msk $0xffff, v3  }
0x252: {  	[tilespmem:s17+$0x0] =	vst.add.f32.msk $0xffff, v4  }
0x253: {  	s17 =	rddreg [dreg:$0xa];
	[tilespmem:s3+$0x0] =	vst.add.f32.msk $0xffff, v5  }
0x254: {  	[tilespmem:s1+$0x0] =	vst.add.f32.msk $0xffff, v6;
	s1 =	sor.u32 s19, s17  }
0x255: {  	v6 =	vld [tilespmem:s1+$0x0]  }
0x256: {  	s8 =	sld [smem:$0x7D1];
	v5 =	vld [tilespmem:s1+$0x80]  }
0x257: {  	v4 =	vld [tilespmem:s1+$0x100]  }
0x258: {  	s23 =	sor.u32 s19, s30;
	v3 =	vld [tilespmem:s1+$0x180]  }
0x259: {  	s8 =	sor.u32 s19, s8;
	[dreg:$0x1a] =	wrdreg s23  }
0x25a: {  	s23 =	sor.u32 s19, s10;
	s10 =	sor.u32 s19, s20;
	s20 =	sor.u32 $0x80, s8;
	[tilespmem:s8+$0x0] =	vst.add.f32.msk $0xffff, v6  }
0x25b: {  	s25 =	sor.u32 $0x100, s8;
	[tilespmem:s20+$0x0] =	vst.add.f32.msk $0xffff, v5  }
0x25c: {  	s26 =	sor.u32 s19, s26;
	s0 =	sor.u32 s19, s0;
	s3 =	sor.u32 $0x180, s8;
	[tilespmem:s25+$0x0] =	vst.add.f32.msk $0xffff, v4  }
0x25d: {  	s4 =	sor.u32 s19, s4;
	s30 =	smov.u32 s9;
	s9 =	sor.u32 $0x200, s8;
	[tilespmem:s3+$0x0] =	vst.add.f32.msk $0xffff, v3  }
0x25e: {  	s11 =	sor.u32 s19, s11;
	s24 =	sld [smem:$0x7D2];
	s15 =	sor.u32 $0x280, s8;
	[tilespmem:s9+$0x0] =	vst.add.f32.msk $0xffff, v6  }
0x25f: {  	s18 =	sor.u32 s19, s18;
	s12 =	sor.u32 s19, s12;
	s16 =	sor.u32 $0x300, s8;
	[tilespmem:s15+$0x0] =	vst.add.f32.msk $0xffff, v5  }
0x260: {  	s14 =	sor.u32 s19, s14;
	s5 =	sor.u32 s19, s5;
	s17 =	sor.u32 $0x380, s8;
	[tilespmem:s16+$0x0] =	vst.add.f32.msk $0xffff, v4  }
0x261: {  	s31 =	sor.u32 s19, s31;
	s24 =	sor.u32 s19, s24;
	s19 =	sld [smem:$0x7DF];
	[tilespmem:s17+$0x0] =	vst.add.f32.msk $0xffff, v3  }
0x262: {  	[tilespmem:s24+$0x0] =	vst.add.f32.msk $0xffff, v6  }
0x263: {  	s20 =	sld [smem:$0x7E0];
	[tilespmem:s2+$0x0] =	vst.add.f32.msk $0xffff, v5  }
0x264: {  	[tilespmem:s19+$0x0] =	vst.add.f32.msk $0xffff, v4  }
0x265: {  	[tilespmem:s7+$0x0] =	vst.add.f32.msk $0xffff, v3  }
0x266: {  	[tilespmem:s20+$0x0] =	vst.add.f32.msk $0xffff, v6  }
0x267: {  	s24 =	rddreg [dreg:$0x19];
	[tilespmem:s6+$0x0] =	vst.add.f32.msk $0xffff, v5  }
0x268: {  	[tilespmem:s24+$0x0] =	vst.add.f32.msk $0xffff, v4  }
0x269: {  	s25 =	rddreg [dreg:$0x14];
	[tilespmem:s4+$0x0] =	vst.add.f32.msk $0xffff, v3  }
0x26a: {  	[tilespmem:s25+$0x0] =	vst.add.f32.msk $0xffff, v6  }
0x26b: {  	[tilespmem:s11+$0x0] =	vst.add.f32.msk $0xffff, v5  }
0x26c: {  	[tilespmem:s12+$0x0] =	vst.add.f32.msk $0xffff, v4  }
0x26d: {  	[tilespmem:s26+$0x0] =	vst.add.f32.msk $0xffff, v3  }
0x26e: {  	[tilespmem:s29+$0x0] =	vst.add.f32.msk $0xffff, v6  }
0x26f: {  	[tilespmem:s0+$0x0] =	vst.add.f32.msk $0xffff, v5  }
0x270: {  	p0 =	sne.s32 s21, $0x1F;
	[tilespmem:s14+$0x0] =	vst.add.f32.msk $0xffff, v4  }
.Ltmp2:
0x271: {  	[tilespmem:s18+$0x0] =	vst.add.f32.msk $0xffff, v3;
	(pc) =	sbr.rel @p0 .LBB2_7-.Ltmp2, $4  }
0x272: {  	[tilespmem:s28+$0x0] =	vst.add.f32.msk $0xffff, v6  }
0x273: {  	[tilespmem:s31+$0x0] =	vst.add.f32.msk $0xffff, v5  }
0x274: {  	s31 =	rddreg [dreg:$0x1a];
	[tilespmem:s5+$0x0] =	vst.add.f32.msk $0xffff, v4  }
0x275: {  	s21 =	sadd.s32 $0x1, s21;
	[tilespmem:s31+$0x0] =	vst.add.f32.msk $0xffff, v3  }
0x276: {  	s0 =	sld [smem:$0x7F8]  }
0x277: {  	s1 =	sld [smem:$0x7E2];
	_ =	sdelay $0x2  }
0x278: {  	[tilespmem:s23+$0x0] =	vst.add.f32.msk $0xffff, v6;
	s0 =	sadd.s32 s1, s0  }
0x279: {  	[tilespmem:s22+$0x0] =	vst.add.f32.msk $0xffff, v5;
	s0 =	sshll.u32 s0, $0x9  }
0x27a: {  	s18 =	rddreg [dreg:$0x3];
	s19 =	simm.s32 $0x9400;
	[tilespmem:s13+$0x0] =	vst.add.f32.msk $0xffff, v4;
	s0 =	sand.u32 $0x1FFFF000, s0  }
0x27b: {  	s6 =	simm.s32 $0x200;
	s7 =	simm.s32 $0x1000;
	[tilespmem:s10+$0x0] =	vst.add.f32.msk $0xffff, v3;
	s1 =	sadd.s32 s18, s0  }
0x27c: {  	[hbm4b:s1+s6] =	stream.strided.scatter [tilespmem:s19], [sflag:$0x5], $0x400, s7, s6, $0x38;
	[tilespmem:$0x19400] =	vst v63  }
0x27d: {  	s20 =	simm.s32 $0x9800;
	s2 =	sadd.s32 $0x40, s1  }
0x27e: {  	[hbm4b:s2+s6] =	stream.strided.scatter [tilespmem:s20], [sflag:$0x5], $0x400, s7, s6, $0x38;
	[tilespmem:$0x19400] =	vst v63  }
0x27f: {  	s21 =	simm.s32 $0x9C00;
	s23 =	simm.s32 $0xA000;
	s22 =	sadd.s32 $0x80, s1  }
0x280: {  	[hbm4b:s22+s6] =	stream.strided.scatter [tilespmem:s21], [sflag:$0x5], $0x400, s7, s6, $0x38;
	[tilespmem:$0x19400] =	vst v63  }
0x281: {  	s25 =	simm.s32 $0xA400;
	s28 =	simm.s32 $0xA800;
	s24 =	sadd.s32 $0xC0, s1  }
0x282: {  	[hbm4b:s24+s6] =	stream.strided.scatter [tilespmem:s23], [sflag:$0x5], $0x400, s7, s6, $0x38;
	[tilespmem:$0x19400] =	vst v63  }
0x283: {  	s30 =	simm.s32 $0xAC00;
	s3 =	simm.s32 $0xB000;
	s26 =	sadd.s32 $0x100, s1  }
0x284: {  	[hbm4b:s26+s6] =	stream.strided.scatter [tilespmem:s25], [sflag:$0x5], $0x400, s7, s6, $0x38;
	[tilespmem:$0x19400] =	vst v63  }
0x285: {  	s0 =	simm.s32 $0x2000;
	s29 =	sadd.s32 $0x140, s1;
	s31 =	sadd.s32 $0x180, s1  }
0x286: {  	[hbm4b:s29+s6] =	stream.strided.scatter [tilespmem:s28], [sflag:$0x5], $0x400, s7, s6, $0x38;
	[tilespmem:$0x19400] =	vst v63  }
0x287: {  	s4 =	sadd.s32 $0x1C0, s1;
	s1 =	sadd.s32 $0x400, s1;
	s2 =	simm.s32 $0x10000  }
0x288: {  	[hbm4b:s31+s6] =	stream.strided.scatter [tilespmem:s30], [sflag:$0x5], $0x400, s7, s6, $0x38;
	[tilespmem:$0x19400] =	vst v63  }
.LBB2_9:
0x289: {  	[hbm4b:s4+s6] =	stream.strided.scatter [tilespmem:s3], [sflag:$0x5], $0x400, s7, s6, $0x38;
	[tilespmem:$0x19400] =	vst v63  }
0x28a: {  	s3 =	smov.u32 s0;
	s0 =	smov.u32 s2  }
0x28b: {  	s5 =	sadd.s32 $0x8000, s2;
	s0 =	sshra.s32 s0, $0x2;
	s4 =	sadd.s32 $0x9400, s3  }
0x28c: {  	[hbm4b:s1+s6] =	stream.strided.scatter [tilespmem:s4], [sflag:$0x5], $0x400, s7, s6, $0x38;
	[tilespmem:$0x19400] =	vst v63  }
0x28d: {  	p0 =	sne.s32 s2, $0x18000;
	s2 =	sadd.s32 $0x9800, s3;
	s4 =	sadd.s32 $0x40, s1  }
0x28e: {  	[hbm4b:s4+s6] =	stream.strided.scatter [tilespmem:s2], [sflag:$0x5], $0x400, s7, s6, $0x38;
	[tilespmem:$0x19400] =	vst v63  }
0x28f: {  	s2 =	sadd.s32 $0x9C00, s3;
	s4 =	sadd.s32 $0x80, s1  }
0x290: {  	[hbm4b:s4+s6] =	stream.strided.scatter [tilespmem:s2], [sflag:$0x5], $0x400, s7, s6, $0x38;
	[tilespmem:$0x19400] =	vst v63  }
0x291: {  	s2 =	sadd.s32 $0xA000, s3;
	s4 =	sadd.s32 $0xC0, s1  }
0x292: {  	[hbm4b:s4+s6] =	stream.strided.scatter [tilespmem:s2], [sflag:$0x5], $0x400, s7, s6, $0x38;
	[tilespmem:$0x19400] =	vst v63  }
0x293: {  	s2 =	sadd.s32 $0xA400, s3;
	s4 =	sadd.s32 $0x100, s1  }
0x294: {  	[hbm4b:s4+s6] =	stream.strided.scatter [tilespmem:s2], [sflag:$0x5], $0x400, s7, s6, $0x38;
	[tilespmem:$0x19400] =	vst v63  }
.Ltmp3:
0x295: {  	s2 =	sadd.s32 $0xA800, s3;
	s4 =	sadd.s32 $0x140, s1;
	(pc) =	sbr.rel @p0 .LBB2_9-.Ltmp3, $4  }
0x296: {  	[hbm4b:s4+s6] =	stream.strided.scatter [tilespmem:s2], [sflag:$0x5], $0x400, s7, s6, $0x38;
	[tilespmem:$0x19400] =	vst v63  }
0x297: {  	s2 =	sadd.s32 $0xAC00, s3;
	s4 =	sadd.s32 $0x180, s1;
	s3 =	sadd.s32 $0xB000, s3  }
0x298: {  	[hbm4b:s4+s6] =	stream.strided.scatter [tilespmem:s2], [sflag:$0x5], $0x400, s7, s6, $0x38;
	[tilespmem:$0x19400] =	vst v63  }
0x299: {  	s4 =	sadd.s32 $0x1C0, s1;
	s1 =	sadd.s32 $0x400, s1;
	s2 =	smov.u32 s5  }
0x29a: {  	[hbm4b:s4+s6] =	stream.strided.scatter [tilespmem:s3], [sflag:$0x5], $0x400, s7, s6, $0x38;
	[tilespmem:$0x19400] =	vst v63  }
0x29b: {  	s2 =	sadd.s32 $0x9400, s0  }
0x29c: {  	[hbm4b:s1+s6] =	stream.strided.scatter [tilespmem:s2], [sflag:$0x5], $0x400, s7, s6, $0x38;
	[tilespmem:$0x19400] =	vst v63  }
0x29d: {  	s19 =	sadd.s32 $0x9800, s0;
	s20 =	sadd.s32 $0x40, s1  }
0x29e: {  	[hbm4b:s20+s6] =	stream.strided.scatter [tilespmem:s19], [sflag:$0x5], $0x400, s7, s6, $0x38;
	[tilespmem:$0x19400] =	vst v63  }
0x29f: {  	s21 =	sadd.s32 $0x9C00, s0;
	s22 =	sadd.s32 $0x80, s1  }
0x2a0: {  	[hbm4b:s22+s6] =	stream.strided.scatter [tilespmem:s21], [sflag:$0x5], $0x400, s7, s6, $0x38;
	[tilespmem:$0x19400] =	vst v63  }
0x2a1: {  	s23 =	sadd.s32 $0xA000, s0;
	s24 =	sadd.s32 $0xC0, s1  }
0x2a2: {  	[hbm4b:s24+s6] =	stream.strided.scatter [tilespmem:s23], [sflag:$0x5], $0x400, s7, s6, $0x38;
	[tilespmem:$0x19400] =	vst v63  }
0x2a3: {  	s25 =	sadd.s32 $0xA400, s0;
	s26 =	sadd.s32 $0x100, s1  }
0x2a4: {  	[hbm4b:s26+s6] =	stream.strided.scatter [tilespmem:s25], [sflag:$0x5], $0x400, s7, s6, $0x38;
	[tilespmem:$0x19400] =	vst v63  }
0x2a5: {  	s28 =	sadd.s32 $0xA800, s0;
	s29 =	sadd.s32 $0x140, s1  }
0x2a6: {  	[hbm4b:s29+s6] =	stream.strided.scatter [tilespmem:s28], [sflag:$0x5], $0x400, s7, s6, $0x38;
	[tilespmem:$0x19400] =	vst v63  }
0x2a7: {  	s30 =	sadd.s32 $0xAC00, s0;
	s31 =	sadd.s32 $0x180, s1  }
0x2a8: {  	[hbm4b:s31+s6] =	stream.strided.scatter [tilespmem:s30], [sflag:$0x5], $0x400, s7, s6, $0x38;
	[tilespmem:$0x19400] =	vst v63  }
0x2a9: {  	s4 =	sadd.s32 $0xB000, s0;
	s5 =	sadd.s32 $0x1C0, s1  }
0x2aa: {  	[hbm4b:s5+s6] =	stream.strided.scatter [tilespmem:s4], [sflag:$0x5], $0x400, s7, s6, $0x38;
	[tilespmem:$0x19400] =	vst v63  }
0x2ab: {  	s6 =	simm.s32 $0x3  }
0x2ac: {  	_ =	swait.ge [sflag:s6], $0x8000  }
0x2ad: {  	[sflag:s6] =	ssyncset.done $0x0  }
0x2ae: {  	s7 =	simm.s32 $0x5;
	[sflag:s6] =	ssyncadd.s32 $0xFFFF8000  }
0x2af: {  	_ =	swait.ge [sflag:s7], $0x8000  }
0x2b0: {  	s5 =	sld [smem:$0x7E1]  }
0x2b1: {  	[sflag:s7] =	ssyncset.done $0x0  }
0x2b2: {  	[sflag:s7] =	ssyncadd.s32 $0xFFFF8000  }
0x2b3: {  	v3 =	vld [tilespmem:s5+$0x80];
	_ =	sdelay $0x4  }
0x2b4: {  	v4 =	vshll.u32 v3, $0x3  }
0x2b5: {  	v3 =	vand.u32 $0x7, v3;
	v4 =	vand.u32 $0xFFFFFFC0, v4  }
0x2b6: {  	v3 =	vor.u32 v3, v4  }
0x2b7: {  	v4 =	vperm.xlane v3, v0;
	_ =	sdelay $0x1  }
0x2b8: {  	v4 =	vadd.s32 v1, v4;
	_ =	sdelay $0x2  }
0x2b9: {  	s9 =	sld [smem:$0x7F5]  }
0x2ba: {  	s13 =	simm.s32 $0x0;
	s8 =	simm.s32 $0x9400;
	s0 =	rddreg [dreg:$0x1]  }
0x2bb: {  	[tilespmem:s8], [sflag:$0x2] =	stream.indirect_vreg.gather [hbm4b:s0+s13], $0x80, v4, vm0, $0xb8;
	[tilespmem:$0x19400] =	vst v63  }
0x2bc: {  	s10 =	simm.s32 $0x9C00;
	s11 =	sld [smem:$0x7F6];
	v3 =	vperm.xlane v3, v2  }
0x2bd: {  	[tilespmem:s10], [sflag:$0x2] =	stream.indirect_vreg.gather [hbm4b:s9+s13], $0x80, v4, vm0, $0xb8;
	[tilespmem:$0x19400] =	vst v63  }
0x2be: {  	s12 =	simm.s32 $0xA400;
	s14 =	sld [smem:$0x7F7];
	v3 =	vadd.s32 v1, v3  }
0x2bf: {  	[tilespmem:s12], [sflag:$0x2] =	stream.indirect_vreg.gather [hbm4b:s11+s13], $0x80, v4, vm0, $0xb8;
	[tilespmem:$0x19400] =	vst v63  }
0x2c0: {  	s15 =	simm.s32 $0xAC00  }
0x2c1: {  	[tilespmem:s15], [sflag:$0x2] =	stream.indirect_vreg.gather [hbm4b:s14+s13], $0x80, v4, vm0, $0xb8;
	[tilespmem:$0x19400] =	vst v63  }
0x2c2: {  	s16 =	simm.s32 $0xB400  }
0x2c3: {  	[tilespmem:s16], [sflag:$0x2] =	stream.indirect_vreg.gather [hbm4b:s0+s13], $0x80, v3, vm0, $0xb8;
	[tilespmem:$0x19400] =	vst v63  }
0x2c4: {  	s17 =	simm.s32 $0xBC00  }
0x2c5: {  	[tilespmem:s17], [sflag:$0x2] =	stream.indirect_vreg.gather [hbm4b:s9+s13], $0x80, v3, vm0, $0xb8;
	[tilespmem:$0x19400] =	vst v63  }
0x2c6: {  	s18 =	simm.s32 $0xC400  }
0x2c7: {  	[tilespmem:s18], [sflag:$0x2] =	stream.indirect_vreg.gather [hbm4b:s11+s13], $0x80, v3, vm0, $0xb8;
	[tilespmem:$0x19400] =	vst v63  }
0x2c8: {  	s19 =	simm.s32 $0xCC00  }
0x2c9: {  	[tilespmem:s19], [sflag:$0x2] =	stream.indirect_vreg.gather [hbm4b:s14+s13], $0x80, v3, vm0, $0xb8;
	[tilespmem:$0x19400] =	vst v63  }
0x2ca: {  	v3 =	vld [tilespmem:s5+$0x90];
	_ =	sdelay $0x4  }
0x2cb: {  	v4 =	vshll.u32 v3, $0x3  }
0x2cc: {  	v3 =	vand.u32 $0x7, v3;
	v4 =	vand.u32 $0xFFFFFFC0, v4  }
0x2cd: {  	v3 =	vor.u32 v3, v4  }
0x2ce: {  	v4 =	vperm.xlane v3, v0;
	_ =	sdelay $0x1  }
0x2cf: {  	v4 =	vadd.s32 v1, v4;
	_ =	sdelay $0x3  }
0x2d0: {  	s20 =	simm.s32 $0xD400  }
0x2d1: {  	[tilespmem:s20], [sflag:$0x2] =	stream.indirect_vreg.gather [hbm4b:s0+s13], $0x80, v4, vm0, $0xb8;
	[tilespmem:$0x19400] =	vst v63  }
0x2d2: {  	s21 =	simm.s32 $0xDC00;
	v3 =	vperm.xlane v3, v2  }
0x2d3: {  	[tilespmem:s21], [sflag:$0x2] =	stream.indirect_vreg.gather [hbm4b:s9+s13], $0x80, v4, vm0, $0xb8;
	[tilespmem:$0x19400] =	vst v63  }
0x2d4: {  	s22 =	simm.s32 $0xE400;
	v3 =	vadd.s32 v1, v3  }
0x2d5: {  	[tilespmem:s22], [sflag:$0x2] =	stream.indirect_vreg.gather [hbm4b:s11+s13], $0x80, v4, vm0, $0xb8;
	[tilespmem:$0x19400] =	vst v63  }
0x2d6: {  	s23 =	simm.s32 $0xEC00  }
0x2d7: {  	[tilespmem:s23], [sflag:$0x2] =	stream.indirect_vreg.gather [hbm4b:s14+s13], $0x80, v4, vm0, $0xb8;
	[tilespmem:$0x19400] =	vst v63  }
0x2d8: {  	s24 =	simm.s32 $0xF400  }
0x2d9: {  	[tilespmem:s24], [sflag:$0x2] =	stream.indirect_vreg.gather [hbm4b:s0+s13], $0x80, v3, vm0, $0xb8;
	[tilespmem:$0x19400] =	vst v63  }
0x2da: {  	s25 =	simm.s32 $0xFC00  }
0x2db: {  	[tilespmem:s25], [sflag:$0x2] =	stream.indirect_vreg.gather [hbm4b:s9+s13], $0x80, v3, vm0, $0xb8;
	[tilespmem:$0x19400] =	vst v63  }
0x2dc: {  	s26 =	simm.s32 $0x10400;
	s29 =	simm.s32 $0x0  }
0x2dd: {  	[tilespmem:s26], [sflag:$0x2] =	stream.indirect_vreg.gather [hbm4b:s11+s13], $0x80, v3, vm0, $0xb8;
	[tilespmem:$0x19400] =	vst v63  }
0x2de: {  	s28 =	simm.s32 $0x10C00;
	s0 =	sand.u32 $0x3FFFFE00, s29  }
0x2df: {  	[tilespmem:s28], [sflag:$0x2] =	stream.indirect_vreg.gather [hbm4b:s14+s13], $0x80, v3, vm0, $0xb8;
	[tilespmem:$0x19400] =	vst v63  }
0x2e0: {  	s16 =	sand.u32 $0x60, s13;
	s14 =	sadd.s32 $0x400, s0  }
0x2e1: {  	s0 =	sor.u32 s16, s14  }
0x2e2: {  	v3 =	vld [tilespmem:s0+$0x0]  }
0x2e3: {  	s30 =	simm.s32 $0x0;
	v4 =	vld [tilespmem:s0+$0x80]  }
0x2e4: {  	s4 =	sand.u32 $0x3FFFFC00, s30;
	v5 =	vld [tilespmem:s0+$0x100]  }
0x2e5: {  	s20 =	sadd.s32 $0x11400, s4;
	v6 =	vld [tilespmem:s0+$0x180]  }
0x2e6: {  	s31 =	sor.u32 s16, s20  }
0x2e7: {  	s2 =	sor.u32 $0x80, s31;
	[tilespmem:s31+$0x0] =	vst.add.f32.msk $0xffff, v3  }
0x2e8: {  	s3 =	sor.u32 $0x100, s31;
	[tilespmem:s2+$0x0] =	vst.add.f32.msk $0xffff, v4  }
0x2e9: {  	s5 =	sor.u32 $0x180, s31;
	[tilespmem:s3+$0x0] =	vst.add.f32.msk $0xffff, v5  }
0x2ea: {  	s6 =	sor.u32 $0x200, s31;
	[tilespmem:s5+$0x0] =	vst.add.f32.msk $0xffff, v6  }
0x2eb: {  	s7 =	sor.u32 $0x280, s31;
	[tilespmem:s6+$0x0] =	vst.add.f32.msk $0xffff, v3  }
0x2ec: {  	s8 =	sor.u32 $0x300, s31;
	[tilespmem:s7+$0x0] =	vst.add.f32.msk $0xffff, v4  }
0x2ed: {  	s18 =	sadd.s32 $0x13400, s4;
	s0 =	sor.u32 $0x380, s31;
	[tilespmem:s8+$0x0] =	vst.add.f32.msk $0xffff, v5  }
0x2ee: {  	s19 =	sadd.s32 $0x13480, s4;
	s9 =	sor.u32 s16, s18;
	[tilespmem:s0+$0x0] =	vst.add.f32.msk $0xffff, v6  }
0x2ef: {  	s10 =	sor.u32 s16, s19;
	s21 =	sadd.s32 $0x13500, s4;
	[tilespmem:s9+$0x0] =	vst.add.f32.msk $0xffff, v3  }
0x2f0: {  	s22 =	sadd.s32 $0x13580, s4;
	s11 =	sor.u32 s16, s21;
	[tilespmem:s10+$0x0] =	vst.add.f32.msk $0xffff, v4  }
0x2f1: {  	s12 =	sor.u32 s16, s22;
	s5 =	sadd.s32 $0x13600, s4;
	[tilespmem:s11+$0x0] =	vst.add.f32.msk $0xffff, v5  }
0x2f2: {  	s23 =	sadd.s32 $0x13680, s4;
	s15 =	sor.u32 s16, s5;
	[tilespmem:s12+$0x0] =	vst.add.f32.msk $0xffff, v6  }
0x2f3: {  	s17 =	sor.u32 s16, s23;
	s2 =	sadd.s32 $0x13700, s4;
	[tilespmem:s15+$0x0] =	vst.add.f32.msk $0xffff, v3  }
0x2f4: {  	s3 =	sadd.s32 $0x13780, s4;
	s24 =	sor.u32 s16, s2;
	[tilespmem:s17+$0x0] =	vst.add.f32.msk $0xffff, v4  }
0x2f5: {  	s25 =	sor.u32 s16, s3;
	s0 =	sadd.s32 $0x15400, s4;
	[tilespmem:s24+$0x0] =	vst.add.f32.msk $0xffff, v5  }
0x2f6: {  	s1 =	sadd.s32 $0x15480, s4;
	s26 =	sor.u32 s16, s0;
	[tilespmem:s25+$0x0] =	vst.add.f32.msk $0xffff, v6  }
0x2f7: {  	s6 =	sadd.s32 $0x15500, s4;
	s9 =	sor.u32 s16, s1;
	[tilespmem:s26+$0x0] =	vst.add.f32.msk $0xffff, v3  }
0x2f8: {  	s28 =	sor.u32 s16, s6;
	s8 =	sadd.s32 $0x15580, s4;
	[tilespmem:s9+$0x0] =	vst.add.f32.msk $0xffff, v4  }
0x2f9: {  	s11 =	sor.u32 s16, s8;
	s9 =	sadd.s32 $0x15600, s4;
	[tilespmem:s28+$0x0] =	vst.add.f32.msk $0xffff, v5  }
0x2fa: {  	s10 =	sadd.s32 $0x15680, s4;
	s12 =	sor.u32 s16, s9;
	[tilespmem:s11+$0x0] =	vst.add.f32.msk $0xffff, v6  }
0x2fb: {  	s7 =	sadd.s32 $0x15700, s4;
	s15 =	sor.u32 s16, s10;
	[tilespmem:s12+$0x0] =	vst.add.f32.msk $0xffff, v3  }
0x2fc: {  	s17 =	sor.u32 s16, s7;
	s11 =	sadd.s32 $0x15780, s4;
	[tilespmem:s15+$0x0] =	vst.add.f32.msk $0xffff, v4  }
0x2fd: {  	s24 =	sor.u32 s16, s11;
	s12 =	sadd.s32 $0x17400, s4;
	[tilespmem:s17+$0x0] =	vst.add.f32.msk $0xffff, v5  }
0x2fe: {  	s25 =	sor.u32 s16, s12;
	s15 =	sadd.s32 $0x17480, s4;
	[tilespmem:s24+$0x0] =	vst.add.f32.msk $0xffff, v6  }
0x2ff: {  	s17 =	sadd.s32 $0x17500, s4;
	s29 =	sor.u32 s16, s15;
	[tilespmem:s25+$0x0] =	vst.add.f32.msk $0xffff, v3  }
0x300: {  	s30 =	sor.u32 s16, s17;
	s24 =	sadd.s32 $0x17580, s4;
	[tilespmem:s29+$0x0] =	vst.add.f32.msk $0xffff, v4  }
0x301: {  	s26 =	sor.u32 s16, s24;
	s25 =	sadd.s32 $0x17600, s4;
	[tilespmem:s30+$0x0] =	vst.add.f32.msk $0xffff, v5  }
0x302: {  	s28 =	sor.u32 s16, s25;
	[tilespmem:s26+$0x0] =	vst.add.f32.msk $0xffff, v6;
	s26 =	sadd.s32 $0x17680, s4  }
0x303: {  	[tilespmem:s28+$0x0] =	vst.add.f32.msk $0xffff, v3;
	s29 =	sor.u32 s16, s26;
	s28 =	sadd.s32 $0x17700, s4  }
0x304: {  	s4 =	sadd.s32 $0x17780, s4;
	[tilespmem:s29+$0x0] =	vst.add.f32.msk $0xffff, v4;
	s31 =	sor.u32 s16, s28  }
0x305: {  	s29 =	sor.u32 $0x10, s16;
	s16 =	sor.u32 s16, s4;
	[tilespmem:s31+$0x0] =	vst.add.f32.msk $0xffff, v5  }
0x306: {  	s14 =	sor.u32 s29, s14;
	[tilespmem:s16+$0x0] =	vst.add.f32.msk $0xffff, v6  }
0x307: {  	v6 =	vld [tilespmem:s14+$0x0]  }
0x308: {  	v5 =	vld [tilespmem:s14+$0x80]  }
0x309: {  	v4 =	vld [tilespmem:s14+$0x100]  }
0x30a: {  	v3 =	vld [tilespmem:s14+$0x180]  }
0x30b: {  	s14 =	sor.u32 s29, s20  }
0x30c: {  	s20 =	sor.u32 $0x80, s14;
	[tilespmem:s14+$0x0] =	vst.add.f32.msk $0xffff, v6  }
0x30d: {  	s30 =	sor.u32 $0x100, s14;
	[tilespmem:s20+$0x0] =	vst.add.f32.msk $0xffff, v5  }
0x30e: {  	s31 =	sor.u32 $0x180, s14;
	[tilespmem:s30+$0x0] =	vst.add.f32.msk $0xffff, v4  }
0x30f: {  	s20 =	sor.u32 $0x200, s14;
	[tilespmem:s31+$0x0] =	vst.add.f32.msk $0xffff, v3  }
0x310: {  	s30 =	sor.u32 $0x280, s14;
	[tilespmem:s20+$0x0] =	vst.add.f32.msk $0xffff, v6  }
0x311: {  	s31 =	sor.u32 $0x300, s14;
	[tilespmem:s30+$0x0] =	vst.add.f32.msk $0xffff, v5  }
0x312: {  	s14 =	sor.u32 $0x380, s14;
	[tilespmem:s31+$0x0] =	vst.add.f32.msk $0xffff, v4  }
0x313: {  	s18 =	sor.u32 s29, s18;
	[tilespmem:s14+$0x0] =	vst.add.f32.msk $0xffff, v3  }
0x314: {  	s20 =	sor.u32 s29, s19;
	[tilespmem:s18+$0x0] =	vst.add.f32.msk $0xffff, v6  }
0x315: {  	s21 =	sor.u32 s29, s21;
	[tilespmem:s20+$0x0] =	vst.add.f32.msk $0xffff, v5  }
0x316: {  	s30 =	sor.u32 s29, s22;
	[tilespmem:s21+$0x0] =	vst.add.f32.msk $0xffff, v4  }
0x317: {  	s5 =	sor.u32 s29, s5;
	[tilespmem:s30+$0x0] =	vst.add.f32.msk $0xffff, v3  }
0x318: {  	s31 =	sor.u32 s29, s23;
	[tilespmem:s5+$0x0] =	vst.add.f32.msk $0xffff, v6  }
0x319: {  	s2 =	sor.u32 s29, s2;
	[tilespmem:s31+$0x0] =	vst.add.f32.msk $0xffff, v5  }
0x31a: {  	s3 =	sor.u32 s29, s3;
	[tilespmem:s2+$0x0] =	vst.add.f32.msk $0xffff, v4  }
0x31b: {  	s0 =	sor.u32 s29, s0;
	[tilespmem:s3+$0x0] =	vst.add.f32.msk $0xffff, v3  }
0x31c: {  	s5 =	sor.u32 s29, s1;
	[tilespmem:s0+$0x0] =	vst.add.f32.msk $0xffff, v6  }
0x31d: {  	s14 =	sor.u32 s29, s6;
	[tilespmem:s5+$0x0] =	vst.add.f32.msk $0xffff, v5  }
0x31e: {  	s16 =	sor.u32 s29, s8;
	[tilespmem:s14+$0x0] =	vst.add.f32.msk $0xffff, v4  }
0x31f: {  	s18 =	sor.u32 s29, s9;
	[tilespmem:s16+$0x0] =	vst.add.f32.msk $0xffff, v3  }
0x320: {  	s19 =	sor.u32 s29, s10;
	[tilespmem:s18+$0x0] =	vst.add.f32.msk $0xffff, v6  }
0x321: {  	s20 =	sor.u32 s29, s7;
	[tilespmem:s19+$0x0] =	vst.add.f32.msk $0xffff, v5  }
0x322: {  	s21 =	sor.u32 s29, s11;
	[tilespmem:s20+$0x0] =	vst.add.f32.msk $0xffff, v4  }
0x323: {  	s22 =	sor.u32 s29, s12;
	[tilespmem:s21+$0x0] =	vst.add.f32.msk $0xffff, v3  }
0x324: {  	s23 =	sor.u32 s29, s15;
	[tilespmem:s22+$0x0] =	vst.add.f32.msk $0xffff, v6  }
0x325: {  	s30 =	sor.u32 s29, s17;
	[tilespmem:s23+$0x0] =	vst.add.f32.msk $0xffff, v5  }
0x326: {  	s10 =	sor.u32 s29, s4;
	s31 =	sor.u32 s29, s24;
	s16 =	sor.u32 s29, s28;
	[tilespmem:s30+$0x0] =	vst.add.f32.msk $0xffff, v4  }
0x327: {  	s20 =	simm.s32 $0x1;
	s21 =	sor.u32 s29, s26;
	s22 =	sor.u32 s29, s25;
	[tilespmem:s31+$0x0] =	vst.add.f32.msk $0xffff, v3  }
.LBB2_11:
0x328: {  	s0 =	sshll.u32 s20, $0x7;
	[tilespmem:s22+$0x0] =	vst.add.f32.msk $0xffff, v6;
	s13 =	sadd.s32 $0x20, s13  }
0x329: {  	s1 =	smov.u32 s20;
	s0 =	sand.u32 $0x3FFFFE00, s0;
	[tilespmem:s21+$0x0] =	vst.add.f32.msk $0xffff, v5;
	[dreg:$0x5] =	wrdreg s13  }
0x32a: {  	s21 =	sand.u32 $0x60, s13;
	s1 =	sshll.u32 s1, $0x8;
	s0 =	sadd.s32 $0x400, s0;
	[tilespmem:s16+$0x0] =	vst.add.f32.msk $0xffff, v4  }
0x32b: {  	s23 =	sand.u32 $0x3FFFFC00, s1;
	[dreg:$0xb] =	wrdreg s0;
	s0 =	sor.u32 s21, s0;
	[tilespmem:s10+$0x0] =	vst.add.f32.msk $0xffff, v3  }
0x32c: {  	s18 =	sor.u32 $0x10, s21;
	s2 =	sadd.s32 $0x11400, s23;
	s1 =	sadd.s32 $0x13400, s23;
	v3 =	vld [tilespmem:s0+$0x0]  }
0x32d: {  	s11 =	sadd.s32 $0x13480, s23;
	s13 =	sadd.s32 $0x13500, s23;
	s14 =	sadd.s32 $0x13580, s23;
	v4 =	vld [tilespmem:s0+$0x80]  }
0x32e: {  	s16 =	sadd.s32 $0x13680, s23;
	s4 =	sadd.s32 $0x13700, s23;
	v5 =	vld [tilespmem:s0+$0x100];
	[smem:$0x7C1] =	sst s2  }
0x32f: {  	s28 =	sadd.s32 $0x15400, s23;
	s10 =	sadd.s32 $0x17600, s23;
	v6 =	vld [tilespmem:s0+$0x180];
	[smem:$0x7C2] =	sst s1  }
0x330: {  	[dreg:$0x10] =	wrdreg s11;
	s6 =	sor.u32 s21, s2;
	s7 =	sor.u32 s21, s1  }
0x331: {  	s8 =	sor.u32 s21, s11;
	[smem:$0x7C3] =	sst s13;
	s12 =	sor.u32 $0x80, s6;
	[tilespmem:s6+$0x0] =	vst.add.f32.msk $0xffff, v3  }
0x332: {  	[smem:$0x7C5] =	sst s14;
	s9 =	sor.u32 s21, s13;
	s15 =	sor.u32 $0x100, s6;
	[tilespmem:s12+$0x0] =	vst.add.f32.msk $0xffff, v4  }
0x333: {  	s5 =	sor.u32 s21, s14;
	s2 =	sadd.s32 $0x13600, s23;
	s3 =	sor.u32 $0x180, s6;
	[tilespmem:s15+$0x0] =	vst.add.f32.msk $0xffff, v5  }
0x334: {  	[smem:$0x7C6] =	sst s16;
	s19 =	sor.u32 s21, s16;
	s17 =	sor.u32 $0x200, s6;
	[tilespmem:s3+$0x0] =	vst.add.f32.msk $0xffff, v6  }
0x335: {  	s24 =	sor.u32 s21, s4;
	s16 =	sadd.s32 $0x15780, s23;
	s11 =	sor.u32 $0x280, s6;
	[tilespmem:s17+$0x0] =	vst.add.f32.msk $0xffff, v3  }
0x336: {  	s14 =	sadd.s32 $0x15700, s23;
	s25 =	sor.u32 $0x300, s6;
	s13 =	sor.u32 s21, s16;
	[tilespmem:s11+$0x0] =	vst.add.f32.msk $0xffff, v4  }
0x337: {  	s29 =	sor.u32 $0x380, s6;
	[smem:$0x7C9] =	sst s13;
	s12 =	sadd.s32 $0x15580, s23;
	[tilespmem:s25+$0x0] =	vst.add.f32.msk $0xffff, v5  }
0x338: {  	s13 =	sadd.s32 $0x17400, s23;
	s15 =	sor.u32 s21, s2;
	s30 =	sor.u32 s21, s12;
	[tilespmem:s29+$0x0] =	vst.add.f32.msk $0xffff, v6  }
0x339: {  	s2 =	sor.u32 s18, s2;
	[smem:$0x7C4] =	sst s30;
	s25 =	sadd.s32 $0x15600, s23;
	[tilespmem:s7+$0x0] =	vst.add.f32.msk $0xffff, v3  }
0x33a: {  	s3 =	sadd.s32 $0x13780, s23;
	[smem:$0x7D0] =	sst s2;
	s31 =	sor.u32 s21, s25;
	[tilespmem:s8+$0x0] =	vst.add.f32.msk $0xffff, v4  }
0x33b: {  	[smem:$0x7C7] =	sst s31;
	s31 =	sadd.s32 $0x17480, s23;
	s8 =	sor.u32 s21, s14;
	[tilespmem:s9+$0x0] =	vst.add.f32.msk $0xffff, v5  }
0x33c: {  	s30 =	sadd.s32 $0x17580, s23;
	s17 =	sor.u32 s21, s31;
	[smem:$0x7C8] =	sst s8;
	[tilespmem:s5+$0x0] =	vst.add.f32.msk $0xffff, v6  }
0x33d: {  	[smem:$0x7CB] =	sst s17;
	s5 =	sadd.s32 $0x17500, s23;
	[tilespmem:s15+$0x0] =	vst.add.f32.msk $0xffff, v3;
	s15 =	sor.u32 s21, s13  }
0x33e: {  	s26 =	sor.u32 s21, s3;
	[smem:$0x7CA] =	sst s15;
	[tilespmem:s19+$0x0] =	vst.add.f32.msk $0xffff, v4;
	s19 =	sor.u32 s21, s5  }
0x33f: {  	s17 =	sadd.s32 $0x17680, s23;
	[smem:$0x7CC] =	sst s19;
	[tilespmem:s24+$0x0] =	vst.add.f32.msk $0xffff, v5;
	s24 =	sor.u32 s21, s30  }
0x340: {  	s0 =	sadd.s32 $0x15680, s23;
	[smem:$0x7CD] =	sst s24;
	[tilespmem:s26+$0x0] =	vst.add.f32.msk $0xffff, v6;
	s26 =	sor.u32 s21, s17  }
0x341: {  	s6 =	sadd.s32 $0x15480, s23;
	s29 =	sor.u32 s21, s28;
	[smem:$0x7CE] =	sst s26  }
0x342: {  	s22 =	sor.u32 s21, s6;
	s11 =	sadd.s32 $0x15500, s23;
	[tilespmem:s29+$0x0] =	vst.add.f32.msk $0xffff, v3;
	s29 =	sld [smem:$0x7C3]  }
0x343: {  	s7 =	sor.u32 s21, s11;
	[tilespmem:s22+$0x0] =	vst.add.f32.msk $0xffff, v4;
	s22 =	sor.u32 s18, s4;
	s4 =	sld [smem:$0x7C4]  }
0x344: {  	s9 =	sor.u32 s21, s0;
	s19 =	sadd.s32 $0x17780, s23;
	[dreg:$0x1b] =	wrdreg s22  }
0x345: {  	s24 =	sor.u32 s21, s10;
	s26 =	sadd.s32 $0x17700, s23;
	[tilespmem:s7+$0x0] =	vst.add.f32.msk $0xffff, v5;
	s7 =	rddreg [dreg:$0x10]  }
0x346: {  	s1 =	sor.u32 s21, s19;
	s15 =	sor.u32 s21, s26;
	s22 =	sld [smem:$0x7C6]  }
0x347: {  	s21 =	sor.u32 s18, s29;
	s29 =	sor.u32 s18, s28;
	s28 =	sld [smem:$0x7C7]  }
0x348: {  	[smem:$0x7CF] =	sst s21  }
0x349: {  	[tilespmem:s4+$0x0] =	vst.add.f32.msk $0xffff, v6;
	s21 =	sld [smem:$0x7C5]  }
0x34a: {  	[dreg:$0x15] =	wrdreg s29;
	[tilespmem:s28+$0x0] =	vst.add.f32.msk $0xffff, v3  }
0x34b: {  	s29 =	sor.u32 s18, s7;
	[tilespmem:s9+$0x0] =	vst.add.f32.msk $0xffff, v4;
	s9 =	sor.u32 s18, s12;
	s12 =	sld [smem:$0x7C8]  }
0x34c: {  	s4 =	sor.u32 s18, s25;
	s7 =	sor.u32 s18, s21;
	s21 =	sld [smem:$0x7C9]  }
0x34d: {  	s25 =	sor.u32 s18, s0;
	s2 =	sor.u32 s18, s22;
	s22 =	sld [smem:$0x7CA]  }
0x34e: {  	s0 =	sor.u32 s18, s5;
	s5 =	sor.u32 s18, s30;
	s30 =	sld [smem:$0x7CB];
	[tilespmem:s12+$0x0] =	vst.add.f32.msk $0xffff, v5  }
0x34f: {  	s12 =	sor.u32 s18, s31;
	s31 =	sld [smem:$0x7CC];
	[tilespmem:s21+$0x0] =	vst.add.f32.msk $0xffff, v6  }
0x350: {  	[tilespmem:s22+$0x0] =	vst.add.f32.msk $0xffff, v3;
	s22 =	sor.u32 s18, s10;
	s10 =	sor.u32 s18, s19;
	s19 =	sld [smem:$0x7CD]  }
0x351: {  	[tilespmem:s30+$0x0] =	vst.add.f32.msk $0xffff, v4  }
0x352: {  	[tilespmem:s31+$0x0] =	vst.add.f32.msk $0xffff, v5  }
0x353: {  	[tilespmem:s19+$0x0] =	vst.add.f32.msk $0xffff, v6  }
0x354: {  	[tilespmem:s24+$0x0] =	vst.add.f32.msk $0xffff, v3;
	s24 =	sld [smem:$0x7CE];
	_ =	sdelay $0x2  }
0x355: {  	s28 =	sor.u32 s18, s3;
	s3 =	sor.u32 s18, s6;
	s6 =	sor.u32 s18, s11;
	[tilespmem:s24+$0x0] =	vst.add.f32.msk $0xffff, v4  }
0x356: {  	s11 =	sor.u32 s18, s16;
	s16 =	sor.u32 s18, s26;
	s26 =	rddreg [dreg:$0xb];
	[tilespmem:s15+$0x0] =	vst.add.f32.msk $0xffff, v5  }
0x357: {  	[tilespmem:s1+$0x0] =	vst.add.f32.msk $0xffff, v6;
	s1 =	sor.u32 s18, s26  }
0x358: {  	v6 =	vld [tilespmem:s1+$0x0]  }
0x359: {  	s8 =	sld [smem:$0x7C1];
	v5 =	vld [tilespmem:s1+$0x80]  }
0x35a: {  	v4 =	vld [tilespmem:s1+$0x100]  }
0x35b: {  	v3 =	vld [tilespmem:s1+$0x180]  }
0x35c: {  	s8 =	sor.u32 s18, s8  }
0x35d: {  	s30 =	sor.u32 $0x80, s8;
	[tilespmem:s8+$0x0] =	vst.add.f32.msk $0xffff, v6  }
0x35e: {  	s23 =	sld [smem:$0x7C2];
	s31 =	sor.u32 $0x100, s8;
	[tilespmem:s30+$0x0] =	vst.add.f32.msk $0xffff, v5  }
0x35f: {  	s15 =	sor.u32 $0x180, s8;
	[tilespmem:s31+$0x0] =	vst.add.f32.msk $0xffff, v4  }
0x360: {  	s14 =	sor.u32 s18, s14;
	s21 =	sor.u32 s18, s17;
	s17 =	sor.u32 $0x200, s8;
	[tilespmem:s15+$0x0] =	vst.add.f32.msk $0xffff, v3  }
0x361: {  	s13 =	sor.u32 s18, s13;
	s23 =	sor.u32 s18, s23;
	s18 =	sor.u32 $0x280, s8;
	[tilespmem:s17+$0x0] =	vst.add.f32.msk $0xffff, v6  }
0x362: {  	s19 =	sor.u32 $0x300, s8;
	[tilespmem:s18+$0x0] =	vst.add.f32.msk $0xffff, v5  }
0x363: {  	s24 =	sor.u32 $0x380, s8;
	[tilespmem:s19+$0x0] =	vst.add.f32.msk $0xffff, v4  }
0x364: {  	s26 =	sld [smem:$0x7CF];
	[tilespmem:s24+$0x0] =	vst.add.f32.msk $0xffff, v3  }
0x365: {  	[tilespmem:s23+$0x0] =	vst.add.f32.msk $0xffff, v6  }
0x366: {  	[tilespmem:s29+$0x0] =	vst.add.f32.msk $0xffff, v5;
	s29 =	sld [smem:$0x7D0]  }
0x367: {  	[tilespmem:s26+$0x0] =	vst.add.f32.msk $0xffff, v4  }
0x368: {  	[tilespmem:s7+$0x0] =	vst.add.f32.msk $0xffff, v3  }
0x369: {  	[tilespmem:s29+$0x0] =	vst.add.f32.msk $0xffff, v6  }
0x36a: {  	s30 =	rddreg [dreg:$0x1b];
	[tilespmem:s2+$0x0] =	vst.add.f32.msk $0xffff, v5  }
0x36b: {  	[tilespmem:s30+$0x0] =	vst.add.f32.msk $0xffff, v4  }
0x36c: {  	s31 =	rddreg [dreg:$0x15];
	[tilespmem:s28+$0x0] =	vst.add.f32.msk $0xffff, v3  }
0x36d: {  	[tilespmem:s31+$0x0] =	vst.add.f32.msk $0xffff, v6  }
0x36e: {  	[tilespmem:s3+$0x0] =	vst.add.f32.msk $0xffff, v5  }
0x36f: {  	[tilespmem:s6+$0x0] =	vst.add.f32.msk $0xffff, v4  }
0x370: {  	[tilespmem:s9+$0x0] =	vst.add.f32.msk $0xffff, v3  }
0x371: {  	[tilespmem:s4+$0x0] =	vst.add.f32.msk $0xffff, v6  }
0x372: {  	[tilespmem:s25+$0x0] =	vst.add.f32.msk $0xffff, v5  }
0x373: {  	p0 =	sne.s32 s20, $0x1F;
	[tilespmem:s14+$0x0] =	vst.add.f32.msk $0xffff, v4  }
.Ltmp4:
0x374: {  	[tilespmem:s11+$0x0] =	vst.add.f32.msk $0xffff, v3;
	(pc) =	sbr.rel @p0 .LBB2_11-.Ltmp4, $4  }
0x375: {  	[tilespmem:s13+$0x0] =	vst.add.f32.msk $0xffff, v6  }
0x376: {  	[tilespmem:s12+$0x0] =	vst.add.f32.msk $0xffff, v5  }
0x377: {  	[tilespmem:s0+$0x0] =	vst.add.f32.msk $0xffff, v4  }
0x378: {  	s20 =	sadd.s32 $0x1, s20;
	s13 =	rddreg [dreg:$0x5];
	[tilespmem:s5+$0x0] =	vst.add.f32.msk $0xffff, v3  }
0x379: {  	s0 =	sld [smem:$0x7FA]  }
0x37a: {  	s1 =	sld [smem:$0x7E2];
	_ =	sdelay $0x2  }
0x37b: {  	[tilespmem:s22+$0x0] =	vst.add.f32.msk $0xffff, v6;
	s0 =	sadd.s32 s1, s0  }
0x37c: {  	[tilespmem:s21+$0x0] =	vst.add.f32.msk $0xffff, v5;
	s0 =	sshll.u32 s0, $0x9  }
0x37d: {  	s18 =	rddreg [dreg:$0x3];
	s19 =	simm.s32 $0x11400;
	[tilespmem:s16+$0x0] =	vst.add.f32.msk $0xffff, v4;
	s0 =	sand.u32 $0x1FFFF000, s0  }
0x37e: {  	s6 =	simm.s32 $0x200;
	s7 =	simm.s32 $0x1000;
	[tilespmem:s10+$0x0] =	vst.add.f32.msk $0xffff, v3;
	s1 =	sadd.s32 s18, s0  }
0x37f: {  	[hbm4b:s1+s6] =	stream.strided.scatter [tilespmem:s19], [sflag:$0x6], $0x400, s7, s6, $0x38;
	[tilespmem:$0x19400] =	vst v63  }
0x380: {  	s20 =	simm.s32 $0x11800;
	s2 =	sadd.s32 $0x40, s1  }
0x381: {  	[hbm4b:s2+s6] =	stream.strided.scatter [tilespmem:s20], [sflag:$0x6], $0x400, s7, s6, $0x38;
	[tilespmem:$0x19400] =	vst v63  }
0x382: {  	s23 =	simm.s32 $0x12000;
	s21 =	simm.s32 $0x11C00;
	s22 =	sadd.s32 $0x80, s1  }
0x383: {  	[hbm4b:s22+s6] =	stream.strided.scatter [tilespmem:s21], [sflag:$0x6], $0x400, s7, s6, $0x38;
	[tilespmem:$0x19400] =	vst v63  }
0x384: {  	s25 =	simm.s32 $0x12400;
	s28 =	simm.s32 $0x12800;
	s24 =	sadd.s32 $0xC0, s1  }
0x385: {  	[hbm4b:s24+s6] =	stream.strided.scatter [tilespmem:s23], [sflag:$0x6], $0x400, s7, s6, $0x38;
	[tilespmem:$0x19400] =	vst v63  }
0x386: {  	s30 =	simm.s32 $0x12C00;
	s3 =	simm.s32 $0x13000;
	s26 =	sadd.s32 $0x100, s1  }
0x387: {  	[hbm4b:s26+s6] =	stream.strided.scatter [tilespmem:s25], [sflag:$0x6], $0x400, s7, s6, $0x38;
	[tilespmem:$0x19400] =	vst v63  }
0x388: {  	s0 =	simm.s32 $0x2000;
	s29 =	sadd.s32 $0x140, s1;
	s31 =	sadd.s32 $0x180, s1  }
0x389: {  	[hbm4b:s29+s6] =	stream.strided.scatter [tilespmem:s28], [sflag:$0x6], $0x400, s7, s6, $0x38;
	[tilespmem:$0x19400] =	vst v63  }
0x38a: {  	s4 =	sadd.s32 $0x1C0, s1;
	s1 =	sadd.s32 $0x400, s1;
	s2 =	simm.s32 $0x10000  }
0x38b: {  	[hbm4b:s31+s6] =	stream.strided.scatter [tilespmem:s30], [sflag:$0x6], $0x400, s7, s6, $0x38;
	[tilespmem:$0x19400] =	vst v63  }
.LBB2_13:
0x38c: {  	[hbm4b:s4+s6] =	stream.strided.scatter [tilespmem:s3], [sflag:$0x6], $0x400, s7, s6, $0x38;
	[tilespmem:$0x19400] =	vst v63  }
0x38d: {  	s3 =	smov.u32 s0;
	s0 =	smov.u32 s2  }
0x38e: {  	s5 =	sadd.s32 $0x8000, s2;
	s0 =	sshra.s32 s0, $0x2;
	s4 =	sadd.s32 $0x11400, s3  }
0x38f: {  	[hbm4b:s1+s6] =	stream.strided.scatter [tilespmem:s4], [sflag:$0x6], $0x400, s7, s6, $0x38;
	[tilespmem:$0x19400] =	vst v63  }
0x390: {  	p0 =	sne.s32 s2, $0x18000;
	s2 =	sadd.s32 $0x11800, s3;
	s4 =	sadd.s32 $0x40, s1  }
0x391: {  	[hbm4b:s4+s6] =	stream.strided.scatter [tilespmem:s2], [sflag:$0x6], $0x400, s7, s6, $0x38;
	[tilespmem:$0x19400] =	vst v63  }
0x392: {  	s2 =	sadd.s32 $0x11C00, s3;
	s4 =	sadd.s32 $0x80, s1  }
0x393: {  	[hbm4b:s4+s6] =	stream.strided.scatter [tilespmem:s2], [sflag:$0x6], $0x400, s7, s6, $0x38;
	[tilespmem:$0x19400] =	vst v63  }
0x394: {  	s2 =	sadd.s32 $0x12000, s3;
	s4 =	sadd.s32 $0xC0, s1  }
0x395: {  	[hbm4b:s4+s6] =	stream.strided.scatter [tilespmem:s2], [sflag:$0x6], $0x400, s7, s6, $0x38;
	[tilespmem:$0x19400] =	vst v63  }
0x396: {  	s2 =	sadd.s32 $0x12400, s3;
	s4 =	sadd.s32 $0x100, s1  }
0x397: {  	[hbm4b:s4+s6] =	stream.strided.scatter [tilespmem:s2], [sflag:$0x6], $0x400, s7, s6, $0x38;
	[tilespmem:$0x19400] =	vst v63  }
.Ltmp5:
0x398: {  	s2 =	sadd.s32 $0x12800, s3;
	s4 =	sadd.s32 $0x140, s1;
	(pc) =	sbr.rel @p0 .LBB2_13-.Ltmp5, $4  }
0x399: {  	[hbm4b:s4+s6] =	stream.strided.scatter [tilespmem:s2], [sflag:$0x6], $0x400, s7, s6, $0x38;
	[tilespmem:$0x19400] =	vst v63  }
0x39a: {  	s2 =	sadd.s32 $0x12C00, s3;
	s4 =	sadd.s32 $0x180, s1;
	s3 =	sadd.s32 $0x13000, s3  }
0x39b: {  	[hbm4b:s4+s6] =	stream.strided.scatter [tilespmem:s2], [sflag:$0x6], $0x400, s7, s6, $0x38;
	[tilespmem:$0x19400] =	vst v63  }
0x39c: {  	s4 =	sadd.s32 $0x1C0, s1;
	s1 =	sadd.s32 $0x400, s1;
	s2 =	smov.u32 s5  }
0x39d: {  	[hbm4b:s4+s6] =	stream.strided.scatter [tilespmem:s3], [sflag:$0x6], $0x400, s7, s6, $0x38;
	[tilespmem:$0x19400] =	vst v63  }
0x39e: {  	s2 =	sadd.s32 $0x11400, s0;
	s16 =	sadd.s32 $0x11800, s0  }
0x39f: {  	[hbm4b:s1+s6] =	stream.strided.scatter [tilespmem:s2], [sflag:$0x6], $0x400, s7, s6, $0x38;
	[tilespmem:$0x19400] =	vst v63  }
0x3a0: {  	s17 =	sadd.s32 $0x40, s1;
	s18 =	sadd.s32 $0x11C00, s0;
	s19 =	sadd.s32 $0x80, s1  }
0x3a1: {  	[hbm4b:s17+s6] =	stream.strided.scatter [tilespmem:s16], [sflag:$0x6], $0x400, s7, s6, $0x38;
	[tilespmem:$0x19400] =	vst v63  }
0x3a2: {  	s20 =	sadd.s32 $0x12000, s0;
	s21 =	sadd.s32 $0xC0, s1;
	s31 =	sld [smem:$0x7F2]  }
0x3a3: {  	[hbm4b:s19+s6] =	stream.strided.scatter [tilespmem:s18], [sflag:$0x6], $0x400, s7, s6, $0x38;
	[tilespmem:$0x19400] =	vst v63  }
0x3a4: {  	s22 =	sadd.s32 $0x12400, s0;
	s23 =	sadd.s32 $0x100, s1;
	s25 =	sadd.s32 $0x140, s1  }
0x3a5: {  	[hbm4b:s21+s6] =	stream.strided.scatter [tilespmem:s20], [sflag:$0x6], $0x400, s7, s6, $0x38;
	[tilespmem:$0x19400] =	vst v63  }
0x3a6: {  	s28 =	sadd.s32 $0x180, s1;
	s30 =	sadd.s32 $0x1C0, s1;
	s1 =	sadd.s32 $0x1, s31  }
0x3a7: {  	[hbm4b:s23+s6] =	stream.strided.scatter [tilespmem:s22], [sflag:$0x6], $0x400, s7, s6, $0x38;
	[tilespmem:$0x19400] =	vst v63  }
0x3a8: {  	s24 =	sadd.s32 $0x12800, s0;
	p0 =	sne.s32 s1, $0xA  }
0x3a9: {  	[hbm4b:s25+s6] =	stream.strided.scatter [tilespmem:s24], [sflag:$0x6], $0x400, s7, s6, $0x38;
	[tilespmem:$0x19400] =	vst v63  }
.Ltmp6:
0x3aa: {  	_ = 	snop;
	(pc) =	sbr.rel @p0 .LBB2_2-.Ltmp6, $4  }
0x3ab: {  	s26 =	sadd.s32 $0x12C00, s0  }
0x3ac: {  	[hbm4b:s28+s6] =	stream.strided.scatter [tilespmem:s26], [sflag:$0x6], $0x400, s7, s6, $0x38;
	[tilespmem:$0x19400] =	vst v63  }
0x3ad: {  	s29 =	sadd.s32 $0x13000, s0  }
0x3ae: {  	[hbm4b:s30+s6] =	stream.strided.scatter [tilespmem:s29], [sflag:$0x6], $0x400, s7, s6, $0x38;
	[tilespmem:$0x19400] =	vst v63  }
0x3af: {  	s0 =	simm.s32 $0x0;
	s1 =	simm.s32 $0x1  }
0x3b0: {  	s7 =	simm.s32 $0x0;
	_ =	swait.ge [sflag:s1], $0x8000;
	s0 =	sand.u32 $0x3FFFFE00, s0  }
0x3b1: {  	s14 =	sand.u32 $0x60, s7;
	[sflag:s1] =	ssyncset.done $0x0;
	s13 =	sadd.s32 $0x400, s0  }
0x3b2: {  	[sflag:s1] =	ssyncadd.s32 $0xFFFF8000;
	s0 =	sor.u32 s14, s13  }
0x3b3: {  	v3 =	vld [tilespmem:s0+$0x0]  }
0x3b4: {  	s11 =	simm.s32 $0x0;
	v4 =	vld [tilespmem:s0+$0x80]  }
0x3b5: {  	s4 =	sand.u32 $0x3FFFFC00, s11;
	v5 =	vld [tilespmem:s0+$0x100]  }
0x3b6: {  	s18 =	sadd.s32 $0x1400, s4;
	v6 =	vld [tilespmem:s0+$0x180]  }
0x3b7: {  	s12 =	sor.u32 s14, s18  }
0x3b8: {  	s15 =	sor.u32 $0x80, s12;
	[tilespmem:s12+$0x0] =	vst.add.f32.msk $0xffff, v3  }
0x3b9: {  	s16 =	sor.u32 $0x100, s12;
	[tilespmem:s15+$0x0] =	vst.add.f32.msk $0xffff, v4  }
0x3ba: {  	s17 =	sor.u32 $0x180, s12;
	[tilespmem:s16+$0x0] =	vst.add.f32.msk $0xffff, v5  }
0x3bb: {  	s19 =	sor.u32 $0x200, s12;
	[tilespmem:s17+$0x0] =	vst.add.f32.msk $0xffff, v6  }
0x3bc: {  	s20 =	sor.u32 $0x280, s12;
	[tilespmem:s19+$0x0] =	vst.add.f32.msk $0xffff, v3  }
0x3bd: {  	s21 =	sor.u32 $0x300, s12;
	[tilespmem:s20+$0x0] =	vst.add.f32.msk $0xffff, v4  }
0x3be: {  	s0 =	sor.u32 $0x380, s12;
	s15 =	sadd.s32 $0x3400, s4;
	[tilespmem:s21+$0x0] =	vst.add.f32.msk $0xffff, v5  }
0x3bf: {  	s16 =	sadd.s32 $0x3480, s4;
	s22 =	sor.u32 s14, s15;
	[tilespmem:s0+$0x0] =	vst.add.f32.msk $0xffff, v6  }
0x3c0: {  	s23 =	sor.u32 s14, s16;
	s19 =	sadd.s32 $0x3500, s4;
	[tilespmem:s22+$0x0] =	vst.add.f32.msk $0xffff, v3  }
0x3c1: {  	s20 =	sadd.s32 $0x3580, s4;
	s24 =	sor.u32 s14, s19;
	[tilespmem:s23+$0x0] =	vst.add.f32.msk $0xffff, v4  }
0x3c2: {  	s5 =	sadd.s32 $0x3600, s4;
	s25 =	sor.u32 s14, s20;
	[tilespmem:s24+$0x0] =	vst.add.f32.msk $0xffff, v5  }
0x3c3: {  	s26 =	sor.u32 s14, s5;
	s21 =	sadd.s32 $0x3680, s4;
	[tilespmem:s25+$0x0] =	vst.add.f32.msk $0xffff, v6  }
0x3c4: {  	s2 =	sadd.s32 $0x3700, s4;
	s28 =	sor.u32 s14, s21;
	[tilespmem:s26+$0x0] =	vst.add.f32.msk $0xffff, v3  }
0x3c5: {  	s3 =	sadd.s32 $0x3780, s4;
	s29 =	sor.u32 s14, s2;
	[tilespmem:s28+$0x0] =	vst.add.f32.msk $0xffff, v4  }
0x3c6: {  	s6 =	sor.u32 s14, s3;
	s0 =	sadd.s32 $0x5400, s4;
	[tilespmem:s29+$0x0] =	vst.add.f32.msk $0xffff, v5  }
0x3c7: {  	s1 =	sadd.s32 $0x5480, s4;
	s8 =	sor.u32 s14, s0;
	[tilespmem:s6+$0x0] =	vst.add.f32.msk $0xffff, v6  }
0x3c8: {  	s9 =	sor.u32 s14, s1;
	s6 =	sadd.s32 $0x5500, s4;
	[tilespmem:s8+$0x0] =	vst.add.f32.msk $0xffff, v3  }
0x3c9: {  	s10 =	sor.u32 s14, s6;
	s8 =	sadd.s32 $0x5580, s4;
	[tilespmem:s9+$0x0] =	vst.add.f32.msk $0xffff, v4  }
0x3ca: {  	s9 =	sadd.s32 $0x5600, s4;
	s11 =	sor.u32 s14, s8;
	[tilespmem:s10+$0x0] =	vst.add.f32.msk $0xffff, v5  }
0x3cb: {  	s12 =	sor.u32 s14, s9;
	s10 =	sadd.s32 $0x5680, s4;
	[tilespmem:s11+$0x0] =	vst.add.f32.msk $0xffff, v6  }
0x3cc: {  	s17 =	sor.u32 s14, s10;
	s11 =	sadd.s32 $0x5700, s4;
	[tilespmem:s12+$0x0] =	vst.add.f32.msk $0xffff, v3  }
0x3cd: {  	s12 =	sadd.s32 $0x5780, s4;
	s22 =	sor.u32 s14, s11;
	[tilespmem:s17+$0x0] =	vst.add.f32.msk $0xffff, v4  }
0x3ce: {  	s23 =	sor.u32 s14, s12;
	s17 =	sadd.s32 $0x7400, s4;
	[tilespmem:s22+$0x0] =	vst.add.f32.msk $0xffff, v5  }
0x3cf: {  	s24 =	sor.u32 s14, s17;
	s22 =	sadd.s32 $0x7480, s4;
	[tilespmem:s23+$0x0] =	vst.add.f32.msk $0xffff, v6  }
0x3d0: {  	s23 =	sadd.s32 $0x7500, s4;
	s25 =	sor.u32 s14, s22;
	[tilespmem:s24+$0x0] =	vst.add.f32.msk $0xffff, v3  }
0x3d1: {  	s26 =	sor.u32 s14, s23;
	s24 =	sadd.s32 $0x7580, s4;
	[tilespmem:s25+$0x0] =	vst.add.f32.msk $0xffff, v4  }
0x3d2: {  	s30 =	sor.u32 s14, s24;
	s25 =	sadd.s32 $0x7600, s4;
	[tilespmem:s26+$0x0] =	vst.add.f32.msk $0xffff, v5  }
0x3d3: {  	s26 =	sadd.s32 $0x7680, s4;
	s28 =	sor.u32 s14, s25;
	[tilespmem:s30+$0x0] =	vst.add.f32.msk $0xffff, v6  }
0x3d4: {  	s29 =	sor.u32 s14, s26;
	[tilespmem:s28+$0x0] =	vst.add.f32.msk $0xffff, v3;
	s28 =	sadd.s32 $0x7700, s4  }
0x3d5: {  	s4 =	sadd.s32 $0x7780, s4;
	[tilespmem:s29+$0x0] =	vst.add.f32.msk $0xffff, v4;
	s31 =	sor.u32 s14, s28  }
0x3d6: {  	s29 =	sor.u32 $0x10, s14;
	s14 =	sor.u32 s14, s4;
	[tilespmem:s31+$0x0] =	vst.add.f32.msk $0xffff, v5  }
0x3d7: {  	s13 =	sor.u32 s29, s13;
	[tilespmem:s14+$0x0] =	vst.add.f32.msk $0xffff, v6  }
0x3d8: {  	v6 =	vld [tilespmem:s13+$0x0]  }
0x3d9: {  	v5 =	vld [tilespmem:s13+$0x80]  }
0x3da: {  	v4 =	vld [tilespmem:s13+$0x100]  }
0x3db: {  	v3 =	vld [tilespmem:s13+$0x180]  }
0x3dc: {  	s13 =	sor.u32 s29, s18  }
0x3dd: {  	s18 =	sor.u32 $0x80, s13;
	[tilespmem:s13+$0x0] =	vst.add.f32.msk $0xffff, v6  }
0x3de: {  	s30 =	sor.u32 $0x100, s13;
	[tilespmem:s18+$0x0] =	vst.add.f32.msk $0xffff, v5  }
0x3df: {  	s31 =	sor.u32 $0x180, s13;
	[tilespmem:s30+$0x0] =	vst.add.f32.msk $0xffff, v4  }
0x3e0: {  	s18 =	sor.u32 $0x200, s13;
	[tilespmem:s31+$0x0] =	vst.add.f32.msk $0xffff, v3  }
0x3e1: {  	s30 =	sor.u32 $0x280, s13;
	[tilespmem:s18+$0x0] =	vst.add.f32.msk $0xffff, v6  }
0x3e2: {  	s31 =	sor.u32 $0x300, s13;
	[tilespmem:s30+$0x0] =	vst.add.f32.msk $0xffff, v5  }
0x3e3: {  	s13 =	sor.u32 $0x380, s13;
	[tilespmem:s31+$0x0] =	vst.add.f32.msk $0xffff, v4  }
0x3e4: {  	s15 =	sor.u32 s29, s15;
	[tilespmem:s13+$0x0] =	vst.add.f32.msk $0xffff, v3  }
0x3e5: {  	s18 =	sor.u32 s29, s16;
	[tilespmem:s15+$0x0] =	vst.add.f32.msk $0xffff, v6  }
0x3e6: {  	s19 =	sor.u32 s29, s19;
	[tilespmem:s18+$0x0] =	vst.add.f32.msk $0xffff, v5  }
0x3e7: {  	s30 =	sor.u32 s29, s20;
	[tilespmem:s19+$0x0] =	vst.add.f32.msk $0xffff, v4  }
0x3e8: {  	s5 =	sor.u32 s29, s5;
	[tilespmem:s30+$0x0] =	vst.add.f32.msk $0xffff, v3  }
0x3e9: {  	s31 =	sor.u32 s29, s21;
	[tilespmem:s5+$0x0] =	vst.add.f32.msk $0xffff, v6  }
0x3ea: {  	s2 =	sor.u32 s29, s2;
	[tilespmem:s31+$0x0] =	vst.add.f32.msk $0xffff, v5  }
0x3eb: {  	s5 =	sor.u32 s29, s3;
	[tilespmem:s2+$0x0] =	vst.add.f32.msk $0xffff, v4  }
0x3ec: {  	s0 =	sor.u32 s29, s0;
	[tilespmem:s5+$0x0] =	vst.add.f32.msk $0xffff, v3  }
0x3ed: {  	s13 =	sor.u32 s29, s1;
	[tilespmem:s0+$0x0] =	vst.add.f32.msk $0xffff, v6  }
0x3ee: {  	s14 =	sor.u32 s29, s6;
	[tilespmem:s13+$0x0] =	vst.add.f32.msk $0xffff, v5  }
0x3ef: {  	s15 =	sor.u32 s29, s8;
	[tilespmem:s14+$0x0] =	vst.add.f32.msk $0xffff, v4  }
0x3f0: {  	s16 =	sor.u32 s29, s9;
	[tilespmem:s15+$0x0] =	vst.add.f32.msk $0xffff, v3  }
0x3f1: {  	s18 =	sor.u32 s29, s10;
	[tilespmem:s16+$0x0] =	vst.add.f32.msk $0xffff, v6  }
0x3f2: {  	s19 =	sor.u32 s29, s11;
	[tilespmem:s18+$0x0] =	vst.add.f32.msk $0xffff, v5  }
0x3f3: {  	s20 =	sor.u32 s29, s12;
	[tilespmem:s19+$0x0] =	vst.add.f32.msk $0xffff, v4  }
0x3f4: {  	s21 =	sor.u32 s29, s17;
	[tilespmem:s20+$0x0] =	vst.add.f32.msk $0xffff, v3  }
0x3f5: {  	s22 =	sor.u32 s29, s22;
	[tilespmem:s21+$0x0] =	vst.add.f32.msk $0xffff, v6  }
0x3f6: {  	s30 =	sor.u32 s29, s23;
	[tilespmem:s22+$0x0] =	vst.add.f32.msk $0xffff, v5  }
0x3f7: {  	s31 =	sor.u32 s29, s24;
	s2 =	simm.s32 $0x1;
	s16 =	sor.u32 s29, s4;
	[tilespmem:s30+$0x0] =	vst.add.f32.msk $0xffff, v4  }
0x3f8: {  	s18 =	sor.u32 s29, s28;
	s19 =	sor.u32 s29, s26;
	s20 =	sor.u32 s29, s25;
	[tilespmem:s31+$0x0] =	vst.add.f32.msk $0xffff, v3  }
.LBB2_16:
0x3f9: {  	s0 =	sshll.u32 s2, $0x7;
	s7 =	sadd.s32 $0x20, s7  }
0x3fa: {  	[tilespmem:s20+$0x0] =	vst.add.f32.msk $0xffff, v6;
	s1 =	smov.u32 s2;
	s0 =	sand.u32 $0x3FFFFE00, s0;
	[dreg:$0x6] =	wrdreg s7  }
0x3fb: {  	[tilespmem:s19+$0x0] =	vst.add.f32.msk $0xffff, v5;
	s19 =	sand.u32 $0x60, s7;
	s1 =	sshll.u32 s1, $0x8;
	s0 =	sadd.s32 $0x400, s0  }
0x3fc: {  	[tilespmem:s18+$0x0] =	vst.add.f32.msk $0xffff, v4;
	s15 =	sor.u32 $0x10, s19;
	s21 =	sand.u32 $0x3FFFFC00, s1;
	[dreg:$0xc] =	wrdreg s0  }
0x3fd: {  	s0 =	sor.u32 s19, s0;
	[tilespmem:s16+$0x0] =	vst.add.f32.msk $0xffff, v3;
	s3 =	sadd.s32 $0x1400, s21;
	s1 =	sadd.s32 $0x3400, s21  }
0x3fe: {  	s10 =	sadd.s32 $0x3480, s21;
	s20 =	sadd.s32 $0x3500, s21;
	v3 =	vld [tilespmem:s0+$0x0];
	[smem:$0x7B1] =	sst s3  }
0x3ff: {  	s12 =	sadd.s32 $0x3580, s21;
	s18 =	sadd.s32 $0x3680, s21;
	v4 =	vld [tilespmem:s0+$0x80];
	[smem:$0x7B2] =	sst s1  }
0x400: {  	s4 =	sadd.s32 $0x3700, s21;
	s28 =	sadd.s32 $0x5400, s21;
	v5 =	vld [tilespmem:s0+$0x100];
	[dreg:$0x11] =	wrdreg s10  }
0x401: {  	v6 =	vld [tilespmem:s0+$0x180];
	s6 =	sor.u32 s19, s3;
	s8 =	sor.u32 s19, s1;
	s0 =	sor.u32 s19, s10  }
0x402: {  	[smem:$0x7B5] =	sst s12;
	s10 =	sor.u32 s19, s20;
	s5 =	sor.u32 s19, s12  }
0x403: {  	s1 =	sadd.s32 $0x3600, s21;
	s9 =	sor.u32 s19, s18;
	s29 =	sor.u32 s19, s28  }
0x404: {  	s12 =	sadd.s32 $0x5580, s21;
	s20 =	sor.u32 s15, s20;
	s11 =	sor.u32 $0x80, s6;
	[tilespmem:s6+$0x0] =	vst.add.f32.msk $0xffff, v3  }
0x405: {  	s13 =	sor.u32 $0x100, s6;
	s14 =	sor.u32 $0x180, s6;
	s16 =	sor.u32 $0x200, s6;
	[tilespmem:s11+$0x0] =	vst.add.f32.msk $0xffff, v4  }
0x406: {  	s22 =	sor.u32 s19, s1;
	s26 =	sor.u32 s19, s12;
	[smem:$0x7BF] =	sst s20;
	[tilespmem:s13+$0x0] =	vst.add.f32.msk $0xffff, v5  }
0x407: {  	s17 =	sor.u32 $0x300, s6;
	s1 =	sor.u32 s15, s1;
	[smem:$0x7B4] =	sst s26;
	[tilespmem:s14+$0x0] =	vst.add.f32.msk $0xffff, v6  }
0x408: {  	s20 =	sor.u32 s15, s28;
	[smem:$0x7C0] =	sst s1;
	s11 =	sor.u32 $0x280, s6;
	[tilespmem:s16+$0x0] =	vst.add.f32.msk $0xffff, v3  }
0x409: {  	s23 =	sor.u32 $0x380, s6;
	[dreg:$0x16] =	wrdreg s20;
	[tilespmem:s11+$0x0] =	vst.add.f32.msk $0xffff, v4;
	s11 =	sadd.s32 $0x5500, s21  }
0x40a: {  	s28 =	sld [smem:$0x7B4];
	s13 =	sadd.s32 $0x5700, s21;
	[tilespmem:s17+$0x0] =	vst.add.f32.msk $0xffff, v5;
	s7 =	sor.u32 s19, s11  }
0x40b: {  	[tilespmem:s23+$0x0] =	vst.add.f32.msk $0xffff, v6;
	[smem:$0x7B3] =	sst s7;
	s23 =	sadd.s32 $0x5600, s21;
	s7 =	sor.u32 s19, s13  }
0x40c: {  	s14 =	sadd.s32 $0x5780, s21;
	s30 =	sor.u32 s19, s23;
	[smem:$0x7B8] =	sst s7  }
0x40d: {  	s3 =	sadd.s32 $0x3780, s21;
	[tilespmem:s8+$0x0] =	vst.add.f32.msk $0xffff, v3;
	s8 =	sor.u32 s19, s14;
	[smem:$0x7B6] =	sst s30  }
0x40e: {  	s25 =	sor.u32 s19, s4;
	[tilespmem:s0+$0x0] =	vst.add.f32.msk $0xffff, v4;
	s0 =	sadd.s32 $0x5680, s21;
	[smem:$0x7B9] =	sst s8  }
0x40f: {  	s7 =	sadd.s32 $0x7400, s21;
	s31 =	sor.u32 s19, s0;
	s20 =	sld [smem:$0x7B9]  }
0x410: {  	s24 =	sor.u32 s19, s3;
	[tilespmem:s10+$0x0] =	vst.add.f32.msk $0xffff, v5;
	s10 =	sor.u32 s19, s7;
	[smem:$0x7B7] =	sst s31  }
0x411: {  	s6 =	sadd.s32 $0x5480, s21;
	[smem:$0x7BA] =	sst s10;
	s31 =	sadd.s32 $0x7480, s21  }
0x412: {  	[tilespmem:s5+$0x0] =	vst.add.f32.msk $0xffff, v6;
	s5 =	sadd.s32 $0x7500, s21;
	s10 =	sld [smem:$0x7B1];
	s17 =	sor.u32 s19, s31  }
0x413: {  	s16 =	sor.u32 s19, s6;
	[tilespmem:s22+$0x0] =	vst.add.f32.msk $0xffff, v3;
	s22 =	sor.u32 s19, s5;
	[smem:$0x7BB] =	sst s17  }
0x414: {  	s30 =	sadd.s32 $0x7580, s21;
	[tilespmem:s9+$0x0] =	vst.add.f32.msk $0xffff, v4;
	[smem:$0x7BC] =	sst s22;
	s17 =	sadd.s32 $0x7680, s21  }
0x415: {  	s9 =	sadd.s32 $0x7600, s21;
	[tilespmem:s25+$0x0] =	vst.add.f32.msk $0xffff, v5;
	s25 =	sor.u32 s19, s30;
	s26 =	sor.u32 s19, s17  }
0x416: {  	s8 =	sor.u32 s15, s10;
	[smem:$0x7BD] =	sst s25;
	s25 =	sor.u32 s19, s9  }
0x417: {  	[tilespmem:s24+$0x0] =	vst.add.f32.msk $0xffff, v6;
	[smem:$0x7BE] =	sst s26;
	s24 =	sadd.s32 $0x7700, s21;
	s26 =	sadd.s32 $0x7780, s21  }
0x418: {  	s22 =	sor.u32 s19, s24;
	s10 =	sor.u32 s19, s26;
	s19 =	sld [smem:$0x7B2]  }
0x419: {  	s1 =	sor.u32 s15, s18;
	s18 =	sld [smem:$0x7B7]  }
0x41a: {  	[tilespmem:s29+$0x0] =	vst.add.f32.msk $0xffff, v3;
	s29 =	sld [smem:$0x7B3]  }
0x41b: {  	s21 =	sor.u32 s15, s19;
	s19 =	sor.u32 s15, s4;
	s4 =	sld [smem:$0x7B5]  }
0x41c: {  	[tilespmem:s16+$0x0] =	vst.add.f32.msk $0xffff, v4;
	s16 =	sld [smem:$0x7B6]  }
0x41d: {  	[tilespmem:s29+$0x0] =	vst.add.f32.msk $0xffff, v5;
	[dreg:$0x1c] =	wrdreg s19  }
0x41e: {  	[tilespmem:s28+$0x0] =	vst.add.f32.msk $0xffff, v6;
	s19 =	sld [smem:$0x7B8];
	s28 =	sor.u32 s15, s4  }
0x41f: {  	s4 =	sor.u32 s15, s6;
	s6 =	sor.u32 s15, s11;
	s11 =	sor.u32 s15, s12  }
0x420: {  	[tilespmem:s16+$0x0] =	vst.add.f32.msk $0xffff, v3;
	s12 =	sor.u32 s15, s23;
	s23 =	sor.u32 s15, s0;
	s0 =	sor.u32 s15, s13  }
0x421: {  	[tilespmem:s18+$0x0] =	vst.add.f32.msk $0xffff, v4;
	s13 =	sor.u32 s15, s14;
	s14 =	sor.u32 s15, s31;
	s31 =	sld [smem:$0x7BA]  }
0x422: {  	[tilespmem:s19+$0x0] =	vst.add.f32.msk $0xffff, v5;
	s19 =	sor.u32 s15, s17;
	s17 =	sld [smem:$0x7BB]  }
0x423: {  	s18 =	sor.u32 s15, s24;
	s24 =	sld [smem:$0x7BC];
	[tilespmem:s20+$0x0] =	vst.add.f32.msk $0xffff, v6  }
0x424: {  	s7 =	sor.u32 s15, s7;
	s16 =	sor.u32 s15, s26;
	s26 =	sld [smem:$0x7BD];
	[tilespmem:s31+$0x0] =	vst.add.f32.msk $0xffff, v3  }
0x425: {  	[dreg:$0x1e] =	wrdreg s7;
	[tilespmem:s17+$0x0] =	vst.add.f32.msk $0xffff, v4  }
0x426: {  	s7 =	sor.u32 s15, s5;
	s5 =	sor.u32 s15, s30;
	s30 =	sld [smem:$0x7BE];
	[tilespmem:s24+$0x0] =	vst.add.f32.msk $0xffff, v5  }
0x427: {  	[tilespmem:s26+$0x0] =	vst.add.f32.msk $0xffff, v6  }
0x428: {  	[tilespmem:s25+$0x0] =	vst.add.f32.msk $0xffff, v3  }
0x429: {  	[tilespmem:s30+$0x0] =	vst.add.f32.msk $0xffff, v4  }
0x42a: {  	s31 =	rddreg [dreg:$0xc];
	[tilespmem:s22+$0x0] =	vst.add.f32.msk $0xffff, v5  }
0x42b: {  	s20 =	sor.u32 s15, s9;
	s9 =	sor.u32 s15, s31;
	[tilespmem:s10+$0x0] =	vst.add.f32.msk $0xffff, v6  }
0x42c: {  	v6 =	vld [tilespmem:s9+$0x0]  }
0x42d: {  	v5 =	vld [tilespmem:s9+$0x80]  }
0x42e: {  	v4 =	vld [tilespmem:s9+$0x100]  }
0x42f: {  	v3 =	vld [tilespmem:s9+$0x180];
	_ =	sdelay $0x1  }
0x430: {  	s29 =	rddreg [dreg:$0x11];
	s10 =	sor.u32 $0x80, s8;
	[tilespmem:s8+$0x0] =	vst.add.f32.msk $0xffff, v6  }
0x431: {  	s3 =	sor.u32 s15, s3;
	s29 =	sor.u32 s15, s29;
	s15 =	sor.u32 $0x100, s8;
	[tilespmem:s10+$0x0] =	vst.add.f32.msk $0xffff, v5  }
0x432: {  	s17 =	sor.u32 $0x180, s8;
	[tilespmem:s15+$0x0] =	vst.add.f32.msk $0xffff, v4  }
0x433: {  	s22 =	sor.u32 $0x200, s8;
	[tilespmem:s17+$0x0] =	vst.add.f32.msk $0xffff, v3  }
0x434: {  	s24 =	sor.u32 $0x280, s8;
	[tilespmem:s22+$0x0] =	vst.add.f32.msk $0xffff, v6  }
0x435: {  	s25 =	sor.u32 $0x300, s8;
	[tilespmem:s24+$0x0] =	vst.add.f32.msk $0xffff, v5  }
0x436: {  	s8 =	sor.u32 $0x380, s8;
	[tilespmem:s25+$0x0] =	vst.add.f32.msk $0xffff, v4  }
0x437: {  	s26 =	sld [smem:$0x7BF];
	[tilespmem:s8+$0x0] =	vst.add.f32.msk $0xffff, v3  }
0x438: {  	[tilespmem:s21+$0x0] =	vst.add.f32.msk $0xffff, v6  }
0x439: {  	[tilespmem:s29+$0x0] =	vst.add.f32.msk $0xffff, v5  }
0x43a: {  	[tilespmem:s26+$0x0] =	vst.add.f32.msk $0xffff, v4  }
0x43b: {  	[tilespmem:s28+$0x0] =	vst.add.f32.msk $0xffff, v3;
	s28 =	sld [smem:$0x7C0];
	_ =	sdelay $0x2  }
0x43c: {  	[tilespmem:s28+$0x0] =	vst.add.f32.msk $0xffff, v6  }
0x43d: {  	s29 =	rddreg [dreg:$0x1c];
	[tilespmem:s1+$0x0] =	vst.add.f32.msk $0xffff, v5  }
0x43e: {  	[tilespmem:s29+$0x0] =	vst.add.f32.msk $0xffff, v4  }
0x43f: {  	s30 =	rddreg [dreg:$0x16];
	[tilespmem:s3+$0x0] =	vst.add.f32.msk $0xffff, v3  }
0x440: {  	[tilespmem:s30+$0x0] =	vst.add.f32.msk $0xffff, v6  }
0x441: {  	[tilespmem:s4+$0x0] =	vst.add.f32.msk $0xffff, v5  }
0x442: {  	[tilespmem:s6+$0x0] =	vst.add.f32.msk $0xffff, v4  }
0x443: {  	[tilespmem:s11+$0x0] =	vst.add.f32.msk $0xffff, v3  }
0x444: {  	[tilespmem:s12+$0x0] =	vst.add.f32.msk $0xffff, v6  }
0x445: {  	[tilespmem:s23+$0x0] =	vst.add.f32.msk $0xffff, v5  }
0x446: {  	p0 =	sne.s32 s2, $0x1F;
	[tilespmem:s0+$0x0] =	vst.add.f32.msk $0xffff, v4  }
.Ltmp7:
0x447: {  	s31 =	rddreg [dreg:$0x1e];
	[tilespmem:s13+$0x0] =	vst.add.f32.msk $0xffff, v3;
	(pc) =	sbr.rel @p0 .LBB2_16-.Ltmp7, $4  }
0x448: {  	[tilespmem:s31+$0x0] =	vst.add.f32.msk $0xffff, v6  }
0x449: {  	[tilespmem:s14+$0x0] =	vst.add.f32.msk $0xffff, v5  }
0x44a: {  	[tilespmem:s7+$0x0] =	vst.add.f32.msk $0xffff, v4  }
0x44b: {  	s2 =	sadd.s32 $0x1, s2;
	s7 =	rddreg [dreg:$0x6];
	[tilespmem:s5+$0x0] =	vst.add.f32.msk $0xffff, v3  }
0x44c: {  	[tilespmem:s20+$0x0] =	vst.add.f32.msk $0xffff, v6  }
0x44d: {  	s5 =	sld [smem:$0x7FB];
	[tilespmem:s19+$0x0] =	vst.add.f32.msk $0xffff, v5  }
0x44e: {  	[tilespmem:s18+$0x0] =	vst.add.f32.msk $0xffff, v4  }
0x44f: {  	s0 =	simm.s32 $0x1400;
	s6 =	simm.s32 $0x200;
	s7 =	simm.s32 $0x1000;
	[tilespmem:s16+$0x0] =	vst.add.f32.msk $0xffff, v3  }
0x450: {  	[hbm4b:s5+s6] =	stream.strided.scatter [tilespmem:s0], [sflag:$0x4], $0x400, s7, s6, $0x38;
	[tilespmem:$0x19400] =	vst v63  }
0x451: {  	s20 =	simm.s32 $0x1800;
	s1 =	sadd.s32 $0x40, s5  }
0x452: {  	[hbm4b:s1+s6] =	stream.strided.scatter [tilespmem:s20], [sflag:$0x4], $0x400, s7, s6, $0x38;
	[tilespmem:$0x19400] =	vst v63  }
0x453: {  	s21 =	simm.s32 $0x1C00;
	s23 =	simm.s32 $0x2000;
	s22 =	sadd.s32 $0x80, s5  }
0x454: {  	[hbm4b:s22+s6] =	stream.strided.scatter [tilespmem:s21], [sflag:$0x4], $0x400, s7, s6, $0x38;
	[tilespmem:$0x19400] =	vst v63  }
0x455: {  	s25 =	simm.s32 $0x2400;
	s28 =	simm.s32 $0x2800;
	s24 =	sadd.s32 $0xC0, s5  }
0x456: {  	[hbm4b:s24+s6] =	stream.strided.scatter [tilespmem:s23], [sflag:$0x4], $0x400, s7, s6, $0x38;
	[tilespmem:$0x19400] =	vst v63  }
0x457: {  	s30 =	simm.s32 $0x2C00;
	s2 =	simm.s32 $0x10000;
	s26 =	sadd.s32 $0x100, s5  }
0x458: {  	[hbm4b:s26+s6] =	stream.strided.scatter [tilespmem:s25], [sflag:$0x4], $0x400, s7, s6, $0x38;
	[tilespmem:$0x19400] =	vst v63  }
0x459: {  	s3 =	simm.s32 $0x3000;
	s29 =	sadd.s32 $0x140, s5;
	s31 =	sadd.s32 $0x180, s5  }
0x45a: {  	[hbm4b:s29+s6] =	stream.strided.scatter [tilespmem:s28], [sflag:$0x4], $0x400, s7, s6, $0x38;
	[tilespmem:$0x19400] =	vst v63  }
0x45b: {  	s4 =	sadd.s32 $0x1C0, s5;
	s0 =	simm.s32 $0x2000;
	s1 =	sadd.s32 $0x400, s5  }
0x45c: {  	[hbm4b:s31+s6] =	stream.strided.scatter [tilespmem:s30], [sflag:$0x4], $0x400, s7, s6, $0x38;
	[tilespmem:$0x19400] =	vst v63  }
.LBB2_18:
0x45d: {  	[hbm4b:s4+s6] =	stream.strided.scatter [tilespmem:s3], [sflag:$0x4], $0x400, s7, s6, $0x38;
	[tilespmem:$0x19400] =	vst v63  }
0x45e: {  	s3 =	smov.u32 s0;
	s0 =	smov.u32 s2  }
0x45f: {  	s5 =	sadd.s32 $0x8000, s2;
	s0 =	sshra.s32 s0, $0x2;
	s4 =	sadd.s32 $0x1400, s3  }
0x460: {  	[hbm4b:s1+s6] =	stream.strided.scatter [tilespmem:s4], [sflag:$0x4], $0x400, s7, s6, $0x38;
	[tilespmem:$0x19400] =	vst v63  }
0x461: {  	p0 =	sne.s32 s2, $0x18000;
	s2 =	sadd.s32 $0x1800, s3;
	s4 =	sadd.s32 $0x40, s1  }
0x462: {  	[hbm4b:s4+s6] =	stream.strided.scatter [tilespmem:s2], [sflag:$0x4], $0x400, s7, s6, $0x38;
	[tilespmem:$0x19400] =	vst v63  }
0x463: {  	s2 =	sadd.s32 $0x1C00, s3;
	s4 =	sadd.s32 $0x80, s1  }
0x464: {  	[hbm4b:s4+s6] =	stream.strided.scatter [tilespmem:s2], [sflag:$0x4], $0x400, s7, s6, $0x38;
	[tilespmem:$0x19400] =	vst v63  }
0x465: {  	s2 =	sadd.s32 $0x2000, s3;
	s4 =	sadd.s32 $0xC0, s1  }
0x466: {  	[hbm4b:s4+s6] =	stream.strided.scatter [tilespmem:s2], [sflag:$0x4], $0x400, s7, s6, $0x38;
	[tilespmem:$0x19400] =	vst v63  }
0x467: {  	s2 =	sadd.s32 $0x2400, s3;
	s4 =	sadd.s32 $0x100, s1  }
0x468: {  	[hbm4b:s4+s6] =	stream.strided.scatter [tilespmem:s2], [sflag:$0x4], $0x400, s7, s6, $0x38;
	[tilespmem:$0x19400] =	vst v63  }
.Ltmp8:
0x469: {  	s2 =	sadd.s32 $0x2800, s3;
	s4 =	sadd.s32 $0x140, s1;
	(pc) =	sbr.rel @p0 .LBB2_18-.Ltmp8, $4  }
0x46a: {  	[hbm4b:s4+s6] =	stream.strided.scatter [tilespmem:s2], [sflag:$0x4], $0x400, s7, s6, $0x38;
	[tilespmem:$0x19400] =	vst v63  }
0x46b: {  	s2 =	sadd.s32 $0x2C00, s3;
	s4 =	sadd.s32 $0x180, s1;
	s3 =	sadd.s32 $0x3000, s3  }
0x46c: {  	[hbm4b:s4+s6] =	stream.strided.scatter [tilespmem:s2], [sflag:$0x4], $0x400, s7, s6, $0x38;
	[tilespmem:$0x19400] =	vst v63  }
0x46d: {  	s4 =	sadd.s32 $0x1C0, s1;
	s1 =	sadd.s32 $0x400, s1;
	s2 =	smov.u32 s5  }
0x46e: {  	[hbm4b:s4+s6] =	stream.strided.scatter [tilespmem:s3], [sflag:$0x4], $0x400, s7, s6, $0x38;
	[tilespmem:$0x19400] =	vst v63  }
0x46f: {  	s2 =	sadd.s32 $0x1400, s0  }
0x470: {  	[hbm4b:s1+s6] =	stream.strided.scatter [tilespmem:s2], [sflag:$0x4], $0x400, s7, s6, $0x38;
	[tilespmem:$0x19400] =	vst v63  }
0x471: {  	s13 =	sadd.s32 $0x1800, s0;
	s14 =	sadd.s32 $0x40, s1  }
0x472: {  	[hbm4b:s14+s6] =	stream.strided.scatter [tilespmem:s13], [sflag:$0x4], $0x400, s7, s6, $0x38;
	[tilespmem:$0x19400] =	vst v63  }
0x473: {  	s15 =	sadd.s32 $0x1C00, s0;
	s16 =	sadd.s32 $0x80, s1  }
0x474: {  	[hbm4b:s16+s6] =	stream.strided.scatter [tilespmem:s15], [sflag:$0x4], $0x400, s7, s6, $0x38;
	[tilespmem:$0x19400] =	vst v63  }
0x475: {  	s17 =	sadd.s32 $0x2000, s0;
	s18 =	sadd.s32 $0xC0, s1  }
0x476: {  	[hbm4b:s18+s6] =	stream.strided.scatter [tilespmem:s17], [sflag:$0x4], $0x400, s7, s6, $0x38;
	[tilespmem:$0x19400] =	vst v63  }
0x477: {  	s19 =	sadd.s32 $0x2400, s0;
	s20 =	sadd.s32 $0x100, s1  }
0x478: {  	[hbm4b:s20+s6] =	stream.strided.scatter [tilespmem:s19], [sflag:$0x4], $0x400, s7, s6, $0x38;
	[tilespmem:$0x19400] =	vst v63  }
0x479: {  	s21 =	sadd.s32 $0x2800, s0;
	s22 =	sadd.s32 $0x140, s1  }
0x47a: {  	[hbm4b:s22+s6] =	stream.strided.scatter [tilespmem:s21], [sflag:$0x4], $0x400, s7, s6, $0x38;
	[tilespmem:$0x19400] =	vst v63  }
0x47b: {  	s23 =	sadd.s32 $0x2C00, s0;
	s24 =	sadd.s32 $0x180, s1;
	s25 =	sadd.s32 $0x3000, s0  }
0x47c: {  	[hbm4b:s24+s6] =	stream.strided.scatter [tilespmem:s23], [sflag:$0x4], $0x400, s7, s6, $0x38;
	[tilespmem:$0x19400] =	vst v63  }
0x47d: {  	s26 =	sadd.s32 $0x1C0, s1;
	s28 =	simm.s32 $0x0;
	s29 =	simm.s32 $0x2  }
0x47e: {  	[hbm4b:s26+s6] =	stream.strided.scatter [tilespmem:s25], [sflag:$0x4], $0x400, s7, s6, $0x38;
	[tilespmem:$0x19400] =	vst v63  }
0x47f: {  	s0 =	sand.u32 $0x3FFFFE00, s28;
	s7 =	simm.s32 $0x0;
	_ =	swait.ge [sflag:s29], $0x8000  }
0x480: {  	s13 =	sadd.s32 $0x400, s0;
	s14 =	sand.u32 $0x60, s7;
	[sflag:s29] =	ssyncset.done $0x0  }
0x481: {  	s0 =	sor.u32 s14, s13;
	[sflag:s29] =	ssyncadd.s32 $0xFFFF8000  }
0x482: {  	v3 =	vld [tilespmem:s0+$0x0]  }
0x483: {  	s30 =	simm.s32 $0x0;
	v4 =	vld [tilespmem:s0+$0x80]  }
0x484: {  	s31 =	sand.u32 $0x3FFFFC00, s30;
	v5 =	vld [tilespmem:s0+$0x100]  }
0x485: {  	s18 =	sadd.s32 $0x9400, s31;
	v6 =	vld [tilespmem:s0+$0x180]  }
0x486: {  	s11 =	sor.u32 s14, s18  }
0x487: {  	s12 =	sor.u32 $0x80, s11;
	[tilespmem:s11+$0x0] =	vst.add.f32.msk $0xffff, v3  }
0x488: {  	s15 =	sor.u32 $0x100, s11;
	[tilespmem:s12+$0x0] =	vst.add.f32.msk $0xffff, v4  }
0x489: {  	s16 =	sor.u32 $0x180, s11;
	[tilespmem:s15+$0x0] =	vst.add.f32.msk $0xffff, v5  }
0x48a: {  	s17 =	sor.u32 $0x200, s11;
	[tilespmem:s16+$0x0] =	vst.add.f32.msk $0xffff, v6  }
0x48b: {  	s19 =	sor.u32 $0x280, s11;
	[tilespmem:s17+$0x0] =	vst.add.f32.msk $0xffff, v3  }
0x48c: {  	s20 =	sor.u32 $0x300, s11;
	[tilespmem:s19+$0x0] =	vst.add.f32.msk $0xffff, v4  }
0x48d: {  	s0 =	sor.u32 $0x380, s11;
	s15 =	sadd.s32 $0xB400, s31;
	[tilespmem:s20+$0x0] =	vst.add.f32.msk $0xffff, v5  }
0x48e: {  	s16 =	sadd.s32 $0xB480, s31;
	s21 =	sor.u32 s14, s15;
	[tilespmem:s0+$0x0] =	vst.add.f32.msk $0xffff, v6  }
0x48f: {  	s22 =	sor.u32 s14, s16;
	s19 =	sadd.s32 $0xB500, s31;
	[tilespmem:s21+$0x0] =	vst.add.f32.msk $0xffff, v3  }
0x490: {  	s20 =	sadd.s32 $0xB580, s31;
	s23 =	sor.u32 s14, s19;
	[tilespmem:s22+$0x0] =	vst.add.f32.msk $0xffff, v4  }
0x491: {  	s5 =	sadd.s32 $0xB600, s31;
	s24 =	sor.u32 s14, s20;
	[tilespmem:s23+$0x0] =	vst.add.f32.msk $0xffff, v5  }
0x492: {  	s25 =	sor.u32 s14, s5;
	s21 =	sadd.s32 $0xB680, s31;
	[tilespmem:s24+$0x0] =	vst.add.f32.msk $0xffff, v6  }
0x493: {  	s2 =	sadd.s32 $0xB700, s31;
	s26 =	sor.u32 s14, s21;
	[tilespmem:s25+$0x0] =	vst.add.f32.msk $0xffff, v3  }
0x494: {  	s3 =	sadd.s32 $0xB780, s31;
	s28 =	sor.u32 s14, s2;
	[tilespmem:s26+$0x0] =	vst.add.f32.msk $0xffff, v4  }
0x495: {  	s29 =	sor.u32 s14, s3;
	s0 =	sadd.s32 $0xD400, s31;
	[tilespmem:s28+$0x0] =	vst.add.f32.msk $0xffff, v5  }
0x496: {  	s1 =	sadd.s32 $0xD480, s31;
	s8 =	sor.u32 s14, s0;
	[tilespmem:s29+$0x0] =	vst.add.f32.msk $0xffff, v6  }
0x497: {  	s6 =	sadd.s32 $0xD500, s31;
	s9 =	sor.u32 s14, s1;
	[tilespmem:s8+$0x0] =	vst.add.f32.msk $0xffff, v3  }
0x498: {  	s10 =	sor.u32 s14, s6;
	s8 =	sadd.s32 $0xD580, s31;
	[tilespmem:s9+$0x0] =	vst.add.f32.msk $0xffff, v4  }
0x499: {  	s9 =	sadd.s32 $0xD600, s31;
	s11 =	sor.u32 s14, s8;
	[tilespmem:s10+$0x0] =	vst.add.f32.msk $0xffff, v5  }
0x49a: {  	s12 =	sor.u32 s14, s9;
	s10 =	sadd.s32 $0xD680, s31;
	[tilespmem:s11+$0x0] =	vst.add.f32.msk $0xffff, v6  }
0x49b: {  	s17 =	sor.u32 s14, s10;
	s11 =	sadd.s32 $0xD700, s31;
	[tilespmem:s12+$0x0] =	vst.add.f32.msk $0xffff, v3  }
0x49c: {  	s12 =	sadd.s32 $0xD780, s31;
	s22 =	sor.u32 s14, s11;
	[tilespmem:s17+$0x0] =	vst.add.f32.msk $0xffff, v4  }
0x49d: {  	s23 =	sor.u32 s14, s12;
	s17 =	sadd.s32 $0xF400, s31;
	[tilespmem:s22+$0x0] =	vst.add.f32.msk $0xffff, v5  }
0x49e: {  	s24 =	sor.u32 s14, s17;
	s22 =	sadd.s32 $0xF480, s31;
	[tilespmem:s23+$0x0] =	vst.add.f32.msk $0xffff, v6  }
0x49f: {  	s23 =	sadd.s32 $0xF500, s31;
	s25 =	sor.u32 s14, s22;
	[tilespmem:s24+$0x0] =	vst.add.f32.msk $0xffff, v3  }
0x4a0: {  	s26 =	sor.u32 s14, s23;
	s24 =	sadd.s32 $0xF580, s31;
	[tilespmem:s25+$0x0] =	vst.add.f32.msk $0xffff, v4  }
0x4a1: {  	s30 =	sor.u32 s14, s24;
	s25 =	sadd.s32 $0xF600, s31;
	[tilespmem:s26+$0x0] =	vst.add.f32.msk $0xffff, v5  }
0x4a2: {  	s26 =	sadd.s32 $0xF680, s31;
	s28 =	sor.u32 s14, s25;
	[tilespmem:s30+$0x0] =	vst.add.f32.msk $0xffff, v6  }
0x4a3: {  	s29 =	sor.u32 s14, s26;
	[tilespmem:s28+$0x0] =	vst.add.f32.msk $0xffff, v3;
	s28 =	sadd.s32 $0xF700, s31  }
0x4a4: {  	s4 =	sadd.s32 $0xF780, s31;
	[tilespmem:s29+$0x0] =	vst.add.f32.msk $0xffff, v4;
	s31 =	sor.u32 s14, s28  }
0x4a5: {  	s29 =	sor.u32 $0x10, s14;
	s14 =	sor.u32 s14, s4;
	[tilespmem:s31+$0x0] =	vst.add.f32.msk $0xffff, v5  }
0x4a6: {  	s13 =	sor.u32 s29, s13;
	[tilespmem:s14+$0x0] =	vst.add.f32.msk $0xffff, v6  }
0x4a7: {  	v6 =	vld [tilespmem:s13+$0x0]  }
0x4a8: {  	v5 =	vld [tilespmem:s13+$0x80]  }
0x4a9: {  	v4 =	vld [tilespmem:s13+$0x100]  }
0x4aa: {  	v3 =	vld [tilespmem:s13+$0x180]  }
0x4ab: {  	s13 =	sor.u32 s29, s18  }
0x4ac: {  	s18 =	sor.u32 $0x80, s13;
	[tilespmem:s13+$0x0] =	vst.add.f32.msk $0xffff, v6  }
0x4ad: {  	s30 =	sor.u32 $0x100, s13;
	[tilespmem:s18+$0x0] =	vst.add.f32.msk $0xffff, v5  }
0x4ae: {  	s31 =	sor.u32 $0x180, s13;
	[tilespmem:s30+$0x0] =	vst.add.f32.msk $0xffff, v4  }
0x4af: {  	s18 =	sor.u32 $0x200, s13;
	[tilespmem:s31+$0x0] =	vst.add.f32.msk $0xffff, v3  }
0x4b0: {  	s30 =	sor.u32 $0x280, s13;
	[tilespmem:s18+$0x0] =	vst.add.f32.msk $0xffff, v6  }
0x4b1: {  	s31 =	sor.u32 $0x300, s13;
	[tilespmem:s30+$0x0] =	vst.add.f32.msk $0xffff, v5  }
0x4b2: {  	s13 =	sor.u32 $0x380, s13;
	[tilespmem:s31+$0x0] =	vst.add.f32.msk $0xffff, v4  }
0x4b3: {  	s15 =	sor.u32 s29, s15;
	[tilespmem:s13+$0x0] =	vst.add.f32.msk $0xffff, v3  }
0x4b4: {  	s18 =	sor.u32 s29, s16;
	[tilespmem:s15+$0x0] =	vst.add.f32.msk $0xffff, v6  }
0x4b5: {  	s19 =	sor.u32 s29, s19;
	[tilespmem:s18+$0x0] =	vst.add.f32.msk $0xffff, v5  }
0x4b6: {  	s30 =	sor.u32 s29, s20;
	[tilespmem:s19+$0x0] =	vst.add.f32.msk $0xffff, v4  }
0x4b7: {  	s5 =	sor.u32 s29, s5;
	[tilespmem:s30+$0x0] =	vst.add.f32.msk $0xffff, v3  }
0x4b8: {  	s31 =	sor.u32 s29, s21;
	[tilespmem:s5+$0x0] =	vst.add.f32.msk $0xffff, v6  }
0x4b9: {  	s2 =	sor.u32 s29, s2;
	[tilespmem:s31+$0x0] =	vst.add.f32.msk $0xffff, v5  }
0x4ba: {  	s5 =	sor.u32 s29, s3;
	[tilespmem:s2+$0x0] =	vst.add.f32.msk $0xffff, v4  }
0x4bb: {  	s0 =	sor.u32 s29, s0;
	[tilespmem:s5+$0x0] =	vst.add.f32.msk $0xffff, v3  }
0x4bc: {  	s13 =	sor.u32 s29, s1;
	[tilespmem:s0+$0x0] =	vst.add.f32.msk $0xffff, v6  }
0x4bd: {  	s14 =	sor.u32 s29, s6;
	[tilespmem:s13+$0x0] =	vst.add.f32.msk $0xffff, v5  }
0x4be: {  	s15 =	sor.u32 s29, s8;
	[tilespmem:s14+$0x0] =	vst.add.f32.msk $0xffff, v4  }
0x4bf: {  	s16 =	sor.u32 s29, s9;
	[tilespmem:s15+$0x0] =	vst.add.f32.msk $0xffff, v3  }
0x4c0: {  	s18 =	sor.u32 s29, s10;
	[tilespmem:s16+$0x0] =	vst.add.f32.msk $0xffff, v6  }
0x4c1: {  	s19 =	sor.u32 s29, s11;
	[tilespmem:s18+$0x0] =	vst.add.f32.msk $0xffff, v5  }
0x4c2: {  	s20 =	sor.u32 s29, s12;
	[tilespmem:s19+$0x0] =	vst.add.f32.msk $0xffff, v4  }
0x4c3: {  	s21 =	sor.u32 s29, s17;
	[tilespmem:s20+$0x0] =	vst.add.f32.msk $0xffff, v3  }
0x4c4: {  	s22 =	sor.u32 s29, s22;
	[tilespmem:s21+$0x0] =	vst.add.f32.msk $0xffff, v6  }
0x4c5: {  	s30 =	sor.u32 s29, s23;
	[tilespmem:s22+$0x0] =	vst.add.f32.msk $0xffff, v5  }
0x4c6: {  	s31 =	sor.u32 s29, s24;
	s2 =	simm.s32 $0x1;
	s16 =	sor.u32 s29, s4;
	[tilespmem:s30+$0x0] =	vst.add.f32.msk $0xffff, v4  }
0x4c7: {  	s18 =	sor.u32 s29, s28;
	s19 =	sor.u32 s29, s26;
	s20 =	sor.u32 s29, s25;
	[tilespmem:s31+$0x0] =	vst.add.f32.msk $0xffff, v3  }
.LBB2_20:
0x4c8: {  	s0 =	sshll.u32 s2, $0x7;
	s7 =	sadd.s32 $0x20, s7  }
0x4c9: {  	[tilespmem:s20+$0x0] =	vst.add.f32.msk $0xffff, v6;
	s1 =	smov.u32 s2;
	s0 =	sand.u32 $0x3FFFFE00, s0;
	[dreg:$0x7] =	wrdreg s7  }
0x4ca: {  	[tilespmem:s19+$0x0] =	vst.add.f32.msk $0xffff, v5;
	s19 =	sand.u32 $0x60, s7;
	s1 =	sshll.u32 s1, $0x8;
	s0 =	sadd.s32 $0x400, s0  }
0x4cb: {  	[tilespmem:s18+$0x0] =	vst.add.f32.msk $0xffff, v4;
	s15 =	sor.u32 $0x10, s19;
	s21 =	sand.u32 $0x3FFFFC00, s1;
	[dreg:$0xd] =	wrdreg s0  }
0x4cc: {  	s0 =	sor.u32 s19, s0;
	[tilespmem:s16+$0x0] =	vst.add.f32.msk $0xffff, v3;
	s3 =	sadd.s32 $0x9400, s21;
	s1 =	sadd.s32 $0xB400, s21  }
0x4cd: {  	s10 =	sadd.s32 $0xB480, s21;
	s20 =	sadd.s32 $0xB500, s21;
	v3 =	vld [tilespmem:s0+$0x0];
	[smem:$0x7A1] =	sst s3  }
0x4ce: {  	s12 =	sadd.s32 $0xB580, s21;
	s18 =	sadd.s32 $0xB680, s21;
	v4 =	vld [tilespmem:s0+$0x80];
	[smem:$0x7A2] =	sst s1  }
0x4cf: {  	s4 =	sadd.s32 $0xB700, s21;
	s28 =	sadd.s32 $0xD400, s21;
	v5 =	vld [tilespmem:s0+$0x100];
	[dreg:$0x12] =	wrdreg s10  }
0x4d0: {  	v6 =	vld [tilespmem:s0+$0x180];
	s6 =	sor.u32 s19, s3;
	s8 =	sor.u32 s19, s1;
	s0 =	sor.u32 s19, s10  }
0x4d1: {  	[smem:$0x7A5] =	sst s12;
	s10 =	sor.u32 s19, s20;
	s5 =	sor.u32 s19, s12  }
0x4d2: {  	s1 =	sadd.s32 $0xB600, s21;
	s9 =	sor.u32 s19, s18;
	s29 =	sor.u32 s19, s28  }
0x4d3: {  	s12 =	sadd.s32 $0xD580, s21;
	s20 =	sor.u32 s15, s20;
	s11 =	sor.u32 $0x80, s6;
	[tilespmem:s6+$0x0] =	vst.add.f32.msk $0xffff, v3  }
0x4d4: {  	s13 =	sor.u32 $0x100, s6;
	s14 =	sor.u32 $0x180, s6;
	s16 =	sor.u32 $0x200, s6;
	[tilespmem:s11+$0x0] =	vst.add.f32.msk $0xffff, v4  }
0x4d5: {  	s22 =	sor.u32 s19, s1;
	s26 =	sor.u32 s19, s12;
	[smem:$0x7AF] =	sst s20;
	[tilespmem:s13+$0x0] =	vst.add.f32.msk $0xffff, v5  }
0x4d6: {  	s17 =	sor.u32 $0x300, s6;
	s1 =	sor.u32 s15, s1;
	[smem:$0x7A4] =	sst s26;
	[tilespmem:s14+$0x0] =	vst.add.f32.msk $0xffff, v6  }
0x4d7: {  	s20 =	sor.u32 s15, s28;
	[smem:$0x7B0] =	sst s1;
	s11 =	sor.u32 $0x280, s6;
	[tilespmem:s16+$0x0] =	vst.add.f32.msk $0xffff, v3  }
0x4d8: {  	s23 =	sor.u32 $0x380, s6;
	[dreg:$0x17] =	wrdreg s20;
	[tilespmem:s11+$0x0] =	vst.add.f32.msk $0xffff, v4;
	s11 =	sadd.s32 $0xD500, s21  }
0x4d9: {  	s28 =	sld [smem:$0x7A4];
	s13 =	sadd.s32 $0xD700, s21;
	[tilespmem:s17+$0x0] =	vst.add.f32.msk $0xffff, v5;
	s7 =	sor.u32 s19, s11  }
0x4da: {  	[tilespmem:s23+$0x0] =	vst.add.f32.msk $0xffff, v6;
	[smem:$0x7A3] =	sst s7;
	s23 =	sadd.s32 $0xD600, s21;
	s7 =	sor.u32 s19, s13  }
0x4db: {  	s14 =	sadd.s32 $0xD780, s21;
	s30 =	sor.u32 s19, s23;
	[smem:$0x7A8] =	sst s7  }
0x4dc: {  	s3 =	sadd.s32 $0xB780, s21;
	[tilespmem:s8+$0x0] =	vst.add.f32.msk $0xffff, v3;
	s8 =	sor.u32 s19, s14;
	[smem:$0x7A6] =	sst s30  }
0x4dd: {  	s25 =	sor.u32 s19, s4;
	[tilespmem:s0+$0x0] =	vst.add.f32.msk $0xffff, v4;
	s0 =	sadd.s32 $0xD680, s21;
	[smem:$0x7A9] =	sst s8  }
0x4de: {  	s7 =	sadd.s32 $0xF400, s21;
	s31 =	sor.u32 s19, s0;
	s20 =	sld [smem:$0x7A9]  }
0x4df: {  	s24 =	sor.u32 s19, s3;
	[tilespmem:s10+$0x0] =	vst.add.f32.msk $0xffff, v5;
	s10 =	sor.u32 s19, s7;
	[smem:$0x7A7] =	sst s31  }
0x4e0: {  	s6 =	sadd.s32 $0xD480, s21;
	[smem:$0x7AA] =	sst s10;
	s31 =	sadd.s32 $0xF480, s21  }
0x4e1: {  	[tilespmem:s5+$0x0] =	vst.add.f32.msk $0xffff, v6;
	s5 =	sadd.s32 $0xF500, s21;
	s10 =	sld [smem:$0x7A1];
	s17 =	sor.u32 s19, s31  }
0x4e2: {  	s16 =	sor.u32 s19, s6;
	[tilespmem:s22+$0x0] =	vst.add.f32.msk $0xffff, v3;
	s22 =	sor.u32 s19, s5;
	[smem:$0x7AB] =	sst s17  }
0x4e3: {  	s30 =	sadd.s32 $0xF580, s21;
	[tilespmem:s9+$0x0] =	vst.add.f32.msk $0xffff, v4;
	[smem:$0x7AC] =	sst s22;
	s17 =	sadd.s32 $0xF680, s21  }
0x4e4: {  	s9 =	sadd.s32 $0xF600, s21;
	[tilespmem:s25+$0x0] =	vst.add.f32.msk $0xffff, v5;
	s25 =	sor.u32 s19, s30;
	s26 =	sor.u32 s19, s17  }
0x4e5: {  	s8 =	sor.u32 s15, s10;
	[smem:$0x7AD] =	sst s25;
	s25 =	sor.u32 s19, s9  }
0x4e6: {  	[tilespmem:s24+$0x0] =	vst.add.f32.msk $0xffff, v6;
	[smem:$0x7AE] =	sst s26;
	s24 =	sadd.s32 $0xF700, s21;
	s26 =	sadd.s32 $0xF780, s21  }
0x4e7: {  	s22 =	sor.u32 s19, s24;
	s10 =	sor.u32 s19, s26;
	s19 =	sld [smem:$0x7A2]  }
0x4e8: {  	s1 =	sor.u32 s15, s18;
	s18 =	sld [smem:$0x7A7]  }
0x4e9: {  	[tilespmem:s29+$0x0] =	vst.add.f32.msk $0xffff, v3;
	s29 =	sld [smem:$0x7A3]  }
0x4ea: {  	s21 =	sor.u32 s15, s19;
	s19 =	sor.u32 s15, s4;
	s4 =	sld [smem:$0x7A5]  }
0x4eb: {  	[tilespmem:s16+$0x0] =	vst.add.f32.msk $0xffff, v4;
	s16 =	sld [smem:$0x7A6]  }
0x4ec: {  	[tilespmem:s29+$0x0] =	vst.add.f32.msk $0xffff, v5;
	[dreg:$0x1d] =	wrdreg s19  }
0x4ed: {  	[tilespmem:s28+$0x0] =	vst.add.f32.msk $0xffff, v6;
	s19 =	sld [smem:$0x7A8];
	s28 =	sor.u32 s15, s4  }
0x4ee: {  	s4 =	sor.u32 s15, s6;
	s6 =	sor.u32 s15, s11;
	s11 =	sor.u32 s15, s12  }
0x4ef: {  	[tilespmem:s16+$0x0] =	vst.add.f32.msk $0xffff, v3;
	s12 =	sor.u32 s15, s23;
	s23 =	sor.u32 s15, s0;
	s0 =	sor.u32 s15, s13  }
0x4f0: {  	[tilespmem:s18+$0x0] =	vst.add.f32.msk $0xffff, v4;
	s13 =	sor.u32 s15, s14;
	s14 =	sor.u32 s15, s31;
	s31 =	sld [smem:$0x7AA]  }
0x4f1: {  	[tilespmem:s19+$0x0] =	vst.add.f32.msk $0xffff, v5;
	s19 =	sor.u32 s15, s17;
	s17 =	sld [smem:$0x7AB]  }
0x4f2: {  	s18 =	sor.u32 s15, s24;
	s24 =	sld [smem:$0x7AC];
	[tilespmem:s20+$0x0] =	vst.add.f32.msk $0xffff, v6  }
0x4f3: {  	s7 =	sor.u32 s15, s7;
	s16 =	sor.u32 s15, s26;
	s26 =	sld [smem:$0x7AD];
	[tilespmem:s31+$0x0] =	vst.add.f32.msk $0xffff, v3  }
0x4f4: {  	[dreg:$0x1f] =	wrdreg s7;
	[tilespmem:s17+$0x0] =	vst.add.f32.msk $0xffff, v4  }
0x4f5: {  	s7 =	sor.u32 s15, s5;
	s5 =	sor.u32 s15, s30;
	s30 =	sld [smem:$0x7AE];
	[tilespmem:s24+$0x0] =	vst.add.f32.msk $0xffff, v5  }
0x4f6: {  	[tilespmem:s26+$0x0] =	vst.add.f32.msk $0xffff, v6  }
0x4f7: {  	[tilespmem:s25+$0x0] =	vst.add.f32.msk $0xffff, v3  }
0x4f8: {  	[tilespmem:s30+$0x0] =	vst.add.f32.msk $0xffff, v4  }
0x4f9: {  	s31 =	rddreg [dreg:$0xd];
	[tilespmem:s22+$0x0] =	vst.add.f32.msk $0xffff, v5  }
0x4fa: {  	s20 =	sor.u32 s15, s9;
	s9 =	sor.u32 s15, s31;
	[tilespmem:s10+$0x0] =	vst.add.f32.msk $0xffff, v6  }
0x4fb: {  	v6 =	vld [tilespmem:s9+$0x0]  }
0x4fc: {  	v5 =	vld [tilespmem:s9+$0x80]  }
0x4fd: {  	v4 =	vld [tilespmem:s9+$0x100]  }
0x4fe: {  	v3 =	vld [tilespmem:s9+$0x180];
	_ =	sdelay $0x1  }
0x4ff: {  	s29 =	rddreg [dreg:$0x12];
	s10 =	sor.u32 $0x80, s8;
	[tilespmem:s8+$0x0] =	vst.add.f32.msk $0xffff, v6  }
0x500: {  	s3 =	sor.u32 s15, s3;
	s29 =	sor.u32 s15, s29;
	s15 =	sor.u32 $0x100, s8;
	[tilespmem:s10+$0x0] =	vst.add.f32.msk $0xffff, v5  }
0x501: {  	s17 =	sor.u32 $0x180, s8;
	[tilespmem:s15+$0x0] =	vst.add.f32.msk $0xffff, v4  }
0x502: {  	s22 =	sor.u32 $0x200, s8;
	[tilespmem:s17+$0x0] =	vst.add.f32.msk $0xffff, v3  }
0x503: {  	s24 =	sor.u32 $0x280, s8;
	[tilespmem:s22+$0x0] =	vst.add.f32.msk $0xffff, v6  }
0x504: {  	s25 =	sor.u32 $0x300, s8;
	[tilespmem:s24+$0x0] =	vst.add.f32.msk $0xffff, v5  }
0x505: {  	s8 =	sor.u32 $0x380, s8;
	[tilespmem:s25+$0x0] =	vst.add.f32.msk $0xffff, v4  }
0x506: {  	s26 =	sld [smem:$0x7AF];
	[tilespmem:s8+$0x0] =	vst.add.f32.msk $0xffff, v3  }
0x507: {  	[tilespmem:s21+$0x0] =	vst.add.f32.msk $0xffff, v6  }
0x508: {  	[tilespmem:s29+$0x0] =	vst.add.f32.msk $0xffff, v5  }
0x509: {  	[tilespmem:s26+$0x0] =	vst.add.f32.msk $0xffff, v4  }
0x50a: {  	[tilespmem:s28+$0x0] =	vst.add.f32.msk $0xffff, v3;
	s28 =	sld [smem:$0x7B0];
	_ =	sdelay $0x2  }
0x50b: {  	[tilespmem:s28+$0x0] =	vst.add.f32.msk $0xffff, v6  }
0x50c: {  	s29 =	rddreg [dreg:$0x1d];
	[tilespmem:s1+$0x0] =	vst.add.f32.msk $0xffff, v5  }
0x50d: {  	[tilespmem:s29+$0x0] =	vst.add.f32.msk $0xffff, v4  }
0x50e: {  	s30 =	rddreg [dreg:$0x17];
	[tilespmem:s3+$0x0] =	vst.add.f32.msk $0xffff, v3  }
0x50f: {  	[tilespmem:s30+$0x0] =	vst.add.f32.msk $0xffff, v6  }
0x510: {  	[tilespmem:s4+$0x0] =	vst.add.f32.msk $0xffff, v5  }
0x511: {  	[tilespmem:s6+$0x0] =	vst.add.f32.msk $0xffff, v4  }
0x512: {  	[tilespmem:s11+$0x0] =	vst.add.f32.msk $0xffff, v3  }
0x513: {  	[tilespmem:s12+$0x0] =	vst.add.f32.msk $0xffff, v6  }
0x514: {  	[tilespmem:s23+$0x0] =	vst.add.f32.msk $0xffff, v5  }
0x515: {  	p0 =	sne.s32 s2, $0x1F;
	[tilespmem:s0+$0x0] =	vst.add.f32.msk $0xffff, v4  }
.Ltmp9:
0x516: {  	s31 =	rddreg [dreg:$0x1f];
	[tilespmem:s13+$0x0] =	vst.add.f32.msk $0xffff, v3;
	(pc) =	sbr.rel @p0 .LBB2_20-.Ltmp9, $4  }
0x517: {  	[tilespmem:s31+$0x0] =	vst.add.f32.msk $0xffff, v6  }
0x518: {  	[tilespmem:s14+$0x0] =	vst.add.f32.msk $0xffff, v5  }
0x519: {  	[tilespmem:s7+$0x0] =	vst.add.f32.msk $0xffff, v4  }
0x51a: {  	s2 =	sadd.s32 $0x1, s2;
	s7 =	rddreg [dreg:$0x7];
	[tilespmem:s5+$0x0] =	vst.add.f32.msk $0xffff, v3  }
0x51b: {  	[tilespmem:s20+$0x0] =	vst.add.f32.msk $0xffff, v6  }
0x51c: {  	s5 =	sld [smem:$0x7FC];
	[tilespmem:s19+$0x0] =	vst.add.f32.msk $0xffff, v5  }
0x51d: {  	[tilespmem:s18+$0x0] =	vst.add.f32.msk $0xffff, v4  }
0x51e: {  	s0 =	simm.s32 $0x9400;
	s6 =	simm.s32 $0x200;
	s7 =	simm.s32 $0x1000;
	[tilespmem:s16+$0x0] =	vst.add.f32.msk $0xffff, v3  }
0x51f: {  	[hbm4b:s5+s6] =	stream.strided.scatter [tilespmem:s0], [sflag:$0x5], $0x400, s7, s6, $0x38;
	[tilespmem:$0x19400] =	vst v63  }
0x520: {  	s20 =	simm.s32 $0x9800;
	s1 =	sadd.s32 $0x40, s5  }
0x521: {  	[hbm4b:s1+s6] =	stream.strided.scatter [tilespmem:s20], [sflag:$0x5], $0x400, s7, s6, $0x38;
	[tilespmem:$0x19400] =	vst v63  }
0x522: {  	s21 =	simm.s32 $0x9C00;
	s23 =	simm.s32 $0xA000;
	s22 =	sadd.s32 $0x80, s5  }
0x523: {  	[hbm4b:s22+s6] =	stream.strided.scatter [tilespmem:s21], [sflag:$0x5], $0x400, s7, s6, $0x38;
	[tilespmem:$0x19400] =	vst v63  }
0x524: {  	s25 =	simm.s32 $0xA400;
	s28 =	simm.s32 $0xA800;
	s24 =	sadd.s32 $0xC0, s5  }
0x525: {  	[hbm4b:s24+s6] =	stream.strided.scatter [tilespmem:s23], [sflag:$0x5], $0x400, s7, s6, $0x38;
	[tilespmem:$0x19400] =	vst v63  }
0x526: {  	s30 =	simm.s32 $0xAC00;
	s2 =	simm.s32 $0x10000;
	s26 =	sadd.s32 $0x100, s5  }
0x527: {  	[hbm4b:s26+s6] =	stream.strided.scatter [tilespmem:s25], [sflag:$0x5], $0x400, s7, s6, $0x38;
	[tilespmem:$0x19400] =	vst v63  }
0x528: {  	s3 =	simm.s32 $0xB000;
	s29 =	sadd.s32 $0x140, s5;
	s31 =	sadd.s32 $0x180, s5  }
0x529: {  	[hbm4b:s29+s6] =	stream.strided.scatter [tilespmem:s28], [sflag:$0x5], $0x400, s7, s6, $0x38;
	[tilespmem:$0x19400] =	vst v63  }
0x52a: {  	s4 =	sadd.s32 $0x1C0, s5;
	s0 =	simm.s32 $0x2000;
	s1 =	sadd.s32 $0x400, s5  }
0x52b: {  	[hbm4b:s31+s6] =	stream.strided.scatter [tilespmem:s30], [sflag:$0x5], $0x400, s7, s6, $0x38;
	[tilespmem:$0x19400] =	vst v63  }
.LBB2_22:
0x52c: {  	[hbm4b:s4+s6] =	stream.strided.scatter [tilespmem:s3], [sflag:$0x5], $0x400, s7, s6, $0x38;
	[tilespmem:$0x19400] =	vst v63  }
0x52d: {  	s3 =	smov.u32 s0;
	s0 =	smov.u32 s2  }
0x52e: {  	s5 =	sadd.s32 $0x8000, s2;
	s0 =	sshra.s32 s0, $0x2;
	s4 =	sadd.s32 $0x9400, s3  }
0x52f: {  	[hbm4b:s1+s6] =	stream.strided.scatter [tilespmem:s4], [sflag:$0x5], $0x400, s7, s6, $0x38;
	[tilespmem:$0x19400] =	vst v63  }
0x530: {  	p0 =	sne.s32 s2, $0x18000;
	s2 =	sadd.s32 $0x9800, s3;
	s4 =	sadd.s32 $0x40, s1  }
0x531: {  	[hbm4b:s4+s6] =	stream.strided.scatter [tilespmem:s2], [sflag:$0x5], $0x400, s7, s6, $0x38;
	[tilespmem:$0x19400] =	vst v63  }
0x532: {  	s2 =	sadd.s32 $0x9C00, s3;
	s4 =	sadd.s32 $0x80, s1  }
0x533: {  	[hbm4b:s4+s6] =	stream.strided.scatter [tilespmem:s2], [sflag:$0x5], $0x400, s7, s6, $0x38;
	[tilespmem:$0x19400] =	vst v63  }
0x534: {  	s2 =	sadd.s32 $0xA000, s3;
	s4 =	sadd.s32 $0xC0, s1  }
0x535: {  	[hbm4b:s4+s6] =	stream.strided.scatter [tilespmem:s2], [sflag:$0x5], $0x400, s7, s6, $0x38;
	[tilespmem:$0x19400] =	vst v63  }
0x536: {  	s2 =	sadd.s32 $0xA400, s3;
	s4 =	sadd.s32 $0x100, s1  }
0x537: {  	[hbm4b:s4+s6] =	stream.strided.scatter [tilespmem:s2], [sflag:$0x5], $0x400, s7, s6, $0x38;
	[tilespmem:$0x19400] =	vst v63  }
.Ltmp10:
0x538: {  	s2 =	sadd.s32 $0xA800, s3;
	s4 =	sadd.s32 $0x140, s1;
	(pc) =	sbr.rel @p0 .LBB2_22-.Ltmp10, $4  }
0x539: {  	[hbm4b:s4+s6] =	stream.strided.scatter [tilespmem:s2], [sflag:$0x5], $0x400, s7, s6, $0x38;
	[tilespmem:$0x19400] =	vst v63  }
0x53a: {  	s2 =	sadd.s32 $0xAC00, s3;
	s4 =	sadd.s32 $0x180, s1;
	s3 =	sadd.s32 $0xB000, s3  }
0x53b: {  	[hbm4b:s4+s6] =	stream.strided.scatter [tilespmem:s2], [sflag:$0x5], $0x400, s7, s6, $0x38;
	[tilespmem:$0x19400] =	vst v63  }
0x53c: {  	s4 =	sadd.s32 $0x1C0, s1;
	s1 =	sadd.s32 $0x400, s1;
	s2 =	smov.u32 s5  }
0x53d: {  	[hbm4b:s4+s6] =	stream.strided.scatter [tilespmem:s3], [sflag:$0x5], $0x400, s7, s6, $0x38;
	[tilespmem:$0x19400] =	vst v63  }
0x53e: {  	s2 =	sadd.s32 $0x9400, s0  }
0x53f: {  	[hbm4b:s1+s6] =	stream.strided.scatter [tilespmem:s2], [sflag:$0x5], $0x400, s7, s6, $0x38;
	[tilespmem:$0x19400] =	vst v63  }
0x540: {  	s12 =	sadd.s32 $0x9800, s0;
	s13 =	sadd.s32 $0x40, s1  }
0x541: {  	[hbm4b:s13+s6] =	stream.strided.scatter [tilespmem:s12], [sflag:$0x5], $0x400, s7, s6, $0x38;
	[tilespmem:$0x19400] =	vst v63  }
0x542: {  	s14 =	sadd.s32 $0x9C00, s0;
	s15 =	sadd.s32 $0x80, s1  }
0x543: {  	[hbm4b:s15+s6] =	stream.strided.scatter [tilespmem:s14], [sflag:$0x5], $0x400, s7, s6, $0x38;
	[tilespmem:$0x19400] =	vst v63  }
0x544: {  	s16 =	sadd.s32 $0xA000, s0;
	s17 =	sadd.s32 $0xC0, s1  }
0x545: {  	[hbm4b:s17+s6] =	stream.strided.scatter [tilespmem:s16], [sflag:$0x5], $0x400, s7, s6, $0x38;
	[tilespmem:$0x19400] =	vst v63  }
0x546: {  	s18 =	sadd.s32 $0xA400, s0;
	s19 =	sadd.s32 $0x100, s1  }
0x547: {  	[hbm4b:s19+s6] =	stream.strided.scatter [tilespmem:s18], [sflag:$0x5], $0x400, s7, s6, $0x38;
	[tilespmem:$0x19400] =	vst v63  }
0x548: {  	s20 =	sadd.s32 $0xA800, s0;
	s21 =	sadd.s32 $0x140, s1  }
0x549: {  	[hbm4b:s21+s6] =	stream.strided.scatter [tilespmem:s20], [sflag:$0x5], $0x400, s7, s6, $0x38;
	[tilespmem:$0x19400] =	vst v63  }
0x54a: {  	s22 =	sadd.s32 $0xAC00, s0;
	s23 =	sadd.s32 $0x180, s1  }
0x54b: {  	[hbm4b:s23+s6] =	stream.strided.scatter [tilespmem:s22], [sflag:$0x5], $0x400, s7, s6, $0x38;
	[tilespmem:$0x19400] =	vst v63  }
0x54c: {  	s24 =	sadd.s32 $0xB000, s0;
	s25 =	sadd.s32 $0x1C0, s1;
	s26 =	simm.s32 $0x6  }
0x54d: {  	[hbm4b:s25+s6] =	stream.strided.scatter [tilespmem:s24], [sflag:$0x5], $0x400, s7, s6, $0x38;
	[tilespmem:$0x19400] =	vst v63  }
0x54e: {  	_ =	swait.ge [sflag:s26], $0x8000  }
0x54f: {  	[sflag:s26] =	ssyncset.done $0x0  }
0x550: {  	s28 =	simm.s32 $0x4;
	[sflag:s26] =	ssyncadd.s32 $0xFFFF8000  }
0x551: {  	_ =	swait.ge [sflag:s28], $0x8000  }
0x552: {  	[sflag:s28] =	ssyncset.done $0x0  }
0x553: {  	s29 =	simm.s32 $0x5;
	[sflag:s28] =	ssyncadd.s32 $0xFFFF8000  }
0x554: {  	_ =	swait.ge [sflag:s29], $0x8000  }
0x555: {  	s30 =	sld [smem:$0x7F3]  }
0x556: {  	s31 =	sld [smem:$0x7FD];
	_ =	sdelay $0x1  }
0x557: {  	s2 =	sadd.s32 $0x1, s30  }
0x558: {  	p0 =	sne.s32 s2, s31  }
.Ltmp11:
0x559: {  	_ = 	snop;
	(pc) =	sbr.rel @p0 .LBB2_1-.Ltmp11, $3  }
0x55a: {  	_ =	sdelay $0x1  }
0x55b: {  	[sflag:s29] =	ssyncset.done $0x0  }
0x55c: {  	[sflag:s29] =	ssyncadd.s32 $0xFFFF8000  }
0x55d: {  	_ =	sfence.sel $0x180000  }
0x55e: {  	[bflag:$0x0] =	sbarrier.arrive $0xFFFF  }
0x55f: {  	_ =	strace $0x90000047  }
0x560: {  	s0 =	stileid.u32;
	[bflag:$0x2] =	sbarrier.arrive $0xFFFF  }
0x561: {  	p0 =	sne.s32 s0, $0x0;
	s0 =	rddreg [dreg:$0x4]  }
0x562: {  	s0 =	sadd.s32 @!p0 $0x100000, s0  }
0x563: {  	[sflag:s0] =	ssyncadd.tile.s32 @!p0 $0x1;
	_ =	shalt  }
.Lfunc_end2:
_tile_overlayer_lowered:
.L_overlay_start_2:
0x564: {  	(tag) =	ssettag $0x2  }
0x565: {  	s0 =	rddreg [dreg:$0x0];
	s2 =	stileid.u32  }
0x566: {  	s1 =	rddreg [dreg:$0x1];
	p0 =	sne.s32 s2, $0x0  }
0x567: {  	s3 =	rddreg [dreg:$0x2];
	[bflag:$0x3] =	sbarrier.arrive $0xFFFF;
	s2 =	simm.s32 @!p0 $0x1C07  }
0x568: {  	[timem:s3], [sflag:s2] =	dma.local @!p0 [hbm:s0], s1  }
0x569: {  	s0 =	simm.s32 @!p0 $0x7  }
0x56a: {  	_ =	swait.ge @!p0 [sflag:s0], s1  }
0x56b: {  	s1 =	ssub.s32 @!p0 $0x0, s1;
	[sflag:s0] =	ssyncset.done @!p0 $0x0  }
0x56c: {  	[sflag:s0] =	ssyncadd.s32 @!p0 s1  }
0x56d: {  	[bflag:$0x3] =	sbarrier.arrive $0xFFFF  }
0x56e: {  	_ =	shalt  }

</sc_bundles>
